<compile_context>
chip_gen: v7x
topology: tpu7x:2x2x1
jax: 0.10.2.dev20260603
libtpu: 0.0.44.dev20260713+nightly
codegen_flags: <defaults>
</compile_context>

<pallas_src>
import jax
import jax.numpy as jnp
from jax import lax
from jax.experimental import pallas as pl
from jax.experimental.pallas import tpu as pltpu
from jax.experimental.pallas import tpu_sc as plsc

PAD = 1
BSZ = 4
SEQ = 4096
DIM = 1024
N = BSZ * SEQ
NS = 16
NW = 32
CHUNK = N // NW
CPR = SEQ // CHUNK
LANES = 16
VPC = CHUNK // LANES
GC = 32
NCH = CHUNK // GC
NBUF = 3


def _mask16(v):
    return jnp.minimum(jnp.abs(v - PAD), 1)


def _body(inp_hbm, tab_hbm, out_hbm, ids_v, idx_v, tot_v, all_v,
          shared, rows_v, gs0, gs1, gs2, ss0, ss1, ss2):
    cid = lax.axis_index("c")
    sid = lax.axis_index("s")
    w = cid * NS + sid
    t0 = pl.multiple_of(w * CHUNK, CHUNK)
    lanes = jnp.arange(LANES, dtype=jnp.int32)

    dnums = lax.GatherDimensionNumbers(
        offset_dims=(), collapsed_slice_dims=(0,), start_index_map=(0,)
    )

    def perm(x, idx):
        return lax.gather(x, idx[:, None], dnums, slice_sizes=(1,),
                          mode=lax.GatherScatterMode.PROMISE_IN_BOUNDS)

    def lane_scan(c):
        for k in (1, 2, 4, 8):
            sh = perm(c, jnp.maximum(lanes - k, 0))
            c = c + sh * jnp.minimum(jnp.maximum(lanes - (k - 1), 0), 1)
        return c

    last = jnp.full((LANES,), LANES - 1, jnp.int32)

    pltpu.sync_copy(inp_hbm.at[pl.ds(t0, CHUNK)], ids_v)

    acc = jnp.zeros((LANES,), jnp.int32)
    for i in range(VPC):
        acc = acc + _mask16(ids_v[pl.ds(i * LANES, LANES)])
    for k in (1, 2, 4, 8):
        acc = acc + perm(acc, lanes ^ k)
    tot_v[...] = acc
    pltpu.sync_copy(tot_v, shared.at[pl.ds(sid * LANES, LANES)])
    plsc.subcore_barrier()
    pltpu.sync_copy(shared, all_v)

    rl = lax.rem(w, CPR)
    s0 = sid - rl

    def pre_body(j, base):
        off = pl.multiple_of((s0 + j) * LANES, LANES)
        return base + all_v[pl.ds(off, LANES)]

    base = lax.fori_loop(0, rl, pre_body, jnp.zeros((LANES,), jnp.int32))

    run = base
    for i in range(VPC):
        m = _mask16(ids_v[pl.ds(i * LANES, LANES)])
        c = lane_scan(m)
        idx_v[pl.ds(i * LANES, LANES)] = m * (run + c) + 1
        run = run + perm(c, last)

    gsem = [gs0, gs1, gs2]
    ssem = [ss0, ss1, ss2]

    def start_gather(g, b):
        return pltpu.async_copy(
            tab_hbm.at[idx_v.at[pl.ds(g * GC, GC)]], rows_v.at[b], gsem[b]
        )

    def start_store(g, b):
        return pltpu.async_copy(
            rows_v.at[b], out_hbm.at[pl.ds(t0 + g * GC, GC)], ssem[b]
        )

    gcp = {0: start_gather(0, 0), 1: start_gather(1, 1)}
    scp = {}
    for g in range(NCH):
        b = g % NBUF
        gcp[g].wait()
        scp[g] = start_store(g, b)
        if g + 2 < NCH:
            if g >= 1:
                scp[g - 1].wait()
            gcp[g + 2] = start_gather(g + 2, (g + 2) % NBUF)
    scp[NCH - 2].wait()
    scp[NCH - 1].wait()


def kernel(input, weights):
    mesh = plsc.VectorSubcoreMesh(core_axis_name="c", subcore_axis_name="s")
    k = pl.kernel(
        _body,
        mesh=mesh,
        out_type=jax.ShapeDtypeStruct((N, DIM), jnp.float32),
        scratch_types=[
            pltpu.VMEM((CHUNK,), jnp.int32),
            pltpu.VMEM((CHUNK + LANES,), jnp.int32),
            pltpu.VMEM((LANES,), jnp.int32),
            pltpu.VMEM((NS * LANES,), jnp.int32),
            pltpu.VMEM_SHARED((NS * LANES,), jnp.int32),
            pltpu.VMEM((NBUF, GC, DIM), jnp.float32),
            pltpu.SemaphoreType.DMA,
            pltpu.SemaphoreType.DMA,
            pltpu.SemaphoreType.DMA,
            pltpu.SemaphoreType.DMA,
            pltpu.SemaphoreType.DMA,
            pltpu.SemaphoreType.DMA,
        ],
    )
    out = k(input.reshape(-1), weights)
    return out.reshape(BSZ, SEQ, DIM)

# --- scband reference (transcript-rebuilt; emitter-appended) ---
"""Pipeline reference for scband-sinusoidal-positional-embedding-2688649527462 (READ-ONLY COPY).

The authoritative reference and input builder live on the scoring server;
editing this copy changes nothing except your own understanding.
"""

import jax, jax.numpy as jnp
import numpy as np
import math

EMBEDDING_DIM = 1024
PADDING_IDX = 1
INIT_SIZE = 8192
BSZ = 4
SEQ_LEN = 4096
VOCAB = 32000


def get_embedding(num_embeddings, embedding_dim, padding_idx):
    half_dim = embedding_dim // 2
    emb_scale = math.log(10000.0) / (half_dim - 1)
    emb = jnp.exp(jnp.arange(half_dim, dtype=jnp.float32) * -emb_scale)
    emb = jnp.arange(num_embeddings, dtype=jnp.float32)[:, None] * emb[None, :]
    emb = jnp.concatenate([jnp.sin(emb), jnp.cos(emb)], axis=1).reshape(num_embeddings, -1)
    if embedding_dim % 2 == 1:
        emb = jnp.concatenate([emb, jnp.zeros((num_embeddings, 1), dtype=jnp.float32)], axis=1)
    if padding_idx is not None:
        emb = emb.at[padding_idx].set(0.0)
    return emb


def setup_inputs(seed: int = 0) -> dict:
    key = jax.random.key(seed)
    k1, = jax.random.split(key, 1)
    inp = jax.random.randint(k1, (BSZ, SEQ_LEN), 0, VOCAB, dtype=jnp.int32)
    weights = get_embedding(INIT_SIZE, EMBEDDING_DIM, PADDING_IDX)
    return {"input": inp, "weights": weights}


def reference(input, weights):
    bsz, seq_len = input.shape
    # make_positions: replace non-padding symbols with their position numbers,
    # positions begin at padding_idx + 1; padding symbols map to padding_idx.
    mask = (input != PADDING_IDX).astype(jnp.int32)
    positions = (jnp.cumsum(mask, axis=1) * mask).astype(jnp.int32) + PADDING_IDX
    out = jnp.take(weights, positions.reshape(-1), axis=0).reshape(bsz, seq_len, -1)
    return out

if __name__ == "__main__":
    import jax
    _d = setup_inputs()
    print(jax.jit(kernel)(*tuple(_d.values())))

</pallas_src>

<mosaic_0001>
#map = affine_map<(d0, d1) -> (0)>
#map1 = affine_map<(d0, d1) -> (0, 0)>
module attributes {stable_mosaic.version = 14 : i64} {
  func.func @_body(%arg0: i32, %arg1: i32, %arg2: memref<16384xi32, #tpu.memory_space<hbm>>, %arg3: memref<8192x1024xf32, #tpu.memory_space<hbm>>, %arg4: memref<16384x1024xf32, #tpu.memory_space<hbm>>, %arg5: memref<512xi32, #tpu.memory_space<vmem>>, %arg6: memref<528xi32, #tpu.memory_space<vmem>>, %arg7: memref<16xi32, #tpu.memory_space<vmem>>, %arg8: memref<256xi32, #tpu.memory_space<vmem>>, %arg9: memref<256xi32, #tpu.memory_space<vmem_shared>>, %arg10: memref<3x32x1024xf32, #tpu.memory_space<vmem>>, %arg11: memref<!tpu.dma_semaphore, #tpu.memory_space<semaphore_mem>>, %arg12: memref<!tpu.dma_semaphore, #tpu.memory_space<semaphore_mem>>, %arg13: memref<!tpu.dma_semaphore, #tpu.memory_space<semaphore_mem>>, %arg14: memref<!tpu.dma_semaphore, #tpu.memory_space<semaphore_mem>>, %arg15: memref<!tpu.dma_semaphore, #tpu.memory_space<semaphore_mem>>, %arg16: memref<!tpu.dma_semaphore, #tpu.memory_space<semaphore_mem>>) attributes {dimension_semantics = [#tpu.dimension_semantics<core_parallel>, #tpu.dimension_semantics<subcore_parallel>], iteration_bounds = array<i64: 2, 16>, scalar_prefetch = 0 : i64, scratch_operands = 12 : i64, tpu.core_type = #tpu.core_type<sc_vector_subcore>, window_params = [{transform_indices = #map}, {transform_indices = #map1}, {transform_indices = #map1}]} {
    %mul3A = arith.constant 16 : i32
    %mul3A_0 = arith.muli %arg0, %mul3A : i32
    %add3A = arith.addi %mul3A_0, %arg1 : i32
    %mul3A_1 = arith.constant 512 : i32
    %mul3A_2 = arith.muli %add3A, %mul3A_1 : i32
    %multiple_of3A = tpu.assume_multiple %mul3A_2, 512 : i32
    %iota3A = tpu.iota {dimensions = array<i32: 0>} : vector<16xi32>
    %broadcast_in_dim3A = arith.constant 15 : i32
    %broadcast_in_dim3A_3 = vector.broadcast %broadcast_in_dim3A : i32 to vector<16xi32>
    "tpu.region"() ({
      %run_scoped3A = tpu.sem_alloc : memref<!tpu.dma_semaphore, #tpu.memory_space<semaphore_mem>>
      %dma_start3A_4447 = tpu.memref_slice %arg2[%multiple_of3A] : memref<16384xi32, #tpu.memory_space<hbm>> -> memref<512xi32, #tpu.memory_space<hbm>>
      %dma_start3A_4448 = tpu.memref_slice %arg2[%multiple_of3A] : memref<16384xi32, #tpu.memory_space<hbm>> -> memref<512xi32, #tpu.memory_space<hbm>>
      tpu.enqueue_dma source(%dma_start3A_4448 : memref<512xi32, #tpu.memory_space<hbm>>) target(%arg5 : memref<512xi32, #tpu.memory_space<vmem>>) target_semaphore(%run_scoped3A : memref<!tpu.dma_semaphore, #tpu.memory_space<semaphore_mem>>)
      %dma_wait3A_4449 = tpu.memref_slice %arg2[%multiple_of3A] : memref<16384xi32, #tpu.memory_space<hbm>> -> memref<512xi32, #tpu.memory_space<hbm>>
      %dma_wait3A_4450 = tpu.memref_slice %arg2[%multiple_of3A] : memref<16384xi32, #tpu.memory_space<hbm>> -> memref<512xi32, #tpu.memory_space<hbm>>
      tpu.wait_dma2 semaphore(%run_scoped3A : memref<!tpu.dma_semaphore, #tpu.memory_space<semaphore_mem>>) src(%dma_wait3A_4450 : memref<512xi32, #tpu.memory_space<hbm>>) dst(%arg5 : memref<512xi32, #tpu.memory_space<vmem>>)
      tpu.yield
    }) : () -> ()
    %broadcast_in_dim3A_4 = arith.constant 0 : i32
    %broadcast_in_dim3A_5 = vector.broadcast %broadcast_in_dim3A_4 : i32 to vector<16xi32>
    %get3A = arith.constant 0 : index
    %get3A_6 = tpu.vector_load %arg5[%get3A] {strides = array<i32>} : memref<512xi32, #tpu.memory_space<vmem>>, vector<16xi32>,
    %get3A_7 = vector.shape_cast %get3A_6 : vector<16xi32> to vector<16xi32>
    %sub3A = arith.constant 1 : i32
    %sub3A_8 = vector.broadcast %sub3A : i32 to vector<16xi32>
    %sub3A_9 = arith.subi %get3A_7, %sub3A_8 : vector<16xi32>
    %abs3A = math.absi %sub3A_9 : vector<16xi32>
    %min3A = arith.constant 1 : i32
    %min3A_10 = vector.broadcast %min3A : i32 to vector<16xi32>
    %min3A_11 = arith.minsi %abs3A, %min3A_10 : vector<16xi32>
    %add3A_12 = arith.addi %broadcast_in_dim3A_5, %min3A_11 : vector<16xi32>
    %get3A_13 = arith.constant 16 : index
    %get3A_14 = tpu.vector_load %arg5[%get3A_13] {strides = array<i32>} : memref<512xi32, #tpu.memory_space<vmem>>, vector<16xi32>,
    %get3A_15 = vector.shape_cast %get3A_14 : vector<16xi32> to vector<16xi32>
    %sub3A_16 = arith.constant 1 : i32
    %sub3A_17 = vector.broadcast %sub3A_16 : i32 to vector<16xi32>
    %sub3A_18 = arith.subi %get3A_15, %sub3A_17 : vector<16xi32>
    %abs3A_19 = math.absi %sub3A_18 : vector<16xi32>
    %min3A_20 = arith.constant 1 : i32
    %min3A_21 = vector.broadcast %min3A_20 : i32 to vector<16xi32>
    %min3A_22 = arith.minsi %abs3A_19, %min3A_21 : vector<16xi32>
    %add3A_23 = arith.addi %add3A_12, %min3A_22 : vector<16xi32>
    %get3A_24 = arith.constant 32 : index
    %get3A_25 = tpu.vector_load %arg5[%get3A_24] {strides = array<i32>} : memref<512xi32, #tpu.memory_space<vmem>>, vector<16xi32>,
    %get3A_26 = vector.shape_cast %get3A_25 : vector<16xi32> to vector<16xi32>
    %sub3A_27 = arith.constant 1 : i32
    %sub3A_28 = vector.broadcast %sub3A_27 : i32 to vector<16xi32>
    %sub3A_29 = arith.subi %get3A_26, %sub3A_28 : vector<16xi32>
    %abs3A_30 = math.absi %sub3A_29 : vector<16xi32>
    %min3A_31 = arith.constant 1 : i32
    %min3A_32 = vector.broadcast %min3A_31 : i32 to vector<16xi32>
    %min3A_33 = arith.minsi %abs3A_30, %min3A_32 : vector<16xi32>
    %add3A_34 = arith.addi %add3A_23, %min3A_33 : vector<16xi32>
    %get3A_35 = arith.constant 48 : index
    %get3A_36 = tpu.vector_load %arg5[%get3A_35] {strides = array<i32>} : memref<512xi32, #tpu.memory_space<vmem>>, vector<16xi32>,
    %get3A_37 = vector.shape_cast %get3A_36 : vector<16xi32> to vector<16xi32>
    %sub3A_38 = arith.constant 1 : i32
    %sub3A_39 = vector.broadcast %sub3A_38 : i32 to vector<16xi32>
    %sub3A_40 = arith.subi %get3A_37, %sub3A_39 : vector<16xi32>
    %abs3A_41 = math.absi %sub3A_40 : vector<16xi32>
    %min3A_42 = arith.constant 1 : i32
    %min3A_43 = vector.broadcast %min3A_42 : i32 to vector<16xi32>
    %min3A_44 = arith.minsi %abs3A_41, %min3A_43 : vector<16xi32>
    %add3A_45 = arith.addi %add3A_34, %min3A_44 : vector<16xi32>
    %get3A_46 = arith.constant 64 : index
    %get3A_47 = tpu.vector_load %arg5[%get3A_46] {strides = array<i32>} : memref<512xi32, #tpu.memory_space<vmem>>, vector<16xi32>,
    %get3A_48 = vector.shape_cast %get3A_47 : vector<16xi32> to vector<16xi32>
    %sub3A_49 = arith.constant 1 : i32
    %sub3A_50 = vector.broadcast %sub3A_49 : i32 to vector<16xi32>
    %sub3A_51 = arith.subi %get3A_48, %sub3A_50 : vector<16xi32>
    %abs3A_52 = math.absi %sub3A_51 : vector<16xi32>
    %min3A_53 = arith.constant 1 : i32
    %min3A_54 = vector.broadcast %min3A_53 : i32 to vector<16xi32>
    %min3A_55 = arith.minsi %abs3A_52, %min3A_54 : vector<16xi32>
    %add3A_56 = arith.addi %add3A_45, %min3A_55 : vector<16xi32>
    %get3A_57 = arith.constant 80 : index
    %get3A_58 = tpu.vector_load %arg5[%get3A_57] {strides = array<i32>} : memref<512xi32, #tpu.memory_space<vmem>>, vector<16xi32>,
    %get3A_59 = vector.shape_cast %get3A_58 : vector<16xi32> to vector<16xi32>
    %sub3A_60 = arith.constant 1 : i32
    %sub3A_61 = vector.broadcast %sub3A_60 : i32 to vector<16xi32>
    %sub3A_62 = arith.subi %get3A_59, %sub3A_61 : vector<16xi32>
    %abs3A_63 = math.absi %sub3A_62 : vector<16xi32>
    %min3A_64 = arith.constant 1 : i32
    %min3A_65 = vector.broadcast %min3A_64 : i32 to vector<16xi32>
    %min3A_66 = arith.minsi %abs3A_63, %min3A_65 : vector<16xi32>
    %add3A_67 = arith.addi %add3A_56, %min3A_66 : vector<16xi32>
    %get3A_68 = arith.constant 96 : index
    %get3A_69 = tpu.vector_load %arg5[%get3A_68] {strides = array<i32>} : memref<512xi32, #tpu.memory_space<vmem>>, vector<16xi32>,
    %get3A_70 = vector.shape_cast %get3A_69 : vector<16xi32> to vector<16xi32>
    %sub3A_71 = arith.constant 1 : i32
    %sub3A_72 = vector.broadcast %sub3A_71 : i32 to vector<16xi32>
    %sub3A_73 = arith.subi %get3A_70, %sub3A_72 : vector<16xi32>
    %abs3A_74 = math.absi %sub3A_73 : vector<16xi32>
    %min3A_75 = arith.constant 1 : i32
    %min3A_76 = vector.broadcast %min3A_75 : i32 to vector<16xi32>
    %min3A_77 = arith.minsi %abs3A_74, %min3A_76 : vector<16xi32>
    %add3A_78 = arith.addi %add3A_67, %min3A_77 : vector<16xi32>
    %get3A_79 = arith.constant 112 : index
    %get3A_80 = tpu.vector_load %arg5[%get3A_79] {strides = array<i32>} : memref<512xi32, #tpu.memory_space<vmem>>, vector<16xi32>,
    %get3A_81 = vector.shape_cast %get3A_80 : vector<16xi32> to vector<16xi32>
    %sub3A_82 = arith.constant 1 : i32
    %sub3A_83 = vector.broadcast %sub3A_82 : i32 to vector<16xi32>
    %sub3A_84 = arith.subi %get3A_81, %sub3A_83 : vector<16xi32>
    %abs3A_85 = math.absi %sub3A_84 : vector<16xi32>
    %min3A_86 = arith.constant 1 : i32
    %min3A_87 = vector.broadcast %min3A_86 : i32 to vector<16xi32>
    %min3A_88 = arith.minsi %abs3A_85, %min3A_87 : vector<16xi32>
    %add3A_89 = arith.addi %add3A_78, %min3A_88 : vector<16xi32>
    %get3A_90 = arith.constant 128 : index
    %get3A_91 = tpu.vector_load %arg5[%get3A_90] {strides = array<i32>} : memref<512xi32, #tpu.memory_space<vmem>>, vector<16xi32>,
    %get3A_92 = vector.shape_cast %get3A_91 : vector<16xi32> to vector<16xi32>
    %sub3A_93 = arith.constant 1 : i32
    %sub3A_94 = vector.broadcast %sub3A_93 : i32 to vector<16xi32>
    %sub3A_95 = arith.subi %get3A_92, %sub3A_94 : vector<16xi32>
    %abs3A_96 = math.absi %sub3A_95 : vector<16xi32>
    %min3A_97 = arith.constant 1 : i32
    %min3A_98 = vector.broadcast %min3A_97 : i32 to vector<16xi32>
    %min3A_99 = arith.minsi %abs3A_96, %min3A_98 : vector<16xi32>
    %add3A_100 = arith.addi %add3A_89, %min3A_99 : vector<16xi32>
    %get3A_101 = arith.constant 144 : index
    %get3A_102 = tpu.vector_load %arg5[%get3A_101] {strides = array<i32>} : memref<512xi32, #tpu.memory_space<vmem>>, vector<16xi32>,
    %get3A_103 = vector.shape_cast %get3A_102 : vector<16xi32> to vector<16xi32>
    %sub3A_104 = arith.constant 1 : i32
    %sub3A_105 = vector.broadcast %sub3A_104 : i32 to vector<16xi32>
    %sub3A_106 = arith.subi %get3A_103, %sub3A_105 : vector<16xi32>
    %abs3A_107 = math.absi %sub3A_106 : vector<16xi32>
    %min3A_108 = arith.constant 1 : i32
    %min3A_109 = vector.broadcast %min3A_108 : i32 to vector<16xi32>
    %min3A_110 = arith.minsi %abs3A_107, %min3A_109 : vector<16xi32>
    %add3A_111 = arith.addi %add3A_100, %min3A_110 : vector<16xi32>
    %get3A_112 = arith.constant 160 : index
    %get3A_113 = tpu.vector_load %arg5[%get3A_112] {strides = array<i32>} : memref<512xi32, #tpu.memory_space<vmem>>, vector<16xi32>,
    %get3A_114 = vector.shape_cast %get3A_113 : vector<16xi32> to vector<16xi32>
    %sub3A_115 = arith.constant 1 : i32
    %sub3A_116 = vector.broadcast %sub3A_115 : i32 to vector<16xi32>
    %sub3A_117 = arith.subi %get3A_114, %sub3A_116 : vector<16xi32>
    %abs3A_118 = math.absi %sub3A_117 : vector<16xi32>
    %min3A_119 = arith.constant 1 : i32
    %min3A_120 = vector.broadcast %min3A_119 : i32 to vector<16xi32>
    %min3A_121 = arith.minsi %abs3A_118, %min3A_120 : vector<16xi32>
    %add3A_122 = arith.addi %add3A_111, %min3A_121 : vector<16xi32>
    %get3A_123 = arith.constant 176 : index
    %get3A_124 = tpu.vector_load %arg5[%get3A_123] {strides = array<i32>} : memref<512xi32, #tpu.memory_space<vmem>>, vector<16xi32>,
    %get3A_125 = vector.shape_cast %get3A_124 : vector<16xi32> to vector<16xi32>
    %sub3A_126 = arith.constant 1 : i32
    %sub3A_127 = vector.broadcast %sub3A_126 : i32 to vector<16xi32>
    %sub3A_128 = arith.subi %get3A_125, %sub3A_127 : vector<16xi32>
    %abs3A_129 = math.absi %sub3A_128 : vector<16xi32>
    %min3A_130 = arith.constant 1 : i32
    %min3A_131 = vector.broadcast %min3A_130 : i32 to vector<16xi32>
    %min3A_132 = arith.minsi %abs3A_129, %min3A_131 : vector<16xi32>
    %add3A_133 = arith.addi %add3A_122, %min3A_132 : vector<16xi32>
    %get3A_134 = arith.constant 192 : index
    %get3A_135 = tpu.vector_load %arg5[%get3A_134] {strides = array<i32>} : memref<512xi32, #tpu.memory_space<vmem>>, vector<16xi32>,
    %get3A_136 = vector.shape_cast %get3A_135 : vector<16xi32> to vector<16xi32>
    %sub3A_137 = arith.constant 1 : i32
    %sub3A_138 = vector.broadcast %sub3A_137 : i32 to vector<16xi32>
    %sub3A_139 = arith.subi %get3A_136, %sub3A_138 : vector<16xi32>
    %abs3A_140 = math.absi %sub3A_139 : vector<16xi32>
    %min3A_141 = arith.constant 1 : i32
    %min3A_142 = vector.broadcast %min3A_141 : i32 to vector<16xi32>
    %min3A_143 = arith.minsi %abs3A_140, %min3A_142 : vector<16xi32>
    %add3A_144 = arith.addi %add3A_133, %min3A_143 : vector<16xi32>
    %get3A_145 = arith.constant 208 : index
    %get3A_146 = tpu.vector_load %arg5[%get3A_145] {strides = array<i32>} : memref<512xi32, #tpu.memory_space<vmem>>, vector<16xi32>,
    %get3A_147 = vector.shape_cast %get3A_146 : vector<16xi32> to vector<16xi32>
    %sub3A_148 = arith.constant 1 : i32
    %sub3A_149 = vector.broadcast %sub3A_148 : i32 to vector<16xi32>
    %sub3A_150 = arith.subi %get3A_147, %sub3A_149 : vector<16xi32>
    %abs3A_151 = math.absi %sub3A_150 : vector<16xi32>
    %min3A_152 = arith.constant 1 : i32
    %min3A_153 = vector.broadcast %min3A_152 : i32 to vector<16xi32>
    %min3A_154 = arith.minsi %abs3A_151, %min3A_153 : vector<16xi32>
    %add3A_155 = arith.addi %add3A_144, %min3A_154 : vector<16xi32>
    %get3A_156 = arith.constant 224 : index
    %get3A_157 = tpu.vector_load %arg5[%get3A_156] {strides = array<i32>} : memref<512xi32, #tpu.memory_space<vmem>>, vector<16xi32>,
    %get3A_158 = vector.shape_cast %get3A_157 : vector<16xi32> to vector<16xi32>
    %sub3A_159 = arith.constant 1 : i32
    %sub3A_160 = vector.broadcast %sub3A_159 : i32 to vector<16xi32>
    %sub3A_161 = arith.subi %get3A_158, %sub3A_160 : vector<16xi32>
    %abs3A_162 = math.absi %sub3A_161 : vector<16xi32>
    %min3A_163 = arith.constant 1 : i32
    %min3A_164 = vector.broadcast %min3A_163 : i32 to vector<16xi32>
    %min3A_165 = arith.minsi %abs3A_162, %min3A_164 : vector<16xi32>
    %add3A_166 = arith.addi %add3A_155, %min3A_165 : vector<16xi32>
    %get3A_167 = arith.constant 240 : index
    %get3A_168 = tpu.vector_load %arg5[%get3A_167] {strides = array<i32>} : memref<512xi32, #tpu.memory_space<vmem>>, vector<16xi32>,
    %get3A_169 = vector.shape_cast %get3A_168 : vector<16xi32> to vector<16xi32>
    %sub3A_170 = arith.constant 1 : i32
    %sub3A_171 = vector.broadcast %sub3A_170 : i32 to vector<16xi32>
    %sub3A_172 = arith.subi %get3A_169, %sub3A_171 : vector<16xi32>
    %abs3A_173 = math.absi %sub3A_172 : vector<16xi32>
    %min3A_174 = arith.constant 1 : i32
    %min3A_175 = vector.broadcast %min3A_174 : i32 to vector<16xi32>
    %min3A_176 = arith.minsi %abs3A_173, %min3A_175 : vector<16xi32>
    %add3A_177 = arith.addi %add3A_166, %min3A_176 : vector<16xi32>
    %get3A_178 = arith.constant 256 : index
    %get3A_179 = tpu.vector_load %arg5[%get3A_178] {strides = array<i32>} : memref<512xi32, #tpu.memory_space<vmem>>, vector<16xi32>,
    %get3A_180 = vector.shape_cast %get3A_179 : vector<16xi32> to vector<16xi32>
    %sub3A_181 = arith.constant 1 : i32
    %sub3A_182 = vector.broadcast %sub3A_181 : i32 to vector<16xi32>
    %sub3A_183 = arith.subi %get3A_180, %sub3A_182 : vector<16xi32>
    %abs3A_184 = math.absi %sub3A_183 : vector<16xi32>
    %min3A_185 = arith.constant 1 : i32
    %min3A_186 = vector.broadcast %min3A_185 : i32 to vector<16xi32>
    %min3A_187 = arith.minsi %abs3A_184, %min3A_186 : vector<16xi32>
    %add3A_188 = arith.addi %add3A_177, %min3A_187 : vector<16xi32>
    %get3A_189 = arith.constant 272 : index
    %get3A_190 = tpu.vector_load %arg5[%get3A_189] {strides = array<i32>} : memref<512xi32, #tpu.memory_space<vmem>>, vector<16xi32>,
    %get3A_191 = vector.shape_cast %get3A_190 : vector<16xi32> to vector<16xi32>
    %sub3A_192 = arith.constant 1 : i32
    %sub3A_193 = vector.broadcast %sub3A_192 : i32 to vector<16xi32>
    %sub3A_194 = arith.subi %get3A_191, %sub3A_193 : vector<16xi32>
    %abs3A_195 = math.absi %sub3A_194 : vector<16xi32>
    %min3A_196 = arith.constant 1 : i32
    %min3A_197 = vector.broadcast %min3A_196 : i32 to vector<16xi32>
    %min3A_198 = arith.minsi %abs3A_195, %min3A_197 : vector<16xi32>
    %add3A_199 = arith.addi %add3A_188, %min3A_198 : vector<16xi32>
    %get3A_200 = arith.constant 288 : index
    %get3A_201 = tpu.vector_load %arg5[%get3A_200] {strides = array<i32>} : memref<512xi32, #tpu.memory_space<vmem>>, vector<16xi32>,
    %get3A_202 = vector.shape_cast %get3A_201 : vector<16xi32> to vector<16xi32>
    %sub3A_203 = arith.constant 1 : i32
    %sub3A_204 = vector.broadcast %sub3A_203 : i32 to vector<16xi32>
    %sub3A_205 = arith.subi %get3A_202, %sub3A_204 : vector<16xi32>
    %abs3A_206 = math.absi %sub3A_205 : vector<16xi32>
    %min3A_207 = arith.constant 1 : i32
    %min3A_208 = vector.broadcast %min3A_207 : i32 to vector<16xi32>
    %min3A_209 = arith.minsi %abs3A_206, %min3A_208 : vector<16xi32>
    %add3A_210 = arith.addi %add3A_199, %min3A_209 : vector<16xi32>
    %get3A_211 = arith.constant 304 : index
    %get3A_212 = tpu.vector_load %arg5[%get3A_211] {strides = array<i32>} : memref<512xi32, #tpu.memory_space<vmem>>, vector<16xi32>,
    %get3A_213 = vector.shape_cast %get3A_212 : vector<16xi32> to vector<16xi32>
    %sub3A_214 = arith.constant 1 : i32
    %sub3A_215 = vector.broadcast %sub3A_214 : i32 to vector<16xi32>
    %sub3A_216 = arith.subi %get3A_213, %sub3A_215 : vector<16xi32>
    %abs3A_217 = math.absi %sub3A_216 : vector<16xi32>
    %min3A_218 = arith.constant 1 : i32
    %min3A_219 = vector.broadcast %min3A_218 : i32 to vector<16xi32>
    %min3A_220 = arith.minsi %abs3A_217, %min3A_219 : vector<16xi32>
    %add3A_221 = arith.addi %add3A_210, %min3A_220 : vector<16xi32>
    %get3A_222 = arith.constant 320 : index
    %get3A_223 = tpu.vector_load %arg5[%get3A_222] {strides = array<i32>} : memref<512xi32, #tpu.memory_space<vmem>>, vector<16xi32>,
    %get3A_224 = vector.shape_cast %get3A_223 : vector<16xi32> to vector<16xi32>
    %sub3A_225 = arith.constant 1 : i32
    %sub3A_226 = vector.broadcast %sub3A_225 : i32 to vector<16xi32>
    %sub3A_227 = arith.subi %get3A_224, %sub3A_226 : vector<16xi32>
    %abs3A_228 = math.absi %sub3A_227 : vector<16xi32>
    %min3A_229 = arith.constant 1 : i32
    %min3A_230 = vector.broadcast %min3A_229 : i32 to vector<16xi32>
    %min3A_231 = arith.minsi %abs3A_228, %min3A_230 : vector<16xi32>
    %add3A_232 = arith.addi %add3A_221, %min3A_231 : vector<16xi32>
    %get3A_233 = arith.constant 336 : index
    %get3A_234 = tpu.vector_load %arg5[%get3A_233] {strides = array<i32>} : memref<512xi32, #tpu.memory_space<vmem>>, vector<16xi32>,
    %get3A_235 = vector.shape_cast %get3A_234 : vector<16xi32> to vector<16xi32>
    %sub3A_236 = arith.constant 1 : i32
    %sub3A_237 = vector.broadcast %sub3A_236 : i32 to vector<16xi32>
    %sub3A_238 = arith.subi %get3A_235, %sub3A_237 : vector<16xi32>
    %abs3A_239 = math.absi %sub3A_238 : vector<16xi32>
    %min3A_240 = arith.constant 1 : i32
    %min3A_241 = vector.broadcast %min3A_240 : i32 to vector<16xi32>
    %min3A_242 = arith.minsi %abs3A_239, %min3A_241 : vector<16xi32>
    %add3A_243 = arith.addi %add3A_232, %min3A_242 : vector<16xi32>
    %get3A_244 = arith.constant 352 : index
    %get3A_245 = tpu.vector_load %arg5[%get3A_244] {strides = array<i32>} : memref<512xi32, #tpu.memory_space<vmem>>, vector<16xi32>,
    %get3A_246 = vector.shape_cast %get3A_245 : vector<16xi32> to vector<16xi32>
    %sub3A_247 = arith.constant 1 : i32
    %sub3A_248 = vector.broadcast %sub3A_247 : i32 to vector<16xi32>
    %sub3A_249 = arith.subi %get3A_246, %sub3A_248 : vector<16xi32>
    %abs3A_250 = math.absi %sub3A_249 : vector<16xi32>
    %min3A_251 = arith.constant 1 : i32
    %min3A_252 = vector.broadcast %min3A_251 : i32 to vector<16xi32>
    %min3A_253 = arith.minsi %abs3A_250, %min3A_252 : vector<16xi32>
    %add3A_254 = arith.addi %add3A_243, %min3A_253 : vector<16xi32>
    %get3A_255 = arith.constant 368 : index
    %get3A_256 = tpu.vector_load %arg5[%get3A_255] {strides = array<i32>} : memref<512xi32, #tpu.memory_space<vmem>>, vector<16xi32>,
    %get3A_257 = vector.shape_cast %get3A_256 : vector<16xi32> to vector<16xi32>
    %sub3A_258 = arith.constant 1 : i32
    %sub3A_259 = vector.broadcast %sub3A_258 : i32 to vector<16xi32>
    %sub3A_260 = arith.subi %get3A_257, %sub3A_259 : vector<16xi32>
    %abs3A_261 = math.absi %sub3A_260 : vector<16xi32>
    %min3A_262 = arith.constant 1 : i32
    %min3A_263 = vector.broadcast %min3A_262 : i32 to vector<16xi32>
    %min3A_264 = arith.minsi %abs3A_261, %min3A_263 : vector<16xi32>
    %add3A_265 = arith.addi %add3A_254, %min3A_264 : vector<16xi32>
    %get3A_266 = arith.constant 384 : index
    %get3A_267 = tpu.vector_load %arg5[%get3A_266] {strides = array<i32>} : memref<512xi32, #tpu.memory_space<vmem>>, vector<16xi32>,
    %get3A_268 = vector.shape_cast %get3A_267 : vector<16xi32> to vector<16xi32>
    %sub3A_269 = arith.constant 1 : i32
    %sub3A_270 = vector.broadcast %sub3A_269 : i32 to vector<16xi32>
    %sub3A_271 = arith.subi %get3A_268, %sub3A_270 : vector<16xi32>
    %abs3A_272 = math.absi %sub3A_271 : vector<16xi32>
    %min3A_273 = arith.constant 1 : i32
    %min3A_274 = vector.broadcast %min3A_273 : i32 to vector<16xi32>
    %min3A_275 = arith.minsi %abs3A_272, %min3A_274 : vector<16xi32>
    %add3A_276 = arith.addi %add3A_265, %min3A_275 : vector<16xi32>
    %get3A_277 = arith.constant 400 : index
    %get3A_278 = tpu.vector_load %arg5[%get3A_277] {strides = array<i32>} : memref<512xi32, #tpu.memory_space<vmem>>, vector<16xi32>,
    %get3A_279 = vector.shape_cast %get3A_278 : vector<16xi32> to vector<16xi32>
    %sub3A_280 = arith.constant 1 : i32
    %sub3A_281 = vector.broadcast %sub3A_280 : i32 to vector<16xi32>
    %sub3A_282 = arith.subi %get3A_279, %sub3A_281 : vector<16xi32>
    %abs3A_283 = math.absi %sub3A_282 : vector<16xi32>
    %min3A_284 = arith.constant 1 : i32
    %min3A_285 = vector.broadcast %min3A_284 : i32 to vector<16xi32>
    %min3A_286 = arith.minsi %abs3A_283, %min3A_285 : vector<16xi32>
    %add3A_287 = arith.addi %add3A_276, %min3A_286 : vector<16xi32>
    %get3A_288 = arith.constant 416 : index
    %get3A_289 = tpu.vector_load %arg5[%get3A_288] {strides = array<i32>} : memref<512xi32, #tpu.memory_space<vmem>>, vector<16xi32>,
    %get3A_290 = vector.shape_cast %get3A_289 : vector<16xi32> to vector<16xi32>
    %sub3A_291 = arith.constant 1 : i32
    %sub3A_292 = vector.broadcast %sub3A_291 : i32 to vector<16xi32>
    %sub3A_293 = arith.subi %get3A_290, %sub3A_292 : vector<16xi32>
    %abs3A_294 = math.absi %sub3A_293 : vector<16xi32>
    %min3A_295 = arith.constant 1 : i32
    %min3A_296 = vector.broadcast %min3A_295 : i32 to vector<16xi32>
    %min3A_297 = arith.minsi %abs3A_294, %min3A_296 : vector<16xi32>
    %add3A_298 = arith.addi %add3A_287, %min3A_297 : vector<16xi32>
    %get3A_299 = arith.constant 432 : index
    %get3A_300 = tpu.vector_load %arg5[%get3A_299] {strides = array<i32>} : memref<512xi32, #tpu.memory_space<vmem>>, vector<16xi32>,
    %get3A_301 = vector.shape_cast %get3A_300 : vector<16xi32> to vector<16xi32>
    %sub3A_302 = arith.constant 1 : i32
    %sub3A_303 = vector.broadcast %sub3A_302 : i32 to vector<16xi32>
    %sub3A_304 = arith.subi %get3A_301, %sub3A_303 : vector<16xi32>
    %abs3A_305 = math.absi %sub3A_304 : vector<16xi32>
    %min3A_306 = arith.constant 1 : i32
    %min3A_307 = vector.broadcast %min3A_306 : i32 to vector<16xi32>
    %min3A_308 = arith.minsi %abs3A_305, %min3A_307 : vector<16xi32>
    %add3A_309 = arith.addi %add3A_298, %min3A_308 : vector<16xi32>
    %get3A_310 = arith.constant 448 : index
    %get3A_311 = tpu.vector_load %arg5[%get3A_310] {strides = array<i32>} : memref<512xi32, #tpu.memory_space<vmem>>, vector<16xi32>,
    %get3A_312 = vector.shape_cast %get3A_311 : vector<16xi32> to vector<16xi32>
    %sub3A_313 = arith.constant 1 : i32
    %sub3A_314 = vector.broadcast %sub3A_313 : i32 to vector<16xi32>
    %sub3A_315 = arith.subi %get3A_312, %sub3A_314 : vector<16xi32>
    %abs3A_316 = math.absi %sub3A_315 : vector<16xi32>
    %min3A_317 = arith.constant 1 : i32
    %min3A_318 = vector.broadcast %min3A_317 : i32 to vector<16xi32>
    %min3A_319 = arith.minsi %abs3A_316, %min3A_318 : vector<16xi32>
    %add3A_320 = arith.addi %add3A_309, %min3A_319 : vector<16xi32>
    %get3A_321 = arith.constant 464 : index
    %get3A_322 = tpu.vector_load %arg5[%get3A_321] {strides = array<i32>} : memref<512xi32, #tpu.memory_space<vmem>>, vector<16xi32>,
    %get3A_323 = vector.shape_cast %get3A_322 : vector<16xi32> to vector<16xi32>
    %sub3A_324 = arith.constant 1 : i32
    %sub3A_325 = vector.broadcast %sub3A_324 : i32 to vector<16xi32>
    %sub3A_326 = arith.subi %get3A_323, %sub3A_325 : vector<16xi32>
    %abs3A_327 = math.absi %sub3A_326 : vector<16xi32>
    %min3A_328 = arith.constant 1 : i32
    %min3A_329 = vector.broadcast %min3A_328 : i32 to vector<16xi32>
    %min3A_330 = arith.minsi %abs3A_327, %min3A_329 : vector<16xi32>
    %add3A_331 = arith.addi %add3A_320, %min3A_330 : vector<16xi32>
    %get3A_332 = arith.constant 480 : index
    %get3A_333 = tpu.vector_load %arg5[%get3A_332] {strides = array<i32>} : memref<512xi32, #tpu.memory_space<vmem>>, vector<16xi32>,
    %get3A_334 = vector.shape_cast %get3A_333 : vector<16xi32> to vector<16xi32>
    %sub3A_335 = arith.constant 1 : i32
    %sub3A_336 = vector.broadcast %sub3A_335 : i32 to vector<16xi32>
    %sub3A_337 = arith.subi %get3A_334, %sub3A_336 : vector<16xi32>
    %abs3A_338 = math.absi %sub3A_337 : vector<16xi32>
    %min3A_339 = arith.constant 1 : i32
    %min3A_340 = vector.broadcast %min3A_339 : i32 to vector<16xi32>
    %min3A_341 = arith.minsi %abs3A_338, %min3A_340 : vector<16xi32>
    %add3A_342 = arith.addi %add3A_331, %min3A_341 : vector<16xi32>
    %get3A_343 = arith.constant 496 : index
    %get3A_344 = tpu.vector_load %arg5[%get3A_343] {strides = array<i32>} : memref<512xi32, #tpu.memory_space<vmem>>, vector<16xi32>,
    %get3A_345 = vector.shape_cast %get3A_344 : vector<16xi32> to vector<16xi32>
    %sub3A_346 = arith.constant 1 : i32
    %sub3A_347 = vector.broadcast %sub3A_346 : i32 to vector<16xi32>
    %sub3A_348 = arith.subi %get3A_345, %sub3A_347 : vector<16xi32>
    %abs3A_349 = math.absi %sub3A_348 : vector<16xi32>
    %min3A_350 = arith.constant 1 : i32
    %min3A_351 = vector.broadcast %min3A_350 : i32 to vector<16xi32>
    %min3A_352 = arith.minsi %abs3A_349, %min3A_351 : vector<16xi32>
    %add3A_353 = arith.addi %add3A_342, %min3A_352 : vector<16xi32>
    %xor3A = arith.constant 1 : i32
    %xor3A_354 = vector.broadcast %xor3A : i32 to vector<16xi32>
    %xor3A_355 = arith.xori %iota3A, %xor3A_354 : vector<16xi32>
    %broadcast_in_dim3A_356 = vector.shape_cast %xor3A_355 : vector<16xi32> to vector<16x1xi32>
    %gather3A = vector.shape_cast %broadcast_in_dim3A_356 : vector<16x1xi32> to vector<16xi32>
    %gather3A_357 = tpu.dynamic_gather %add3A_353[%gather3A] in [0] : vector<16xi32>, vector<16xi32> -> vector<16xi32>
    %add3A_358 = arith.addi %add3A_353, %gather3A_357 : vector<16xi32>
    %xor3A_359 = arith.constant 2 : i32
    %xor3A_360 = vector.broadcast %xor3A_359 : i32 to vector<16xi32>
    %xor3A_361 = arith.xori %iota3A, %xor3A_360 : vector<16xi32>
    %broadcast_in_dim3A_362 = vector.shape_cast %xor3A_361 : vector<16xi32> to vector<16x1xi32>
    %gather3A_363 = vector.shape_cast %broadcast_in_dim3A_362 : vector<16x1xi32> to vector<16xi32>
    %gather3A_364 = tpu.dynamic_gather %add3A_358[%gather3A_363] in [0] : vector<16xi32>, vector<16xi32> -> vector<16xi32>
    %add3A_365 = arith.addi %add3A_358, %gather3A_364 : vector<16xi32>
    %xor3A_366 = arith.constant 4 : i32
    %xor3A_367 = vector.broadcast %xor3A_366 : i32 to vector<16xi32>
    %xor3A_368 = arith.xori %iota3A, %xor3A_367 : vector<16xi32>
    %broadcast_in_dim3A_369 = vector.shape_cast %xor3A_368 : vector<16xi32> to vector<16x1xi32>
    %gather3A_370 = vector.shape_cast %broadcast_in_dim3A_369 : vector<16x1xi32> to vector<16xi32>
    %gather3A_371 = tpu.dynamic_gather %add3A_365[%gather3A_370] in [0] : vector<16xi32>, vector<16xi32> -> vector<16xi32>
    %add3A_372 = arith.addi %add3A_365, %gather3A_371 : vector<16xi32>
    %xor3A_373 = arith.constant 8 : i32
    %xor3A_374 = vector.broadcast %xor3A_373 : i32 to vector<16xi32>
    %xor3A_375 = arith.xori %iota3A, %xor3A_374 : vector<16xi32>
    %broadcast_in_dim3A_376 = vector.shape_cast %xor3A_375 : vector<16xi32> to vector<16x1xi32>
    %gather3A_377 = vector.shape_cast %broadcast_in_dim3A_376 : vector<16x1xi32> to vector<16xi32>
    %gather3A_378 = tpu.dynamic_gather %add3A_372[%gather3A_377] in [0] : vector<16xi32>, vector<16xi32> -> vector<16xi32>
    %add3A_379 = arith.addi %add3A_372, %gather3A_378 : vector<16xi32>
    %swap3A = arith.constant 0 : index
    %swap3A_380 = tpu.vector_load %arg7[%swap3A] {strides = array<i32>} : memref<16xi32, #tpu.memory_space<vmem>>, vector<16xi32>,
    %swap3A_381 = vector.shape_cast %swap3A_380 : vector<16xi32> to vector<16xi32>
    %swap3A_382 = vector.shape_cast %add3A_379 : vector<16xi32> to vector<16xi32>
    tpu.vector_store %arg7[%swap3A], %swap3A_382 {strides = array<i32>} : memref<16xi32, #tpu.memory_space<vmem>>, vector<16xi32>,
    %mul3A_383 = arith.constant 16 : i32
    %mul3A_384 = arith.muli %arg1, %mul3A_383 : i32
    "tpu.region"() ({
      %run_scoped3A = tpu.sem_alloc : memref<!tpu.dma_semaphore, #tpu.memory_space<semaphore_mem>>
      %dma_start3A_4447 = tpu.memref_slice %arg9[%mul3A_384] : memref<256xi32, #tpu.memory_space<vmem_shared>> -> memref<16xi32, #tpu.memory_space<vmem_shared>>
      %dma_start3A_4448 = tpu.memref_slice %arg9[%mul3A_384] : memref<256xi32, #tpu.memory_space<vmem_shared>> -> memref<16xi32, #tpu.memory_space<vmem_shared>>
      tpu.enqueue_dma source(%arg7 : memref<16xi32, #tpu.memory_space<vmem>>) target(%dma_start3A_4448 : memref<16xi32, #tpu.memory_space<vmem_shared>>) target_semaphore(%run_scoped3A : memref<!tpu.dma_semaphore, #tpu.memory_space<semaphore_mem>>)
      %dma_wait3A_4449 = tpu.memref_slice %arg9[%mul3A_384] : memref<256xi32, #tpu.memory_space<vmem_shared>> -> memref<16xi32, #tpu.memory_space<vmem_shared>>
      %dma_wait3A_4450 = tpu.memref_slice %arg9[%mul3A_384] : memref<256xi32, #tpu.memory_space<vmem_shared>> -> memref<16xi32, #tpu.memory_space<vmem_shared>>
      tpu.wait_dma2 semaphore(%run_scoped3A : memref<!tpu.dma_semaphore, #tpu.memory_space<semaphore_mem>>) src(%arg7 : memref<16xi32, #tpu.memory_space<vmem>>) dst(%dma_wait3A_4450 : memref<16xi32, #tpu.memory_space<vmem_shared>>)
      tpu.yield
    }) : () -> ()
    %barrier3A = arith.constant 0 : index
    tpu.barrier barrier_id(%barrier3A)
    "tpu.region"() ({
      %run_scoped3A = tpu.sem_alloc : memref<!tpu.dma_semaphore, #tpu.memory_space<semaphore_mem>>
      tpu.enqueue_dma source(%arg9 : memref<256xi32, #tpu.memory_space<vmem_shared>>) target(%arg8 : memref<256xi32, #tpu.memory_space<vmem>>) target_semaphore(%run_scoped3A : memref<!tpu.dma_semaphore, #tpu.memory_space<semaphore_mem>>)
      tpu.wait_dma2 semaphore(%run_scoped3A : memref<!tpu.dma_semaphore, #tpu.memory_space<semaphore_mem>>) src(%arg9 : memref<256xi32, #tpu.memory_space<vmem_shared>>) dst(%arg8 : memref<256xi32, #tpu.memory_space<vmem>>)
      tpu.yield
    }) : () -> ()
    %rem3A = arith.constant 8 : i32
    %rem3A_385 = arith.remsi %add3A, %rem3A : i32
    %sub3A_386 = arith.subi %arg1, %rem3A_385 : i32
    %broadcast_in_dim3A_387 = arith.constant 0 : i32
    %broadcast_in_dim3A_388 = vector.broadcast %broadcast_in_dim3A_387 : i32 to vector<16xi32>
    %while3A = arith.constant 0 : i32
    %while3A_389 = arith.subi %rem3A_385, %while3A : i32
    %while3A_390 = arith.addi %while3A, %while3A_389 : i32
    %while3A_391 = arith.constant 1 : i32
    %while3A_392 = arith.divsi %while3A_389, %while3A_391 : i32
    %while3A_393 = arith.muli %while3A_392, %while3A_391 : i32
    %while3A_394 = arith.addi %while3A, %while3A_393 : i32
    %while3A_395 = arith.constant 1 : i32
    %while3A_396 = scf.for %while3A_4447 = %while3A to %while3A_394 step %while3A_395 iter_args(%while3A_4448 = %broadcast_in_dim3A_388) -> (vector<16xi32>)  : i32 {
      %add3A_4449 = arith.addi %sub3A_386, %while3A_4447 : i32
      %mul3A_4450 = arith.constant 16 : i32
      %mul3A_4451 = arith.muli %add3A_4449, %mul3A_4450 : i32
      %multiple_of3A_4452 = tpu.assume_multiple %mul3A_4451, 16 : i32
      %get3A_4453 = arith.index_cast %multiple_of3A_4452 : i32 to index
      %get3A_4454 = tpu.vector_load %arg8[%get3A_4453] {strides = array<i32>} : memref<256xi32, #tpu.memory_space<vmem>>, vector<16xi32>,
      %get3A_4455 = vector.shape_cast %get3A_4454 : vector<16xi32> to vector<16xi32>
      %add3A_4456 = arith.addi %while3A_4448, %get3A_4455 : vector<16xi32>
      scf.yield %add3A_4456 : vector<16xi32>
    }
    %while3A_397 = arith.constant 1 : i32
    %while3A_398 = scf.for %while3A_4447 = %while3A_394 to %while3A_390 step %while3A_397 iter_args(%while3A_4448 = %while3A_396) -> (vector<16xi32>)  : i32 {
      %add3A_4449 = arith.addi %sub3A_386, %while3A_4447 : i32
      %mul3A_4450 = arith.constant 16 : i32
      %mul3A_4451 = arith.muli %add3A_4449, %mul3A_4450 : i32
      %multiple_of3A_4452 = tpu.assume_multiple %mul3A_4451, 16 : i32
      %get3A_4453 = arith.index_cast %multiple_of3A_4452 : i32 to index
      %get3A_4454 = tpu.vector_load %arg8[%get3A_4453] {strides = array<i32>} : memref<256xi32, #tpu.memory_space<vmem>>, vector<16xi32>,
      %get3A_4455 = vector.shape_cast %get3A_4454 : vector<16xi32> to vector<16xi32>
      %add3A_4456 = arith.addi %while3A_4448, %get3A_4455 : vector<16xi32>
      scf.yield %add3A_4456 : vector<16xi32>
    }
    %get3A_399 = arith.constant 0 : index
    %get3A_400 = tpu.vector_load %arg5[%get3A_399] {strides = array<i32>} : memref<512xi32, #tpu.memory_space<vmem>>, vector<16xi32>,
    %get3A_401 = vector.shape_cast %get3A_400 : vector<16xi32> to vector<16xi32>
    %sub3A_402 = arith.constant 1 : i32
    %sub3A_403 = vector.broadcast %sub3A_402 : i32 to vector<16xi32>
    %sub3A_404 = arith.subi %get3A_401, %sub3A_403 : vector<16xi32>
    %abs3A_405 = math.absi %sub3A_404 : vector<16xi32>
    %min3A_406 = arith.constant 1 : i32
    %min3A_407 = vector.broadcast %min3A_406 : i32 to vector<16xi32>
    %min3A_408 = arith.minsi %abs3A_405, %min3A_407 : vector<16xi32>
    %sub3A_409 = arith.constant 1 : i32
    %sub3A_410 = vector.broadcast %sub3A_409 : i32 to vector<16xi32>
    %sub3A_411 = arith.subi %iota3A, %sub3A_410 : vector<16xi32>
    %max3A = arith.constant 0 : i32
    %max3A_412 = vector.broadcast %max3A : i32 to vector<16xi32>
    %max3A_413 = arith.maxsi %sub3A_411, %max3A_412 : vector<16xi32>
    %broadcast_in_dim3A_414 = vector.shape_cast %max3A_413 : vector<16xi32> to vector<16x1xi32>
    %gather3A_415 = vector.shape_cast %broadcast_in_dim3A_414 : vector<16x1xi32> to vector<16xi32>
    %gather3A_416 = tpu.dynamic_gather %min3A_408[%gather3A_415] in [0] : vector<16xi32>, vector<16xi32> -> vector<16xi32>
    %sub3A_417 = arith.constant 0 : i32
    %sub3A_418 = vector.broadcast %sub3A_417 : i32 to vector<16xi32>
    %sub3A_419 = arith.subi %iota3A, %sub3A_418 : vector<16xi32>
    %max3A_420 = arith.constant 0 : i32
    %max3A_421 = vector.broadcast %max3A_420 : i32 to vector<16xi32>
    %max3A_422 = arith.maxsi %sub3A_419, %max3A_421 : vector<16xi32>
    %min3A_423 = arith.constant 1 : i32
    %min3A_424 = vector.broadcast %min3A_423 : i32 to vector<16xi32>
    %min3A_425 = arith.minsi %max3A_422, %min3A_424 : vector<16xi32>
    %mul3A_426 = arith.muli %gather3A_416, %min3A_425 : vector<16xi32>
    %add3A_427 = arith.addi %min3A_408, %mul3A_426 : vector<16xi32>
    %sub3A_428 = arith.constant 2 : i32
    %sub3A_429 = vector.broadcast %sub3A_428 : i32 to vector<16xi32>
    %sub3A_430 = arith.subi %iota3A, %sub3A_429 : vector<16xi32>
    %max3A_431 = arith.constant 0 : i32
    %max3A_432 = vector.broadcast %max3A_431 : i32 to vector<16xi32>
    %max3A_433 = arith.maxsi %sub3A_430, %max3A_432 : vector<16xi32>
    %broadcast_in_dim3A_434 = vector.shape_cast %max3A_433 : vector<16xi32> to vector<16x1xi32>
    %gather3A_435 = vector.shape_cast %broadcast_in_dim3A_434 : vector<16x1xi32> to vector<16xi32>
    %gather3A_436 = tpu.dynamic_gather %add3A_427[%gather3A_435] in [0] : vector<16xi32>, vector<16xi32> -> vector<16xi32>
    %sub3A_437 = arith.constant 1 : i32
    %sub3A_438 = vector.broadcast %sub3A_437 : i32 to vector<16xi32>
    %sub3A_439 = arith.subi %iota3A, %sub3A_438 : vector<16xi32>
    %max3A_440 = arith.constant 0 : i32
    %max3A_441 = vector.broadcast %max3A_440 : i32 to vector<16xi32>
    %max3A_442 = arith.maxsi %sub3A_439, %max3A_441 : vector<16xi32>
    %min3A_443 = arith.constant 1 : i32
    %min3A_444 = vector.broadcast %min3A_443 : i32 to vector<16xi32>
    %min3A_445 = arith.minsi %max3A_442, %min3A_444 : vector<16xi32>
    %mul3A_446 = arith.muli %gather3A_436, %min3A_445 : vector<16xi32>
    %add3A_447 = arith.addi %add3A_427, %mul3A_446 : vector<16xi32>
    %sub3A_448 = arith.constant 4 : i32
    %sub3A_449 = vector.broadcast %sub3A_448 : i32 to vector<16xi32>
    %sub3A_450 = arith.subi %iota3A, %sub3A_449 : vector<16xi32>
    %max3A_451 = arith.constant 0 : i32
    %max3A_452 = vector.broadcast %max3A_451 : i32 to vector<16xi32>
    %max3A_453 = arith.maxsi %sub3A_450, %max3A_452 : vector<16xi32>
    %broadcast_in_dim3A_454 = vector.shape_cast %max3A_453 : vector<16xi32> to vector<16x1xi32>
    %gather3A_455 = vector.shape_cast %broadcast_in_dim3A_454 : vector<16x1xi32> to vector<16xi32>
    %gather3A_456 = tpu.dynamic_gather %add3A_447[%gather3A_455] in [0] : vector<16xi32>, vector<16xi32> -> vector<16xi32>
    %sub3A_457 = arith.constant 3 : i32
    %sub3A_458 = vector.broadcast %sub3A_457 : i32 to vector<16xi32>
    %sub3A_459 = arith.subi %iota3A, %sub3A_458 : vector<16xi32>
    %max3A_460 = arith.constant 0 : i32
    %max3A_461 = vector.broadcast %max3A_460 : i32 to vector<16xi32>
    %max3A_462 = arith.maxsi %sub3A_459, %max3A_461 : vector<16xi32>
    %min3A_463 = arith.constant 1 : i32
    %min3A_464 = vector.broadcast %min3A_463 : i32 to vector<16xi32>
    %min3A_465 = arith.minsi %max3A_462, %min3A_464 : vector<16xi32>
    %mul3A_466 = arith.muli %gather3A_456, %min3A_465 : vector<16xi32>
    %add3A_467 = arith.addi %add3A_447, %mul3A_466 : vector<16xi32>
    %sub3A_468 = arith.constant 8 : i32
    %sub3A_469 = vector.broadcast %sub3A_468 : i32 to vector<16xi32>
    %sub3A_470 = arith.subi %iota3A, %sub3A_469 : vector<16xi32>
    %max3A_471 = arith.constant 0 : i32
    %max3A_472 = vector.broadcast %max3A_471 : i32 to vector<16xi32>
    %max3A_473 = arith.maxsi %sub3A_470, %max3A_472 : vector<16xi32>
    %broadcast_in_dim3A_474 = vector.shape_cast %max3A_473 : vector<16xi32> to vector<16x1xi32>
    %gather3A_475 = vector.shape_cast %broadcast_in_dim3A_474 : vector<16x1xi32> to vector<16xi32>
    %gather3A_476 = tpu.dynamic_gather %add3A_467[%gather3A_475] in [0] : vector<16xi32>, vector<16xi32> -> vector<16xi32>
    %sub3A_477 = arith.constant 7 : i32
    %sub3A_478 = vector.broadcast %sub3A_477 : i32 to vector<16xi32>
    %sub3A_479 = arith.subi %iota3A, %sub3A_478 : vector<16xi32>
    %max3A_480 = arith.constant 0 : i32
    %max3A_481 = vector.broadcast %max3A_480 : i32 to vector<16xi32>
    %max3A_482 = arith.maxsi %sub3A_479, %max3A_481 : vector<16xi32>
    %min3A_483 = arith.constant 1 : i32
    %min3A_484 = vector.broadcast %min3A_483 : i32 to vector<16xi32>
    %min3A_485 = arith.minsi %max3A_482, %min3A_484 : vector<16xi32>
    %mul3A_486 = arith.muli %gather3A_476, %min3A_485 : vector<16xi32>
    %add3A_487 = arith.addi %add3A_467, %mul3A_486 : vector<16xi32>
    %add3A_488 = arith.addi %while3A_398, %add3A_487 : vector<16xi32>
    %mul3A_489 = arith.muli %min3A_408, %add3A_488 : vector<16xi32>
    %add3A_490 = arith.constant 1 : i32
    %add3A_491 = vector.broadcast %add3A_490 : i32 to vector<16xi32>
    %add3A_492 = arith.addi %mul3A_489, %add3A_491 : vector<16xi32>
    %swap3A_493 = arith.constant 0 : index
    %swap3A_494 = tpu.vector_load %arg6[%swap3A_493] {strides = array<i32>} : memref<528xi32, #tpu.memory_space<vmem>>, vector<16xi32>,
    %swap3A_495 = vector.shape_cast %swap3A_494 : vector<16xi32> to vector<16xi32>
    %swap3A_496 = vector.shape_cast %add3A_492 : vector<16xi32> to vector<16xi32>
    tpu.vector_store %arg6[%swap3A_493], %swap3A_496 {strides = array<i32>} : memref<528xi32, #tpu.memory_space<vmem>>, vector<16xi32>,
    %broadcast_in_dim3A_497 = vector.shape_cast %broadcast_in_dim3A_3 : vector<16xi32> to vector<16x1xi32>
    %gather3A_498 = vector.shape_cast %broadcast_in_dim3A_497 : vector<16x1xi32> to vector<16xi32>
    %gather3A_499 = tpu.dynamic_gather %add3A_487[%gather3A_498] in [0] : vector<16xi32>, vector<16xi32> -> vector<16xi32>
    %add3A_500 = arith.addi %while3A_398, %gather3A_499 : vector<16xi32>
    %get3A_501 = arith.constant 16 : index
    %get3A_502 = tpu.vector_load %arg5[%get3A_501] {strides = array<i32>} : memref<512xi32, #tpu.memory_space<vmem>>, vector<16xi32>,
    %get3A_503 = vector.shape_cast %get3A_502 : vector<16xi32> to vector<16xi32>
    %sub3A_504 = arith.constant 1 : i32
    %sub3A_505 = vector.broadcast %sub3A_504 : i32 to vector<16xi32>
    %sub3A_506 = arith.subi %get3A_503, %sub3A_505 : vector<16xi32>
    %abs3A_507 = math.absi %sub3A_506 : vector<16xi32>
    %min3A_508 = arith.constant 1 : i32
    %min3A_509 = vector.broadcast %min3A_508 : i32 to vector<16xi32>
    %min3A_510 = arith.minsi %abs3A_507, %min3A_509 : vector<16xi32>
    %sub3A_511 = arith.constant 1 : i32
    %sub3A_512 = vector.broadcast %sub3A_511 : i32 to vector<16xi32>
    %sub3A_513 = arith.subi %iota3A, %sub3A_512 : vector<16xi32>
    %max3A_514 = arith.constant 0 : i32
    %max3A_515 = vector.broadcast %max3A_514 : i32 to vector<16xi32>
    %max3A_516 = arith.maxsi %sub3A_513, %max3A_515 : vector<16xi32>
    %broadcast_in_dim3A_517 = vector.shape_cast %max3A_516 : vector<16xi32> to vector<16x1xi32>
    %gather3A_518 = vector.shape_cast %broadcast_in_dim3A_517 : vector<16x1xi32> to vector<16xi32>
    %gather3A_519 = tpu.dynamic_gather %min3A_510[%gather3A_518] in [0] : vector<16xi32>, vector<16xi32> -> vector<16xi32>
    %sub3A_520 = arith.constant 0 : i32
    %sub3A_521 = vector.broadcast %sub3A_520 : i32 to vector<16xi32>
    %sub3A_522 = arith.subi %iota3A, %sub3A_521 : vector<16xi32>
    %max3A_523 = arith.constant 0 : i32
    %max3A_524 = vector.broadcast %max3A_523 : i32 to vector<16xi32>
    %max3A_525 = arith.maxsi %sub3A_522, %max3A_524 : vector<16xi32>
    %min3A_526 = arith.constant 1 : i32
    %min3A_527 = vector.broadcast %min3A_526 : i32 to vector<16xi32>
    %min3A_528 = arith.minsi %max3A_525, %min3A_527 : vector<16xi32>
    %mul3A_529 = arith.muli %gather3A_519, %min3A_528 : vector<16xi32>
    %add3A_530 = arith.addi %min3A_510, %mul3A_529 : vector<16xi32>
    %sub3A_531 = arith.constant 2 : i32
    %sub3A_532 = vector.broadcast %sub3A_531 : i32 to vector<16xi32>
    %sub3A_533 = arith.subi %iota3A, %sub3A_532 : vector<16xi32>
    %max3A_534 = arith.constant 0 : i32
    %max3A_535 = vector.broadcast %max3A_534 : i32 to vector<16xi32>
    %max3A_536 = arith.maxsi %sub3A_533, %max3A_535 : vector<16xi32>
    %broadcast_in_dim3A_537 = vector.shape_cast %max3A_536 : vector<16xi32> to vector<16x1xi32>
    %gather3A_538 = vector.shape_cast %broadcast_in_dim3A_537 : vector<16x1xi32> to vector<16xi32>
    %gather3A_539 = tpu.dynamic_gather %add3A_530[%gather3A_538] in [0] : vector<16xi32>, vector<16xi32> -> vector<16xi32>
    %sub3A_540 = arith.constant 1 : i32
    %sub3A_541 = vector.broadcast %sub3A_540 : i32 to vector<16xi32>
    %sub3A_542 = arith.subi %iota3A, %sub3A_541 : vector<16xi32>
    %max3A_543 = arith.constant 0 : i32
    %max3A_544 = vector.broadcast %max3A_543 : i32 to vector<16xi32>
    %max3A_545 = arith.maxsi %sub3A_542, %max3A_544 : vector<16xi32>
    %min3A_546 = arith.constant 1 : i32
    %min3A_547 = vector.broadcast %min3A_546 : i32 to vector<16xi32>
    %min3A_548 = arith.minsi %max3A_545, %min3A_547 : vector<16xi32>
    %mul3A_549 = arith.muli %gather3A_539, %min3A_548 : vector<16xi32>
    %add3A_550 = arith.addi %add3A_530, %mul3A_549 : vector<16xi32>
    %sub3A_551 = arith.constant 4 : i32
    %sub3A_552 = vector.broadcast %sub3A_551 : i32 to vector<16xi32>
    %sub3A_553 = arith.subi %iota3A, %sub3A_552 : vector<16xi32>
    %max3A_554 = arith.constant 0 : i32
    %max3A_555 = vector.broadcast %max3A_554 : i32 to vector<16xi32>
    %max3A_556 = arith.maxsi %sub3A_553, %max3A_555 : vector<16xi32>
    %broadcast_in_dim3A_557 = vector.shape_cast %max3A_556 : vector<16xi32> to vector<16x1xi32>
    %gather3A_558 = vector.shape_cast %broadcast_in_dim3A_557 : vector<16x1xi32> to vector<16xi32>
    %gather3A_559 = tpu.dynamic_gather %add3A_550[%gather3A_558] in [0] : vector<16xi32>, vector<16xi32> -> vector<16xi32>
    %sub3A_560 = arith.constant 3 : i32
    %sub3A_561 = vector.broadcast %sub3A_560 : i32 to vector<16xi32>
    %sub3A_562 = arith.subi %iota3A, %sub3A_561 : vector<16xi32>
    %max3A_563 = arith.constant 0 : i32
    %max3A_564 = vector.broadcast %max3A_563 : i32 to vector<16xi32>
    %max3A_565 = arith.maxsi %sub3A_562, %max3A_564 : vector<16xi32>
    %min3A_566 = arith.constant 1 : i32
    %min3A_567 = vector.broadcast %min3A_566 : i32 to vector<16xi32>
    %min3A_568 = arith.minsi %max3A_565, %min3A_567 : vector<16xi32>
    %mul3A_569 = arith.muli %gather3A_559, %min3A_568 : vector<16xi32>
    %add3A_570 = arith.addi %add3A_550, %mul3A_569 : vector<16xi32>
    %sub3A_571 = arith.constant 8 : i32
    %sub3A_572 = vector.broadcast %sub3A_571 : i32 to vector<16xi32>
    %sub3A_573 = arith.subi %iota3A, %sub3A_572 : vector<16xi32>
    %max3A_574 = arith.constant 0 : i32
    %max3A_575 = vector.broadcast %max3A_574 : i32 to vector<16xi32>
    %max3A_576 = arith.maxsi %sub3A_573, %max3A_575 : vector<16xi32>
    %broadcast_in_dim3A_577 = vector.shape_cast %max3A_576 : vector<16xi32> to vector<16x1xi32>
    %gather3A_578 = vector.shape_cast %broadcast_in_dim3A_577 : vector<16x1xi32> to vector<16xi32>
    %gather3A_579 = tpu.dynamic_gather %add3A_570[%gather3A_578] in [0] : vector<16xi32>, vector<16xi32> -> vector<16xi32>
    %sub3A_580 = arith.constant 7 : i32
    %sub3A_581 = vector.broadcast %sub3A_580 : i32 to vector<16xi32>
    %sub3A_582 = arith.subi %iota3A, %sub3A_581 : vector<16xi32>
    %max3A_583 = arith.constant 0 : i32
    %max3A_584 = vector.broadcast %max3A_583 : i32 to vector<16xi32>
    %max3A_585 = arith.maxsi %sub3A_582, %max3A_584 : vector<16xi32>
    %min3A_586 = arith.constant 1 : i32
    %min3A_587 = vector.broadcast %min3A_586 : i32 to vector<16xi32>
    %min3A_588 = arith.minsi %max3A_585, %min3A_587 : vector<16xi32>
    %mul3A_589 = arith.muli %gather3A_579, %min3A_588 : vector<16xi32>
    %add3A_590 = arith.addi %add3A_570, %mul3A_589 : vector<16xi32>
    %add3A_591 = arith.addi %add3A_500, %add3A_590 : vector<16xi32>
    %mul3A_592 = arith.muli %min3A_510, %add3A_591 : vector<16xi32>
    %add3A_593 = arith.constant 1 : i32
    %add3A_594 = vector.broadcast %add3A_593 : i32 to vector<16xi32>
    %add3A_595 = arith.addi %mul3A_592, %add3A_594 : vector<16xi32>
    %swap3A_596 = arith.constant 16 : index
    %swap3A_597 = tpu.vector_load %arg6[%swap3A_596] {strides = array<i32>} : memref<528xi32, #tpu.memory_space<vmem>>, vector<16xi32>,
    %swap3A_598 = vector.shape_cast %swap3A_597 : vector<16xi32> to vector<16xi32>
    %swap3A_599 = vector.shape_cast %add3A_595 : vector<16xi32> to vector<16xi32>
    tpu.vector_store %arg6[%swap3A_596], %swap3A_599 {strides = array<i32>} : memref<528xi32, #tpu.memory_space<vmem>>, vector<16xi32>,
    %broadcast_in_dim3A_600 = vector.shape_cast %broadcast_in_dim3A_3 : vector<16xi32> to vector<16x1xi32>
    %gather3A_601 = vector.shape_cast %broadcast_in_dim3A_600 : vector<16x1xi32> to vector<16xi32>
    %gather3A_602 = tpu.dynamic_gather %add3A_590[%gather3A_601] in [0] : vector<16xi32>, vector<16xi32> -> vector<16xi32>
    %add3A_603 = arith.addi %add3A_500, %gather3A_602 : vector<16xi32>
    %get3A_604 = arith.constant 32 : index
    %get3A_605 = tpu.vector_load %arg5[%get3A_604] {strides = array<i32>} : memref<512xi32, #tpu.memory_space<vmem>>, vector<16xi32>,
    %get3A_606 = vector.shape_cast %get3A_605 : vector<16xi32> to vector<16xi32>
    %sub3A_607 = arith.constant 1 : i32
    %sub3A_608 = vector.broadcast %sub3A_607 : i32 to vector<16xi32>
    %sub3A_609 = arith.subi %get3A_606, %sub3A_608 : vector<16xi32>
    %abs3A_610 = math.absi %sub3A_609 : vector<16xi32>
    %min3A_611 = arith.constant 1 : i32
    %min3A_612 = vector.broadcast %min3A_611 : i32 to vector<16xi32>
    %min3A_613 = arith.minsi %abs3A_610, %min3A_612 : vector<16xi32>
    %sub3A_614 = arith.constant 1 : i32
    %sub3A_615 = vector.broadcast %sub3A_614 : i32 to vector<16xi32>
    %sub3A_616 = arith.subi %iota3A, %sub3A_615 : vector<16xi32>
    %max3A_617 = arith.constant 0 : i32
    %max3A_618 = vector.broadcast %max3A_617 : i32 to vector<16xi32>
    %max3A_619 = arith.maxsi %sub3A_616, %max3A_618 : vector<16xi32>
    %broadcast_in_dim3A_620 = vector.shape_cast %max3A_619 : vector<16xi32> to vector<16x1xi32>
    %gather3A_621 = vector.shape_cast %broadcast_in_dim3A_620 : vector<16x1xi32> to vector<16xi32>
    %gather3A_622 = tpu.dynamic_gather %min3A_613[%gather3A_621] in [0] : vector<16xi32>, vector<16xi32> -> vector<16xi32>
    %sub3A_623 = arith.constant 0 : i32
    %sub3A_624 = vector.broadcast %sub3A_623 : i32 to vector<16xi32>
    %sub3A_625 = arith.subi %iota3A, %sub3A_624 : vector<16xi32>
    %max3A_626 = arith.constant 0 : i32
    %max3A_627 = vector.broadcast %max3A_626 : i32 to vector<16xi32>
    %max3A_628 = arith.maxsi %sub3A_625, %max3A_627 : vector<16xi32>
    %min3A_629 = arith.constant 1 : i32
    %min3A_630 = vector.broadcast %min3A_629 : i32 to vector<16xi32>
    %min3A_631 = arith.minsi %max3A_628, %min3A_630 : vector<16xi32>
    %mul3A_632 = arith.muli %gather3A_622, %min3A_631 : vector<16xi32>
    %add3A_633 = arith.addi %min3A_613, %mul3A_632 : vector<16xi32>
    %sub3A_634 = arith.constant 2 : i32
    %sub3A_635 = vector.broadcast %sub3A_634 : i32 to vector<16xi32>
    %sub3A_636 = arith.subi %iota3A, %sub3A_635 : vector<16xi32>
    %max3A_637 = arith.constant 0 : i32
    %max3A_638 = vector.broadcast %max3A_637 : i32 to vector<16xi32>
    %max3A_639 = arith.maxsi %sub3A_636, %max3A_638 : vector<16xi32>
    %broadcast_in_dim3A_640 = vector.shape_cast %max3A_639 : vector<16xi32> to vector<16x1xi32>
    %gather3A_641 = vector.shape_cast %broadcast_in_dim3A_640 : vector<16x1xi32> to vector<16xi32>
    %gather3A_642 = tpu.dynamic_gather %add3A_633[%gather3A_641] in [0] : vector<16xi32>, vector<16xi32> -> vector<16xi32>
    %sub3A_643 = arith.constant 1 : i32
    %sub3A_644 = vector.broadcast %sub3A_643 : i32 to vector<16xi32>
    %sub3A_645 = arith.subi %iota3A, %sub3A_644 : vector<16xi32>
    %max3A_646 = arith.constant 0 : i32
    %max3A_647 = vector.broadcast %max3A_646 : i32 to vector<16xi32>
    %max3A_648 = arith.maxsi %sub3A_645, %max3A_647 : vector<16xi32>
    %min3A_649 = arith.constant 1 : i32
    %min3A_650 = vector.broadcast %min3A_649 : i32 to vector<16xi32>
    %min3A_651 = arith.minsi %max3A_648, %min3A_650 : vector<16xi32>
    %mul3A_652 = arith.muli %gather3A_642, %min3A_651 : vector<16xi32>
    %add3A_653 = arith.addi %add3A_633, %mul3A_652 : vector<16xi32>
    %sub3A_654 = arith.constant 4 : i32
    %sub3A_655 = vector.broadcast %sub3A_654 : i32 to vector<16xi32>
    %sub3A_656 = arith.subi %iota3A, %sub3A_655 : vector<16xi32>
    %max3A_657 = arith.constant 0 : i32
    %max3A_658 = vector.broadcast %max3A_657 : i32 to vector<16xi32>
    %max3A_659 = arith.maxsi %sub3A_656, %max3A_658 : vector<16xi32>
    %broadcast_in_dim3A_660 = vector.shape_cast %max3A_659 : vector<16xi32> to vector<16x1xi32>
    %gather3A_661 = vector.shape_cast %broadcast_in_dim3A_660 : vector<16x1xi32> to vector<16xi32>
    %gather3A_662 = tpu.dynamic_gather %add3A_653[%gather3A_661] in [0] : vector<16xi32>, vector<16xi32> -> vector<16xi32>
    %sub3A_663 = arith.constant 3 : i32
    %sub3A_664 = vector.broadcast %sub3A_663 : i32 to vector<16xi32>
    %sub3A_665 = arith.subi %iota3A, %sub3A_664 : vector<16xi32>
    %max3A_666 = arith.constant 0 : i32
    %max3A_667 = vector.broadcast %max3A_666 : i32 to vector<16xi32>
    %max3A_668 = arith.maxsi %sub3A_665, %max3A_667 : vector<16xi32>
    %min3A_669 = arith.constant 1 : i32
    %min3A_670 = vector.broadcast %min3A_669 : i32 to vector<16xi32>
    %min3A_671 = arith.minsi %max3A_668, %min3A_670 : vector<16xi32>
    %mul3A_672 = arith.muli %gather3A_662, %min3A_671 : vector<16xi32>
    %add3A_673 = arith.addi %add3A_653, %mul3A_672 : vector<16xi32>
    %sub3A_674 = arith.constant 8 : i32
    %sub3A_675 = vector.broadcast %sub3A_674 : i32 to vector<16xi32>
    %sub3A_676 = arith.subi %iota3A, %sub3A_675 : vector<16xi32>
    %max3A_677 = arith.constant 0 : i32
    %max3A_678 = vector.broadcast %max3A_677 : i32 to vector<16xi32>
    %max3A_679 = arith.maxsi %sub3A_676, %max3A_678 : vector<16xi32>
    %broadcast_in_dim3A_680 = vector.shape_cast %max3A_679 : vector<16xi32> to vector<16x1xi32>
    %gather3A_681 = vector.shape_cast %broadcast_in_dim3A_680 : vector<16x1xi32> to vector<16xi32>
    %gather3A_682 = tpu.dynamic_gather %add3A_673[%gather3A_681] in [0] : vector<16xi32>, vector<16xi32> -> vector<16xi32>
    %sub3A_683 = arith.constant 7 : i32
    %sub3A_684 = vector.broadcast %sub3A_683 : i32 to vector<16xi32>
    %sub3A_685 = arith.subi %iota3A, %sub3A_684 : vector<16xi32>
    %max3A_686 = arith.constant 0 : i32
    %max3A_687 = vector.broadcast %max3A_686 : i32 to vector<16xi32>
    %max3A_688 = arith.maxsi %sub3A_685, %max3A_687 : vector<16xi32>
    %min3A_689 = arith.constant 1 : i32
    %min3A_690 = vector.broadcast %min3A_689 : i32 to vector<16xi32>
    %min3A_691 = arith.minsi %max3A_688, %min3A_690 : vector<16xi32>
    %mul3A_692 = arith.muli %gather3A_682, %min3A_691 : vector<16xi32>
    %add3A_693 = arith.addi %add3A_673, %mul3A_692 : vector<16xi32>
    %add3A_694 = arith.addi %add3A_603, %add3A_693 : vector<16xi32>
    %mul3A_695 = arith.muli %min3A_613, %add3A_694 : vector<16xi32>
    %add3A_696 = arith.constant 1 : i32
    %add3A_697 = vector.broadcast %add3A_696 : i32 to vector<16xi32>
    %add3A_698 = arith.addi %mul3A_695, %add3A_697 : vector<16xi32>
    %swap3A_699 = arith.constant 32 : index
    %swap3A_700 = tpu.vector_load %arg6[%swap3A_699] {strides = array<i32>} : memref<528xi32, #tpu.memory_space<vmem>>, vector<16xi32>,
    %swap3A_701 = vector.shape_cast %swap3A_700 : vector<16xi32> to vector<16xi32>
    %swap3A_702 = vector.shape_cast %add3A_698 : vector<16xi32> to vector<16xi32>
    tpu.vector_store %arg6[%swap3A_699], %swap3A_702 {strides = array<i32>} : memref<528xi32, #tpu.memory_space<vmem>>, vector<16xi32>,
    %broadcast_in_dim3A_703 = vector.shape_cast %broadcast_in_dim3A_3 : vector<16xi32> to vector<16x1xi32>
    %gather3A_704 = vector.shape_cast %broadcast_in_dim3A_703 : vector<16x1xi32> to vector<16xi32>
    %gather3A_705 = tpu.dynamic_gather %add3A_693[%gather3A_704] in [0] : vector<16xi32>, vector<16xi32> -> vector<16xi32>
    %add3A_706 = arith.addi %add3A_603, %gather3A_705 : vector<16xi32>
    %get3A_707 = arith.constant 48 : index
    %get3A_708 = tpu.vector_load %arg5[%get3A_707] {strides = array<i32>} : memref<512xi32, #tpu.memory_space<vmem>>, vector<16xi32>,
    %get3A_709 = vector.shape_cast %get3A_708 : vector<16xi32> to vector<16xi32>
    %sub3A_710 = arith.constant 1 : i32
    %sub3A_711 = vector.broadcast %sub3A_710 : i32 to vector<16xi32>
    %sub3A_712 = arith.subi %get3A_709, %sub3A_711 : vector<16xi32>
    %abs3A_713 = math.absi %sub3A_712 : vector<16xi32>
    %min3A_714 = arith.constant 1 : i32
    %min3A_715 = vector.broadcast %min3A_714 : i32 to vector<16xi32>
    %min3A_716 = arith.minsi %abs3A_713, %min3A_715 : vector<16xi32>
    %sub3A_717 = arith.constant 1 : i32
    %sub3A_718 = vector.broadcast %sub3A_717 : i32 to vector<16xi32>
    %sub3A_719 = arith.subi %iota3A, %sub3A_718 : vector<16xi32>
    %max3A_720 = arith.constant 0 : i32
    %max3A_721 = vector.broadcast %max3A_720 : i32 to vector<16xi32>
    %max3A_722 = arith.maxsi %sub3A_719, %max3A_721 : vector<16xi32>
    %broadcast_in_dim3A_723 = vector.shape_cast %max3A_722 : vector<16xi32> to vector<16x1xi32>
    %gather3A_724 = vector.shape_cast %broadcast_in_dim3A_723 : vector<16x1xi32> to vector<16xi32>
    %gather3A_725 = tpu.dynamic_gather %min3A_716[%gather3A_724] in [0] : vector<16xi32>, vector<16xi32> -> vector<16xi32>
    %sub3A_726 = arith.constant 0 : i32
    %sub3A_727 = vector.broadcast %sub3A_726 : i32 to vector<16xi32>
    %sub3A_728 = arith.subi %iota3A, %sub3A_727 : vector<16xi32>
    %max3A_729 = arith.constant 0 : i32
    %max3A_730 = vector.broadcast %max3A_729 : i32 to vector<16xi32>
    %max3A_731 = arith.maxsi %sub3A_728, %max3A_730 : vector<16xi32>
    %min3A_732 = arith.constant 1 : i32
    %min3A_733 = vector.broadcast %min3A_732 : i32 to vector<16xi32>
    %min3A_734 = arith.minsi %max3A_731, %min3A_733 : vector<16xi32>
    %mul3A_735 = arith.muli %gather3A_725, %min3A_734 : vector<16xi32>
    %add3A_736 = arith.addi %min3A_716, %mul3A_735 : vector<16xi32>
    %sub3A_737 = arith.constant 2 : i32
    %sub3A_738 = vector.broadcast %sub3A_737 : i32 to vector<16xi32>
    %sub3A_739 = arith.subi %iota3A, %sub3A_738 : vector<16xi32>
    %max3A_740 = arith.constant 0 : i32
    %max3A_741 = vector.broadcast %max3A_740 : i32 to vector<16xi32>
    %max3A_742 = arith.maxsi %sub3A_739, %max3A_741 : vector<16xi32>
    %broadcast_in_dim3A_743 = vector.shape_cast %max3A_742 : vector<16xi32> to vector<16x1xi32>
    %gather3A_744 = vector.shape_cast %broadcast_in_dim3A_743 : vector<16x1xi32> to vector<16xi32>
    %gather3A_745 = tpu.dynamic_gather %add3A_736[%gather3A_744] in [0] : vector<16xi32>, vector<16xi32> -> vector<16xi32>
    %sub3A_746 = arith.constant 1 : i32
    %sub3A_747 = vector.broadcast %sub3A_746 : i32 to vector<16xi32>
    %sub3A_748 = arith.subi %iota3A, %sub3A_747 : vector<16xi32>
    %max3A_749 = arith.constant 0 : i32
    %max3A_750 = vector.broadcast %max3A_749 : i32 to vector<16xi32>
    %max3A_751 = arith.maxsi %sub3A_748, %max3A_750 : vector<16xi32>
    %min3A_752 = arith.constant 1 : i32
    %min3A_753 = vector.broadcast %min3A_752 : i32 to vector<16xi32>
    %min3A_754 = arith.minsi %max3A_751, %min3A_753 : vector<16xi32>
    %mul3A_755 = arith.muli %gather3A_745, %min3A_754 : vector<16xi32>
    %add3A_756 = arith.addi %add3A_736, %mul3A_755 : vector<16xi32>
    %sub3A_757 = arith.constant 4 : i32
    %sub3A_758 = vector.broadcast %sub3A_757 : i32 to vector<16xi32>
    %sub3A_759 = arith.subi %iota3A, %sub3A_758 : vector<16xi32>
    %max3A_760 = arith.constant 0 : i32
    %max3A_761 = vector.broadcast %max3A_760 : i32 to vector<16xi32>
    %max3A_762 = arith.maxsi %sub3A_759, %max3A_761 : vector<16xi32>
    %broadcast_in_dim3A_763 = vector.shape_cast %max3A_762 : vector<16xi32> to vector<16x1xi32>
    %gather3A_764 = vector.shape_cast %broadcast_in_dim3A_763 : vector<16x1xi32> to vector<16xi32>
    %gather3A_765 = tpu.dynamic_gather %add3A_756[%gather3A_764] in [0] : vector<16xi32>, vector<16xi32> -> vector<16xi32>
    %sub3A_766 = arith.constant 3 : i32
    %sub3A_767 = vector.broadcast %sub3A_766 : i32 to vector<16xi32>
    %sub3A_768 = arith.subi %iota3A, %sub3A_767 : vector<16xi32>
    %max3A_769 = arith.constant 0 : i32
    %max3A_770 = vector.broadcast %max3A_769 : i32 to vector<16xi32>
    %max3A_771 = arith.maxsi %sub3A_768, %max3A_770 : vector<16xi32>
    %min3A_772 = arith.constant 1 : i32
    %min3A_773 = vector.broadcast %min3A_772 : i32 to vector<16xi32>
    %min3A_774 = arith.minsi %max3A_771, %min3A_773 : vector<16xi32>
    %mul3A_775 = arith.muli %gather3A_765, %min3A_774 : vector<16xi32>
    %add3A_776 = arith.addi %add3A_756, %mul3A_775 : vector<16xi32>
    %sub3A_777 = arith.constant 8 : i32
    %sub3A_778 = vector.broadcast %sub3A_777 : i32 to vector<16xi32>
    %sub3A_779 = arith.subi %iota3A, %sub3A_778 : vector<16xi32>
    %max3A_780 = arith.constant 0 : i32
    %max3A_781 = vector.broadcast %max3A_780 : i32 to vector<16xi32>
    %max3A_782 = arith.maxsi %sub3A_779, %max3A_781 : vector<16xi32>
    %broadcast_in_dim3A_783 = vector.shape_cast %max3A_782 : vector<16xi32> to vector<16x1xi32>
    %gather3A_784 = vector.shape_cast %broadcast_in_dim3A_783 : vector<16x1xi32> to vector<16xi32>
    %gather3A_785 = tpu.dynamic_gather %add3A_776[%gather3A_784] in [0] : vector<16xi32>, vector<16xi32> -> vector<16xi32>
    %sub3A_786 = arith.constant 7 : i32
    %sub3A_787 = vector.broadcast %sub3A_786 : i32 to vector<16xi32>
    %sub3A_788 = arith.subi %iota3A, %sub3A_787 : vector<16xi32>
    %max3A_789 = arith.constant 0 : i32
    %max3A_790 = vector.broadcast %max3A_789 : i32 to vector<16xi32>
    %max3A_791 = arith.maxsi %sub3A_788, %max3A_790 : vector<16xi32>
    %min3A_792 = arith.constant 1 : i32
    %min3A_793 = vector.broadcast %min3A_792 : i32 to vector<16xi32>
    %min3A_794 = arith.minsi %max3A_791, %min3A_793 : vector<16xi32>
    %mul3A_795 = arith.muli %gather3A_785, %min3A_794 : vector<16xi32>
    %add3A_796 = arith.addi %add3A_776, %mul3A_795 : vector<16xi32>
    %add3A_797 = arith.addi %add3A_706, %add3A_796 : vector<16xi32>
    %mul3A_798 = arith.muli %min3A_716, %add3A_797 : vector<16xi32>
    %add3A_799 = arith.constant 1 : i32
    %add3A_800 = vector.broadcast %add3A_799 : i32 to vector<16xi32>
    %add3A_801 = arith.addi %mul3A_798, %add3A_800 : vector<16xi32>
    %swap3A_802 = arith.constant 48 : index
    %swap3A_803 = tpu.vector_load %arg6[%swap3A_802] {strides = array<i32>} : memref<528xi32, #tpu.memory_space<vmem>>, vector<16xi32>,
    %swap3A_804 = vector.shape_cast %swap3A_803 : vector<16xi32> to vector<16xi32>
    %swap3A_805 = vector.shape_cast %add3A_801 : vector<16xi32> to vector<16xi32>
    tpu.vector_store %arg6[%swap3A_802], %swap3A_805 {strides = array<i32>} : memref<528xi32, #tpu.memory_space<vmem>>, vector<16xi32>,
    %broadcast_in_dim3A_806 = vector.shape_cast %broadcast_in_dim3A_3 : vector<16xi32> to vector<16x1xi32>
    %gather3A_807 = vector.shape_cast %broadcast_in_dim3A_806 : vector<16x1xi32> to vector<16xi32>
    %gather3A_808 = tpu.dynamic_gather %add3A_796[%gather3A_807] in [0] : vector<16xi32>, vector<16xi32> -> vector<16xi32>
    %add3A_809 = arith.addi %add3A_706, %gather3A_808 : vector<16xi32>
    %get3A_810 = arith.constant 64 : index
    %get3A_811 = tpu.vector_load %arg5[%get3A_810] {strides = array<i32>} : memref<512xi32, #tpu.memory_space<vmem>>, vector<16xi32>,
    %get3A_812 = vector.shape_cast %get3A_811 : vector<16xi32> to vector<16xi32>
    %sub3A_813 = arith.constant 1 : i32
    %sub3A_814 = vector.broadcast %sub3A_813 : i32 to vector<16xi32>
    %sub3A_815 = arith.subi %get3A_812, %sub3A_814 : vector<16xi32>
    %abs3A_816 = math.absi %sub3A_815 : vector<16xi32>
    %min3A_817 = arith.constant 1 : i32
    %min3A_818 = vector.broadcast %min3A_817 : i32 to vector<16xi32>
    %min3A_819 = arith.minsi %abs3A_816, %min3A_818 : vector<16xi32>
    %sub3A_820 = arith.constant 1 : i32
    %sub3A_821 = vector.broadcast %sub3A_820 : i32 to vector<16xi32>
    %sub3A_822 = arith.subi %iota3A, %sub3A_821 : vector<16xi32>
    %max3A_823 = arith.constant 0 : i32
    %max3A_824 = vector.broadcast %max3A_823 : i32 to vector<16xi32>
    %max3A_825 = arith.maxsi %sub3A_822, %max3A_824 : vector<16xi32>
    %broadcast_in_dim3A_826 = vector.shape_cast %max3A_825 : vector<16xi32> to vector<16x1xi32>
    %gather3A_827 = vector.shape_cast %broadcast_in_dim3A_826 : vector<16x1xi32> to vector<16xi32>
    %gather3A_828 = tpu.dynamic_gather %min3A_819[%gather3A_827] in [0] : vector<16xi32>, vector<16xi32> -> vector<16xi32>
    %sub3A_829 = arith.constant 0 : i32
    %sub3A_830 = vector.broadcast %sub3A_829 : i32 to vector<16xi32>
    %sub3A_831 = arith.subi %iota3A, %sub3A_830 : vector<16xi32>
    %max3A_832 = arith.constant 0 : i32
    %max3A_833 = vector.broadcast %max3A_832 : i32 to vector<16xi32>
    %max3A_834 = arith.maxsi %sub3A_831, %max3A_833 : vector<16xi32>
    %min3A_835 = arith.constant 1 : i32
    %min3A_836 = vector.broadcast %min3A_835 : i32 to vector<16xi32>
    %min3A_837 = arith.minsi %max3A_834, %min3A_836 : vector<16xi32>
    %mul3A_838 = arith.muli %gather3A_828, %min3A_837 : vector<16xi32>
    %add3A_839 = arith.addi %min3A_819, %mul3A_838 : vector<16xi32>
    %sub3A_840 = arith.constant 2 : i32
    %sub3A_841 = vector.broadcast %sub3A_840 : i32 to vector<16xi32>
    %sub3A_842 = arith.subi %iota3A, %sub3A_841 : vector<16xi32>
    %max3A_843 = arith.constant 0 : i32
    %max3A_844 = vector.broadcast %max3A_843 : i32 to vector<16xi32>
    %max3A_845 = arith.maxsi %sub3A_842, %max3A_844 : vector<16xi32>
    %broadcast_in_dim3A_846 = vector.shape_cast %max3A_845 : vector<16xi32> to vector<16x1xi32>
    %gather3A_847 = vector.shape_cast %broadcast_in_dim3A_846 : vector<16x1xi32> to vector<16xi32>
    %gather3A_848 = tpu.dynamic_gather %add3A_839[%gather3A_847] in [0] : vector<16xi32>, vector<16xi32> -> vector<16xi32>
    %sub3A_849 = arith.constant 1 : i32
    %sub3A_850 = vector.broadcast %sub3A_849 : i32 to vector<16xi32>
    %sub3A_851 = arith.subi %iota3A, %sub3A_850 : vector<16xi32>
    %max3A_852 = arith.constant 0 : i32
    %max3A_853 = vector.broadcast %max3A_852 : i32 to vector<16xi32>
    %max3A_854 = arith.maxsi %sub3A_851, %max3A_853 : vector<16xi32>
    %min3A_855 = arith.constant 1 : i32
    %min3A_856 = vector.broadcast %min3A_855 : i32 to vector<16xi32>
    %min3A_857 = arith.minsi %max3A_854, %min3A_856 : vector<16xi32>
    %mul3A_858 = arith.muli %gather3A_848, %min3A_857 : vector<16xi32>
    %add3A_859 = arith.addi %add3A_839, %mul3A_858 : vector<16xi32>
    %sub3A_860 = arith.constant 4 : i32
    %sub3A_861 = vector.broadcast %sub3A_860 : i32 to vector<16xi32>
    %sub3A_862 = arith.subi %iota3A, %sub3A_861 : vector<16xi32>
    %max3A_863 = arith.constant 0 : i32
    %max3A_864 = vector.broadcast %max3A_863 : i32 to vector<16xi32>
    %max3A_865 = arith.maxsi %sub3A_862, %max3A_864 : vector<16xi32>
    %broadcast_in_dim3A_866 = vector.shape_cast %max3A_865 : vector<16xi32> to vector<16x1xi32>
    %gather3A_867 = vector.shape_cast %broadcast_in_dim3A_866 : vector<16x1xi32> to vector<16xi32>
    %gather3A_868 = tpu.dynamic_gather %add3A_859[%gather3A_867] in [0] : vector<16xi32>, vector<16xi32> -> vector<16xi32>
    %sub3A_869 = arith.constant 3 : i32
    %sub3A_870 = vector.broadcast %sub3A_869 : i32 to vector<16xi32>
    %sub3A_871 = arith.subi %iota3A, %sub3A_870 : vector<16xi32>
    %max3A_872 = arith.constant 0 : i32
    %max3A_873 = vector.broadcast %max3A_872 : i32 to vector<16xi32>
    %max3A_874 = arith.maxsi %sub3A_871, %max3A_873 : vector<16xi32>
    %min3A_875 = arith.constant 1 : i32
    %min3A_876 = vector.broadcast %min3A_875 : i32 to vector<16xi32>
    %min3A_877 = arith.minsi %max3A_874, %min3A_876 : vector<16xi32>
    %mul3A_878 = arith.muli %gather3A_868, %min3A_877 : vector<16xi32>
    %add3A_879 = arith.addi %add3A_859, %mul3A_878 : vector<16xi32>
    %sub3A_880 = arith.constant 8 : i32
    %sub3A_881 = vector.broadcast %sub3A_880 : i32 to vector<16xi32>
    %sub3A_882 = arith.subi %iota3A, %sub3A_881 : vector<16xi32>
    %max3A_883 = arith.constant 0 : i32
    %max3A_884 = vector.broadcast %max3A_883 : i32 to vector<16xi32>
    %max3A_885 = arith.maxsi %sub3A_882, %max3A_884 : vector<16xi32>
    %broadcast_in_dim3A_886 = vector.shape_cast %max3A_885 : vector<16xi32> to vector<16x1xi32>
    %gather3A_887 = vector.shape_cast %broadcast_in_dim3A_886 : vector<16x1xi32> to vector<16xi32>
    %gather3A_888 = tpu.dynamic_gather %add3A_879[%gather3A_887] in [0] : vector<16xi32>, vector<16xi32> -> vector<16xi32>
    %sub3A_889 = arith.constant 7 : i32
    %sub3A_890 = vector.broadcast %sub3A_889 : i32 to vector<16xi32>
    %sub3A_891 = arith.subi %iota3A, %sub3A_890 : vector<16xi32>
    %max3A_892 = arith.constant 0 : i32
    %max3A_893 = vector.broadcast %max3A_892 : i32 to vector<16xi32>
    %max3A_894 = arith.maxsi %sub3A_891, %max3A_893 : vector<16xi32>
    %min3A_895 = arith.constant 1 : i32
    %min3A_896 = vector.broadcast %min3A_895 : i32 to vector<16xi32>
    %min3A_897 = arith.minsi %max3A_894, %min3A_896 : vector<16xi32>
    %mul3A_898 = arith.muli %gather3A_888, %min3A_897 : vector<16xi32>
    %add3A_899 = arith.addi %add3A_879, %mul3A_898 : vector<16xi32>
    %add3A_900 = arith.addi %add3A_809, %add3A_899 : vector<16xi32>
    %mul3A_901 = arith.muli %min3A_819, %add3A_900 : vector<16xi32>
    %add3A_902 = arith.constant 1 : i32
    %add3A_903 = vector.broadcast %add3A_902 : i32 to vector<16xi32>
    %add3A_904 = arith.addi %mul3A_901, %add3A_903 : vector<16xi32>
    %swap3A_905 = arith.constant 64 : index
    %swap3A_906 = tpu.vector_load %arg6[%swap3A_905] {strides = array<i32>} : memref<528xi32, #tpu.memory_space<vmem>>, vector<16xi32>,
    %swap3A_907 = vector.shape_cast %swap3A_906 : vector<16xi32> to vector<16xi32>
    %swap3A_908 = vector.shape_cast %add3A_904 : vector<16xi32> to vector<16xi32>
    tpu.vector_store %arg6[%swap3A_905], %swap3A_908 {strides = array<i32>} : memref<528xi32, #tpu.memory_space<vmem>>, vector<16xi32>,
    %broadcast_in_dim3A_909 = vector.shape_cast %broadcast_in_dim3A_3 : vector<16xi32> to vector<16x1xi32>
    %gather3A_910 = vector.shape_cast %broadcast_in_dim3A_909 : vector<16x1xi32> to vector<16xi32>
    %gather3A_911 = tpu.dynamic_gather %add3A_899[%gather3A_910] in [0] : vector<16xi32>, vector<16xi32> -> vector<16xi32>
    %add3A_912 = arith.addi %add3A_809, %gather3A_911 : vector<16xi32>
    %get3A_913 = arith.constant 80 : index
    %get3A_914 = tpu.vector_load %arg5[%get3A_913] {strides = array<i32>} : memref<512xi32, #tpu.memory_space<vmem>>, vector<16xi32>,
    %get3A_915 = vector.shape_cast %get3A_914 : vector<16xi32> to vector<16xi32>
    %sub3A_916 = arith.constant 1 : i32
    %sub3A_917 = vector.broadcast %sub3A_916 : i32 to vector<16xi32>
    %sub3A_918 = arith.subi %get3A_915, %sub3A_917 : vector<16xi32>
    %abs3A_919 = math.absi %sub3A_918 : vector<16xi32>
    %min3A_920 = arith.constant 1 : i32
    %min3A_921 = vector.broadcast %min3A_920 : i32 to vector<16xi32>
    %min3A_922 = arith.minsi %abs3A_919, %min3A_921 : vector<16xi32>
    %sub3A_923 = arith.constant 1 : i32
    %sub3A_924 = vector.broadcast %sub3A_923 : i32 to vector<16xi32>
    %sub3A_925 = arith.subi %iota3A, %sub3A_924 : vector<16xi32>
    %max3A_926 = arith.constant 0 : i32
    %max3A_927 = vector.broadcast %max3A_926 : i32 to vector<16xi32>
    %max3A_928 = arith.maxsi %sub3A_925, %max3A_927 : vector<16xi32>
    %broadcast_in_dim3A_929 = vector.shape_cast %max3A_928 : vector<16xi32> to vector<16x1xi32>
    %gather3A_930 = vector.shape_cast %broadcast_in_dim3A_929 : vector<16x1xi32> to vector<16xi32>
    %gather3A_931 = tpu.dynamic_gather %min3A_922[%gather3A_930] in [0] : vector<16xi32>, vector<16xi32> -> vector<16xi32>
    %sub3A_932 = arith.constant 0 : i32
    %sub3A_933 = vector.broadcast %sub3A_932 : i32 to vector<16xi32>
    %sub3A_934 = arith.subi %iota3A, %sub3A_933 : vector<16xi32>
    %max3A_935 = arith.constant 0 : i32
    %max3A_936 = vector.broadcast %max3A_935 : i32 to vector<16xi32>
    %max3A_937 = arith.maxsi %sub3A_934, %max3A_936 : vector<16xi32>
    %min3A_938 = arith.constant 1 : i32
    %min3A_939 = vector.broadcast %min3A_938 : i32 to vector<16xi32>
    %min3A_940 = arith.minsi %max3A_937, %min3A_939 : vector<16xi32>
    %mul3A_941 = arith.muli %gather3A_931, %min3A_940 : vector<16xi32>
    %add3A_942 = arith.addi %min3A_922, %mul3A_941 : vector<16xi32>
    %sub3A_943 = arith.constant 2 : i32
    %sub3A_944 = vector.broadcast %sub3A_943 : i32 to vector<16xi32>
    %sub3A_945 = arith.subi %iota3A, %sub3A_944 : vector<16xi32>
    %max3A_946 = arith.constant 0 : i32
    %max3A_947 = vector.broadcast %max3A_946 : i32 to vector<16xi32>
    %max3A_948 = arith.maxsi %sub3A_945, %max3A_947 : vector<16xi32>
    %broadcast_in_dim3A_949 = vector.shape_cast %max3A_948 : vector<16xi32> to vector<16x1xi32>
    %gather3A_950 = vector.shape_cast %broadcast_in_dim3A_949 : vector<16x1xi32> to vector<16xi32>
    %gather3A_951 = tpu.dynamic_gather %add3A_942[%gather3A_950] in [0] : vector<16xi32>, vector<16xi32> -> vector<16xi32>
    %sub3A_952 = arith.constant 1 : i32
    %sub3A_953 = vector.broadcast %sub3A_952 : i32 to vector<16xi32>
    %sub3A_954 = arith.subi %iota3A, %sub3A_953 : vector<16xi32>
    %max3A_955 = arith.constant 0 : i32
    %max3A_956 = vector.broadcast %max3A_955 : i32 to vector<16xi32>
    %max3A_957 = arith.maxsi %sub3A_954, %max3A_956 : vector<16xi32>
    %min3A_958 = arith.constant 1 : i32
    %min3A_959 = vector.broadcast %min3A_958 : i32 to vector<16xi32>
    %min3A_960 = arith.minsi %max3A_957, %min3A_959 : vector<16xi32>
    %mul3A_961 = arith.muli %gather3A_951, %min3A_960 : vector<16xi32>
    %add3A_962 = arith.addi %add3A_942, %mul3A_961 : vector<16xi32>
    %sub3A_963 = arith.constant 4 : i32
    %sub3A_964 = vector.broadcast %sub3A_963 : i32 to vector<16xi32>
    %sub3A_965 = arith.subi %iota3A, %sub3A_964 : vector<16xi32>
    %max3A_966 = arith.constant 0 : i32
    %max3A_967 = vector.broadcast %max3A_966 : i32 to vector<16xi32>
    %max3A_968 = arith.maxsi %sub3A_965, %max3A_967 : vector<16xi32>
    %broadcast_in_dim3A_969 = vector.shape_cast %max3A_968 : vector<16xi32> to vector<16x1xi32>
    %gather3A_970 = vector.shape_cast %broadcast_in_dim3A_969 : vector<16x1xi32> to vector<16xi32>
    %gather3A_971 = tpu.dynamic_gather %add3A_962[%gather3A_970] in [0] : vector<16xi32>, vector<16xi32> -> vector<16xi32>
    %sub3A_972 = arith.constant 3 : i32
    %sub3A_973 = vector.broadcast %sub3A_972 : i32 to vector<16xi32>
    %sub3A_974 = arith.subi %iota3A, %sub3A_973 : vector<16xi32>
    %max3A_975 = arith.constant 0 : i32
    %max3A_976 = vector.broadcast %max3A_975 : i32 to vector<16xi32>
    %max3A_977 = arith.maxsi %sub3A_974, %max3A_976 : vector<16xi32>
    %min3A_978 = arith.constant 1 : i32
    %min3A_979 = vector.broadcast %min3A_978 : i32 to vector<16xi32>
    %min3A_980 = arith.minsi %max3A_977, %min3A_979 : vector<16xi32>
    %mul3A_981 = arith.muli %gather3A_971, %min3A_980 : vector<16xi32>
    %add3A_982 = arith.addi %add3A_962, %mul3A_981 : vector<16xi32>
    %sub3A_983 = arith.constant 8 : i32
    %sub3A_984 = vector.broadcast %sub3A_983 : i32 to vector<16xi32>
    %sub3A_985 = arith.subi %iota3A, %sub3A_984 : vector<16xi32>
    %max3A_986 = arith.constant 0 : i32
    %max3A_987 = vector.broadcast %max3A_986 : i32 to vector<16xi32>
    %max3A_988 = arith.maxsi %sub3A_985, %max3A_987 : vector<16xi32>
    %broadcast_in_dim3A_989 = vector.shape_cast %max3A_988 : vector<16xi32> to vector<16x1xi32>
    %gather3A_990 = vector.shape_cast %broadcast_in_dim3A_989 : vector<16x1xi32> to vector<16xi32>
    %gather3A_991 = tpu.dynamic_gather %add3A_982[%gather3A_990] in [0] : vector<16xi32>, vector<16xi32> -> vector<16xi32>
    %sub3A_992 = arith.constant 7 : i32
    %sub3A_993 = vector.broadcast %sub3A_992 : i32 to vector<16xi32>
    %sub3A_994 = arith.subi %iota3A, %sub3A_993 : vector<16xi32>
    %max3A_995 = arith.constant 0 : i32
    %max3A_996 = vector.broadcast %max3A_995 : i32 to vector<16xi32>
    %max3A_997 = arith.maxsi %sub3A_994, %max3A_996 : vector<16xi32>
    %min3A_998 = arith.constant 1 : i32
    %min3A_999 = vector.broadcast %min3A_998 : i32 to vector<16xi32>
    %min3A_1000 = arith.minsi %max3A_997, %min3A_999 : vector<16xi32>
    %mul3A_1001 = arith.muli %gather3A_991, %min3A_1000 : vector<16xi32>
    %add3A_1002 = arith.addi %add3A_982, %mul3A_1001 : vector<16xi32>
    %add3A_1003 = arith.addi %add3A_912, %add3A_1002 : vector<16xi32>
    %mul3A_1004 = arith.muli %min3A_922, %add3A_1003 : vector<16xi32>
    %add3A_1005 = arith.constant 1 : i32
    %add3A_1006 = vector.broadcast %add3A_1005 : i32 to vector<16xi32>
    %add3A_1007 = arith.addi %mul3A_1004, %add3A_1006 : vector<16xi32>
    %swap3A_1008 = arith.constant 80 : index
    %swap3A_1009 = tpu.vector_load %arg6[%swap3A_1008] {strides = array<i32>} : memref<528xi32, #tpu.memory_space<vmem>>, vector<16xi32>,
    %swap3A_1010 = vector.shape_cast %swap3A_1009 : vector<16xi32> to vector<16xi32>
    %swap3A_1011 = vector.shape_cast %add3A_1007 : vector<16xi32> to vector<16xi32>
    tpu.vector_store %arg6[%swap3A_1008], %swap3A_1011 {strides = array<i32>} : memref<528xi32, #tpu.memory_space<vmem>>, vector<16xi32>,
    %broadcast_in_dim3A_1012 = vector.shape_cast %broadcast_in_dim3A_3 : vector<16xi32> to vector<16x1xi32>
    %gather3A_1013 = vector.shape_cast %broadcast_in_dim3A_1012 : vector<16x1xi32> to vector<16xi32>
    %gather3A_1014 = tpu.dynamic_gather %add3A_1002[%gather3A_1013] in [0] : vector<16xi32>, vector<16xi32> -> vector<16xi32>
    %add3A_1015 = arith.addi %add3A_912, %gather3A_1014 : vector<16xi32>
    %get3A_1016 = arith.constant 96 : index
    %get3A_1017 = tpu.vector_load %arg5[%get3A_1016] {strides = array<i32>} : memref<512xi32, #tpu.memory_space<vmem>>, vector<16xi32>,
    %get3A_1018 = vector.shape_cast %get3A_1017 : vector<16xi32> to vector<16xi32>
    %sub3A_1019 = arith.constant 1 : i32
    %sub3A_1020 = vector.broadcast %sub3A_1019 : i32 to vector<16xi32>
    %sub3A_1021 = arith.subi %get3A_1018, %sub3A_1020 : vector<16xi32>
    %abs3A_1022 = math.absi %sub3A_1021 : vector<16xi32>
    %min3A_1023 = arith.constant 1 : i32
    %min3A_1024 = vector.broadcast %min3A_1023 : i32 to vector<16xi32>
    %min3A_1025 = arith.minsi %abs3A_1022, %min3A_1024 : vector<16xi32>
    %sub3A_1026 = arith.constant 1 : i32
    %sub3A_1027 = vector.broadcast %sub3A_1026 : i32 to vector<16xi32>
    %sub3A_1028 = arith.subi %iota3A, %sub3A_1027 : vector<16xi32>
    %max3A_1029 = arith.constant 0 : i32
    %max3A_1030 = vector.broadcast %max3A_1029 : i32 to vector<16xi32>
    %max3A_1031 = arith.maxsi %sub3A_1028, %max3A_1030 : vector<16xi32>
    %broadcast_in_dim3A_1032 = vector.shape_cast %max3A_1031 : vector<16xi32> to vector<16x1xi32>
    %gather3A_1033 = vector.shape_cast %broadcast_in_dim3A_1032 : vector<16x1xi32> to vector<16xi32>
    %gather3A_1034 = tpu.dynamic_gather %min3A_1025[%gather3A_1033] in [0] : vector<16xi32>, vector<16xi32> -> vector<16xi32>
    %sub3A_1035 = arith.constant 0 : i32
    %sub3A_1036 = vector.broadcast %sub3A_1035 : i32 to vector<16xi32>
    %sub3A_1037 = arith.subi %iota3A, %sub3A_1036 : vector<16xi32>
    %max3A_1038 = arith.constant 0 : i32
    %max3A_1039 = vector.broadcast %max3A_1038 : i32 to vector<16xi32>
    %max3A_1040 = arith.maxsi %sub3A_1037, %max3A_1039 : vector<16xi32>
    %min3A_1041 = arith.constant 1 : i32
    %min3A_1042 = vector.broadcast %min3A_1041 : i32 to vector<16xi32>
    %min3A_1043 = arith.minsi %max3A_1040, %min3A_1042 : vector<16xi32>
    %mul3A_1044 = arith.muli %gather3A_1034, %min3A_1043 : vector<16xi32>
    %add3A_1045 = arith.addi %min3A_1025, %mul3A_1044 : vector<16xi32>
    %sub3A_1046 = arith.constant 2 : i32
    %sub3A_1047 = vector.broadcast %sub3A_1046 : i32 to vector<16xi32>
    %sub3A_1048 = arith.subi %iota3A, %sub3A_1047 : vector<16xi32>
    %max3A_1049 = arith.constant 0 : i32
    %max3A_1050 = vector.broadcast %max3A_1049 : i32 to vector<16xi32>
    %max3A_1051 = arith.maxsi %sub3A_1048, %max3A_1050 : vector<16xi32>
    %broadcast_in_dim3A_1052 = vector.shape_cast %max3A_1051 : vector<16xi32> to vector<16x1xi32>
    %gather3A_1053 = vector.shape_cast %broadcast_in_dim3A_1052 : vector<16x1xi32> to vector<16xi32>
    %gather3A_1054 = tpu.dynamic_gather %add3A_1045[%gather3A_1053] in [0] : vector<16xi32>, vector<16xi32> -> vector<16xi32>
    %sub3A_1055 = arith.constant 1 : i32
    %sub3A_1056 = vector.broadcast %sub3A_1055 : i32 to vector<16xi32>
    %sub3A_1057 = arith.subi %iota3A, %sub3A_1056 : vector<16xi32>
    %max3A_1058 = arith.constant 0 : i32
    %max3A_1059 = vector.broadcast %max3A_1058 : i32 to vector<16xi32>
    %max3A_1060 = arith.maxsi %sub3A_1057, %max3A_1059 : vector<16xi32>
    %min3A_1061 = arith.constant 1 : i32
    %min3A_1062 = vector.broadcast %min3A_1061 : i32 to vector<16xi32>
    %min3A_1063 = arith.minsi %max3A_1060, %min3A_1062 : vector<16xi32>
    %mul3A_1064 = arith.muli %gather3A_1054, %min3A_1063 : vector<16xi32>
    %add3A_1065 = arith.addi %add3A_1045, %mul3A_1064 : vector<16xi32>
    %sub3A_1066 = arith.constant 4 : i32
    %sub3A_1067 = vector.broadcast %sub3A_1066 : i32 to vector<16xi32>
    %sub3A_1068 = arith.subi %iota3A, %sub3A_1067 : vector<16xi32>
    %max3A_1069 = arith.constant 0 : i32
    %max3A_1070 = vector.broadcast %max3A_1069 : i32 to vector<16xi32>
    %max3A_1071 = arith.maxsi %sub3A_1068, %max3A_1070 : vector<16xi32>
    %broadcast_in_dim3A_1072 = vector.shape_cast %max3A_1071 : vector<16xi32> to vector<16x1xi32>
    %gather3A_1073 = vector.shape_cast %broadcast_in_dim3A_1072 : vector<16x1xi32> to vector<16xi32>
    %gather3A_1074 = tpu.dynamic_gather %add3A_1065[%gather3A_1073] in [0] : vector<16xi32>, vector<16xi32> -> vector<16xi32>
    %sub3A_1075 = arith.constant 3 : i32
    %sub3A_1076 = vector.broadcast %sub3A_1075 : i32 to vector<16xi32>
    %sub3A_1077 = arith.subi %iota3A, %sub3A_1076 : vector<16xi32>
    %max3A_1078 = arith.constant 0 : i32
    %max3A_1079 = vector.broadcast %max3A_1078 : i32 to vector<16xi32>
    %max3A_1080 = arith.maxsi %sub3A_1077, %max3A_1079 : vector<16xi32>
    %min3A_1081 = arith.constant 1 : i32
    %min3A_1082 = vector.broadcast %min3A_1081 : i32 to vector<16xi32>
    %min3A_1083 = arith.minsi %max3A_1080, %min3A_1082 : vector<16xi32>
    %mul3A_1084 = arith.muli %gather3A_1074, %min3A_1083 : vector<16xi32>
    %add3A_1085 = arith.addi %add3A_1065, %mul3A_1084 : vector<16xi32>
    %sub3A_1086 = arith.constant 8 : i32
    %sub3A_1087 = vector.broadcast %sub3A_1086 : i32 to vector<16xi32>
    %sub3A_1088 = arith.subi %iota3A, %sub3A_1087 : vector<16xi32>
    %max3A_1089 = arith.constant 0 : i32
    %max3A_1090 = vector.broadcast %max3A_1089 : i32 to vector<16xi32>
    %max3A_1091 = arith.maxsi %sub3A_1088, %max3A_1090 : vector<16xi32>
    %broadcast_in_dim3A_1092 = vector.shape_cast %max3A_1091 : vector<16xi32> to vector<16x1xi32>
    %gather3A_1093 = vector.shape_cast %broadcast_in_dim3A_1092 : vector<16x1xi32> to vector<16xi32>
    %gather3A_1094 = tpu.dynamic_gather %add3A_1085[%gather3A_1093] in [0] : vector<16xi32>, vector<16xi32> -> vector<16xi32>
    %sub3A_1095 = arith.constant 7 : i32
    %sub3A_1096 = vector.broadcast %sub3A_1095 : i32 to vector<16xi32>
    %sub3A_1097 = arith.subi %iota3A, %sub3A_1096 : vector<16xi32>
    %max3A_1098 = arith.constant 0 : i32
    %max3A_1099 = vector.broadcast %max3A_1098 : i32 to vector<16xi32>
    %max3A_1100 = arith.maxsi %sub3A_1097, %max3A_1099 : vector<16xi32>
    %min3A_1101 = arith.constant 1 : i32
    %min3A_1102 = vector.broadcast %min3A_1101 : i32 to vector<16xi32>
    %min3A_1103 = arith.minsi %max3A_1100, %min3A_1102 : vector<16xi32>
    %mul3A_1104 = arith.muli %gather3A_1094, %min3A_1103 : vector<16xi32>
    %add3A_1105 = arith.addi %add3A_1085, %mul3A_1104 : vector<16xi32>
    %add3A_1106 = arith.addi %add3A_1015, %add3A_1105 : vector<16xi32>
    %mul3A_1107 = arith.muli %min3A_1025, %add3A_1106 : vector<16xi32>
    %add3A_1108 = arith.constant 1 : i32
    %add3A_1109 = vector.broadcast %add3A_1108 : i32 to vector<16xi32>
    %add3A_1110 = arith.addi %mul3A_1107, %add3A_1109 : vector<16xi32>
    %swap3A_1111 = arith.constant 96 : index
    %swap3A_1112 = tpu.vector_load %arg6[%swap3A_1111] {strides = array<i32>} : memref<528xi32, #tpu.memory_space<vmem>>, vector<16xi32>,
    %swap3A_1113 = vector.shape_cast %swap3A_1112 : vector<16xi32> to vector<16xi32>
    %swap3A_1114 = vector.shape_cast %add3A_1110 : vector<16xi32> to vector<16xi32>
    tpu.vector_store %arg6[%swap3A_1111], %swap3A_1114 {strides = array<i32>} : memref<528xi32, #tpu.memory_space<vmem>>, vector<16xi32>,
    %broadcast_in_dim3A_1115 = vector.shape_cast %broadcast_in_dim3A_3 : vector<16xi32> to vector<16x1xi32>
    %gather3A_1116 = vector.shape_cast %broadcast_in_dim3A_1115 : vector<16x1xi32> to vector<16xi32>
    %gather3A_1117 = tpu.dynamic_gather %add3A_1105[%gather3A_1116] in [0] : vector<16xi32>, vector<16xi32> -> vector<16xi32>
    %add3A_1118 = arith.addi %add3A_1015, %gather3A_1117 : vector<16xi32>
    %get3A_1119 = arith.constant 112 : index
    %get3A_1120 = tpu.vector_load %arg5[%get3A_1119] {strides = array<i32>} : memref<512xi32, #tpu.memory_space<vmem>>, vector<16xi32>,
    %get3A_1121 = vector.shape_cast %get3A_1120 : vector<16xi32> to vector<16xi32>
    %sub3A_1122 = arith.constant 1 : i32
    %sub3A_1123 = vector.broadcast %sub3A_1122 : i32 to vector<16xi32>
    %sub3A_1124 = arith.subi %get3A_1121, %sub3A_1123 : vector<16xi32>
    %abs3A_1125 = math.absi %sub3A_1124 : vector<16xi32>
    %min3A_1126 = arith.constant 1 : i32
    %min3A_1127 = vector.broadcast %min3A_1126 : i32 to vector<16xi32>
    %min3A_1128 = arith.minsi %abs3A_1125, %min3A_1127 : vector<16xi32>
    %sub3A_1129 = arith.constant 1 : i32
    %sub3A_1130 = vector.broadcast %sub3A_1129 : i32 to vector<16xi32>
    %sub3A_1131 = arith.subi %iota3A, %sub3A_1130 : vector<16xi32>
    %max3A_1132 = arith.constant 0 : i32
    %max3A_1133 = vector.broadcast %max3A_1132 : i32 to vector<16xi32>
    %max3A_1134 = arith.maxsi %sub3A_1131, %max3A_1133 : vector<16xi32>
    %broadcast_in_dim3A_1135 = vector.shape_cast %max3A_1134 : vector<16xi32> to vector<16x1xi32>
    %gather3A_1136 = vector.shape_cast %broadcast_in_dim3A_1135 : vector<16x1xi32> to vector<16xi32>
    %gather3A_1137 = tpu.dynamic_gather %min3A_1128[%gather3A_1136] in [0] : vector<16xi32>, vector<16xi32> -> vector<16xi32>
    %sub3A_1138 = arith.constant 0 : i32
    %sub3A_1139 = vector.broadcast %sub3A_1138 : i32 to vector<16xi32>
    %sub3A_1140 = arith.subi %iota3A, %sub3A_1139 : vector<16xi32>
    %max3A_1141 = arith.constant 0 : i32
    %max3A_1142 = vector.broadcast %max3A_1141 : i32 to vector<16xi32>
    %max3A_1143 = arith.maxsi %sub3A_1140, %max3A_1142 : vector<16xi32>
    %min3A_1144 = arith.constant 1 : i32
    %min3A_1145 = vector.broadcast %min3A_1144 : i32 to vector<16xi32>
    %min3A_1146 = arith.minsi %max3A_1143, %min3A_1145 : vector<16xi32>
    %mul3A_1147 = arith.muli %gather3A_1137, %min3A_1146 : vector<16xi32>
    %add3A_1148 = arith.addi %min3A_1128, %mul3A_1147 : vector<16xi32>
    %sub3A_1149 = arith.constant 2 : i32
    %sub3A_1150 = vector.broadcast %sub3A_1149 : i32 to vector<16xi32>
    %sub3A_1151 = arith.subi %iota3A, %sub3A_1150 : vector<16xi32>
    %max3A_1152 = arith.constant 0 : i32
    %max3A_1153 = vector.broadcast %max3A_1152 : i32 to vector<16xi32>
    %max3A_1154 = arith.maxsi %sub3A_1151, %max3A_1153 : vector<16xi32>
    %broadcast_in_dim3A_1155 = vector.shape_cast %max3A_1154 : vector<16xi32> to vector<16x1xi32>
    %gather3A_1156 = vector.shape_cast %broadcast_in_dim3A_1155 : vector<16x1xi32> to vector<16xi32>
    %gather3A_1157 = tpu.dynamic_gather %add3A_1148[%gather3A_1156] in [0] : vector<16xi32>, vector<16xi32> -> vector<16xi32>
    %sub3A_1158 = arith.constant 1 : i32
    %sub3A_1159 = vector.broadcast %sub3A_1158 : i32 to vector<16xi32>
    %sub3A_1160 = arith.subi %iota3A, %sub3A_1159 : vector<16xi32>
    %max3A_1161 = arith.constant 0 : i32
    %max3A_1162 = vector.broadcast %max3A_1161 : i32 to vector<16xi32>
    %max3A_1163 = arith.maxsi %sub3A_1160, %max3A_1162 : vector<16xi32>
    %min3A_1164 = arith.constant 1 : i32
    %min3A_1165 = vector.broadcast %min3A_1164 : i32 to vector<16xi32>
    %min3A_1166 = arith.minsi %max3A_1163, %min3A_1165 : vector<16xi32>
    %mul3A_1167 = arith.muli %gather3A_1157, %min3A_1166 : vector<16xi32>
    %add3A_1168 = arith.addi %add3A_1148, %mul3A_1167 : vector<16xi32>
    %sub3A_1169 = arith.constant 4 : i32
    %sub3A_1170 = vector.broadcast %sub3A_1169 : i32 to vector<16xi32>
    %sub3A_1171 = arith.subi %iota3A, %sub3A_1170 : vector<16xi32>
    %max3A_1172 = arith.constant 0 : i32
    %max3A_1173 = vector.broadcast %max3A_1172 : i32 to vector<16xi32>
    %max3A_1174 = arith.maxsi %sub3A_1171, %max3A_1173 : vector<16xi32>
    %broadcast_in_dim3A_1175 = vector.shape_cast %max3A_1174 : vector<16xi32> to vector<16x1xi32>
    %gather3A_1176 = vector.shape_cast %broadcast_in_dim3A_1175 : vector<16x1xi32> to vector<16xi32>
    %gather3A_1177 = tpu.dynamic_gather %add3A_1168[%gather3A_1176] in [0] : vector<16xi32>, vector<16xi32> -> vector<16xi32>
    %sub3A_1178 = arith.constant 3 : i32
    %sub3A_1179 = vector.broadcast %sub3A_1178 : i32 to vector<16xi32>
    %sub3A_1180 = arith.subi %iota3A, %sub3A_1179 : vector<16xi32>
    %max3A_1181 = arith.constant 0 : i32
    %max3A_1182 = vector.broadcast %max3A_1181 : i32 to vector<16xi32>
    %max3A_1183 = arith.maxsi %sub3A_1180, %max3A_1182 : vector<16xi32>
    %min3A_1184 = arith.constant 1 : i32
    %min3A_1185 = vector.broadcast %min3A_1184 : i32 to vector<16xi32>
    %min3A_1186 = arith.minsi %max3A_1183, %min3A_1185 : vector<16xi32>
    %mul3A_1187 = arith.muli %gather3A_1177, %min3A_1186 : vector<16xi32>
    %add3A_1188 = arith.addi %add3A_1168, %mul3A_1187 : vector<16xi32>
    %sub3A_1189 = arith.constant 8 : i32
    %sub3A_1190 = vector.broadcast %sub3A_1189 : i32 to vector<16xi32>
    %sub3A_1191 = arith.subi %iota3A, %sub3A_1190 : vector<16xi32>
    %max3A_1192 = arith.constant 0 : i32
    %max3A_1193 = vector.broadcast %max3A_1192 : i32 to vector<16xi32>
    %max3A_1194 = arith.maxsi %sub3A_1191, %max3A_1193 : vector<16xi32>
    %broadcast_in_dim3A_1195 = vector.shape_cast %max3A_1194 : vector<16xi32> to vector<16x1xi32>
    %gather3A_1196 = vector.shape_cast %broadcast_in_dim3A_1195 : vector<16x1xi32> to vector<16xi32>
    %gather3A_1197 = tpu.dynamic_gather %add3A_1188[%gather3A_1196] in [0] : vector<16xi32>, vector<16xi32> -> vector<16xi32>
    %sub3A_1198 = arith.constant 7 : i32
    %sub3A_1199 = vector.broadcast %sub3A_1198 : i32 to vector<16xi32>
    %sub3A_1200 = arith.subi %iota3A, %sub3A_1199 : vector<16xi32>
    %max3A_1201 = arith.constant 0 : i32
    %max3A_1202 = vector.broadcast %max3A_1201 : i32 to vector<16xi32>
    %max3A_1203 = arith.maxsi %sub3A_1200, %max3A_1202 : vector<16xi32>
    %min3A_1204 = arith.constant 1 : i32
    %min3A_1205 = vector.broadcast %min3A_1204 : i32 to vector<16xi32>
    %min3A_1206 = arith.minsi %max3A_1203, %min3A_1205 : vector<16xi32>
    %mul3A_1207 = arith.muli %gather3A_1197, %min3A_1206 : vector<16xi32>
    %add3A_1208 = arith.addi %add3A_1188, %mul3A_1207 : vector<16xi32>
    %add3A_1209 = arith.addi %add3A_1118, %add3A_1208 : vector<16xi32>
    %mul3A_1210 = arith.muli %min3A_1128, %add3A_1209 : vector<16xi32>
    %add3A_1211 = arith.constant 1 : i32
    %add3A_1212 = vector.broadcast %add3A_1211 : i32 to vector<16xi32>
    %add3A_1213 = arith.addi %mul3A_1210, %add3A_1212 : vector<16xi32>
    %swap3A_1214 = arith.constant 112 : index
    %swap3A_1215 = tpu.vector_load %arg6[%swap3A_1214] {strides = array<i32>} : memref<528xi32, #tpu.memory_space<vmem>>, vector<16xi32>,
    %swap3A_1216 = vector.shape_cast %swap3A_1215 : vector<16xi32> to vector<16xi32>
    %swap3A_1217 = vector.shape_cast %add3A_1213 : vector<16xi32> to vector<16xi32>
    tpu.vector_store %arg6[%swap3A_1214], %swap3A_1217 {strides = array<i32>} : memref<528xi32, #tpu.memory_space<vmem>>, vector<16xi32>,
    %broadcast_in_dim3A_1218 = vector.shape_cast %broadcast_in_dim3A_3 : vector<16xi32> to vector<16x1xi32>
    %gather3A_1219 = vector.shape_cast %broadcast_in_dim3A_1218 : vector<16x1xi32> to vector<16xi32>
    %gather3A_1220 = tpu.dynamic_gather %add3A_1208[%gather3A_1219] in [0] : vector<16xi32>, vector<16xi32> -> vector<16xi32>
    %add3A_1221 = arith.addi %add3A_1118, %gather3A_1220 : vector<16xi32>
    %get3A_1222 = arith.constant 128 : index
    %get3A_1223 = tpu.vector_load %arg5[%get3A_1222] {strides = array<i32>} : memref<512xi32, #tpu.memory_space<vmem>>, vector<16xi32>,
    %get3A_1224 = vector.shape_cast %get3A_1223 : vector<16xi32> to vector<16xi32>
    %sub3A_1225 = arith.constant 1 : i32
    %sub3A_1226 = vector.broadcast %sub3A_1225 : i32 to vector<16xi32>
    %sub3A_1227 = arith.subi %get3A_1224, %sub3A_1226 : vector<16xi32>
    %abs3A_1228 = math.absi %sub3A_1227 : vector<16xi32>
    %min3A_1229 = arith.constant 1 : i32
    %min3A_1230 = vector.broadcast %min3A_1229 : i32 to vector<16xi32>
    %min3A_1231 = arith.minsi %abs3A_1228, %min3A_1230 : vector<16xi32>
    %sub3A_1232 = arith.constant 1 : i32
    %sub3A_1233 = vector.broadcast %sub3A_1232 : i32 to vector<16xi32>
    %sub3A_1234 = arith.subi %iota3A, %sub3A_1233 : vector<16xi32>
    %max3A_1235 = arith.constant 0 : i32
    %max3A_1236 = vector.broadcast %max3A_1235 : i32 to vector<16xi32>
    %max3A_1237 = arith.maxsi %sub3A_1234, %max3A_1236 : vector<16xi32>
    %broadcast_in_dim3A_1238 = vector.shape_cast %max3A_1237 : vector<16xi32> to vector<16x1xi32>
    %gather3A_1239 = vector.shape_cast %broadcast_in_dim3A_1238 : vector<16x1xi32> to vector<16xi32>
    %gather3A_1240 = tpu.dynamic_gather %min3A_1231[%gather3A_1239] in [0] : vector<16xi32>, vector<16xi32> -> vector<16xi32>
    %sub3A_1241 = arith.constant 0 : i32
    %sub3A_1242 = vector.broadcast %sub3A_1241 : i32 to vector<16xi32>
    %sub3A_1243 = arith.subi %iota3A, %sub3A_1242 : vector<16xi32>
    %max3A_1244 = arith.constant 0 : i32
    %max3A_1245 = vector.broadcast %max3A_1244 : i32 to vector<16xi32>
    %max3A_1246 = arith.maxsi %sub3A_1243, %max3A_1245 : vector<16xi32>
    %min3A_1247 = arith.constant 1 : i32
    %min3A_1248 = vector.broadcast %min3A_1247 : i32 to vector<16xi32>
    %min3A_1249 = arith.minsi %max3A_1246, %min3A_1248 : vector<16xi32>
    %mul3A_1250 = arith.muli %gather3A_1240, %min3A_1249 : vector<16xi32>
    %add3A_1251 = arith.addi %min3A_1231, %mul3A_1250 : vector<16xi32>
    %sub3A_1252 = arith.constant 2 : i32
    %sub3A_1253 = vector.broadcast %sub3A_1252 : i32 to vector<16xi32>
    %sub3A_1254 = arith.subi %iota3A, %sub3A_1253 : vector<16xi32>
    %max3A_1255 = arith.constant 0 : i32
    %max3A_1256 = vector.broadcast %max3A_1255 : i32 to vector<16xi32>
    %max3A_1257 = arith.maxsi %sub3A_1254, %max3A_1256 : vector<16xi32>
    %broadcast_in_dim3A_1258 = vector.shape_cast %max3A_1257 : vector<16xi32> to vector<16x1xi32>
    %gather3A_1259 = vector.shape_cast %broadcast_in_dim3A_1258 : vector<16x1xi32> to vector<16xi32>
    %gather3A_1260 = tpu.dynamic_gather %add3A_1251[%gather3A_1259] in [0] : vector<16xi32>, vector<16xi32> -> vector<16xi32>
    %sub3A_1261 = arith.constant 1 : i32
    %sub3A_1262 = vector.broadcast %sub3A_1261 : i32 to vector<16xi32>
    %sub3A_1263 = arith.subi %iota3A, %sub3A_1262 : vector<16xi32>
    %max3A_1264 = arith.constant 0 : i32
    %max3A_1265 = vector.broadcast %max3A_1264 : i32 to vector<16xi32>
    %max3A_1266 = arith.maxsi %sub3A_1263, %max3A_1265 : vector<16xi32>
    %min3A_1267 = arith.constant 1 : i32
    %min3A_1268 = vector.broadcast %min3A_1267 : i32 to vector<16xi32>
    %min3A_1269 = arith.minsi %max3A_1266, %min3A_1268 : vector<16xi32>
    %mul3A_1270 = arith.muli %gather3A_1260, %min3A_1269 : vector<16xi32>
    %add3A_1271 = arith.addi %add3A_1251, %mul3A_1270 : vector<16xi32>
    %sub3A_1272 = arith.constant 4 : i32
    %sub3A_1273 = vector.broadcast %sub3A_1272 : i32 to vector<16xi32>
    %sub3A_1274 = arith.subi %iota3A, %sub3A_1273 : vector<16xi32>
    %max3A_1275 = arith.constant 0 : i32
    %max3A_1276 = vector.broadcast %max3A_1275 : i32 to vector<16xi32>
    %max3A_1277 = arith.maxsi %sub3A_1274, %max3A_1276 : vector<16xi32>
    %broadcast_in_dim3A_1278 = vector.shape_cast %max3A_1277 : vector<16xi32> to vector<16x1xi32>
    %gather3A_1279 = vector.shape_cast %broadcast_in_dim3A_1278 : vector<16x1xi32> to vector<16xi32>
    %gather3A_1280 = tpu.dynamic_gather %add3A_1271[%gather3A_1279] in [0] : vector<16xi32>, vector<16xi32> -> vector<16xi32>
    %sub3A_1281 = arith.constant 3 : i32
    %sub3A_1282 = vector.broadcast %sub3A_1281 : i32 to vector<16xi32>
    %sub3A_1283 = arith.subi %iota3A, %sub3A_1282 : vector<16xi32>
    %max3A_1284 = arith.constant 0 : i32
    %max3A_1285 = vector.broadcast %max3A_1284 : i32 to vector<16xi32>
    %max3A_1286 = arith.maxsi %sub3A_1283, %max3A_1285 : vector<16xi32>
    %min3A_1287 = arith.constant 1 : i32
    %min3A_1288 = vector.broadcast %min3A_1287 : i32 to vector<16xi32>
    %min3A_1289 = arith.minsi %max3A_1286, %min3A_1288 : vector<16xi32>
    %mul3A_1290 = arith.muli %gather3A_1280, %min3A_1289 : vector<16xi32>
    %add3A_1291 = arith.addi %add3A_1271, %mul3A_1290 : vector<16xi32>
    %sub3A_1292 = arith.constant 8 : i32
    %sub3A_1293 = vector.broadcast %sub3A_1292 : i32 to vector<16xi32>
    %sub3A_1294 = arith.subi %iota3A, %sub3A_1293 : vector<16xi32>
    %max3A_1295 = arith.constant 0 : i32
    %max3A_1296 = vector.broadcast %max3A_1295 : i32 to vector<16xi32>
    %max3A_1297 = arith.maxsi %sub3A_1294, %max3A_1296 : vector<16xi32>
    %broadcast_in_dim3A_1298 = vector.shape_cast %max3A_1297 : vector<16xi32> to vector<16x1xi32>
    %gather3A_1299 = vector.shape_cast %broadcast_in_dim3A_1298 : vector<16x1xi32> to vector<16xi32>
    %gather3A_1300 = tpu.dynamic_gather %add3A_1291[%gather3A_1299] in [0] : vector<16xi32>, vector<16xi32> -> vector<16xi32>
    %sub3A_1301 = arith.constant 7 : i32
    %sub3A_1302 = vector.broadcast %sub3A_1301 : i32 to vector<16xi32>
    %sub3A_1303 = arith.subi %iota3A, %sub3A_1302 : vector<16xi32>
    %max3A_1304 = arith.constant 0 : i32
    %max3A_1305 = vector.broadcast %max3A_1304 : i32 to vector<16xi32>
    %max3A_1306 = arith.maxsi %sub3A_1303, %max3A_1305 : vector<16xi32>
    %min3A_1307 = arith.constant 1 : i32
    %min3A_1308 = vector.broadcast %min3A_1307 : i32 to vector<16xi32>
    %min3A_1309 = arith.minsi %max3A_1306, %min3A_1308 : vector<16xi32>
    %mul3A_1310 = arith.muli %gather3A_1300, %min3A_1309 : vector<16xi32>
    %add3A_1311 = arith.addi %add3A_1291, %mul3A_1310 : vector<16xi32>
    %add3A_1312 = arith.addi %add3A_1221, %add3A_1311 : vector<16xi32>
    %mul3A_1313 = arith.muli %min3A_1231, %add3A_1312 : vector<16xi32>
    %add3A_1314 = arith.constant 1 : i32
    %add3A_1315 = vector.broadcast %add3A_1314 : i32 to vector<16xi32>
    %add3A_1316 = arith.addi %mul3A_1313, %add3A_1315 : vector<16xi32>
    %swap3A_1317 = arith.constant 128 : index
    %swap3A_1318 = tpu.vector_load %arg6[%swap3A_1317] {strides = array<i32>} : memref<528xi32, #tpu.memory_space<vmem>>, vector<16xi32>,
    %swap3A_1319 = vector.shape_cast %swap3A_1318 : vector<16xi32> to vector<16xi32>
    %swap3A_1320 = vector.shape_cast %add3A_1316 : vector<16xi32> to vector<16xi32>
    tpu.vector_store %arg6[%swap3A_1317], %swap3A_1320 {strides = array<i32>} : memref<528xi32, #tpu.memory_space<vmem>>, vector<16xi32>,
    %broadcast_in_dim3A_1321 = vector.shape_cast %broadcast_in_dim3A_3 : vector<16xi32> to vector<16x1xi32>
    %gather3A_1322 = vector.shape_cast %broadcast_in_dim3A_1321 : vector<16x1xi32> to vector<16xi32>
    %gather3A_1323 = tpu.dynamic_gather %add3A_1311[%gather3A_1322] in [0] : vector<16xi32>, vector<16xi32> -> vector<16xi32>
    %add3A_1324 = arith.addi %add3A_1221, %gather3A_1323 : vector<16xi32>
    %get3A_1325 = arith.constant 144 : index
    %get3A_1326 = tpu.vector_load %arg5[%get3A_1325] {strides = array<i32>} : memref<512xi32, #tpu.memory_space<vmem>>, vector<16xi32>,
    %get3A_1327 = vector.shape_cast %get3A_1326 : vector<16xi32> to vector<16xi32>
    %sub3A_1328 = arith.constant 1 : i32
    %sub3A_1329 = vector.broadcast %sub3A_1328 : i32 to vector<16xi32>
    %sub3A_1330 = arith.subi %get3A_1327, %sub3A_1329 : vector<16xi32>
    %abs3A_1331 = math.absi %sub3A_1330 : vector<16xi32>
    %min3A_1332 = arith.constant 1 : i32
    %min3A_1333 = vector.broadcast %min3A_1332 : i32 to vector<16xi32>
    %min3A_1334 = arith.minsi %abs3A_1331, %min3A_1333 : vector<16xi32>
    %sub3A_1335 = arith.constant 1 : i32
    %sub3A_1336 = vector.broadcast %sub3A_1335 : i32 to vector<16xi32>
    %sub3A_1337 = arith.subi %iota3A, %sub3A_1336 : vector<16xi32>
    %max3A_1338 = arith.constant 0 : i32
    %max3A_1339 = vector.broadcast %max3A_1338 : i32 to vector<16xi32>
    %max3A_1340 = arith.maxsi %sub3A_1337, %max3A_1339 : vector<16xi32>
    %broadcast_in_dim3A_1341 = vector.shape_cast %max3A_1340 : vector<16xi32> to vector<16x1xi32>
    %gather3A_1342 = vector.shape_cast %broadcast_in_dim3A_1341 : vector<16x1xi32> to vector<16xi32>
    %gather3A_1343 = tpu.dynamic_gather %min3A_1334[%gather3A_1342] in [0] : vector<16xi32>, vector<16xi32> -> vector<16xi32>
    %sub3A_1344 = arith.constant 0 : i32
    %sub3A_1345 = vector.broadcast %sub3A_1344 : i32 to vector<16xi32>
    %sub3A_1346 = arith.subi %iota3A, %sub3A_1345 : vector<16xi32>
    %max3A_1347 = arith.constant 0 : i32
    %max3A_1348 = vector.broadcast %max3A_1347 : i32 to vector<16xi32>
    %max3A_1349 = arith.maxsi %sub3A_1346, %max3A_1348 : vector<16xi32>
    %min3A_1350 = arith.constant 1 : i32
    %min3A_1351 = vector.broadcast %min3A_1350 : i32 to vector<16xi32>
    %min3A_1352 = arith.minsi %max3A_1349, %min3A_1351 : vector<16xi32>
    %mul3A_1353 = arith.muli %gather3A_1343, %min3A_1352 : vector<16xi32>
    %add3A_1354 = arith.addi %min3A_1334, %mul3A_1353 : vector<16xi32>
    %sub3A_1355 = arith.constant 2 : i32
    %sub3A_1356 = vector.broadcast %sub3A_1355 : i32 to vector<16xi32>
    %sub3A_1357 = arith.subi %iota3A, %sub3A_1356 : vector<16xi32>
    %max3A_1358 = arith.constant 0 : i32
    %max3A_1359 = vector.broadcast %max3A_1358 : i32 to vector<16xi32>
    %max3A_1360 = arith.maxsi %sub3A_1357, %max3A_1359 : vector<16xi32>
    %broadcast_in_dim3A_1361 = vector.shape_cast %max3A_1360 : vector<16xi32> to vector<16x1xi32>
    %gather3A_1362 = vector.shape_cast %broadcast_in_dim3A_1361 : vector<16x1xi32> to vector<16xi32>
    %gather3A_1363 = tpu.dynamic_gather %add3A_1354[%gather3A_1362] in [0] : vector<16xi32>, vector<16xi32> -> vector<16xi32>
    %sub3A_1364 = arith.constant 1 : i32
    %sub3A_1365 = vector.broadcast %sub3A_1364 : i32 to vector<16xi32>
    %sub3A_1366 = arith.subi %iota3A, %sub3A_1365 : vector<16xi32>
    %max3A_1367 = arith.constant 0 : i32
    %max3A_1368 = vector.broadcast %max3A_1367 : i32 to vector<16xi32>
    %max3A_1369 = arith.maxsi %sub3A_1366, %max3A_1368 : vector<16xi32>
    %min3A_1370 = arith.constant 1 : i32
    %min3A_1371 = vector.broadcast %min3A_1370 : i32 to vector<16xi32>
    %min3A_1372 = arith.minsi %max3A_1369, %min3A_1371 : vector<16xi32>
    %mul3A_1373 = arith.muli %gather3A_1363, %min3A_1372 : vector<16xi32>
    %add3A_1374 = arith.addi %add3A_1354, %mul3A_1373 : vector<16xi32>
    %sub3A_1375 = arith.constant 4 : i32
    %sub3A_1376 = vector.broadcast %sub3A_1375 : i32 to vector<16xi32>
    %sub3A_1377 = arith.subi %iota3A, %sub3A_1376 : vector<16xi32>
    %max3A_1378 = arith.constant 0 : i32
    %max3A_1379 = vector.broadcast %max3A_1378 : i32 to vector<16xi32>
    %max3A_1380 = arith.maxsi %sub3A_1377, %max3A_1379 : vector<16xi32>
    %broadcast_in_dim3A_1381 = vector.shape_cast %max3A_1380 : vector<16xi32> to vector<16x1xi32>
    %gather3A_1382 = vector.shape_cast %broadcast_in_dim3A_1381 : vector<16x1xi32> to vector<16xi32>
    %gather3A_1383 = tpu.dynamic_gather %add3A_1374[%gather3A_1382] in [0] : vector<16xi32>, vector<16xi32> -> vector<16xi32>
    %sub3A_1384 = arith.constant 3 : i32
    %sub3A_1385 = vector.broadcast %sub3A_1384 : i32 to vector<16xi32>
    %sub3A_1386 = arith.subi %iota3A, %sub3A_1385 : vector<16xi32>
    %max3A_1387 = arith.constant 0 : i32
    %max3A_1388 = vector.broadcast %max3A_1387 : i32 to vector<16xi32>
    %max3A_1389 = arith.maxsi %sub3A_1386, %max3A_1388 : vector<16xi32>
    %min3A_1390 = arith.constant 1 : i32
    %min3A_1391 = vector.broadcast %min3A_1390 : i32 to vector<16xi32>
    %min3A_1392 = arith.minsi %max3A_1389, %min3A_1391 : vector<16xi32>
    %mul3A_1393 = arith.muli %gather3A_1383, %min3A_1392 : vector<16xi32>
    %add3A_1394 = arith.addi %add3A_1374, %mul3A_1393 : vector<16xi32>
    %sub3A_1395 = arith.constant 8 : i32
    %sub3A_1396 = vector.broadcast %sub3A_1395 : i32 to vector<16xi32>
    %sub3A_1397 = arith.subi %iota3A, %sub3A_1396 : vector<16xi32>
    %max3A_1398 = arith.constant 0 : i32
    %max3A_1399 = vector.broadcast %max3A_1398 : i32 to vector<16xi32>
    %max3A_1400 = arith.maxsi %sub3A_1397, %max3A_1399 : vector<16xi32>
    %broadcast_in_dim3A_1401 = vector.shape_cast %max3A_1400 : vector<16xi32> to vector<16x1xi32>
    %gather3A_1402 = vector.shape_cast %broadcast_in_dim3A_1401 : vector<16x1xi32> to vector<16xi32>
    %gather3A_1403 = tpu.dynamic_gather %add3A_1394[%gather3A_1402] in [0] : vector<16xi32>, vector<16xi32> -> vector<16xi32>
    %sub3A_1404 = arith.constant 7 : i32
    %sub3A_1405 = vector.broadcast %sub3A_1404 : i32 to vector<16xi32>
    %sub3A_1406 = arith.subi %iota3A, %sub3A_1405 : vector<16xi32>
    %max3A_1407 = arith.constant 0 : i32
    %max3A_1408 = vector.broadcast %max3A_1407 : i32 to vector<16xi32>
    %max3A_1409 = arith.maxsi %sub3A_1406, %max3A_1408 : vector<16xi32>
    %min3A_1410 = arith.constant 1 : i32
    %min3A_1411 = vector.broadcast %min3A_1410 : i32 to vector<16xi32>
    %min3A_1412 = arith.minsi %max3A_1409, %min3A_1411 : vector<16xi32>
    %mul3A_1413 = arith.muli %gather3A_1403, %min3A_1412 : vector<16xi32>
    %add3A_1414 = arith.addi %add3A_1394, %mul3A_1413 : vector<16xi32>
    %add3A_1415 = arith.addi %add3A_1324, %add3A_1414 : vector<16xi32>
    %mul3A_1416 = arith.muli %min3A_1334, %add3A_1415 : vector<16xi32>
    %add3A_1417 = arith.constant 1 : i32
    %add3A_1418 = vector.broadcast %add3A_1417 : i32 to vector<16xi32>
    %add3A_1419 = arith.addi %mul3A_1416, %add3A_1418 : vector<16xi32>
    %swap3A_1420 = arith.constant 144 : index
    %swap3A_1421 = tpu.vector_load %arg6[%swap3A_1420] {strides = array<i32>} : memref<528xi32, #tpu.memory_space<vmem>>, vector<16xi32>,
    %swap3A_1422 = vector.shape_cast %swap3A_1421 : vector<16xi32> to vector<16xi32>
    %swap3A_1423 = vector.shape_cast %add3A_1419 : vector<16xi32> to vector<16xi32>
    tpu.vector_store %arg6[%swap3A_1420], %swap3A_1423 {strides = array<i32>} : memref<528xi32, #tpu.memory_space<vmem>>, vector<16xi32>,
    %broadcast_in_dim3A_1424 = vector.shape_cast %broadcast_in_dim3A_3 : vector<16xi32> to vector<16x1xi32>
    %gather3A_1425 = vector.shape_cast %broadcast_in_dim3A_1424 : vector<16x1xi32> to vector<16xi32>
    %gather3A_1426 = tpu.dynamic_gather %add3A_1414[%gather3A_1425] in [0] : vector<16xi32>, vector<16xi32> -> vector<16xi32>
    %add3A_1427 = arith.addi %add3A_1324, %gather3A_1426 : vector<16xi32>
    %get3A_1428 = arith.constant 160 : index
    %get3A_1429 = tpu.vector_load %arg5[%get3A_1428] {strides = array<i32>} : memref<512xi32, #tpu.memory_space<vmem>>, vector<16xi32>,
    %get3A_1430 = vector.shape_cast %get3A_1429 : vector<16xi32> to vector<16xi32>
    %sub3A_1431 = arith.constant 1 : i32
    %sub3A_1432 = vector.broadcast %sub3A_1431 : i32 to vector<16xi32>
    %sub3A_1433 = arith.subi %get3A_1430, %sub3A_1432 : vector<16xi32>
    %abs3A_1434 = math.absi %sub3A_1433 : vector<16xi32>
    %min3A_1435 = arith.constant 1 : i32
    %min3A_1436 = vector.broadcast %min3A_1435 : i32 to vector<16xi32>
    %min3A_1437 = arith.minsi %abs3A_1434, %min3A_1436 : vector<16xi32>
    %sub3A_1438 = arith.constant 1 : i32
    %sub3A_1439 = vector.broadcast %sub3A_1438 : i32 to vector<16xi32>
    %sub3A_1440 = arith.subi %iota3A, %sub3A_1439 : vector<16xi32>
    %max3A_1441 = arith.constant 0 : i32
    %max3A_1442 = vector.broadcast %max3A_1441 : i32 to vector<16xi32>
    %max3A_1443 = arith.maxsi %sub3A_1440, %max3A_1442 : vector<16xi32>
    %broadcast_in_dim3A_1444 = vector.shape_cast %max3A_1443 : vector<16xi32> to vector<16x1xi32>
    %gather3A_1445 = vector.shape_cast %broadcast_in_dim3A_1444 : vector<16x1xi32> to vector<16xi32>
    %gather3A_1446 = tpu.dynamic_gather %min3A_1437[%gather3A_1445] in [0] : vector<16xi32>, vector<16xi32> -> vector<16xi32>
    %sub3A_1447 = arith.constant 0 : i32
    %sub3A_1448 = vector.broadcast %sub3A_1447 : i32 to vector<16xi32>
    %sub3A_1449 = arith.subi %iota3A, %sub3A_1448 : vector<16xi32>
    %max3A_1450 = arith.constant 0 : i32
    %max3A_1451 = vector.broadcast %max3A_1450 : i32 to vector<16xi32>
    %max3A_1452 = arith.maxsi %sub3A_1449, %max3A_1451 : vector<16xi32>
    %min3A_1453 = arith.constant 1 : i32
    %min3A_1454 = vector.broadcast %min3A_1453 : i32 to vector<16xi32>
    %min3A_1455 = arith.minsi %max3A_1452, %min3A_1454 : vector<16xi32>
    %mul3A_1456 = arith.muli %gather3A_1446, %min3A_1455 : vector<16xi32>
    %add3A_1457 = arith.addi %min3A_1437, %mul3A_1456 : vector<16xi32>
    %sub3A_1458 = arith.constant 2 : i32
    %sub3A_1459 = vector.broadcast %sub3A_1458 : i32 to vector<16xi32>
    %sub3A_1460 = arith.subi %iota3A, %sub3A_1459 : vector<16xi32>
    %max3A_1461 = arith.constant 0 : i32
    %max3A_1462 = vector.broadcast %max3A_1461 : i32 to vector<16xi32>
    %max3A_1463 = arith.maxsi %sub3A_1460, %max3A_1462 : vector<16xi32>
    %broadcast_in_dim3A_1464 = vector.shape_cast %max3A_1463 : vector<16xi32> to vector<16x1xi32>
    %gather3A_1465 = vector.shape_cast %broadcast_in_dim3A_1464 : vector<16x1xi32> to vector<16xi32>
    %gather3A_1466 = tpu.dynamic_gather %add3A_1457[%gather3A_1465] in [0] : vector<16xi32>, vector<16xi32> -> vector<16xi32>
    %sub3A_1467 = arith.constant 1 : i32
    %sub3A_1468 = vector.broadcast %sub3A_1467 : i32 to vector<16xi32>
    %sub3A_1469 = arith.subi %iota3A, %sub3A_1468 : vector<16xi32>
    %max3A_1470 = arith.constant 0 : i32
    %max3A_1471 = vector.broadcast %max3A_1470 : i32 to vector<16xi32>
    %max3A_1472 = arith.maxsi %sub3A_1469, %max3A_1471 : vector<16xi32>
    %min3A_1473 = arith.constant 1 : i32
    %min3A_1474 = vector.broadcast %min3A_1473 : i32 to vector<16xi32>
    %min3A_1475 = arith.minsi %max3A_1472, %min3A_1474 : vector<16xi32>
    %mul3A_1476 = arith.muli %gather3A_1466, %min3A_1475 : vector<16xi32>
    %add3A_1477 = arith.addi %add3A_1457, %mul3A_1476 : vector<16xi32>
    %sub3A_1478 = arith.constant 4 : i32
    %sub3A_1479 = vector.broadcast %sub3A_1478 : i32 to vector<16xi32>
    %sub3A_1480 = arith.subi %iota3A, %sub3A_1479 : vector<16xi32>
    %max3A_1481 = arith.constant 0 : i32
    %max3A_1482 = vector.broadcast %max3A_1481 : i32 to vector<16xi32>
    %max3A_1483 = arith.maxsi %sub3A_1480, %max3A_1482 : vector<16xi32>
    %broadcast_in_dim3A_1484 = vector.shape_cast %max3A_1483 : vector<16xi32> to vector<16x1xi32>
    %gather3A_1485 = vector.shape_cast %broadcast_in_dim3A_1484 : vector<16x1xi32> to vector<16xi32>
    %gather3A_1486 = tpu.dynamic_gather %add3A_1477[%gather3A_1485] in [0] : vector<16xi32>, vector<16xi32> -> vector<16xi32>
    %sub3A_1487 = arith.constant 3 : i32
    %sub3A_1488 = vector.broadcast %sub3A_1487 : i32 to vector<16xi32>
    %sub3A_1489 = arith.subi %iota3A, %sub3A_1488 : vector<16xi32>
    %max3A_1490 = arith.constant 0 : i32
    %max3A_1491 = vector.broadcast %max3A_1490 : i32 to vector<16xi32>
    %max3A_1492 = arith.maxsi %sub3A_1489, %max3A_1491 : vector<16xi32>
    %min3A_1493 = arith.constant 1 : i32
    %min3A_1494 = vector.broadcast %min3A_1493 : i32 to vector<16xi32>
    %min3A_1495 = arith.minsi %max3A_1492, %min3A_1494 : vector<16xi32>
    %mul3A_1496 = arith.muli %gather3A_1486, %min3A_1495 : vector<16xi32>
    %add3A_1497 = arith.addi %add3A_1477, %mul3A_1496 : vector<16xi32>
    %sub3A_1498 = arith.constant 8 : i32
    %sub3A_1499 = vector.broadcast %sub3A_1498 : i32 to vector<16xi32>
    %sub3A_1500 = arith.subi %iota3A, %sub3A_1499 : vector<16xi32>
    %max3A_1501 = arith.constant 0 : i32
    %max3A_1502 = vector.broadcast %max3A_1501 : i32 to vector<16xi32>
    %max3A_1503 = arith.maxsi %sub3A_1500, %max3A_1502 : vector<16xi32>
    %broadcast_in_dim3A_1504 = vector.shape_cast %max3A_1503 : vector<16xi32> to vector<16x1xi32>
    %gather3A_1505 = vector.shape_cast %broadcast_in_dim3A_1504 : vector<16x1xi32> to vector<16xi32>
    %gather3A_1506 = tpu.dynamic_gather %add3A_1497[%gather3A_1505] in [0] : vector<16xi32>, vector<16xi32> -> vector<16xi32>
    %sub3A_1507 = arith.constant 7 : i32
    %sub3A_1508 = vector.broadcast %sub3A_1507 : i32 to vector<16xi32>
    %sub3A_1509 = arith.subi %iota3A, %sub3A_1508 : vector<16xi32>
    %max3A_1510 = arith.constant 0 : i32
    %max3A_1511 = vector.broadcast %max3A_1510 : i32 to vector<16xi32>
    %max3A_1512 = arith.maxsi %sub3A_1509, %max3A_1511 : vector<16xi32>
    %min3A_1513 = arith.constant 1 : i32
    %min3A_1514 = vector.broadcast %min3A_1513 : i32 to vector<16xi32>
    %min3A_1515 = arith.minsi %max3A_1512, %min3A_1514 : vector<16xi32>
    %mul3A_1516 = arith.muli %gather3A_1506, %min3A_1515 : vector<16xi32>
    %add3A_1517 = arith.addi %add3A_1497, %mul3A_1516 : vector<16xi32>
    %add3A_1518 = arith.addi %add3A_1427, %add3A_1517 : vector<16xi32>
    %mul3A_1519 = arith.muli %min3A_1437, %add3A_1518 : vector<16xi32>
    %add3A_1520 = arith.constant 1 : i32
    %add3A_1521 = vector.broadcast %add3A_1520 : i32 to vector<16xi32>
    %add3A_1522 = arith.addi %mul3A_1519, %add3A_1521 : vector<16xi32>
    %swap3A_1523 = arith.constant 160 : index
    %swap3A_1524 = tpu.vector_load %arg6[%swap3A_1523] {strides = array<i32>} : memref<528xi32, #tpu.memory_space<vmem>>, vector<16xi32>,
    %swap3A_1525 = vector.shape_cast %swap3A_1524 : vector<16xi32> to vector<16xi32>
    %swap3A_1526 = vector.shape_cast %add3A_1522 : vector<16xi32> to vector<16xi32>
    tpu.vector_store %arg6[%swap3A_1523], %swap3A_1526 {strides = array<i32>} : memref<528xi32, #tpu.memory_space<vmem>>, vector<16xi32>,
    %broadcast_in_dim3A_1527 = vector.shape_cast %broadcast_in_dim3A_3 : vector<16xi32> to vector<16x1xi32>
    %gather3A_1528 = vector.shape_cast %broadcast_in_dim3A_1527 : vector<16x1xi32> to vector<16xi32>
    %gather3A_1529 = tpu.dynamic_gather %add3A_1517[%gather3A_1528] in [0] : vector<16xi32>, vector<16xi32> -> vector<16xi32>
    %add3A_1530 = arith.addi %add3A_1427, %gather3A_1529 : vector<16xi32>
    %get3A_1531 = arith.constant 176 : index
    %get3A_1532 = tpu.vector_load %arg5[%get3A_1531] {strides = array<i32>} : memref<512xi32, #tpu.memory_space<vmem>>, vector<16xi32>,
    %get3A_1533 = vector.shape_cast %get3A_1532 : vector<16xi32> to vector<16xi32>
    %sub3A_1534 = arith.constant 1 : i32
    %sub3A_1535 = vector.broadcast %sub3A_1534 : i32 to vector<16xi32>
    %sub3A_1536 = arith.subi %get3A_1533, %sub3A_1535 : vector<16xi32>
    %abs3A_1537 = math.absi %sub3A_1536 : vector<16xi32>
    %min3A_1538 = arith.constant 1 : i32
    %min3A_1539 = vector.broadcast %min3A_1538 : i32 to vector<16xi32>
    %min3A_1540 = arith.minsi %abs3A_1537, %min3A_1539 : vector<16xi32>
    %sub3A_1541 = arith.constant 1 : i32
    %sub3A_1542 = vector.broadcast %sub3A_1541 : i32 to vector<16xi32>
    %sub3A_1543 = arith.subi %iota3A, %sub3A_1542 : vector<16xi32>
    %max3A_1544 = arith.constant 0 : i32
    %max3A_1545 = vector.broadcast %max3A_1544 : i32 to vector<16xi32>
    %max3A_1546 = arith.maxsi %sub3A_1543, %max3A_1545 : vector<16xi32>
    %broadcast_in_dim3A_1547 = vector.shape_cast %max3A_1546 : vector<16xi32> to vector<16x1xi32>
    %gather3A_1548 = vector.shape_cast %broadcast_in_dim3A_1547 : vector<16x1xi32> to vector<16xi32>
    %gather3A_1549 = tpu.dynamic_gather %min3A_1540[%gather3A_1548] in [0] : vector<16xi32>, vector<16xi32> -> vector<16xi32>
    %sub3A_1550 = arith.constant 0 : i32
    %sub3A_1551 = vector.broadcast %sub3A_1550 : i32 to vector<16xi32>
    %sub3A_1552 = arith.subi %iota3A, %sub3A_1551 : vector<16xi32>
    %max3A_1553 = arith.constant 0 : i32
    %max3A_1554 = vector.broadcast %max3A_1553 : i32 to vector<16xi32>
    %max3A_1555 = arith.maxsi %sub3A_1552, %max3A_1554 : vector<16xi32>
    %min3A_1556 = arith.constant 1 : i32
    %min3A_1557 = vector.broadcast %min3A_1556 : i32 to vector<16xi32>
    %min3A_1558 = arith.minsi %max3A_1555, %min3A_1557 : vector<16xi32>
    %mul3A_1559 = arith.muli %gather3A_1549, %min3A_1558 : vector<16xi32>
    %add3A_1560 = arith.addi %min3A_1540, %mul3A_1559 : vector<16xi32>
    %sub3A_1561 = arith.constant 2 : i32
    %sub3A_1562 = vector.broadcast %sub3A_1561 : i32 to vector<16xi32>
    %sub3A_1563 = arith.subi %iota3A, %sub3A_1562 : vector<16xi32>
    %max3A_1564 = arith.constant 0 : i32
    %max3A_1565 = vector.broadcast %max3A_1564 : i32 to vector<16xi32>
    %max3A_1566 = arith.maxsi %sub3A_1563, %max3A_1565 : vector<16xi32>
    %broadcast_in_dim3A_1567 = vector.shape_cast %max3A_1566 : vector<16xi32> to vector<16x1xi32>
    %gather3A_1568 = vector.shape_cast %broadcast_in_dim3A_1567 : vector<16x1xi32> to vector<16xi32>
    %gather3A_1569 = tpu.dynamic_gather %add3A_1560[%gather3A_1568] in [0] : vector<16xi32>, vector<16xi32> -> vector<16xi32>
    %sub3A_1570 = arith.constant 1 : i32
    %sub3A_1571 = vector.broadcast %sub3A_1570 : i32 to vector<16xi32>
    %sub3A_1572 = arith.subi %iota3A, %sub3A_1571 : vector<16xi32>
    %max3A_1573 = arith.constant 0 : i32
    %max3A_1574 = vector.broadcast %max3A_1573 : i32 to vector<16xi32>
    %max3A_1575 = arith.maxsi %sub3A_1572, %max3A_1574 : vector<16xi32>
    %min3A_1576 = arith.constant 1 : i32
    %min3A_1577 = vector.broadcast %min3A_1576 : i32 to vector<16xi32>
    %min3A_1578 = arith.minsi %max3A_1575, %min3A_1577 : vector<16xi32>
    %mul3A_1579 = arith.muli %gather3A_1569, %min3A_1578 : vector<16xi32>
    %add3A_1580 = arith.addi %add3A_1560, %mul3A_1579 : vector<16xi32>
    %sub3A_1581 = arith.constant 4 : i32
    %sub3A_1582 = vector.broadcast %sub3A_1581 : i32 to vector<16xi32>
    %sub3A_1583 = arith.subi %iota3A, %sub3A_1582 : vector<16xi32>
    %max3A_1584 = arith.constant 0 : i32
    %max3A_1585 = vector.broadcast %max3A_1584 : i32 to vector<16xi32>
    %max3A_1586 = arith.maxsi %sub3A_1583, %max3A_1585 : vector<16xi32>
    %broadcast_in_dim3A_1587 = vector.shape_cast %max3A_1586 : vector<16xi32> to vector<16x1xi32>
    %gather3A_1588 = vector.shape_cast %broadcast_in_dim3A_1587 : vector<16x1xi32> to vector<16xi32>
    %gather3A_1589 = tpu.dynamic_gather %add3A_1580[%gather3A_1588] in [0] : vector<16xi32>, vector<16xi32> -> vector<16xi32>
    %sub3A_1590 = arith.constant 3 : i32
    %sub3A_1591 = vector.broadcast %sub3A_1590 : i32 to vector<16xi32>
    %sub3A_1592 = arith.subi %iota3A, %sub3A_1591 : vector<16xi32>
    %max3A_1593 = arith.constant 0 : i32
    %max3A_1594 = vector.broadcast %max3A_1593 : i32 to vector<16xi32>
    %max3A_1595 = arith.maxsi %sub3A_1592, %max3A_1594 : vector<16xi32>
    %min3A_1596 = arith.constant 1 : i32
    %min3A_1597 = vector.broadcast %min3A_1596 : i32 to vector<16xi32>
    %min3A_1598 = arith.minsi %max3A_1595, %min3A_1597 : vector<16xi32>
    %mul3A_1599 = arith.muli %gather3A_1589, %min3A_1598 : vector<16xi32>
    %add3A_1600 = arith.addi %add3A_1580, %mul3A_1599 : vector<16xi32>
    %sub3A_1601 = arith.constant 8 : i32
    %sub3A_1602 = vector.broadcast %sub3A_1601 : i32 to vector<16xi32>
    %sub3A_1603 = arith.subi %iota3A, %sub3A_1602 : vector<16xi32>
    %max3A_1604 = arith.constant 0 : i32
    %max3A_1605 = vector.broadcast %max3A_1604 : i32 to vector<16xi32>
    %max3A_1606 = arith.maxsi %sub3A_1603, %max3A_1605 : vector<16xi32>
    %broadcast_in_dim3A_1607 = vector.shape_cast %max3A_1606 : vector<16xi32> to vector<16x1xi32>
    %gather3A_1608 = vector.shape_cast %broadcast_in_dim3A_1607 : vector<16x1xi32> to vector<16xi32>
    %gather3A_1609 = tpu.dynamic_gather %add3A_1600[%gather3A_1608] in [0] : vector<16xi32>, vector<16xi32> -> vector<16xi32>
    %sub3A_1610 = arith.constant 7 : i32
    %sub3A_1611 = vector.broadcast %sub3A_1610 : i32 to vector<16xi32>
    %sub3A_1612 = arith.subi %iota3A, %sub3A_1611 : vector<16xi32>
    %max3A_1613 = arith.constant 0 : i32
    %max3A_1614 = vector.broadcast %max3A_1613 : i32 to vector<16xi32>
    %max3A_1615 = arith.maxsi %sub3A_1612, %max3A_1614 : vector<16xi32>
    %min3A_1616 = arith.constant 1 : i32
    %min3A_1617 = vector.broadcast %min3A_1616 : i32 to vector<16xi32>
    %min3A_1618 = arith.minsi %max3A_1615, %min3A_1617 : vector<16xi32>
    %mul3A_1619 = arith.muli %gather3A_1609, %min3A_1618 : vector<16xi32>
    %add3A_1620 = arith.addi %add3A_1600, %mul3A_1619 : vector<16xi32>
    %add3A_1621 = arith.addi %add3A_1530, %add3A_1620 : vector<16xi32>
    %mul3A_1622 = arith.muli %min3A_1540, %add3A_1621 : vector<16xi32>
    %add3A_1623 = arith.constant 1 : i32
    %add3A_1624 = vector.broadcast %add3A_1623 : i32 to vector<16xi32>
    %add3A_1625 = arith.addi %mul3A_1622, %add3A_1624 : vector<16xi32>
    %swap3A_1626 = arith.constant 176 : index
    %swap3A_1627 = tpu.vector_load %arg6[%swap3A_1626] {strides = array<i32>} : memref<528xi32, #tpu.memory_space<vmem>>, vector<16xi32>,
    %swap3A_1628 = vector.shape_cast %swap3A_1627 : vector<16xi32> to vector<16xi32>
    %swap3A_1629 = vector.shape_cast %add3A_1625 : vector<16xi32> to vector<16xi32>
    tpu.vector_store %arg6[%swap3A_1626], %swap3A_1629 {strides = array<i32>} : memref<528xi32, #tpu.memory_space<vmem>>, vector<16xi32>,
    %broadcast_in_dim3A_1630 = vector.shape_cast %broadcast_in_dim3A_3 : vector<16xi32> to vector<16x1xi32>
    %gather3A_1631 = vector.shape_cast %broadcast_in_dim3A_1630 : vector<16x1xi32> to vector<16xi32>
    %gather3A_1632 = tpu.dynamic_gather %add3A_1620[%gather3A_1631] in [0] : vector<16xi32>, vector<16xi32> -> vector<16xi32>
    %add3A_1633 = arith.addi %add3A_1530, %gather3A_1632 : vector<16xi32>
    %get3A_1634 = arith.constant 192 : index
    %get3A_1635 = tpu.vector_load %arg5[%get3A_1634] {strides = array<i32>} : memref<512xi32, #tpu.memory_space<vmem>>, vector<16xi32>,
    %get3A_1636 = vector.shape_cast %get3A_1635 : vector<16xi32> to vector<16xi32>
    %sub3A_1637 = arith.constant 1 : i32
    %sub3A_1638 = vector.broadcast %sub3A_1637 : i32 to vector<16xi32>
    %sub3A_1639 = arith.subi %get3A_1636, %sub3A_1638 : vector<16xi32>
    %abs3A_1640 = math.absi %sub3A_1639 : vector<16xi32>
    %min3A_1641 = arith.constant 1 : i32
    %min3A_1642 = vector.broadcast %min3A_1641 : i32 to vector<16xi32>
    %min3A_1643 = arith.minsi %abs3A_1640, %min3A_1642 : vector<16xi32>
    %sub3A_1644 = arith.constant 1 : i32
    %sub3A_1645 = vector.broadcast %sub3A_1644 : i32 to vector<16xi32>
    %sub3A_1646 = arith.subi %iota3A, %sub3A_1645 : vector<16xi32>
    %max3A_1647 = arith.constant 0 : i32
    %max3A_1648 = vector.broadcast %max3A_1647 : i32 to vector<16xi32>
    %max3A_1649 = arith.maxsi %sub3A_1646, %max3A_1648 : vector<16xi32>
    %broadcast_in_dim3A_1650 = vector.shape_cast %max3A_1649 : vector<16xi32> to vector<16x1xi32>
    %gather3A_1651 = vector.shape_cast %broadcast_in_dim3A_1650 : vector<16x1xi32> to vector<16xi32>
    %gather3A_1652 = tpu.dynamic_gather %min3A_1643[%gather3A_1651] in [0] : vector<16xi32>, vector<16xi32> -> vector<16xi32>
    %sub3A_1653 = arith.constant 0 : i32
    %sub3A_1654 = vector.broadcast %sub3A_1653 : i32 to vector<16xi32>
    %sub3A_1655 = arith.subi %iota3A, %sub3A_1654 : vector<16xi32>
    %max3A_1656 = arith.constant 0 : i32
    %max3A_1657 = vector.broadcast %max3A_1656 : i32 to vector<16xi32>
    %max3A_1658 = arith.maxsi %sub3A_1655, %max3A_1657 : vector<16xi32>
    %min3A_1659 = arith.constant 1 : i32
    %min3A_1660 = vector.broadcast %min3A_1659 : i32 to vector<16xi32>
    %min3A_1661 = arith.minsi %max3A_1658, %min3A_1660 : vector<16xi32>
    %mul3A_1662 = arith.muli %gather3A_1652, %min3A_1661 : vector<16xi32>
    %add3A_1663 = arith.addi %min3A_1643, %mul3A_1662 : vector<16xi32>
    %sub3A_1664 = arith.constant 2 : i32
    %sub3A_1665 = vector.broadcast %sub3A_1664 : i32 to vector<16xi32>
    %sub3A_1666 = arith.subi %iota3A, %sub3A_1665 : vector<16xi32>
    %max3A_1667 = arith.constant 0 : i32
    %max3A_1668 = vector.broadcast %max3A_1667 : i32 to vector<16xi32>
    %max3A_1669 = arith.maxsi %sub3A_1666, %max3A_1668 : vector<16xi32>
    %broadcast_in_dim3A_1670 = vector.shape_cast %max3A_1669 : vector<16xi32> to vector<16x1xi32>
    %gather3A_1671 = vector.shape_cast %broadcast_in_dim3A_1670 : vector<16x1xi32> to vector<16xi32>
    %gather3A_1672 = tpu.dynamic_gather %add3A_1663[%gather3A_1671] in [0] : vector<16xi32>, vector<16xi32> -> vector<16xi32>
    %sub3A_1673 = arith.constant 1 : i32
    %sub3A_1674 = vector.broadcast %sub3A_1673 : i32 to vector<16xi32>
    %sub3A_1675 = arith.subi %iota3A, %sub3A_1674 : vector<16xi32>
    %max3A_1676 = arith.constant 0 : i32
    %max3A_1677 = vector.broadcast %max3A_1676 : i32 to vector<16xi32>
    %max3A_1678 = arith.maxsi %sub3A_1675, %max3A_1677 : vector<16xi32>
    %min3A_1679 = arith.constant 1 : i32
    %min3A_1680 = vector.broadcast %min3A_1679 : i32 to vector<16xi32>
    %min3A_1681 = arith.minsi %max3A_1678, %min3A_1680 : vector<16xi32>
    %mul3A_1682 = arith.muli %gather3A_1672, %min3A_1681 : vector<16xi32>
    %add3A_1683 = arith.addi %add3A_1663, %mul3A_1682 : vector<16xi32>
    %sub3A_1684 = arith.constant 4 : i32
    %sub3A_1685 = vector.broadcast %sub3A_1684 : i32 to vector<16xi32>
    %sub3A_1686 = arith.subi %iota3A, %sub3A_1685 : vector<16xi32>
    %max3A_1687 = arith.constant 0 : i32
    %max3A_1688 = vector.broadcast %max3A_1687 : i32 to vector<16xi32>
    %max3A_1689 = arith.maxsi %sub3A_1686, %max3A_1688 : vector<16xi32>
    %broadcast_in_dim3A_1690 = vector.shape_cast %max3A_1689 : vector<16xi32> to vector<16x1xi32>
    %gather3A_1691 = vector.shape_cast %broadcast_in_dim3A_1690 : vector<16x1xi32> to vector<16xi32>
    %gather3A_1692 = tpu.dynamic_gather %add3A_1683[%gather3A_1691] in [0] : vector<16xi32>, vector<16xi32> -> vector<16xi32>
    %sub3A_1693 = arith.constant 3 : i32
    %sub3A_1694 = vector.broadcast %sub3A_1693 : i32 to vector<16xi32>
    %sub3A_1695 = arith.subi %iota3A, %sub3A_1694 : vector<16xi32>
    %max3A_1696 = arith.constant 0 : i32
    %max3A_1697 = vector.broadcast %max3A_1696 : i32 to vector<16xi32>
    %max3A_1698 = arith.maxsi %sub3A_1695, %max3A_1697 : vector<16xi32>
    %min3A_1699 = arith.constant 1 : i32
    %min3A_1700 = vector.broadcast %min3A_1699 : i32 to vector<16xi32>
    %min3A_1701 = arith.minsi %max3A_1698, %min3A_1700 : vector<16xi32>
    %mul3A_1702 = arith.muli %gather3A_1692, %min3A_1701 : vector<16xi32>
    %add3A_1703 = arith.addi %add3A_1683, %mul3A_1702 : vector<16xi32>
    %sub3A_1704 = arith.constant 8 : i32
    %sub3A_1705 = vector.broadcast %sub3A_1704 : i32 to vector<16xi32>
    %sub3A_1706 = arith.subi %iota3A, %sub3A_1705 : vector<16xi32>
    %max3A_1707 = arith.constant 0 : i32
    %max3A_1708 = vector.broadcast %max3A_1707 : i32 to vector<16xi32>
    %max3A_1709 = arith.maxsi %sub3A_1706, %max3A_1708 : vector<16xi32>
    %broadcast_in_dim3A_1710 = vector.shape_cast %max3A_1709 : vector<16xi32> to vector<16x1xi32>
    %gather3A_1711 = vector.shape_cast %broadcast_in_dim3A_1710 : vector<16x1xi32> to vector<16xi32>
    %gather3A_1712 = tpu.dynamic_gather %add3A_1703[%gather3A_1711] in [0] : vector<16xi32>, vector<16xi32> -> vector<16xi32>
    %sub3A_1713 = arith.constant 7 : i32
    %sub3A_1714 = vector.broadcast %sub3A_1713 : i32 to vector<16xi32>
    %sub3A_1715 = arith.subi %iota3A, %sub3A_1714 : vector<16xi32>
    %max3A_1716 = arith.constant 0 : i32
    %max3A_1717 = vector.broadcast %max3A_1716 : i32 to vector<16xi32>
    %max3A_1718 = arith.maxsi %sub3A_1715, %max3A_1717 : vector<16xi32>
    %min3A_1719 = arith.constant 1 : i32
    %min3A_1720 = vector.broadcast %min3A_1719 : i32 to vector<16xi32>
    %min3A_1721 = arith.minsi %max3A_1718, %min3A_1720 : vector<16xi32>
    %mul3A_1722 = arith.muli %gather3A_1712, %min3A_1721 : vector<16xi32>
    %add3A_1723 = arith.addi %add3A_1703, %mul3A_1722 : vector<16xi32>
    %add3A_1724 = arith.addi %add3A_1633, %add3A_1723 : vector<16xi32>
    %mul3A_1725 = arith.muli %min3A_1643, %add3A_1724 : vector<16xi32>
    %add3A_1726 = arith.constant 1 : i32
    %add3A_1727 = vector.broadcast %add3A_1726 : i32 to vector<16xi32>
    %add3A_1728 = arith.addi %mul3A_1725, %add3A_1727 : vector<16xi32>
    %swap3A_1729 = arith.constant 192 : index
    %swap3A_1730 = tpu.vector_load %arg6[%swap3A_1729] {strides = array<i32>} : memref<528xi32, #tpu.memory_space<vmem>>, vector<16xi32>,
    %swap3A_1731 = vector.shape_cast %swap3A_1730 : vector<16xi32> to vector<16xi32>
    %swap3A_1732 = vector.shape_cast %add3A_1728 : vector<16xi32> to vector<16xi32>
    tpu.vector_store %arg6[%swap3A_1729], %swap3A_1732 {strides = array<i32>} : memref<528xi32, #tpu.memory_space<vmem>>, vector<16xi32>,
    %broadcast_in_dim3A_1733 = vector.shape_cast %broadcast_in_dim3A_3 : vector<16xi32> to vector<16x1xi32>
    %gather3A_1734 = vector.shape_cast %broadcast_in_dim3A_1733 : vector<16x1xi32> to vector<16xi32>
    %gather3A_1735 = tpu.dynamic_gather %add3A_1723[%gather3A_1734] in [0] : vector<16xi32>, vector<16xi32> -> vector<16xi32>
    %add3A_1736 = arith.addi %add3A_1633, %gather3A_1735 : vector<16xi32>
    %get3A_1737 = arith.constant 208 : index
    %get3A_1738 = tpu.vector_load %arg5[%get3A_1737] {strides = array<i32>} : memref<512xi32, #tpu.memory_space<vmem>>, vector<16xi32>,
    %get3A_1739 = vector.shape_cast %get3A_1738 : vector<16xi32> to vector<16xi32>
    %sub3A_1740 = arith.constant 1 : i32
    %sub3A_1741 = vector.broadcast %sub3A_1740 : i32 to vector<16xi32>
    %sub3A_1742 = arith.subi %get3A_1739, %sub3A_1741 : vector<16xi32>
    %abs3A_1743 = math.absi %sub3A_1742 : vector<16xi32>
    %min3A_1744 = arith.constant 1 : i32
    %min3A_1745 = vector.broadcast %min3A_1744 : i32 to vector<16xi32>
    %min3A_1746 = arith.minsi %abs3A_1743, %min3A_1745 : vector<16xi32>
    %sub3A_1747 = arith.constant 1 : i32
    %sub3A_1748 = vector.broadcast %sub3A_1747 : i32 to vector<16xi32>
    %sub3A_1749 = arith.subi %iota3A, %sub3A_1748 : vector<16xi32>
    %max3A_1750 = arith.constant 0 : i32
    %max3A_1751 = vector.broadcast %max3A_1750 : i32 to vector<16xi32>
    %max3A_1752 = arith.maxsi %sub3A_1749, %max3A_1751 : vector<16xi32>
    %broadcast_in_dim3A_1753 = vector.shape_cast %max3A_1752 : vector<16xi32> to vector<16x1xi32>
    %gather3A_1754 = vector.shape_cast %broadcast_in_dim3A_1753 : vector<16x1xi32> to vector<16xi32>
    %gather3A_1755 = tpu.dynamic_gather %min3A_1746[%gather3A_1754] in [0] : vector<16xi32>, vector<16xi32> -> vector<16xi32>
    %sub3A_1756 = arith.constant 0 : i32
    %sub3A_1757 = vector.broadcast %sub3A_1756 : i32 to vector<16xi32>
    %sub3A_1758 = arith.subi %iota3A, %sub3A_1757 : vector<16xi32>
    %max3A_1759 = arith.constant 0 : i32
    %max3A_1760 = vector.broadcast %max3A_1759 : i32 to vector<16xi32>
    %max3A_1761 = arith.maxsi %sub3A_1758, %max3A_1760 : vector<16xi32>
    %min3A_1762 = arith.constant 1 : i32
    %min3A_1763 = vector.broadcast %min3A_1762 : i32 to vector<16xi32>
    %min3A_1764 = arith.minsi %max3A_1761, %min3A_1763 : vector<16xi32>
    %mul3A_1765 = arith.muli %gather3A_1755, %min3A_1764 : vector<16xi32>
    %add3A_1766 = arith.addi %min3A_1746, %mul3A_1765 : vector<16xi32>
    %sub3A_1767 = arith.constant 2 : i32
    %sub3A_1768 = vector.broadcast %sub3A_1767 : i32 to vector<16xi32>
    %sub3A_1769 = arith.subi %iota3A, %sub3A_1768 : vector<16xi32>
    %max3A_1770 = arith.constant 0 : i32
    %max3A_1771 = vector.broadcast %max3A_1770 : i32 to vector<16xi32>
    %max3A_1772 = arith.maxsi %sub3A_1769, %max3A_1771 : vector<16xi32>
    %broadcast_in_dim3A_1773 = vector.shape_cast %max3A_1772 : vector<16xi32> to vector<16x1xi32>
    %gather3A_1774 = vector.shape_cast %broadcast_in_dim3A_1773 : vector<16x1xi32> to vector<16xi32>
    %gather3A_1775 = tpu.dynamic_gather %add3A_1766[%gather3A_1774] in [0] : vector<16xi32>, vector<16xi32> -> vector<16xi32>
    %sub3A_1776 = arith.constant 1 : i32
    %sub3A_1777 = vector.broadcast %sub3A_1776 : i32 to vector<16xi32>
    %sub3A_1778 = arith.subi %iota3A, %sub3A_1777 : vector<16xi32>
    %max3A_1779 = arith.constant 0 : i32
    %max3A_1780 = vector.broadcast %max3A_1779 : i32 to vector<16xi32>
    %max3A_1781 = arith.maxsi %sub3A_1778, %max3A_1780 : vector<16xi32>
    %min3A_1782 = arith.constant 1 : i32
    %min3A_1783 = vector.broadcast %min3A_1782 : i32 to vector<16xi32>
    %min3A_1784 = arith.minsi %max3A_1781, %min3A_1783 : vector<16xi32>
    %mul3A_1785 = arith.muli %gather3A_1775, %min3A_1784 : vector<16xi32>
    %add3A_1786 = arith.addi %add3A_1766, %mul3A_1785 : vector<16xi32>
    %sub3A_1787 = arith.constant 4 : i32
    %sub3A_1788 = vector.broadcast %sub3A_1787 : i32 to vector<16xi32>
    %sub3A_1789 = arith.subi %iota3A, %sub3A_1788 : vector<16xi32>
    %max3A_1790 = arith.constant 0 : i32
    %max3A_1791 = vector.broadcast %max3A_1790 : i32 to vector<16xi32>
    %max3A_1792 = arith.maxsi %sub3A_1789, %max3A_1791 : vector<16xi32>
    %broadcast_in_dim3A_1793 = vector.shape_cast %max3A_1792 : vector<16xi32> to vector<16x1xi32>
    %gather3A_1794 = vector.shape_cast %broadcast_in_dim3A_1793 : vector<16x1xi32> to vector<16xi32>
    %gather3A_1795 = tpu.dynamic_gather %add3A_1786[%gather3A_1794] in [0] : vector<16xi32>, vector<16xi32> -> vector<16xi32>
    %sub3A_1796 = arith.constant 3 : i32
    %sub3A_1797 = vector.broadcast %sub3A_1796 : i32 to vector<16xi32>
    %sub3A_1798 = arith.subi %iota3A, %sub3A_1797 : vector<16xi32>
    %max3A_1799 = arith.constant 0 : i32
    %max3A_1800 = vector.broadcast %max3A_1799 : i32 to vector<16xi32>
    %max3A_1801 = arith.maxsi %sub3A_1798, %max3A_1800 : vector<16xi32>
    %min3A_1802 = arith.constant 1 : i32
    %min3A_1803 = vector.broadcast %min3A_1802 : i32 to vector<16xi32>
    %min3A_1804 = arith.minsi %max3A_1801, %min3A_1803 : vector<16xi32>
    %mul3A_1805 = arith.muli %gather3A_1795, %min3A_1804 : vector<16xi32>
    %add3A_1806 = arith.addi %add3A_1786, %mul3A_1805 : vector<16xi32>
    %sub3A_1807 = arith.constant 8 : i32
    %sub3A_1808 = vector.broadcast %sub3A_1807 : i32 to vector<16xi32>
    %sub3A_1809 = arith.subi %iota3A, %sub3A_1808 : vector<16xi32>
    %max3A_1810 = arith.constant 0 : i32
    %max3A_1811 = vector.broadcast %max3A_1810 : i32 to vector<16xi32>
    %max3A_1812 = arith.maxsi %sub3A_1809, %max3A_1811 : vector<16xi32>
    %broadcast_in_dim3A_1813 = vector.shape_cast %max3A_1812 : vector<16xi32> to vector<16x1xi32>
    %gather3A_1814 = vector.shape_cast %broadcast_in_dim3A_1813 : vector<16x1xi32> to vector<16xi32>
    %gather3A_1815 = tpu.dynamic_gather %add3A_1806[%gather3A_1814] in [0] : vector<16xi32>, vector<16xi32> -> vector<16xi32>
    %sub3A_1816 = arith.constant 7 : i32
    %sub3A_1817 = vector.broadcast %sub3A_1816 : i32 to vector<16xi32>
    %sub3A_1818 = arith.subi %iota3A, %sub3A_1817 : vector<16xi32>
    %max3A_1819 = arith.constant 0 : i32
    %max3A_1820 = vector.broadcast %max3A_1819 : i32 to vector<16xi32>
    %max3A_1821 = arith.maxsi %sub3A_1818, %max3A_1820 : vector<16xi32>
    %min3A_1822 = arith.constant 1 : i32
    %min3A_1823 = vector.broadcast %min3A_1822 : i32 to vector<16xi32>
    %min3A_1824 = arith.minsi %max3A_1821, %min3A_1823 : vector<16xi32>
    %mul3A_1825 = arith.muli %gather3A_1815, %min3A_1824 : vector<16xi32>
    %add3A_1826 = arith.addi %add3A_1806, %mul3A_1825 : vector<16xi32>
    %add3A_1827 = arith.addi %add3A_1736, %add3A_1826 : vector<16xi32>
    %mul3A_1828 = arith.muli %min3A_1746, %add3A_1827 : vector<16xi32>
    %add3A_1829 = arith.constant 1 : i32
    %add3A_1830 = vector.broadcast %add3A_1829 : i32 to vector<16xi32>
    %add3A_1831 = arith.addi %mul3A_1828, %add3A_1830 : vector<16xi32>
    %swap3A_1832 = arith.constant 208 : index
    %swap3A_1833 = tpu.vector_load %arg6[%swap3A_1832] {strides = array<i32>} : memref<528xi32, #tpu.memory_space<vmem>>, vector<16xi32>,
    %swap3A_1834 = vector.shape_cast %swap3A_1833 : vector<16xi32> to vector<16xi32>
    %swap3A_1835 = vector.shape_cast %add3A_1831 : vector<16xi32> to vector<16xi32>
    tpu.vector_store %arg6[%swap3A_1832], %swap3A_1835 {strides = array<i32>} : memref<528xi32, #tpu.memory_space<vmem>>, vector<16xi32>,
    %broadcast_in_dim3A_1836 = vector.shape_cast %broadcast_in_dim3A_3 : vector<16xi32> to vector<16x1xi32>
    %gather3A_1837 = vector.shape_cast %broadcast_in_dim3A_1836 : vector<16x1xi32> to vector<16xi32>
    %gather3A_1838 = tpu.dynamic_gather %add3A_1826[%gather3A_1837] in [0] : vector<16xi32>, vector<16xi32> -> vector<16xi32>
    %add3A_1839 = arith.addi %add3A_1736, %gather3A_1838 : vector<16xi32>
    %get3A_1840 = arith.constant 224 : index
    %get3A_1841 = tpu.vector_load %arg5[%get3A_1840] {strides = array<i32>} : memref<512xi32, #tpu.memory_space<vmem>>, vector<16xi32>,
    %get3A_1842 = vector.shape_cast %get3A_1841 : vector<16xi32> to vector<16xi32>
    %sub3A_1843 = arith.constant 1 : i32
    %sub3A_1844 = vector.broadcast %sub3A_1843 : i32 to vector<16xi32>
    %sub3A_1845 = arith.subi %get3A_1842, %sub3A_1844 : vector<16xi32>
    %abs3A_1846 = math.absi %sub3A_1845 : vector<16xi32>
    %min3A_1847 = arith.constant 1 : i32
    %min3A_1848 = vector.broadcast %min3A_1847 : i32 to vector<16xi32>
    %min3A_1849 = arith.minsi %abs3A_1846, %min3A_1848 : vector<16xi32>
    %sub3A_1850 = arith.constant 1 : i32
    %sub3A_1851 = vector.broadcast %sub3A_1850 : i32 to vector<16xi32>
    %sub3A_1852 = arith.subi %iota3A, %sub3A_1851 : vector<16xi32>
    %max3A_1853 = arith.constant 0 : i32
    %max3A_1854 = vector.broadcast %max3A_1853 : i32 to vector<16xi32>
    %max3A_1855 = arith.maxsi %sub3A_1852, %max3A_1854 : vector<16xi32>
    %broadcast_in_dim3A_1856 = vector.shape_cast %max3A_1855 : vector<16xi32> to vector<16x1xi32>
    %gather3A_1857 = vector.shape_cast %broadcast_in_dim3A_1856 : vector<16x1xi32> to vector<16xi32>
    %gather3A_1858 = tpu.dynamic_gather %min3A_1849[%gather3A_1857] in [0] : vector<16xi32>, vector<16xi32> -> vector<16xi32>
    %sub3A_1859 = arith.constant 0 : i32
    %sub3A_1860 = vector.broadcast %sub3A_1859 : i32 to vector<16xi32>
    %sub3A_1861 = arith.subi %iota3A, %sub3A_1860 : vector<16xi32>
    %max3A_1862 = arith.constant 0 : i32
    %max3A_1863 = vector.broadcast %max3A_1862 : i32 to vector<16xi32>
    %max3A_1864 = arith.maxsi %sub3A_1861, %max3A_1863 : vector<16xi32>
    %min3A_1865 = arith.constant 1 : i32
    %min3A_1866 = vector.broadcast %min3A_1865 : i32 to vector<16xi32>
    %min3A_1867 = arith.minsi %max3A_1864, %min3A_1866 : vector<16xi32>
    %mul3A_1868 = arith.muli %gather3A_1858, %min3A_1867 : vector<16xi32>
    %add3A_1869 = arith.addi %min3A_1849, %mul3A_1868 : vector<16xi32>
    %sub3A_1870 = arith.constant 2 : i32
    %sub3A_1871 = vector.broadcast %sub3A_1870 : i32 to vector<16xi32>
    %sub3A_1872 = arith.subi %iota3A, %sub3A_1871 : vector<16xi32>
    %max3A_1873 = arith.constant 0 : i32
    %max3A_1874 = vector.broadcast %max3A_1873 : i32 to vector<16xi32>
    %max3A_1875 = arith.maxsi %sub3A_1872, %max3A_1874 : vector<16xi32>
    %broadcast_in_dim3A_1876 = vector.shape_cast %max3A_1875 : vector<16xi32> to vector<16x1xi32>
    %gather3A_1877 = vector.shape_cast %broadcast_in_dim3A_1876 : vector<16x1xi32> to vector<16xi32>
    %gather3A_1878 = tpu.dynamic_gather %add3A_1869[%gather3A_1877] in [0] : vector<16xi32>, vector<16xi32> -> vector<16xi32>
    %sub3A_1879 = arith.constant 1 : i32
    %sub3A_1880 = vector.broadcast %sub3A_1879 : i32 to vector<16xi32>
    %sub3A_1881 = arith.subi %iota3A, %sub3A_1880 : vector<16xi32>
    %max3A_1882 = arith.constant 0 : i32
    %max3A_1883 = vector.broadcast %max3A_1882 : i32 to vector<16xi32>
    %max3A_1884 = arith.maxsi %sub3A_1881, %max3A_1883 : vector<16xi32>
    %min3A_1885 = arith.constant 1 : i32
    %min3A_1886 = vector.broadcast %min3A_1885 : i32 to vector<16xi32>
    %min3A_1887 = arith.minsi %max3A_1884, %min3A_1886 : vector<16xi32>
    %mul3A_1888 = arith.muli %gather3A_1878, %min3A_1887 : vector<16xi32>
    %add3A_1889 = arith.addi %add3A_1869, %mul3A_1888 : vector<16xi32>
    %sub3A_1890 = arith.constant 4 : i32
    %sub3A_1891 = vector.broadcast %sub3A_1890 : i32 to vector<16xi32>
    %sub3A_1892 = arith.subi %iota3A, %sub3A_1891 : vector<16xi32>
    %max3A_1893 = arith.constant 0 : i32
    %max3A_1894 = vector.broadcast %max3A_1893 : i32 to vector<16xi32>
    %max3A_1895 = arith.maxsi %sub3A_1892, %max3A_1894 : vector<16xi32>
    %broadcast_in_dim3A_1896 = vector.shape_cast %max3A_1895 : vector<16xi32> to vector<16x1xi32>
    %gather3A_1897 = vector.shape_cast %broadcast_in_dim3A_1896 : vector<16x1xi32> to vector<16xi32>
    %gather3A_1898 = tpu.dynamic_gather %add3A_1889[%gather3A_1897] in [0] : vector<16xi32>, vector<16xi32> -> vector<16xi32>
    %sub3A_1899 = arith.constant 3 : i32
    %sub3A_1900 = vector.broadcast %sub3A_1899 : i32 to vector<16xi32>
    %sub3A_1901 = arith.subi %iota3A, %sub3A_1900 : vector<16xi32>
    %max3A_1902 = arith.constant 0 : i32
    %max3A_1903 = vector.broadcast %max3A_1902 : i32 to vector<16xi32>
    %max3A_1904 = arith.maxsi %sub3A_1901, %max3A_1903 : vector<16xi32>
    %min3A_1905 = arith.constant 1 : i32
    %min3A_1906 = vector.broadcast %min3A_1905 : i32 to vector<16xi32>
    %min3A_1907 = arith.minsi %max3A_1904, %min3A_1906 : vector<16xi32>
    %mul3A_1908 = arith.muli %gather3A_1898, %min3A_1907 : vector<16xi32>
    %add3A_1909 = arith.addi %add3A_1889, %mul3A_1908 : vector<16xi32>
    %sub3A_1910 = arith.constant 8 : i32
    %sub3A_1911 = vector.broadcast %sub3A_1910 : i32 to vector<16xi32>
    %sub3A_1912 = arith.subi %iota3A, %sub3A_1911 : vector<16xi32>
    %max3A_1913 = arith.constant 0 : i32
    %max3A_1914 = vector.broadcast %max3A_1913 : i32 to vector<16xi32>
    %max3A_1915 = arith.maxsi %sub3A_1912, %max3A_1914 : vector<16xi32>
    %broadcast_in_dim3A_1916 = vector.shape_cast %max3A_1915 : vector<16xi32> to vector<16x1xi32>
    %gather3A_1917 = vector.shape_cast %broadcast_in_dim3A_1916 : vector<16x1xi32> to vector<16xi32>
    %gather3A_1918 = tpu.dynamic_gather %add3A_1909[%gather3A_1917] in [0] : vector<16xi32>, vector<16xi32> -> vector<16xi32>
    %sub3A_1919 = arith.constant 7 : i32
    %sub3A_1920 = vector.broadcast %sub3A_1919 : i32 to vector<16xi32>
    %sub3A_1921 = arith.subi %iota3A, %sub3A_1920 : vector<16xi32>
    %max3A_1922 = arith.constant 0 : i32
    %max3A_1923 = vector.broadcast %max3A_1922 : i32 to vector<16xi32>
    %max3A_1924 = arith.maxsi %sub3A_1921, %max3A_1923 : vector<16xi32>
    %min3A_1925 = arith.constant 1 : i32
    %min3A_1926 = vector.broadcast %min3A_1925 : i32 to vector<16xi32>
    %min3A_1927 = arith.minsi %max3A_1924, %min3A_1926 : vector<16xi32>
    %mul3A_1928 = arith.muli %gather3A_1918, %min3A_1927 : vector<16xi32>
    %add3A_1929 = arith.addi %add3A_1909, %mul3A_1928 : vector<16xi32>
    %add3A_1930 = arith.addi %add3A_1839, %add3A_1929 : vector<16xi32>
    %mul3A_1931 = arith.muli %min3A_1849, %add3A_1930 : vector<16xi32>
    %add3A_1932 = arith.constant 1 : i32
    %add3A_1933 = vector.broadcast %add3A_1932 : i32 to vector<16xi32>
    %add3A_1934 = arith.addi %mul3A_1931, %add3A_1933 : vector<16xi32>
    %swap3A_1935 = arith.constant 224 : index
    %swap3A_1936 = tpu.vector_load %arg6[%swap3A_1935] {strides = array<i32>} : memref<528xi32, #tpu.memory_space<vmem>>, vector<16xi32>,
    %swap3A_1937 = vector.shape_cast %swap3A_1936 : vector<16xi32> to vector<16xi32>
    %swap3A_1938 = vector.shape_cast %add3A_1934 : vector<16xi32> to vector<16xi32>
    tpu.vector_store %arg6[%swap3A_1935], %swap3A_1938 {strides = array<i32>} : memref<528xi32, #tpu.memory_space<vmem>>, vector<16xi32>,
    %broadcast_in_dim3A_1939 = vector.shape_cast %broadcast_in_dim3A_3 : vector<16xi32> to vector<16x1xi32>
    %gather3A_1940 = vector.shape_cast %broadcast_in_dim3A_1939 : vector<16x1xi32> to vector<16xi32>
    %gather3A_1941 = tpu.dynamic_gather %add3A_1929[%gather3A_1940] in [0] : vector<16xi32>, vector<16xi32> -> vector<16xi32>
    %add3A_1942 = arith.addi %add3A_1839, %gather3A_1941 : vector<16xi32>
    %get3A_1943 = arith.constant 240 : index
    %get3A_1944 = tpu.vector_load %arg5[%get3A_1943] {strides = array<i32>} : memref<512xi32, #tpu.memory_space<vmem>>, vector<16xi32>,
    %get3A_1945 = vector.shape_cast %get3A_1944 : vector<16xi32> to vector<16xi32>
    %sub3A_1946 = arith.constant 1 : i32
    %sub3A_1947 = vector.broadcast %sub3A_1946 : i32 to vector<16xi32>
    %sub3A_1948 = arith.subi %get3A_1945, %sub3A_1947 : vector<16xi32>
    %abs3A_1949 = math.absi %sub3A_1948 : vector<16xi32>
    %min3A_1950 = arith.constant 1 : i32
    %min3A_1951 = vector.broadcast %min3A_1950 : i32 to vector<16xi32>
    %min3A_1952 = arith.minsi %abs3A_1949, %min3A_1951 : vector<16xi32>
    %sub3A_1953 = arith.constant 1 : i32
    %sub3A_1954 = vector.broadcast %sub3A_1953 : i32 to vector<16xi32>
    %sub3A_1955 = arith.subi %iota3A, %sub3A_1954 : vector<16xi32>
    %max3A_1956 = arith.constant 0 : i32
    %max3A_1957 = vector.broadcast %max3A_1956 : i32 to vector<16xi32>
    %max3A_1958 = arith.maxsi %sub3A_1955, %max3A_1957 : vector<16xi32>
    %broadcast_in_dim3A_1959 = vector.shape_cast %max3A_1958 : vector<16xi32> to vector<16x1xi32>
    %gather3A_1960 = vector.shape_cast %broadcast_in_dim3A_1959 : vector<16x1xi32> to vector<16xi32>
    %gather3A_1961 = tpu.dynamic_gather %min3A_1952[%gather3A_1960] in [0] : vector<16xi32>, vector<16xi32> -> vector<16xi32>
    %sub3A_1962 = arith.constant 0 : i32
    %sub3A_1963 = vector.broadcast %sub3A_1962 : i32 to vector<16xi32>
    %sub3A_1964 = arith.subi %iota3A, %sub3A_1963 : vector<16xi32>
    %max3A_1965 = arith.constant 0 : i32
    %max3A_1966 = vector.broadcast %max3A_1965 : i32 to vector<16xi32>
    %max3A_1967 = arith.maxsi %sub3A_1964, %max3A_1966 : vector<16xi32>
    %min3A_1968 = arith.constant 1 : i32
    %min3A_1969 = vector.broadcast %min3A_1968 : i32 to vector<16xi32>
    %min3A_1970 = arith.minsi %max3A_1967, %min3A_1969 : vector<16xi32>
    %mul3A_1971 = arith.muli %gather3A_1961, %min3A_1970 : vector<16xi32>
    %add3A_1972 = arith.addi %min3A_1952, %mul3A_1971 : vector<16xi32>
    %sub3A_1973 = arith.constant 2 : i32
    %sub3A_1974 = vector.broadcast %sub3A_1973 : i32 to vector<16xi32>
    %sub3A_1975 = arith.subi %iota3A, %sub3A_1974 : vector<16xi32>
    %max3A_1976 = arith.constant 0 : i32
    %max3A_1977 = vector.broadcast %max3A_1976 : i32 to vector<16xi32>
    %max3A_1978 = arith.maxsi %sub3A_1975, %max3A_1977 : vector<16xi32>
    %broadcast_in_dim3A_1979 = vector.shape_cast %max3A_1978 : vector<16xi32> to vector<16x1xi32>
    %gather3A_1980 = vector.shape_cast %broadcast_in_dim3A_1979 : vector<16x1xi32> to vector<16xi32>
    %gather3A_1981 = tpu.dynamic_gather %add3A_1972[%gather3A_1980] in [0] : vector<16xi32>, vector<16xi32> -> vector<16xi32>
    %sub3A_1982 = arith.constant 1 : i32
    %sub3A_1983 = vector.broadcast %sub3A_1982 : i32 to vector<16xi32>
    %sub3A_1984 = arith.subi %iota3A, %sub3A_1983 : vector<16xi32>
    %max3A_1985 = arith.constant 0 : i32
    %max3A_1986 = vector.broadcast %max3A_1985 : i32 to vector<16xi32>
    %max3A_1987 = arith.maxsi %sub3A_1984, %max3A_1986 : vector<16xi32>
    %min3A_1988 = arith.constant 1 : i32
    %min3A_1989 = vector.broadcast %min3A_1988 : i32 to vector<16xi32>
    %min3A_1990 = arith.minsi %max3A_1987, %min3A_1989 : vector<16xi32>
    %mul3A_1991 = arith.muli %gather3A_1981, %min3A_1990 : vector<16xi32>
    %add3A_1992 = arith.addi %add3A_1972, %mul3A_1991 : vector<16xi32>
    %sub3A_1993 = arith.constant 4 : i32
    %sub3A_1994 = vector.broadcast %sub3A_1993 : i32 to vector<16xi32>
    %sub3A_1995 = arith.subi %iota3A, %sub3A_1994 : vector<16xi32>
    %max3A_1996 = arith.constant 0 : i32
    %max3A_1997 = vector.broadcast %max3A_1996 : i32 to vector<16xi32>
    %max3A_1998 = arith.maxsi %sub3A_1995, %max3A_1997 : vector<16xi32>
    %broadcast_in_dim3A_1999 = vector.shape_cast %max3A_1998 : vector<16xi32> to vector<16x1xi32>
    %gather3A_2000 = vector.shape_cast %broadcast_in_dim3A_1999 : vector<16x1xi32> to vector<16xi32>
    %gather3A_2001 = tpu.dynamic_gather %add3A_1992[%gather3A_2000] in [0] : vector<16xi32>, vector<16xi32> -> vector<16xi32>
    %sub3A_2002 = arith.constant 3 : i32
    %sub3A_2003 = vector.broadcast %sub3A_2002 : i32 to vector<16xi32>
    %sub3A_2004 = arith.subi %iota3A, %sub3A_2003 : vector<16xi32>
    %max3A_2005 = arith.constant 0 : i32
    %max3A_2006 = vector.broadcast %max3A_2005 : i32 to vector<16xi32>
    %max3A_2007 = arith.maxsi %sub3A_2004, %max3A_2006 : vector<16xi32>
    %min3A_2008 = arith.constant 1 : i32
    %min3A_2009 = vector.broadcast %min3A_2008 : i32 to vector<16xi32>
    %min3A_2010 = arith.minsi %max3A_2007, %min3A_2009 : vector<16xi32>
    %mul3A_2011 = arith.muli %gather3A_2001, %min3A_2010 : vector<16xi32>
    %add3A_2012 = arith.addi %add3A_1992, %mul3A_2011 : vector<16xi32>
    %sub3A_2013 = arith.constant 8 : i32
    %sub3A_2014 = vector.broadcast %sub3A_2013 : i32 to vector<16xi32>
    %sub3A_2015 = arith.subi %iota3A, %sub3A_2014 : vector<16xi32>
    %max3A_2016 = arith.constant 0 : i32
    %max3A_2017 = vector.broadcast %max3A_2016 : i32 to vector<16xi32>
    %max3A_2018 = arith.maxsi %sub3A_2015, %max3A_2017 : vector<16xi32>
    %broadcast_in_dim3A_2019 = vector.shape_cast %max3A_2018 : vector<16xi32> to vector<16x1xi32>
    %gather3A_2020 = vector.shape_cast %broadcast_in_dim3A_2019 : vector<16x1xi32> to vector<16xi32>
    %gather3A_2021 = tpu.dynamic_gather %add3A_2012[%gather3A_2020] in [0] : vector<16xi32>, vector<16xi32> -> vector<16xi32>
    %sub3A_2022 = arith.constant 7 : i32
    %sub3A_2023 = vector.broadcast %sub3A_2022 : i32 to vector<16xi32>
    %sub3A_2024 = arith.subi %iota3A, %sub3A_2023 : vector<16xi32>
    %max3A_2025 = arith.constant 0 : i32
    %max3A_2026 = vector.broadcast %max3A_2025 : i32 to vector<16xi32>
    %max3A_2027 = arith.maxsi %sub3A_2024, %max3A_2026 : vector<16xi32>
    %min3A_2028 = arith.constant 1 : i32
    %min3A_2029 = vector.broadcast %min3A_2028 : i32 to vector<16xi32>
    %min3A_2030 = arith.minsi %max3A_2027, %min3A_2029 : vector<16xi32>
    %mul3A_2031 = arith.muli %gather3A_2021, %min3A_2030 : vector<16xi32>
    %add3A_2032 = arith.addi %add3A_2012, %mul3A_2031 : vector<16xi32>
    %add3A_2033 = arith.addi %add3A_1942, %add3A_2032 : vector<16xi32>
    %mul3A_2034 = arith.muli %min3A_1952, %add3A_2033 : vector<16xi32>
    %add3A_2035 = arith.constant 1 : i32
    %add3A_2036 = vector.broadcast %add3A_2035 : i32 to vector<16xi32>
    %add3A_2037 = arith.addi %mul3A_2034, %add3A_2036 : vector<16xi32>
    %swap3A_2038 = arith.constant 240 : index
    %swap3A_2039 = tpu.vector_load %arg6[%swap3A_2038] {strides = array<i32>} : memref<528xi32, #tpu.memory_space<vmem>>, vector<16xi32>,
    %swap3A_2040 = vector.shape_cast %swap3A_2039 : vector<16xi32> to vector<16xi32>
    %swap3A_2041 = vector.shape_cast %add3A_2037 : vector<16xi32> to vector<16xi32>
    tpu.vector_store %arg6[%swap3A_2038], %swap3A_2041 {strides = array<i32>} : memref<528xi32, #tpu.memory_space<vmem>>, vector<16xi32>,
    %broadcast_in_dim3A_2042 = vector.shape_cast %broadcast_in_dim3A_3 : vector<16xi32> to vector<16x1xi32>
    %gather3A_2043 = vector.shape_cast %broadcast_in_dim3A_2042 : vector<16x1xi32> to vector<16xi32>
    %gather3A_2044 = tpu.dynamic_gather %add3A_2032[%gather3A_2043] in [0] : vector<16xi32>, vector<16xi32> -> vector<16xi32>
    %add3A_2045 = arith.addi %add3A_1942, %gather3A_2044 : vector<16xi32>
    %get3A_2046 = arith.constant 256 : index
    %get3A_2047 = tpu.vector_load %arg5[%get3A_2046] {strides = array<i32>} : memref<512xi32, #tpu.memory_space<vmem>>, vector<16xi32>,
    %get3A_2048 = vector.shape_cast %get3A_2047 : vector<16xi32> to vector<16xi32>
    %sub3A_2049 = arith.constant 1 : i32
    %sub3A_2050 = vector.broadcast %sub3A_2049 : i32 to vector<16xi32>
    %sub3A_2051 = arith.subi %get3A_2048, %sub3A_2050 : vector<16xi32>
    %abs3A_2052 = math.absi %sub3A_2051 : vector<16xi32>
    %min3A_2053 = arith.constant 1 : i32
    %min3A_2054 = vector.broadcast %min3A_2053 : i32 to vector<16xi32>
    %min3A_2055 = arith.minsi %abs3A_2052, %min3A_2054 : vector<16xi32>
    %sub3A_2056 = arith.constant 1 : i32
    %sub3A_2057 = vector.broadcast %sub3A_2056 : i32 to vector<16xi32>
    %sub3A_2058 = arith.subi %iota3A, %sub3A_2057 : vector<16xi32>
    %max3A_2059 = arith.constant 0 : i32
    %max3A_2060 = vector.broadcast %max3A_2059 : i32 to vector<16xi32>
    %max3A_2061 = arith.maxsi %sub3A_2058, %max3A_2060 : vector<16xi32>
    %broadcast_in_dim3A_2062 = vector.shape_cast %max3A_2061 : vector<16xi32> to vector<16x1xi32>
    %gather3A_2063 = vector.shape_cast %broadcast_in_dim3A_2062 : vector<16x1xi32> to vector<16xi32>
    %gather3A_2064 = tpu.dynamic_gather %min3A_2055[%gather3A_2063] in [0] : vector<16xi32>, vector<16xi32> -> vector<16xi32>
    %sub3A_2065 = arith.constant 0 : i32
    %sub3A_2066 = vector.broadcast %sub3A_2065 : i32 to vector<16xi32>
    %sub3A_2067 = arith.subi %iota3A, %sub3A_2066 : vector<16xi32>
    %max3A_2068 = arith.constant 0 : i32
    %max3A_2069 = vector.broadcast %max3A_2068 : i32 to vector<16xi32>
    %max3A_2070 = arith.maxsi %sub3A_2067, %max3A_2069 : vector<16xi32>
    %min3A_2071 = arith.constant 1 : i32
    %min3A_2072 = vector.broadcast %min3A_2071 : i32 to vector<16xi32>
    %min3A_2073 = arith.minsi %max3A_2070, %min3A_2072 : vector<16xi32>
    %mul3A_2074 = arith.muli %gather3A_2064, %min3A_2073 : vector<16xi32>
    %add3A_2075 = arith.addi %min3A_2055, %mul3A_2074 : vector<16xi32>
    %sub3A_2076 = arith.constant 2 : i32
    %sub3A_2077 = vector.broadcast %sub3A_2076 : i32 to vector<16xi32>
    %sub3A_2078 = arith.subi %iota3A, %sub3A_2077 : vector<16xi32>
    %max3A_2079 = arith.constant 0 : i32
    %max3A_2080 = vector.broadcast %max3A_2079 : i32 to vector<16xi32>
    %max3A_2081 = arith.maxsi %sub3A_2078, %max3A_2080 : vector<16xi32>
    %broadcast_in_dim3A_2082 = vector.shape_cast %max3A_2081 : vector<16xi32> to vector<16x1xi32>
    %gather3A_2083 = vector.shape_cast %broadcast_in_dim3A_2082 : vector<16x1xi32> to vector<16xi32>
    %gather3A_2084 = tpu.dynamic_gather %add3A_2075[%gather3A_2083] in [0] : vector<16xi32>, vector<16xi32> -> vector<16xi32>
    %sub3A_2085 = arith.constant 1 : i32
    %sub3A_2086 = vector.broadcast %sub3A_2085 : i32 to vector<16xi32>
    %sub3A_2087 = arith.subi %iota3A, %sub3A_2086 : vector<16xi32>
    %max3A_2088 = arith.constant 0 : i32
    %max3A_2089 = vector.broadcast %max3A_2088 : i32 to vector<16xi32>
    %max3A_2090 = arith.maxsi %sub3A_2087, %max3A_2089 : vector<16xi32>
    %min3A_2091 = arith.constant 1 : i32
    %min3A_2092 = vector.broadcast %min3A_2091 : i32 to vector<16xi32>
    %min3A_2093 = arith.minsi %max3A_2090, %min3A_2092 : vector<16xi32>
    %mul3A_2094 = arith.muli %gather3A_2084, %min3A_2093 : vector<16xi32>
    %add3A_2095 = arith.addi %add3A_2075, %mul3A_2094 : vector<16xi32>
    %sub3A_2096 = arith.constant 4 : i32
    %sub3A_2097 = vector.broadcast %sub3A_2096 : i32 to vector<16xi32>
    %sub3A_2098 = arith.subi %iota3A, %sub3A_2097 : vector<16xi32>
    %max3A_2099 = arith.constant 0 : i32
    %max3A_2100 = vector.broadcast %max3A_2099 : i32 to vector<16xi32>
    %max3A_2101 = arith.maxsi %sub3A_2098, %max3A_2100 : vector<16xi32>
    %broadcast_in_dim3A_2102 = vector.shape_cast %max3A_2101 : vector<16xi32> to vector<16x1xi32>
    %gather3A_2103 = vector.shape_cast %broadcast_in_dim3A_2102 : vector<16x1xi32> to vector<16xi32>
    %gather3A_2104 = tpu.dynamic_gather %add3A_2095[%gather3A_2103] in [0] : vector<16xi32>, vector<16xi32> -> vector<16xi32>
    %sub3A_2105 = arith.constant 3 : i32
    %sub3A_2106 = vector.broadcast %sub3A_2105 : i32 to vector<16xi32>
    %sub3A_2107 = arith.subi %iota3A, %sub3A_2106 : vector<16xi32>
    %max3A_2108 = arith.constant 0 : i32
    %max3A_2109 = vector.broadcast %max3A_2108 : i32 to vector<16xi32>
    %max3A_2110 = arith.maxsi %sub3A_2107, %max3A_2109 : vector<16xi32>
    %min3A_2111 = arith.constant 1 : i32
    %min3A_2112 = vector.broadcast %min3A_2111 : i32 to vector<16xi32>
    %min3A_2113 = arith.minsi %max3A_2110, %min3A_2112 : vector<16xi32>
    %mul3A_2114 = arith.muli %gather3A_2104, %min3A_2113 : vector<16xi32>
    %add3A_2115 = arith.addi %add3A_2095, %mul3A_2114 : vector<16xi32>
    %sub3A_2116 = arith.constant 8 : i32
    %sub3A_2117 = vector.broadcast %sub3A_2116 : i32 to vector<16xi32>
    %sub3A_2118 = arith.subi %iota3A, %sub3A_2117 : vector<16xi32>
    %max3A_2119 = arith.constant 0 : i32
    %max3A_2120 = vector.broadcast %max3A_2119 : i32 to vector<16xi32>
    %max3A_2121 = arith.maxsi %sub3A_2118, %max3A_2120 : vector<16xi32>
    %broadcast_in_dim3A_2122 = vector.shape_cast %max3A_2121 : vector<16xi32> to vector<16x1xi32>
    %gather3A_2123 = vector.shape_cast %broadcast_in_dim3A_2122 : vector<16x1xi32> to vector<16xi32>
    %gather3A_2124 = tpu.dynamic_gather %add3A_2115[%gather3A_2123] in [0] : vector<16xi32>, vector<16xi32> -> vector<16xi32>
    %sub3A_2125 = arith.constant 7 : i32
    %sub3A_2126 = vector.broadcast %sub3A_2125 : i32 to vector<16xi32>
    %sub3A_2127 = arith.subi %iota3A, %sub3A_2126 : vector<16xi32>
    %max3A_2128 = arith.constant 0 : i32
    %max3A_2129 = vector.broadcast %max3A_2128 : i32 to vector<16xi32>
    %max3A_2130 = arith.maxsi %sub3A_2127, %max3A_2129 : vector<16xi32>
    %min3A_2131 = arith.constant 1 : i32
    %min3A_2132 = vector.broadcast %min3A_2131 : i32 to vector<16xi32>
    %min3A_2133 = arith.minsi %max3A_2130, %min3A_2132 : vector<16xi32>
    %mul3A_2134 = arith.muli %gather3A_2124, %min3A_2133 : vector<16xi32>
    %add3A_2135 = arith.addi %add3A_2115, %mul3A_2134 : vector<16xi32>
    %add3A_2136 = arith.addi %add3A_2045, %add3A_2135 : vector<16xi32>
    %mul3A_2137 = arith.muli %min3A_2055, %add3A_2136 : vector<16xi32>
    %add3A_2138 = arith.constant 1 : i32
    %add3A_2139 = vector.broadcast %add3A_2138 : i32 to vector<16xi32>
    %add3A_2140 = arith.addi %mul3A_2137, %add3A_2139 : vector<16xi32>
    %swap3A_2141 = arith.constant 256 : index
    %swap3A_2142 = tpu.vector_load %arg6[%swap3A_2141] {strides = array<i32>} : memref<528xi32, #tpu.memory_space<vmem>>, vector<16xi32>,
    %swap3A_2143 = vector.shape_cast %swap3A_2142 : vector<16xi32> to vector<16xi32>
    %swap3A_2144 = vector.shape_cast %add3A_2140 : vector<16xi32> to vector<16xi32>
    tpu.vector_store %arg6[%swap3A_2141], %swap3A_2144 {strides = array<i32>} : memref<528xi32, #tpu.memory_space<vmem>>, vector<16xi32>,
    %broadcast_in_dim3A_2145 = vector.shape_cast %broadcast_in_dim3A_3 : vector<16xi32> to vector<16x1xi32>
    %gather3A_2146 = vector.shape_cast %broadcast_in_dim3A_2145 : vector<16x1xi32> to vector<16xi32>
    %gather3A_2147 = tpu.dynamic_gather %add3A_2135[%gather3A_2146] in [0] : vector<16xi32>, vector<16xi32> -> vector<16xi32>
    %add3A_2148 = arith.addi %add3A_2045, %gather3A_2147 : vector<16xi32>
    %get3A_2149 = arith.constant 272 : index
    %get3A_2150 = tpu.vector_load %arg5[%get3A_2149] {strides = array<i32>} : memref<512xi32, #tpu.memory_space<vmem>>, vector<16xi32>,
    %get3A_2151 = vector.shape_cast %get3A_2150 : vector<16xi32> to vector<16xi32>
    %sub3A_2152 = arith.constant 1 : i32
    %sub3A_2153 = vector.broadcast %sub3A_2152 : i32 to vector<16xi32>
    %sub3A_2154 = arith.subi %get3A_2151, %sub3A_2153 : vector<16xi32>
    %abs3A_2155 = math.absi %sub3A_2154 : vector<16xi32>
    %min3A_2156 = arith.constant 1 : i32
    %min3A_2157 = vector.broadcast %min3A_2156 : i32 to vector<16xi32>
    %min3A_2158 = arith.minsi %abs3A_2155, %min3A_2157 : vector<16xi32>
    %sub3A_2159 = arith.constant 1 : i32
    %sub3A_2160 = vector.broadcast %sub3A_2159 : i32 to vector<16xi32>
    %sub3A_2161 = arith.subi %iota3A, %sub3A_2160 : vector<16xi32>
    %max3A_2162 = arith.constant 0 : i32
    %max3A_2163 = vector.broadcast %max3A_2162 : i32 to vector<16xi32>
    %max3A_2164 = arith.maxsi %sub3A_2161, %max3A_2163 : vector<16xi32>
    %broadcast_in_dim3A_2165 = vector.shape_cast %max3A_2164 : vector<16xi32> to vector<16x1xi32>
    %gather3A_2166 = vector.shape_cast %broadcast_in_dim3A_2165 : vector<16x1xi32> to vector<16xi32>
    %gather3A_2167 = tpu.dynamic_gather %min3A_2158[%gather3A_2166] in [0] : vector<16xi32>, vector<16xi32> -> vector<16xi32>
    %sub3A_2168 = arith.constant 0 : i32
    %sub3A_2169 = vector.broadcast %sub3A_2168 : i32 to vector<16xi32>
    %sub3A_2170 = arith.subi %iota3A, %sub3A_2169 : vector<16xi32>
    %max3A_2171 = arith.constant 0 : i32
    %max3A_2172 = vector.broadcast %max3A_2171 : i32 to vector<16xi32>
    %max3A_2173 = arith.maxsi %sub3A_2170, %max3A_2172 : vector<16xi32>
    %min3A_2174 = arith.constant 1 : i32
    %min3A_2175 = vector.broadcast %min3A_2174 : i32 to vector<16xi32>
    %min3A_2176 = arith.minsi %max3A_2173, %min3A_2175 : vector<16xi32>
    %mul3A_2177 = arith.muli %gather3A_2167, %min3A_2176 : vector<16xi32>
    %add3A_2178 = arith.addi %min3A_2158, %mul3A_2177 : vector<16xi32>
    %sub3A_2179 = arith.constant 2 : i32
    %sub3A_2180 = vector.broadcast %sub3A_2179 : i32 to vector<16xi32>
    %sub3A_2181 = arith.subi %iota3A, %sub3A_2180 : vector<16xi32>
    %max3A_2182 = arith.constant 0 : i32
    %max3A_2183 = vector.broadcast %max3A_2182 : i32 to vector<16xi32>
    %max3A_2184 = arith.maxsi %sub3A_2181, %max3A_2183 : vector<16xi32>
    %broadcast_in_dim3A_2185 = vector.shape_cast %max3A_2184 : vector<16xi32> to vector<16x1xi32>
    %gather3A_2186 = vector.shape_cast %broadcast_in_dim3A_2185 : vector<16x1xi32> to vector<16xi32>
    %gather3A_2187 = tpu.dynamic_gather %add3A_2178[%gather3A_2186] in [0] : vector<16xi32>, vector<16xi32> -> vector<16xi32>
    %sub3A_2188 = arith.constant 1 : i32
    %sub3A_2189 = vector.broadcast %sub3A_2188 : i32 to vector<16xi32>
    %sub3A_2190 = arith.subi %iota3A, %sub3A_2189 : vector<16xi32>
    %max3A_2191 = arith.constant 0 : i32
    %max3A_2192 = vector.broadcast %max3A_2191 : i32 to vector<16xi32>
    %max3A_2193 = arith.maxsi %sub3A_2190, %max3A_2192 : vector<16xi32>
    %min3A_2194 = arith.constant 1 : i32
    %min3A_2195 = vector.broadcast %min3A_2194 : i32 to vector<16xi32>
    %min3A_2196 = arith.minsi %max3A_2193, %min3A_2195 : vector<16xi32>
    %mul3A_2197 = arith.muli %gather3A_2187, %min3A_2196 : vector<16xi32>
    %add3A_2198 = arith.addi %add3A_2178, %mul3A_2197 : vector<16xi32>
    %sub3A_2199 = arith.constant 4 : i32
    %sub3A_2200 = vector.broadcast %sub3A_2199 : i32 to vector<16xi32>
    %sub3A_2201 = arith.subi %iota3A, %sub3A_2200 : vector<16xi32>
    %max3A_2202 = arith.constant 0 : i32
    %max3A_2203 = vector.broadcast %max3A_2202 : i32 to vector<16xi32>
    %max3A_2204 = arith.maxsi %sub3A_2201, %max3A_2203 : vector<16xi32>
    %broadcast_in_dim3A_2205 = vector.shape_cast %max3A_2204 : vector<16xi32> to vector<16x1xi32>
    %gather3A_2206 = vector.shape_cast %broadcast_in_dim3A_2205 : vector<16x1xi32> to vector<16xi32>
    %gather3A_2207 = tpu.dynamic_gather %add3A_2198[%gather3A_2206] in [0] : vector<16xi32>, vector<16xi32> -> vector<16xi32>
    %sub3A_2208 = arith.constant 3 : i32
    %sub3A_2209 = vector.broadcast %sub3A_2208 : i32 to vector<16xi32>
    %sub3A_2210 = arith.subi %iota3A, %sub3A_2209 : vector<16xi32>
    %max3A_2211 = arith.constant 0 : i32
    %max3A_2212 = vector.broadcast %max3A_2211 : i32 to vector<16xi32>
    %max3A_2213 = arith.maxsi %sub3A_2210, %max3A_2212 : vector<16xi32>
    %min3A_2214 = arith.constant 1 : i32
    %min3A_2215 = vector.broadcast %min3A_2214 : i32 to vector<16xi32>
    %min3A_2216 = arith.minsi %max3A_2213, %min3A_2215 : vector<16xi32>
    %mul3A_2217 = arith.muli %gather3A_2207, %min3A_2216 : vector<16xi32>
    %add3A_2218 = arith.addi %add3A_2198, %mul3A_2217 : vector<16xi32>
    %sub3A_2219 = arith.constant 8 : i32
    %sub3A_2220 = vector.broadcast %sub3A_2219 : i32 to vector<16xi32>
    %sub3A_2221 = arith.subi %iota3A, %sub3A_2220 : vector<16xi32>
    %max3A_2222 = arith.constant 0 : i32
    %max3A_2223 = vector.broadcast %max3A_2222 : i32 to vector<16xi32>
    %max3A_2224 = arith.maxsi %sub3A_2221, %max3A_2223 : vector<16xi32>
    %broadcast_in_dim3A_2225 = vector.shape_cast %max3A_2224 : vector<16xi32> to vector<16x1xi32>
    %gather3A_2226 = vector.shape_cast %broadcast_in_dim3A_2225 : vector<16x1xi32> to vector<16xi32>
    %gather3A_2227 = tpu.dynamic_gather %add3A_2218[%gather3A_2226] in [0] : vector<16xi32>, vector<16xi32> -> vector<16xi32>
    %sub3A_2228 = arith.constant 7 : i32
    %sub3A_2229 = vector.broadcast %sub3A_2228 : i32 to vector<16xi32>
    %sub3A_2230 = arith.subi %iota3A, %sub3A_2229 : vector<16xi32>
    %max3A_2231 = arith.constant 0 : i32
    %max3A_2232 = vector.broadcast %max3A_2231 : i32 to vector<16xi32>
    %max3A_2233 = arith.maxsi %sub3A_2230, %max3A_2232 : vector<16xi32>
    %min3A_2234 = arith.constant 1 : i32
    %min3A_2235 = vector.broadcast %min3A_2234 : i32 to vector<16xi32>
    %min3A_2236 = arith.minsi %max3A_2233, %min3A_2235 : vector<16xi32>
    %mul3A_2237 = arith.muli %gather3A_2227, %min3A_2236 : vector<16xi32>
    %add3A_2238 = arith.addi %add3A_2218, %mul3A_2237 : vector<16xi32>
    %add3A_2239 = arith.addi %add3A_2148, %add3A_2238 : vector<16xi32>
    %mul3A_2240 = arith.muli %min3A_2158, %add3A_2239 : vector<16xi32>
    %add3A_2241 = arith.constant 1 : i32
    %add3A_2242 = vector.broadcast %add3A_2241 : i32 to vector<16xi32>
    %add3A_2243 = arith.addi %mul3A_2240, %add3A_2242 : vector<16xi32>
    %swap3A_2244 = arith.constant 272 : index
    %swap3A_2245 = tpu.vector_load %arg6[%swap3A_2244] {strides = array<i32>} : memref<528xi32, #tpu.memory_space<vmem>>, vector<16xi32>,
    %swap3A_2246 = vector.shape_cast %swap3A_2245 : vector<16xi32> to vector<16xi32>
    %swap3A_2247 = vector.shape_cast %add3A_2243 : vector<16xi32> to vector<16xi32>
    tpu.vector_store %arg6[%swap3A_2244], %swap3A_2247 {strides = array<i32>} : memref<528xi32, #tpu.memory_space<vmem>>, vector<16xi32>,
    %broadcast_in_dim3A_2248 = vector.shape_cast %broadcast_in_dim3A_3 : vector<16xi32> to vector<16x1xi32>
    %gather3A_2249 = vector.shape_cast %broadcast_in_dim3A_2248 : vector<16x1xi32> to vector<16xi32>
    %gather3A_2250 = tpu.dynamic_gather %add3A_2238[%gather3A_2249] in [0] : vector<16xi32>, vector<16xi32> -> vector<16xi32>
    %add3A_2251 = arith.addi %add3A_2148, %gather3A_2250 : vector<16xi32>
    %get3A_2252 = arith.constant 288 : index
    %get3A_2253 = tpu.vector_load %arg5[%get3A_2252] {strides = array<i32>} : memref<512xi32, #tpu.memory_space<vmem>>, vector<16xi32>,
    %get3A_2254 = vector.shape_cast %get3A_2253 : vector<16xi32> to vector<16xi32>
    %sub3A_2255 = arith.constant 1 : i32
    %sub3A_2256 = vector.broadcast %sub3A_2255 : i32 to vector<16xi32>
    %sub3A_2257 = arith.subi %get3A_2254, %sub3A_2256 : vector<16xi32>
    %abs3A_2258 = math.absi %sub3A_2257 : vector<16xi32>
    %min3A_2259 = arith.constant 1 : i32
    %min3A_2260 = vector.broadcast %min3A_2259 : i32 to vector<16xi32>
    %min3A_2261 = arith.minsi %abs3A_2258, %min3A_2260 : vector<16xi32>
    %sub3A_2262 = arith.constant 1 : i32
    %sub3A_2263 = vector.broadcast %sub3A_2262 : i32 to vector<16xi32>
    %sub3A_2264 = arith.subi %iota3A, %sub3A_2263 : vector<16xi32>
    %max3A_2265 = arith.constant 0 : i32
    %max3A_2266 = vector.broadcast %max3A_2265 : i32 to vector<16xi32>
    %max3A_2267 = arith.maxsi %sub3A_2264, %max3A_2266 : vector<16xi32>
    %broadcast_in_dim3A_2268 = vector.shape_cast %max3A_2267 : vector<16xi32> to vector<16x1xi32>
    %gather3A_2269 = vector.shape_cast %broadcast_in_dim3A_2268 : vector<16x1xi32> to vector<16xi32>
    %gather3A_2270 = tpu.dynamic_gather %min3A_2261[%gather3A_2269] in [0] : vector<16xi32>, vector<16xi32> -> vector<16xi32>
    %sub3A_2271 = arith.constant 0 : i32
    %sub3A_2272 = vector.broadcast %sub3A_2271 : i32 to vector<16xi32>
    %sub3A_2273 = arith.subi %iota3A, %sub3A_2272 : vector<16xi32>
    %max3A_2274 = arith.constant 0 : i32
    %max3A_2275 = vector.broadcast %max3A_2274 : i32 to vector<16xi32>
    %max3A_2276 = arith.maxsi %sub3A_2273, %max3A_2275 : vector<16xi32>
    %min3A_2277 = arith.constant 1 : i32
    %min3A_2278 = vector.broadcast %min3A_2277 : i32 to vector<16xi32>
    %min3A_2279 = arith.minsi %max3A_2276, %min3A_2278 : vector<16xi32>
    %mul3A_2280 = arith.muli %gather3A_2270, %min3A_2279 : vector<16xi32>
    %add3A_2281 = arith.addi %min3A_2261, %mul3A_2280 : vector<16xi32>
    %sub3A_2282 = arith.constant 2 : i32
    %sub3A_2283 = vector.broadcast %sub3A_2282 : i32 to vector<16xi32>
    %sub3A_2284 = arith.subi %iota3A, %sub3A_2283 : vector<16xi32>
    %max3A_2285 = arith.constant 0 : i32
    %max3A_2286 = vector.broadcast %max3A_2285 : i32 to vector<16xi32>
    %max3A_2287 = arith.maxsi %sub3A_2284, %max3A_2286 : vector<16xi32>
    %broadcast_in_dim3A_2288 = vector.shape_cast %max3A_2287 : vector<16xi32> to vector<16x1xi32>
    %gather3A_2289 = vector.shape_cast %broadcast_in_dim3A_2288 : vector<16x1xi32> to vector<16xi32>
    %gather3A_2290 = tpu.dynamic_gather %add3A_2281[%gather3A_2289] in [0] : vector<16xi32>, vector<16xi32> -> vector<16xi32>
    %sub3A_2291 = arith.constant 1 : i32
    %sub3A_2292 = vector.broadcast %sub3A_2291 : i32 to vector<16xi32>
    %sub3A_2293 = arith.subi %iota3A, %sub3A_2292 : vector<16xi32>
    %max3A_2294 = arith.constant 0 : i32
    %max3A_2295 = vector.broadcast %max3A_2294 : i32 to vector<16xi32>
    %max3A_2296 = arith.maxsi %sub3A_2293, %max3A_2295 : vector<16xi32>
    %min3A_2297 = arith.constant 1 : i32
    %min3A_2298 = vector.broadcast %min3A_2297 : i32 to vector<16xi32>
    %min3A_2299 = arith.minsi %max3A_2296, %min3A_2298 : vector<16xi32>
    %mul3A_2300 = arith.muli %gather3A_2290, %min3A_2299 : vector<16xi32>
    %add3A_2301 = arith.addi %add3A_2281, %mul3A_2300 : vector<16xi32>
    %sub3A_2302 = arith.constant 4 : i32
    %sub3A_2303 = vector.broadcast %sub3A_2302 : i32 to vector<16xi32>
    %sub3A_2304 = arith.subi %iota3A, %sub3A_2303 : vector<16xi32>
    %max3A_2305 = arith.constant 0 : i32
    %max3A_2306 = vector.broadcast %max3A_2305 : i32 to vector<16xi32>
    %max3A_2307 = arith.maxsi %sub3A_2304, %max3A_2306 : vector<16xi32>
    %broadcast_in_dim3A_2308 = vector.shape_cast %max3A_2307 : vector<16xi32> to vector<16x1xi32>
    %gather3A_2309 = vector.shape_cast %broadcast_in_dim3A_2308 : vector<16x1xi32> to vector<16xi32>
    %gather3A_2310 = tpu.dynamic_gather %add3A_2301[%gather3A_2309] in [0] : vector<16xi32>, vector<16xi32> -> vector<16xi32>
    %sub3A_2311 = arith.constant 3 : i32
    %sub3A_2312 = vector.broadcast %sub3A_2311 : i32 to vector<16xi32>
    %sub3A_2313 = arith.subi %iota3A, %sub3A_2312 : vector<16xi32>
    %max3A_2314 = arith.constant 0 : i32
    %max3A_2315 = vector.broadcast %max3A_2314 : i32 to vector<16xi32>
    %max3A_2316 = arith.maxsi %sub3A_2313, %max3A_2315 : vector<16xi32>
    %min3A_2317 = arith.constant 1 : i32
    %min3A_2318 = vector.broadcast %min3A_2317 : i32 to vector<16xi32>
    %min3A_2319 = arith.minsi %max3A_2316, %min3A_2318 : vector<16xi32>
    %mul3A_2320 = arith.muli %gather3A_2310, %min3A_2319 : vector<16xi32>
    %add3A_2321 = arith.addi %add3A_2301, %mul3A_2320 : vector<16xi32>
    %sub3A_2322 = arith.constant 8 : i32
    %sub3A_2323 = vector.broadcast %sub3A_2322 : i32 to vector<16xi32>
    %sub3A_2324 = arith.subi %iota3A, %sub3A_2323 : vector<16xi32>
    %max3A_2325 = arith.constant 0 : i32
    %max3A_2326 = vector.broadcast %max3A_2325 : i32 to vector<16xi32>
    %max3A_2327 = arith.maxsi %sub3A_2324, %max3A_2326 : vector<16xi32>
    %broadcast_in_dim3A_2328 = vector.shape_cast %max3A_2327 : vector<16xi32> to vector<16x1xi32>
    %gather3A_2329 = vector.shape_cast %broadcast_in_dim3A_2328 : vector<16x1xi32> to vector<16xi32>
    %gather3A_2330 = tpu.dynamic_gather %add3A_2321[%gather3A_2329] in [0] : vector<16xi32>, vector<16xi32> -> vector<16xi32>
    %sub3A_2331 = arith.constant 7 : i32
    %sub3A_2332 = vector.broadcast %sub3A_2331 : i32 to vector<16xi32>
    %sub3A_2333 = arith.subi %iota3A, %sub3A_2332 : vector<16xi32>
    %max3A_2334 = arith.constant 0 : i32
    %max3A_2335 = vector.broadcast %max3A_2334 : i32 to vector<16xi32>
    %max3A_2336 = arith.maxsi %sub3A_2333, %max3A_2335 : vector<16xi32>
    %min3A_2337 = arith.constant 1 : i32
    %min3A_2338 = vector.broadcast %min3A_2337 : i32 to vector<16xi32>
    %min3A_2339 = arith.minsi %max3A_2336, %min3A_2338 : vector<16xi32>
    %mul3A_2340 = arith.muli %gather3A_2330, %min3A_2339 : vector<16xi32>
    %add3A_2341 = arith.addi %add3A_2321, %mul3A_2340 : vector<16xi32>
    %add3A_2342 = arith.addi %add3A_2251, %add3A_2341 : vector<16xi32>
    %mul3A_2343 = arith.muli %min3A_2261, %add3A_2342 : vector<16xi32>
    %add3A_2344 = arith.constant 1 : i32
    %add3A_2345 = vector.broadcast %add3A_2344 : i32 to vector<16xi32>
    %add3A_2346 = arith.addi %mul3A_2343, %add3A_2345 : vector<16xi32>
    %swap3A_2347 = arith.constant 288 : index
    %swap3A_2348 = tpu.vector_load %arg6[%swap3A_2347] {strides = array<i32>} : memref<528xi32, #tpu.memory_space<vmem>>, vector<16xi32>,
    %swap3A_2349 = vector.shape_cast %swap3A_2348 : vector<16xi32> to vector<16xi32>
    %swap3A_2350 = vector.shape_cast %add3A_2346 : vector<16xi32> to vector<16xi32>
    tpu.vector_store %arg6[%swap3A_2347], %swap3A_2350 {strides = array<i32>} : memref<528xi32, #tpu.memory_space<vmem>>, vector<16xi32>,
    %broadcast_in_dim3A_2351 = vector.shape_cast %broadcast_in_dim3A_3 : vector<16xi32> to vector<16x1xi32>
    %gather3A_2352 = vector.shape_cast %broadcast_in_dim3A_2351 : vector<16x1xi32> to vector<16xi32>
    %gather3A_2353 = tpu.dynamic_gather %add3A_2341[%gather3A_2352] in [0] : vector<16xi32>, vector<16xi32> -> vector<16xi32>
    %add3A_2354 = arith.addi %add3A_2251, %gather3A_2353 : vector<16xi32>
    %get3A_2355 = arith.constant 304 : index
    %get3A_2356 = tpu.vector_load %arg5[%get3A_2355] {strides = array<i32>} : memref<512xi32, #tpu.memory_space<vmem>>, vector<16xi32>,
    %get3A_2357 = vector.shape_cast %get3A_2356 : vector<16xi32> to vector<16xi32>
    %sub3A_2358 = arith.constant 1 : i32
    %sub3A_2359 = vector.broadcast %sub3A_2358 : i32 to vector<16xi32>
    %sub3A_2360 = arith.subi %get3A_2357, %sub3A_2359 : vector<16xi32>
    %abs3A_2361 = math.absi %sub3A_2360 : vector<16xi32>
    %min3A_2362 = arith.constant 1 : i32
    %min3A_2363 = vector.broadcast %min3A_2362 : i32 to vector<16xi32>
    %min3A_2364 = arith.minsi %abs3A_2361, %min3A_2363 : vector<16xi32>
    %sub3A_2365 = arith.constant 1 : i32
    %sub3A_2366 = vector.broadcast %sub3A_2365 : i32 to vector<16xi32>
    %sub3A_2367 = arith.subi %iota3A, %sub3A_2366 : vector<16xi32>
    %max3A_2368 = arith.constant 0 : i32
    %max3A_2369 = vector.broadcast %max3A_2368 : i32 to vector<16xi32>
    %max3A_2370 = arith.maxsi %sub3A_2367, %max3A_2369 : vector<16xi32>
    %broadcast_in_dim3A_2371 = vector.shape_cast %max3A_2370 : vector<16xi32> to vector<16x1xi32>
    %gather3A_2372 = vector.shape_cast %broadcast_in_dim3A_2371 : vector<16x1xi32> to vector<16xi32>
    %gather3A_2373 = tpu.dynamic_gather %min3A_2364[%gather3A_2372] in [0] : vector<16xi32>, vector<16xi32> -> vector<16xi32>
    %sub3A_2374 = arith.constant 0 : i32
    %sub3A_2375 = vector.broadcast %sub3A_2374 : i32 to vector<16xi32>
    %sub3A_2376 = arith.subi %iota3A, %sub3A_2375 : vector<16xi32>
    %max3A_2377 = arith.constant 0 : i32
    %max3A_2378 = vector.broadcast %max3A_2377 : i32 to vector<16xi32>
    %max3A_2379 = arith.maxsi %sub3A_2376, %max3A_2378 : vector<16xi32>
    %min3A_2380 = arith.constant 1 : i32
    %min3A_2381 = vector.broadcast %min3A_2380 : i32 to vector<16xi32>
    %min3A_2382 = arith.minsi %max3A_2379, %min3A_2381 : vector<16xi32>
    %mul3A_2383 = arith.muli %gather3A_2373, %min3A_2382 : vector<16xi32>
    %add3A_2384 = arith.addi %min3A_2364, %mul3A_2383 : vector<16xi32>
    %sub3A_2385 = arith.constant 2 : i32
    %sub3A_2386 = vector.broadcast %sub3A_2385 : i32 to vector<16xi32>
    %sub3A_2387 = arith.subi %iota3A, %sub3A_2386 : vector<16xi32>
    %max3A_2388 = arith.constant 0 : i32
    %max3A_2389 = vector.broadcast %max3A_2388 : i32 to vector<16xi32>
    %max3A_2390 = arith.maxsi %sub3A_2387, %max3A_2389 : vector<16xi32>
    %broadcast_in_dim3A_2391 = vector.shape_cast %max3A_2390 : vector<16xi32> to vector<16x1xi32>
    %gather3A_2392 = vector.shape_cast %broadcast_in_dim3A_2391 : vector<16x1xi32> to vector<16xi32>
    %gather3A_2393 = tpu.dynamic_gather %add3A_2384[%gather3A_2392] in [0] : vector<16xi32>, vector<16xi32> -> vector<16xi32>
    %sub3A_2394 = arith.constant 1 : i32
    %sub3A_2395 = vector.broadcast %sub3A_2394 : i32 to vector<16xi32>
    %sub3A_2396 = arith.subi %iota3A, %sub3A_2395 : vector<16xi32>
    %max3A_2397 = arith.constant 0 : i32
    %max3A_2398 = vector.broadcast %max3A_2397 : i32 to vector<16xi32>
    %max3A_2399 = arith.maxsi %sub3A_2396, %max3A_2398 : vector<16xi32>
    %min3A_2400 = arith.constant 1 : i32
    %min3A_2401 = vector.broadcast %min3A_2400 : i32 to vector<16xi32>
    %min3A_2402 = arith.minsi %max3A_2399, %min3A_2401 : vector<16xi32>
    %mul3A_2403 = arith.muli %gather3A_2393, %min3A_2402 : vector<16xi32>
    %add3A_2404 = arith.addi %add3A_2384, %mul3A_2403 : vector<16xi32>
    %sub3A_2405 = arith.constant 4 : i32
    %sub3A_2406 = vector.broadcast %sub3A_2405 : i32 to vector<16xi32>
    %sub3A_2407 = arith.subi %iota3A, %sub3A_2406 : vector<16xi32>
    %max3A_2408 = arith.constant 0 : i32
    %max3A_2409 = vector.broadcast %max3A_2408 : i32 to vector<16xi32>
    %max3A_2410 = arith.maxsi %sub3A_2407, %max3A_2409 : vector<16xi32>
    %broadcast_in_dim3A_2411 = vector.shape_cast %max3A_2410 : vector<16xi32> to vector<16x1xi32>
    %gather3A_2412 = vector.shape_cast %broadcast_in_dim3A_2411 : vector<16x1xi32> to vector<16xi32>
    %gather3A_2413 = tpu.dynamic_gather %add3A_2404[%gather3A_2412] in [0] : vector<16xi32>, vector<16xi32> -> vector<16xi32>
    %sub3A_2414 = arith.constant 3 : i32
    %sub3A_2415 = vector.broadcast %sub3A_2414 : i32 to vector<16xi32>
    %sub3A_2416 = arith.subi %iota3A, %sub3A_2415 : vector<16xi32>
    %max3A_2417 = arith.constant 0 : i32
    %max3A_2418 = vector.broadcast %max3A_2417 : i32 to vector<16xi32>
    %max3A_2419 = arith.maxsi %sub3A_2416, %max3A_2418 : vector<16xi32>
    %min3A_2420 = arith.constant 1 : i32
    %min3A_2421 = vector.broadcast %min3A_2420 : i32 to vector<16xi32>
    %min3A_2422 = arith.minsi %max3A_2419, %min3A_2421 : vector<16xi32>
    %mul3A_2423 = arith.muli %gather3A_2413, %min3A_2422 : vector<16xi32>
    %add3A_2424 = arith.addi %add3A_2404, %mul3A_2423 : vector<16xi32>
    %sub3A_2425 = arith.constant 8 : i32
    %sub3A_2426 = vector.broadcast %sub3A_2425 : i32 to vector<16xi32>
    %sub3A_2427 = arith.subi %iota3A, %sub3A_2426 : vector<16xi32>
    %max3A_2428 = arith.constant 0 : i32
    %max3A_2429 = vector.broadcast %max3A_2428 : i32 to vector<16xi32>
    %max3A_2430 = arith.maxsi %sub3A_2427, %max3A_2429 : vector<16xi32>
    %broadcast_in_dim3A_2431 = vector.shape_cast %max3A_2430 : vector<16xi32> to vector<16x1xi32>
    %gather3A_2432 = vector.shape_cast %broadcast_in_dim3A_2431 : vector<16x1xi32> to vector<16xi32>
    %gather3A_2433 = tpu.dynamic_gather %add3A_2424[%gather3A_2432] in [0] : vector<16xi32>, vector<16xi32> -> vector<16xi32>
    %sub3A_2434 = arith.constant 7 : i32
    %sub3A_2435 = vector.broadcast %sub3A_2434 : i32 to vector<16xi32>
    %sub3A_2436 = arith.subi %iota3A, %sub3A_2435 : vector<16xi32>
    %max3A_2437 = arith.constant 0 : i32
    %max3A_2438 = vector.broadcast %max3A_2437 : i32 to vector<16xi32>
    %max3A_2439 = arith.maxsi %sub3A_2436, %max3A_2438 : vector<16xi32>
    %min3A_2440 = arith.constant 1 : i32
    %min3A_2441 = vector.broadcast %min3A_2440 : i32 to vector<16xi32>
    %min3A_2442 = arith.minsi %max3A_2439, %min3A_2441 : vector<16xi32>
    %mul3A_2443 = arith.muli %gather3A_2433, %min3A_2442 : vector<16xi32>
    %add3A_2444 = arith.addi %add3A_2424, %mul3A_2443 : vector<16xi32>
    %add3A_2445 = arith.addi %add3A_2354, %add3A_2444 : vector<16xi32>
    %mul3A_2446 = arith.muli %min3A_2364, %add3A_2445 : vector<16xi32>
    %add3A_2447 = arith.constant 1 : i32
    %add3A_2448 = vector.broadcast %add3A_2447 : i32 to vector<16xi32>
    %add3A_2449 = arith.addi %mul3A_2446, %add3A_2448 : vector<16xi32>
    %swap3A_2450 = arith.constant 304 : index
    %swap3A_2451 = tpu.vector_load %arg6[%swap3A_2450] {strides = array<i32>} : memref<528xi32, #tpu.memory_space<vmem>>, vector<16xi32>,
    %swap3A_2452 = vector.shape_cast %swap3A_2451 : vector<16xi32> to vector<16xi32>
    %swap3A_2453 = vector.shape_cast %add3A_2449 : vector<16xi32> to vector<16xi32>
    tpu.vector_store %arg6[%swap3A_2450], %swap3A_2453 {strides = array<i32>} : memref<528xi32, #tpu.memory_space<vmem>>, vector<16xi32>,
    %broadcast_in_dim3A_2454 = vector.shape_cast %broadcast_in_dim3A_3 : vector<16xi32> to vector<16x1xi32>
    %gather3A_2455 = vector.shape_cast %broadcast_in_dim3A_2454 : vector<16x1xi32> to vector<16xi32>
    %gather3A_2456 = tpu.dynamic_gather %add3A_2444[%gather3A_2455] in [0] : vector<16xi32>, vector<16xi32> -> vector<16xi32>
    %add3A_2457 = arith.addi %add3A_2354, %gather3A_2456 : vector<16xi32>
    %get3A_2458 = arith.constant 320 : index
    %get3A_2459 = tpu.vector_load %arg5[%get3A_2458] {strides = array<i32>} : memref<512xi32, #tpu.memory_space<vmem>>, vector<16xi32>,
    %get3A_2460 = vector.shape_cast %get3A_2459 : vector<16xi32> to vector<16xi32>
    %sub3A_2461 = arith.constant 1 : i32
    %sub3A_2462 = vector.broadcast %sub3A_2461 : i32 to vector<16xi32>
    %sub3A_2463 = arith.subi %get3A_2460, %sub3A_2462 : vector<16xi32>
    %abs3A_2464 = math.absi %sub3A_2463 : vector<16xi32>
    %min3A_2465 = arith.constant 1 : i32
    %min3A_2466 = vector.broadcast %min3A_2465 : i32 to vector<16xi32>
    %min3A_2467 = arith.minsi %abs3A_2464, %min3A_2466 : vector<16xi32>
    %sub3A_2468 = arith.constant 1 : i32
    %sub3A_2469 = vector.broadcast %sub3A_2468 : i32 to vector<16xi32>
    %sub3A_2470 = arith.subi %iota3A, %sub3A_2469 : vector<16xi32>
    %max3A_2471 = arith.constant 0 : i32
    %max3A_2472 = vector.broadcast %max3A_2471 : i32 to vector<16xi32>
    %max3A_2473 = arith.maxsi %sub3A_2470, %max3A_2472 : vector<16xi32>
    %broadcast_in_dim3A_2474 = vector.shape_cast %max3A_2473 : vector<16xi32> to vector<16x1xi32>
    %gather3A_2475 = vector.shape_cast %broadcast_in_dim3A_2474 : vector<16x1xi32> to vector<16xi32>
    %gather3A_2476 = tpu.dynamic_gather %min3A_2467[%gather3A_2475] in [0] : vector<16xi32>, vector<16xi32> -> vector<16xi32>
    %sub3A_2477 = arith.constant 0 : i32
    %sub3A_2478 = vector.broadcast %sub3A_2477 : i32 to vector<16xi32>
    %sub3A_2479 = arith.subi %iota3A, %sub3A_2478 : vector<16xi32>
    %max3A_2480 = arith.constant 0 : i32
    %max3A_2481 = vector.broadcast %max3A_2480 : i32 to vector<16xi32>
    %max3A_2482 = arith.maxsi %sub3A_2479, %max3A_2481 : vector<16xi32>
    %min3A_2483 = arith.constant 1 : i32
    %min3A_2484 = vector.broadcast %min3A_2483 : i32 to vector<16xi32>
    %min3A_2485 = arith.minsi %max3A_2482, %min3A_2484 : vector<16xi32>
    %mul3A_2486 = arith.muli %gather3A_2476, %min3A_2485 : vector<16xi32>
    %add3A_2487 = arith.addi %min3A_2467, %mul3A_2486 : vector<16xi32>
    %sub3A_2488 = arith.constant 2 : i32
    %sub3A_2489 = vector.broadcast %sub3A_2488 : i32 to vector<16xi32>
    %sub3A_2490 = arith.subi %iota3A, %sub3A_2489 : vector<16xi32>
    %max3A_2491 = arith.constant 0 : i32
    %max3A_2492 = vector.broadcast %max3A_2491 : i32 to vector<16xi32>
    %max3A_2493 = arith.maxsi %sub3A_2490, %max3A_2492 : vector<16xi32>
    %broadcast_in_dim3A_2494 = vector.shape_cast %max3A_2493 : vector<16xi32> to vector<16x1xi32>
    %gather3A_2495 = vector.shape_cast %broadcast_in_dim3A_2494 : vector<16x1xi32> to vector<16xi32>
    %gather3A_2496 = tpu.dynamic_gather %add3A_2487[%gather3A_2495] in [0] : vector<16xi32>, vector<16xi32> -> vector<16xi32>
    %sub3A_2497 = arith.constant 1 : i32
    %sub3A_2498 = vector.broadcast %sub3A_2497 : i32 to vector<16xi32>
    %sub3A_2499 = arith.subi %iota3A, %sub3A_2498 : vector<16xi32>
    %max3A_2500 = arith.constant 0 : i32
    %max3A_2501 = vector.broadcast %max3A_2500 : i32 to vector<16xi32>
    %max3A_2502 = arith.maxsi %sub3A_2499, %max3A_2501 : vector<16xi32>
    %min3A_2503 = arith.constant 1 : i32
    %min3A_2504 = vector.broadcast %min3A_2503 : i32 to vector<16xi32>
    %min3A_2505 = arith.minsi %max3A_2502, %min3A_2504 : vector<16xi32>
    %mul3A_2506 = arith.muli %gather3A_2496, %min3A_2505 : vector<16xi32>
    %add3A_2507 = arith.addi %add3A_2487, %mul3A_2506 : vector<16xi32>
    %sub3A_2508 = arith.constant 4 : i32
    %sub3A_2509 = vector.broadcast %sub3A_2508 : i32 to vector<16xi32>
    %sub3A_2510 = arith.subi %iota3A, %sub3A_2509 : vector<16xi32>
    %max3A_2511 = arith.constant 0 : i32
    %max3A_2512 = vector.broadcast %max3A_2511 : i32 to vector<16xi32>
    %max3A_2513 = arith.maxsi %sub3A_2510, %max3A_2512 : vector<16xi32>
    %broadcast_in_dim3A_2514 = vector.shape_cast %max3A_2513 : vector<16xi32> to vector<16x1xi32>
    %gather3A_2515 = vector.shape_cast %broadcast_in_dim3A_2514 : vector<16x1xi32> to vector<16xi32>
    %gather3A_2516 = tpu.dynamic_gather %add3A_2507[%gather3A_2515] in [0] : vector<16xi32>, vector<16xi32> -> vector<16xi32>
    %sub3A_2517 = arith.constant 3 : i32
    %sub3A_2518 = vector.broadcast %sub3A_2517 : i32 to vector<16xi32>
    %sub3A_2519 = arith.subi %iota3A, %sub3A_2518 : vector<16xi32>
    %max3A_2520 = arith.constant 0 : i32
    %max3A_2521 = vector.broadcast %max3A_2520 : i32 to vector<16xi32>
    %max3A_2522 = arith.maxsi %sub3A_2519, %max3A_2521 : vector<16xi32>
    %min3A_2523 = arith.constant 1 : i32
    %min3A_2524 = vector.broadcast %min3A_2523 : i32 to vector<16xi32>
    %min3A_2525 = arith.minsi %max3A_2522, %min3A_2524 : vector<16xi32>
    %mul3A_2526 = arith.muli %gather3A_2516, %min3A_2525 : vector<16xi32>
    %add3A_2527 = arith.addi %add3A_2507, %mul3A_2526 : vector<16xi32>
    %sub3A_2528 = arith.constant 8 : i32
    %sub3A_2529 = vector.broadcast %sub3A_2528 : i32 to vector<16xi32>
    %sub3A_2530 = arith.subi %iota3A, %sub3A_2529 : vector<16xi32>
    %max3A_2531 = arith.constant 0 : i32
    %max3A_2532 = vector.broadcast %max3A_2531 : i32 to vector<16xi32>
    %max3A_2533 = arith.maxsi %sub3A_2530, %max3A_2532 : vector<16xi32>
    %broadcast_in_dim3A_2534 = vector.shape_cast %max3A_2533 : vector<16xi32> to vector<16x1xi32>
    %gather3A_2535 = vector.shape_cast %broadcast_in_dim3A_2534 : vector<16x1xi32> to vector<16xi32>
    %gather3A_2536 = tpu.dynamic_gather %add3A_2527[%gather3A_2535] in [0] : vector<16xi32>, vector<16xi32> -> vector<16xi32>
    %sub3A_2537 = arith.constant 7 : i32
    %sub3A_2538 = vector.broadcast %sub3A_2537 : i32 to vector<16xi32>
    %sub3A_2539 = arith.subi %iota3A, %sub3A_2538 : vector<16xi32>
    %max3A_2540 = arith.constant 0 : i32
    %max3A_2541 = vector.broadcast %max3A_2540 : i32 to vector<16xi32>
    %max3A_2542 = arith.maxsi %sub3A_2539, %max3A_2541 : vector<16xi32>
    %min3A_2543 = arith.constant 1 : i32
    %min3A_2544 = vector.broadcast %min3A_2543 : i32 to vector<16xi32>
    %min3A_2545 = arith.minsi %max3A_2542, %min3A_2544 : vector<16xi32>
    %mul3A_2546 = arith.muli %gather3A_2536, %min3A_2545 : vector<16xi32>
    %add3A_2547 = arith.addi %add3A_2527, %mul3A_2546 : vector<16xi32>
    %add3A_2548 = arith.addi %add3A_2457, %add3A_2547 : vector<16xi32>
    %mul3A_2549 = arith.muli %min3A_2467, %add3A_2548 : vector<16xi32>
    %add3A_2550 = arith.constant 1 : i32
    %add3A_2551 = vector.broadcast %add3A_2550 : i32 to vector<16xi32>
    %add3A_2552 = arith.addi %mul3A_2549, %add3A_2551 : vector<16xi32>
    %swap3A_2553 = arith.constant 320 : index
    %swap3A_2554 = tpu.vector_load %arg6[%swap3A_2553] {strides = array<i32>} : memref<528xi32, #tpu.memory_space<vmem>>, vector<16xi32>,
    %swap3A_2555 = vector.shape_cast %swap3A_2554 : vector<16xi32> to vector<16xi32>
    %swap3A_2556 = vector.shape_cast %add3A_2552 : vector<16xi32> to vector<16xi32>
    tpu.vector_store %arg6[%swap3A_2553], %swap3A_2556 {strides = array<i32>} : memref<528xi32, #tpu.memory_space<vmem>>, vector<16xi32>,
    %broadcast_in_dim3A_2557 = vector.shape_cast %broadcast_in_dim3A_3 : vector<16xi32> to vector<16x1xi32>
    %gather3A_2558 = vector.shape_cast %broadcast_in_dim3A_2557 : vector<16x1xi32> to vector<16xi32>
    %gather3A_2559 = tpu.dynamic_gather %add3A_2547[%gather3A_2558] in [0] : vector<16xi32>, vector<16xi32> -> vector<16xi32>
    %add3A_2560 = arith.addi %add3A_2457, %gather3A_2559 : vector<16xi32>
    %get3A_2561 = arith.constant 336 : index
    %get3A_2562 = tpu.vector_load %arg5[%get3A_2561] {strides = array<i32>} : memref<512xi32, #tpu.memory_space<vmem>>, vector<16xi32>,
    %get3A_2563 = vector.shape_cast %get3A_2562 : vector<16xi32> to vector<16xi32>
    %sub3A_2564 = arith.constant 1 : i32
    %sub3A_2565 = vector.broadcast %sub3A_2564 : i32 to vector<16xi32>
    %sub3A_2566 = arith.subi %get3A_2563, %sub3A_2565 : vector<16xi32>
    %abs3A_2567 = math.absi %sub3A_2566 : vector<16xi32>
    %min3A_2568 = arith.constant 1 : i32
    %min3A_2569 = vector.broadcast %min3A_2568 : i32 to vector<16xi32>
    %min3A_2570 = arith.minsi %abs3A_2567, %min3A_2569 : vector<16xi32>
    %sub3A_2571 = arith.constant 1 : i32
    %sub3A_2572 = vector.broadcast %sub3A_2571 : i32 to vector<16xi32>
    %sub3A_2573 = arith.subi %iota3A, %sub3A_2572 : vector<16xi32>
    %max3A_2574 = arith.constant 0 : i32
    %max3A_2575 = vector.broadcast %max3A_2574 : i32 to vector<16xi32>
    %max3A_2576 = arith.maxsi %sub3A_2573, %max3A_2575 : vector<16xi32>
    %broadcast_in_dim3A_2577 = vector.shape_cast %max3A_2576 : vector<16xi32> to vector<16x1xi32>
    %gather3A_2578 = vector.shape_cast %broadcast_in_dim3A_2577 : vector<16x1xi32> to vector<16xi32>
    %gather3A_2579 = tpu.dynamic_gather %min3A_2570[%gather3A_2578] in [0] : vector<16xi32>, vector<16xi32> -> vector<16xi32>
    %sub3A_2580 = arith.constant 0 : i32
    %sub3A_2581 = vector.broadcast %sub3A_2580 : i32 to vector<16xi32>
    %sub3A_2582 = arith.subi %iota3A, %sub3A_2581 : vector<16xi32>
    %max3A_2583 = arith.constant 0 : i32
    %max3A_2584 = vector.broadcast %max3A_2583 : i32 to vector<16xi32>
    %max3A_2585 = arith.maxsi %sub3A_2582, %max3A_2584 : vector<16xi32>
    %min3A_2586 = arith.constant 1 : i32
    %min3A_2587 = vector.broadcast %min3A_2586 : i32 to vector<16xi32>
    %min3A_2588 = arith.minsi %max3A_2585, %min3A_2587 : vector<16xi32>
    %mul3A_2589 = arith.muli %gather3A_2579, %min3A_2588 : vector<16xi32>
    %add3A_2590 = arith.addi %min3A_2570, %mul3A_2589 : vector<16xi32>
    %sub3A_2591 = arith.constant 2 : i32
    %sub3A_2592 = vector.broadcast %sub3A_2591 : i32 to vector<16xi32>
    %sub3A_2593 = arith.subi %iota3A, %sub3A_2592 : vector<16xi32>
    %max3A_2594 = arith.constant 0 : i32
    %max3A_2595 = vector.broadcast %max3A_2594 : i32 to vector<16xi32>
    %max3A_2596 = arith.maxsi %sub3A_2593, %max3A_2595 : vector<16xi32>
    %broadcast_in_dim3A_2597 = vector.shape_cast %max3A_2596 : vector<16xi32> to vector<16x1xi32>
    %gather3A_2598 = vector.shape_cast %broadcast_in_dim3A_2597 : vector<16x1xi32> to vector<16xi32>
    %gather3A_2599 = tpu.dynamic_gather %add3A_2590[%gather3A_2598] in [0] : vector<16xi32>, vector<16xi32> -> vector<16xi32>
    %sub3A_2600 = arith.constant 1 : i32
    %sub3A_2601 = vector.broadcast %sub3A_2600 : i32 to vector<16xi32>
    %sub3A_2602 = arith.subi %iota3A, %sub3A_2601 : vector<16xi32>
    %max3A_2603 = arith.constant 0 : i32
    %max3A_2604 = vector.broadcast %max3A_2603 : i32 to vector<16xi32>
    %max3A_2605 = arith.maxsi %sub3A_2602, %max3A_2604 : vector<16xi32>
    %min3A_2606 = arith.constant 1 : i32
    %min3A_2607 = vector.broadcast %min3A_2606 : i32 to vector<16xi32>
    %min3A_2608 = arith.minsi %max3A_2605, %min3A_2607 : vector<16xi32>
    %mul3A_2609 = arith.muli %gather3A_2599, %min3A_2608 : vector<16xi32>
    %add3A_2610 = arith.addi %add3A_2590, %mul3A_2609 : vector<16xi32>
    %sub3A_2611 = arith.constant 4 : i32
    %sub3A_2612 = vector.broadcast %sub3A_2611 : i32 to vector<16xi32>
    %sub3A_2613 = arith.subi %iota3A, %sub3A_2612 : vector<16xi32>
    %max3A_2614 = arith.constant 0 : i32
    %max3A_2615 = vector.broadcast %max3A_2614 : i32 to vector<16xi32>
    %max3A_2616 = arith.maxsi %sub3A_2613, %max3A_2615 : vector<16xi32>
    %broadcast_in_dim3A_2617 = vector.shape_cast %max3A_2616 : vector<16xi32> to vector<16x1xi32>
    %gather3A_2618 = vector.shape_cast %broadcast_in_dim3A_2617 : vector<16x1xi32> to vector<16xi32>
    %gather3A_2619 = tpu.dynamic_gather %add3A_2610[%gather3A_2618] in [0] : vector<16xi32>, vector<16xi32> -> vector<16xi32>
    %sub3A_2620 = arith.constant 3 : i32
    %sub3A_2621 = vector.broadcast %sub3A_2620 : i32 to vector<16xi32>
    %sub3A_2622 = arith.subi %iota3A, %sub3A_2621 : vector<16xi32>
    %max3A_2623 = arith.constant 0 : i32
    %max3A_2624 = vector.broadcast %max3A_2623 : i32 to vector<16xi32>
    %max3A_2625 = arith.maxsi %sub3A_2622, %max3A_2624 : vector<16xi32>
    %min3A_2626 = arith.constant 1 : i32
    %min3A_2627 = vector.broadcast %min3A_2626 : i32 to vector<16xi32>
    %min3A_2628 = arith.minsi %max3A_2625, %min3A_2627 : vector<16xi32>
    %mul3A_2629 = arith.muli %gather3A_2619, %min3A_2628 : vector<16xi32>
    %add3A_2630 = arith.addi %add3A_2610, %mul3A_2629 : vector<16xi32>
    %sub3A_2631 = arith.constant 8 : i32
    %sub3A_2632 = vector.broadcast %sub3A_2631 : i32 to vector<16xi32>
    %sub3A_2633 = arith.subi %iota3A, %sub3A_2632 : vector<16xi32>
    %max3A_2634 = arith.constant 0 : i32
    %max3A_2635 = vector.broadcast %max3A_2634 : i32 to vector<16xi32>
    %max3A_2636 = arith.maxsi %sub3A_2633, %max3A_2635 : vector<16xi32>
    %broadcast_in_dim3A_2637 = vector.shape_cast %max3A_2636 : vector<16xi32> to vector<16x1xi32>
    %gather3A_2638 = vector.shape_cast %broadcast_in_dim3A_2637 : vector<16x1xi32> to vector<16xi32>
    %gather3A_2639 = tpu.dynamic_gather %add3A_2630[%gather3A_2638] in [0] : vector<16xi32>, vector<16xi32> -> vector<16xi32>
    %sub3A_2640 = arith.constant 7 : i32
    %sub3A_2641 = vector.broadcast %sub3A_2640 : i32 to vector<16xi32>
    %sub3A_2642 = arith.subi %iota3A, %sub3A_2641 : vector<16xi32>
    %max3A_2643 = arith.constant 0 : i32
    %max3A_2644 = vector.broadcast %max3A_2643 : i32 to vector<16xi32>
    %max3A_2645 = arith.maxsi %sub3A_2642, %max3A_2644 : vector<16xi32>
    %min3A_2646 = arith.constant 1 : i32
    %min3A_2647 = vector.broadcast %min3A_2646 : i32 to vector<16xi32>
    %min3A_2648 = arith.minsi %max3A_2645, %min3A_2647 : vector<16xi32>
    %mul3A_2649 = arith.muli %gather3A_2639, %min3A_2648 : vector<16xi32>
    %add3A_2650 = arith.addi %add3A_2630, %mul3A_2649 : vector<16xi32>
    %add3A_2651 = arith.addi %add3A_2560, %add3A_2650 : vector<16xi32>
    %mul3A_2652 = arith.muli %min3A_2570, %add3A_2651 : vector<16xi32>
    %add3A_2653 = arith.constant 1 : i32
    %add3A_2654 = vector.broadcast %add3A_2653 : i32 to vector<16xi32>
    %add3A_2655 = arith.addi %mul3A_2652, %add3A_2654 : vector<16xi32>
    %swap3A_2656 = arith.constant 336 : index
    %swap3A_2657 = tpu.vector_load %arg6[%swap3A_2656] {strides = array<i32>} : memref<528xi32, #tpu.memory_space<vmem>>, vector<16xi32>,
    %swap3A_2658 = vector.shape_cast %swap3A_2657 : vector<16xi32> to vector<16xi32>
    %swap3A_2659 = vector.shape_cast %add3A_2655 : vector<16xi32> to vector<16xi32>
    tpu.vector_store %arg6[%swap3A_2656], %swap3A_2659 {strides = array<i32>} : memref<528xi32, #tpu.memory_space<vmem>>, vector<16xi32>,
    %broadcast_in_dim3A_2660 = vector.shape_cast %broadcast_in_dim3A_3 : vector<16xi32> to vector<16x1xi32>
    %gather3A_2661 = vector.shape_cast %broadcast_in_dim3A_2660 : vector<16x1xi32> to vector<16xi32>
    %gather3A_2662 = tpu.dynamic_gather %add3A_2650[%gather3A_2661] in [0] : vector<16xi32>, vector<16xi32> -> vector<16xi32>
    %add3A_2663 = arith.addi %add3A_2560, %gather3A_2662 : vector<16xi32>
    %get3A_2664 = arith.constant 352 : index
    %get3A_2665 = tpu.vector_load %arg5[%get3A_2664] {strides = array<i32>} : memref<512xi32, #tpu.memory_space<vmem>>, vector<16xi32>,
    %get3A_2666 = vector.shape_cast %get3A_2665 : vector<16xi32> to vector<16xi32>
    %sub3A_2667 = arith.constant 1 : i32
    %sub3A_2668 = vector.broadcast %sub3A_2667 : i32 to vector<16xi32>
    %sub3A_2669 = arith.subi %get3A_2666, %sub3A_2668 : vector<16xi32>
    %abs3A_2670 = math.absi %sub3A_2669 : vector<16xi32>
    %min3A_2671 = arith.constant 1 : i32
    %min3A_2672 = vector.broadcast %min3A_2671 : i32 to vector<16xi32>
    %min3A_2673 = arith.minsi %abs3A_2670, %min3A_2672 : vector<16xi32>
    %sub3A_2674 = arith.constant 1 : i32
    %sub3A_2675 = vector.broadcast %sub3A_2674 : i32 to vector<16xi32>
    %sub3A_2676 = arith.subi %iota3A, %sub3A_2675 : vector<16xi32>
    %max3A_2677 = arith.constant 0 : i32
    %max3A_2678 = vector.broadcast %max3A_2677 : i32 to vector<16xi32>
    %max3A_2679 = arith.maxsi %sub3A_2676, %max3A_2678 : vector<16xi32>
    %broadcast_in_dim3A_2680 = vector.shape_cast %max3A_2679 : vector<16xi32> to vector<16x1xi32>
    %gather3A_2681 = vector.shape_cast %broadcast_in_dim3A_2680 : vector<16x1xi32> to vector<16xi32>
    %gather3A_2682 = tpu.dynamic_gather %min3A_2673[%gather3A_2681] in [0] : vector<16xi32>, vector<16xi32> -> vector<16xi32>
    %sub3A_2683 = arith.constant 0 : i32
    %sub3A_2684 = vector.broadcast %sub3A_2683 : i32 to vector<16xi32>
    %sub3A_2685 = arith.subi %iota3A, %sub3A_2684 : vector<16xi32>
    %max3A_2686 = arith.constant 0 : i32
    %max3A_2687 = vector.broadcast %max3A_2686 : i32 to vector<16xi32>
    %max3A_2688 = arith.maxsi %sub3A_2685, %max3A_2687 : vector<16xi32>
    %min3A_2689 = arith.constant 1 : i32
    %min3A_2690 = vector.broadcast %min3A_2689 : i32 to vector<16xi32>
    %min3A_2691 = arith.minsi %max3A_2688, %min3A_2690 : vector<16xi32>
    %mul3A_2692 = arith.muli %gather3A_2682, %min3A_2691 : vector<16xi32>
    %add3A_2693 = arith.addi %min3A_2673, %mul3A_2692 : vector<16xi32>
    %sub3A_2694 = arith.constant 2 : i32
    %sub3A_2695 = vector.broadcast %sub3A_2694 : i32 to vector<16xi32>
    %sub3A_2696 = arith.subi %iota3A, %sub3A_2695 : vector<16xi32>
    %max3A_2697 = arith.constant 0 : i32
    %max3A_2698 = vector.broadcast %max3A_2697 : i32 to vector<16xi32>
    %max3A_2699 = arith.maxsi %sub3A_2696, %max3A_2698 : vector<16xi32>
    %broadcast_in_dim3A_2700 = vector.shape_cast %max3A_2699 : vector<16xi32> to vector<16x1xi32>
    %gather3A_2701 = vector.shape_cast %broadcast_in_dim3A_2700 : vector<16x1xi32> to vector<16xi32>
    %gather3A_2702 = tpu.dynamic_gather %add3A_2693[%gather3A_2701] in [0] : vector<16xi32>, vector<16xi32> -> vector<16xi32>
    %sub3A_2703 = arith.constant 1 : i32
    %sub3A_2704 = vector.broadcast %sub3A_2703 : i32 to vector<16xi32>
    %sub3A_2705 = arith.subi %iota3A, %sub3A_2704 : vector<16xi32>
    %max3A_2706 = arith.constant 0 : i32
    %max3A_2707 = vector.broadcast %max3A_2706 : i32 to vector<16xi32>
    %max3A_2708 = arith.maxsi %sub3A_2705, %max3A_2707 : vector<16xi32>
    %min3A_2709 = arith.constant 1 : i32
    %min3A_2710 = vector.broadcast %min3A_2709 : i32 to vector<16xi32>
    %min3A_2711 = arith.minsi %max3A_2708, %min3A_2710 : vector<16xi32>
    %mul3A_2712 = arith.muli %gather3A_2702, %min3A_2711 : vector<16xi32>
    %add3A_2713 = arith.addi %add3A_2693, %mul3A_2712 : vector<16xi32>
    %sub3A_2714 = arith.constant 4 : i32
    %sub3A_2715 = vector.broadcast %sub3A_2714 : i32 to vector<16xi32>
    %sub3A_2716 = arith.subi %iota3A, %sub3A_2715 : vector<16xi32>
    %max3A_2717 = arith.constant 0 : i32
    %max3A_2718 = vector.broadcast %max3A_2717 : i32 to vector<16xi32>
    %max3A_2719 = arith.maxsi %sub3A_2716, %max3A_2718 : vector<16xi32>
    %broadcast_in_dim3A_2720 = vector.shape_cast %max3A_2719 : vector<16xi32> to vector<16x1xi32>
    %gather3A_2721 = vector.shape_cast %broadcast_in_dim3A_2720 : vector<16x1xi32> to vector<16xi32>
    %gather3A_2722 = tpu.dynamic_gather %add3A_2713[%gather3A_2721] in [0] : vector<16xi32>, vector<16xi32> -> vector<16xi32>
    %sub3A_2723 = arith.constant 3 : i32
    %sub3A_2724 = vector.broadcast %sub3A_2723 : i32 to vector<16xi32>
    %sub3A_2725 = arith.subi %iota3A, %sub3A_2724 : vector<16xi32>
    %max3A_2726 = arith.constant 0 : i32
    %max3A_2727 = vector.broadcast %max3A_2726 : i32 to vector<16xi32>
    %max3A_2728 = arith.maxsi %sub3A_2725, %max3A_2727 : vector<16xi32>
    %min3A_2729 = arith.constant 1 : i32
    %min3A_2730 = vector.broadcast %min3A_2729 : i32 to vector<16xi32>
    %min3A_2731 = arith.minsi %max3A_2728, %min3A_2730 : vector<16xi32>
    %mul3A_2732 = arith.muli %gather3A_2722, %min3A_2731 : vector<16xi32>
    %add3A_2733 = arith.addi %add3A_2713, %mul3A_2732 : vector<16xi32>
    %sub3A_2734 = arith.constant 8 : i32
    %sub3A_2735 = vector.broadcast %sub3A_2734 : i32 to vector<16xi32>
    %sub3A_2736 = arith.subi %iota3A, %sub3A_2735 : vector<16xi32>
    %max3A_2737 = arith.constant 0 : i32
    %max3A_2738 = vector.broadcast %max3A_2737 : i32 to vector<16xi32>
    %max3A_2739 = arith.maxsi %sub3A_2736, %max3A_2738 : vector<16xi32>
    %broadcast_in_dim3A_2740 = vector.shape_cast %max3A_2739 : vector<16xi32> to vector<16x1xi32>
    %gather3A_2741 = vector.shape_cast %broadcast_in_dim3A_2740 : vector<16x1xi32> to vector<16xi32>
    %gather3A_2742 = tpu.dynamic_gather %add3A_2733[%gather3A_2741] in [0] : vector<16xi32>, vector<16xi32> -> vector<16xi32>
    %sub3A_2743 = arith.constant 7 : i32
    %sub3A_2744 = vector.broadcast %sub3A_2743 : i32 to vector<16xi32>
    %sub3A_2745 = arith.subi %iota3A, %sub3A_2744 : vector<16xi32>
    %max3A_2746 = arith.constant 0 : i32
    %max3A_2747 = vector.broadcast %max3A_2746 : i32 to vector<16xi32>
    %max3A_2748 = arith.maxsi %sub3A_2745, %max3A_2747 : vector<16xi32>
    %min3A_2749 = arith.constant 1 : i32
    %min3A_2750 = vector.broadcast %min3A_2749 : i32 to vector<16xi32>
    %min3A_2751 = arith.minsi %max3A_2748, %min3A_2750 : vector<16xi32>
    %mul3A_2752 = arith.muli %gather3A_2742, %min3A_2751 : vector<16xi32>
    %add3A_2753 = arith.addi %add3A_2733, %mul3A_2752 : vector<16xi32>
    %add3A_2754 = arith.addi %add3A_2663, %add3A_2753 : vector<16xi32>
    %mul3A_2755 = arith.muli %min3A_2673, %add3A_2754 : vector<16xi32>
    %add3A_2756 = arith.constant 1 : i32
    %add3A_2757 = vector.broadcast %add3A_2756 : i32 to vector<16xi32>
    %add3A_2758 = arith.addi %mul3A_2755, %add3A_2757 : vector<16xi32>
    %swap3A_2759 = arith.constant 352 : index
    %swap3A_2760 = tpu.vector_load %arg6[%swap3A_2759] {strides = array<i32>} : memref<528xi32, #tpu.memory_space<vmem>>, vector<16xi32>,
    %swap3A_2761 = vector.shape_cast %swap3A_2760 : vector<16xi32> to vector<16xi32>
    %swap3A_2762 = vector.shape_cast %add3A_2758 : vector<16xi32> to vector<16xi32>
    tpu.vector_store %arg6[%swap3A_2759], %swap3A_2762 {strides = array<i32>} : memref<528xi32, #tpu.memory_space<vmem>>, vector<16xi32>,
    %broadcast_in_dim3A_2763 = vector.shape_cast %broadcast_in_dim3A_3 : vector<16xi32> to vector<16x1xi32>
    %gather3A_2764 = vector.shape_cast %broadcast_in_dim3A_2763 : vector<16x1xi32> to vector<16xi32>
    %gather3A_2765 = tpu.dynamic_gather %add3A_2753[%gather3A_2764] in [0] : vector<16xi32>, vector<16xi32> -> vector<16xi32>
    %add3A_2766 = arith.addi %add3A_2663, %gather3A_2765 : vector<16xi32>
    %get3A_2767 = arith.constant 368 : index
    %get3A_2768 = tpu.vector_load %arg5[%get3A_2767] {strides = array<i32>} : memref<512xi32, #tpu.memory_space<vmem>>, vector<16xi32>,
    %get3A_2769 = vector.shape_cast %get3A_2768 : vector<16xi32> to vector<16xi32>
    %sub3A_2770 = arith.constant 1 : i32
    %sub3A_2771 = vector.broadcast %sub3A_2770 : i32 to vector<16xi32>
    %sub3A_2772 = arith.subi %get3A_2769, %sub3A_2771 : vector<16xi32>
    %abs3A_2773 = math.absi %sub3A_2772 : vector<16xi32>
    %min3A_2774 = arith.constant 1 : i32
    %min3A_2775 = vector.broadcast %min3A_2774 : i32 to vector<16xi32>
    %min3A_2776 = arith.minsi %abs3A_2773, %min3A_2775 : vector<16xi32>
    %sub3A_2777 = arith.constant 1 : i32
    %sub3A_2778 = vector.broadcast %sub3A_2777 : i32 to vector<16xi32>
    %sub3A_2779 = arith.subi %iota3A, %sub3A_2778 : vector<16xi32>
    %max3A_2780 = arith.constant 0 : i32
    %max3A_2781 = vector.broadcast %max3A_2780 : i32 to vector<16xi32>
    %max3A_2782 = arith.maxsi %sub3A_2779, %max3A_2781 : vector<16xi32>
    %broadcast_in_dim3A_2783 = vector.shape_cast %max3A_2782 : vector<16xi32> to vector<16x1xi32>
    %gather3A_2784 = vector.shape_cast %broadcast_in_dim3A_2783 : vector<16x1xi32> to vector<16xi32>
    %gather3A_2785 = tpu.dynamic_gather %min3A_2776[%gather3A_2784] in [0] : vector<16xi32>, vector<16xi32> -> vector<16xi32>
    %sub3A_2786 = arith.constant 0 : i32
    %sub3A_2787 = vector.broadcast %sub3A_2786 : i32 to vector<16xi32>
    %sub3A_2788 = arith.subi %iota3A, %sub3A_2787 : vector<16xi32>
    %max3A_2789 = arith.constant 0 : i32
    %max3A_2790 = vector.broadcast %max3A_2789 : i32 to vector<16xi32>
    %max3A_2791 = arith.maxsi %sub3A_2788, %max3A_2790 : vector<16xi32>
    %min3A_2792 = arith.constant 1 : i32
    %min3A_2793 = vector.broadcast %min3A_2792 : i32 to vector<16xi32>
    %min3A_2794 = arith.minsi %max3A_2791, %min3A_2793 : vector<16xi32>
    %mul3A_2795 = arith.muli %gather3A_2785, %min3A_2794 : vector<16xi32>
    %add3A_2796 = arith.addi %min3A_2776, %mul3A_2795 : vector<16xi32>
    %sub3A_2797 = arith.constant 2 : i32
    %sub3A_2798 = vector.broadcast %sub3A_2797 : i32 to vector<16xi32>
    %sub3A_2799 = arith.subi %iota3A, %sub3A_2798 : vector<16xi32>
    %max3A_2800 = arith.constant 0 : i32
    %max3A_2801 = vector.broadcast %max3A_2800 : i32 to vector<16xi32>
    %max3A_2802 = arith.maxsi %sub3A_2799, %max3A_2801 : vector<16xi32>
    %broadcast_in_dim3A_2803 = vector.shape_cast %max3A_2802 : vector<16xi32> to vector<16x1xi32>
    %gather3A_2804 = vector.shape_cast %broadcast_in_dim3A_2803 : vector<16x1xi32> to vector<16xi32>
    %gather3A_2805 = tpu.dynamic_gather %add3A_2796[%gather3A_2804] in [0] : vector<16xi32>, vector<16xi32> -> vector<16xi32>
    %sub3A_2806 = arith.constant 1 : i32
    %sub3A_2807 = vector.broadcast %sub3A_2806 : i32 to vector<16xi32>
    %sub3A_2808 = arith.subi %iota3A, %sub3A_2807 : vector<16xi32>
    %max3A_2809 = arith.constant 0 : i32
    %max3A_2810 = vector.broadcast %max3A_2809 : i32 to vector<16xi32>
    %max3A_2811 = arith.maxsi %sub3A_2808, %max3A_2810 : vector<16xi32>
    %min3A_2812 = arith.constant 1 : i32
    %min3A_2813 = vector.broadcast %min3A_2812 : i32 to vector<16xi32>
    %min3A_2814 = arith.minsi %max3A_2811, %min3A_2813 : vector<16xi32>
    %mul3A_2815 = arith.muli %gather3A_2805, %min3A_2814 : vector<16xi32>
    %add3A_2816 = arith.addi %add3A_2796, %mul3A_2815 : vector<16xi32>
    %sub3A_2817 = arith.constant 4 : i32
    %sub3A_2818 = vector.broadcast %sub3A_2817 : i32 to vector<16xi32>
    %sub3A_2819 = arith.subi %iota3A, %sub3A_2818 : vector<16xi32>
    %max3A_2820 = arith.constant 0 : i32
    %max3A_2821 = vector.broadcast %max3A_2820 : i32 to vector<16xi32>
    %max3A_2822 = arith.maxsi %sub3A_2819, %max3A_2821 : vector<16xi32>
    %broadcast_in_dim3A_2823 = vector.shape_cast %max3A_2822 : vector<16xi32> to vector<16x1xi32>
    %gather3A_2824 = vector.shape_cast %broadcast_in_dim3A_2823 : vector<16x1xi32> to vector<16xi32>
    %gather3A_2825 = tpu.dynamic_gather %add3A_2816[%gather3A_2824] in [0] : vector<16xi32>, vector<16xi32> -> vector<16xi32>
    %sub3A_2826 = arith.constant 3 : i32
    %sub3A_2827 = vector.broadcast %sub3A_2826 : i32 to vector<16xi32>
    %sub3A_2828 = arith.subi %iota3A, %sub3A_2827 : vector<16xi32>
    %max3A_2829 = arith.constant 0 : i32
    %max3A_2830 = vector.broadcast %max3A_2829 : i32 to vector<16xi32>
    %max3A_2831 = arith.maxsi %sub3A_2828, %max3A_2830 : vector<16xi32>
    %min3A_2832 = arith.constant 1 : i32
    %min3A_2833 = vector.broadcast %min3A_2832 : i32 to vector<16xi32>
    %min3A_2834 = arith.minsi %max3A_2831, %min3A_2833 : vector<16xi32>
    %mul3A_2835 = arith.muli %gather3A_2825, %min3A_2834 : vector<16xi32>
    %add3A_2836 = arith.addi %add3A_2816, %mul3A_2835 : vector<16xi32>
    %sub3A_2837 = arith.constant 8 : i32
    %sub3A_2838 = vector.broadcast %sub3A_2837 : i32 to vector<16xi32>
    %sub3A_2839 = arith.subi %iota3A, %sub3A_2838 : vector<16xi32>
    %max3A_2840 = arith.constant 0 : i32
    %max3A_2841 = vector.broadcast %max3A_2840 : i32 to vector<16xi32>
    %max3A_2842 = arith.maxsi %sub3A_2839, %max3A_2841 : vector<16xi32>
    %broadcast_in_dim3A_2843 = vector.shape_cast %max3A_2842 : vector<16xi32> to vector<16x1xi32>
    %gather3A_2844 = vector.shape_cast %broadcast_in_dim3A_2843 : vector<16x1xi32> to vector<16xi32>
    %gather3A_2845 = tpu.dynamic_gather %add3A_2836[%gather3A_2844] in [0] : vector<16xi32>, vector<16xi32> -> vector<16xi32>
    %sub3A_2846 = arith.constant 7 : i32
    %sub3A_2847 = vector.broadcast %sub3A_2846 : i32 to vector<16xi32>
    %sub3A_2848 = arith.subi %iota3A, %sub3A_2847 : vector<16xi32>
    %max3A_2849 = arith.constant 0 : i32
    %max3A_2850 = vector.broadcast %max3A_2849 : i32 to vector<16xi32>
    %max3A_2851 = arith.maxsi %sub3A_2848, %max3A_2850 : vector<16xi32>
    %min3A_2852 = arith.constant 1 : i32
    %min3A_2853 = vector.broadcast %min3A_2852 : i32 to vector<16xi32>
    %min3A_2854 = arith.minsi %max3A_2851, %min3A_2853 : vector<16xi32>
    %mul3A_2855 = arith.muli %gather3A_2845, %min3A_2854 : vector<16xi32>
    %add3A_2856 = arith.addi %add3A_2836, %mul3A_2855 : vector<16xi32>
    %add3A_2857 = arith.addi %add3A_2766, %add3A_2856 : vector<16xi32>
    %mul3A_2858 = arith.muli %min3A_2776, %add3A_2857 : vector<16xi32>
    %add3A_2859 = arith.constant 1 : i32
    %add3A_2860 = vector.broadcast %add3A_2859 : i32 to vector<16xi32>
    %add3A_2861 = arith.addi %mul3A_2858, %add3A_2860 : vector<16xi32>
    %swap3A_2862 = arith.constant 368 : index
    %swap3A_2863 = tpu.vector_load %arg6[%swap3A_2862] {strides = array<i32>} : memref<528xi32, #tpu.memory_space<vmem>>, vector<16xi32>,
    %swap3A_2864 = vector.shape_cast %swap3A_2863 : vector<16xi32> to vector<16xi32>
    %swap3A_2865 = vector.shape_cast %add3A_2861 : vector<16xi32> to vector<16xi32>
    tpu.vector_store %arg6[%swap3A_2862], %swap3A_2865 {strides = array<i32>} : memref<528xi32, #tpu.memory_space<vmem>>, vector<16xi32>,
    %broadcast_in_dim3A_2866 = vector.shape_cast %broadcast_in_dim3A_3 : vector<16xi32> to vector<16x1xi32>
    %gather3A_2867 = vector.shape_cast %broadcast_in_dim3A_2866 : vector<16x1xi32> to vector<16xi32>
    %gather3A_2868 = tpu.dynamic_gather %add3A_2856[%gather3A_2867] in [0] : vector<16xi32>, vector<16xi32> -> vector<16xi32>
    %add3A_2869 = arith.addi %add3A_2766, %gather3A_2868 : vector<16xi32>
    %get3A_2870 = arith.constant 384 : index
    %get3A_2871 = tpu.vector_load %arg5[%get3A_2870] {strides = array<i32>} : memref<512xi32, #tpu.memory_space<vmem>>, vector<16xi32>,
    %get3A_2872 = vector.shape_cast %get3A_2871 : vector<16xi32> to vector<16xi32>
    %sub3A_2873 = arith.constant 1 : i32
    %sub3A_2874 = vector.broadcast %sub3A_2873 : i32 to vector<16xi32>
    %sub3A_2875 = arith.subi %get3A_2872, %sub3A_2874 : vector<16xi32>
    %abs3A_2876 = math.absi %sub3A_2875 : vector<16xi32>
    %min3A_2877 = arith.constant 1 : i32
    %min3A_2878 = vector.broadcast %min3A_2877 : i32 to vector<16xi32>
    %min3A_2879 = arith.minsi %abs3A_2876, %min3A_2878 : vector<16xi32>
    %sub3A_2880 = arith.constant 1 : i32
    %sub3A_2881 = vector.broadcast %sub3A_2880 : i32 to vector<16xi32>
    %sub3A_2882 = arith.subi %iota3A, %sub3A_2881 : vector<16xi32>
    %max3A_2883 = arith.constant 0 : i32
    %max3A_2884 = vector.broadcast %max3A_2883 : i32 to vector<16xi32>
    %max3A_2885 = arith.maxsi %sub3A_2882, %max3A_2884 : vector<16xi32>
    %broadcast_in_dim3A_2886 = vector.shape_cast %max3A_2885 : vector<16xi32> to vector<16x1xi32>
    %gather3A_2887 = vector.shape_cast %broadcast_in_dim3A_2886 : vector<16x1xi32> to vector<16xi32>
    %gather3A_2888 = tpu.dynamic_gather %min3A_2879[%gather3A_2887] in [0] : vector<16xi32>, vector<16xi32> -> vector<16xi32>
    %sub3A_2889 = arith.constant 0 : i32
    %sub3A_2890 = vector.broadcast %sub3A_2889 : i32 to vector<16xi32>
    %sub3A_2891 = arith.subi %iota3A, %sub3A_2890 : vector<16xi32>
    %max3A_2892 = arith.constant 0 : i32
    %max3A_2893 = vector.broadcast %max3A_2892 : i32 to vector<16xi32>
    %max3A_2894 = arith.maxsi %sub3A_2891, %max3A_2893 : vector<16xi32>
    %min3A_2895 = arith.constant 1 : i32
    %min3A_2896 = vector.broadcast %min3A_2895 : i32 to vector<16xi32>
    %min3A_2897 = arith.minsi %max3A_2894, %min3A_2896 : vector<16xi32>
    %mul3A_2898 = arith.muli %gather3A_2888, %min3A_2897 : vector<16xi32>
    %add3A_2899 = arith.addi %min3A_2879, %mul3A_2898 : vector<16xi32>
    %sub3A_2900 = arith.constant 2 : i32
    %sub3A_2901 = vector.broadcast %sub3A_2900 : i32 to vector<16xi32>
    %sub3A_2902 = arith.subi %iota3A, %sub3A_2901 : vector<16xi32>
    %max3A_2903 = arith.constant 0 : i32
    %max3A_2904 = vector.broadcast %max3A_2903 : i32 to vector<16xi32>
    %max3A_2905 = arith.maxsi %sub3A_2902, %max3A_2904 : vector<16xi32>
    %broadcast_in_dim3A_2906 = vector.shape_cast %max3A_2905 : vector<16xi32> to vector<16x1xi32>
    %gather3A_2907 = vector.shape_cast %broadcast_in_dim3A_2906 : vector<16x1xi32> to vector<16xi32>
    %gather3A_2908 = tpu.dynamic_gather %add3A_2899[%gather3A_2907] in [0] : vector<16xi32>, vector<16xi32> -> vector<16xi32>
    %sub3A_2909 = arith.constant 1 : i32
    %sub3A_2910 = vector.broadcast %sub3A_2909 : i32 to vector<16xi32>
    %sub3A_2911 = arith.subi %iota3A, %sub3A_2910 : vector<16xi32>
    %max3A_2912 = arith.constant 0 : i32
    %max3A_2913 = vector.broadcast %max3A_2912 : i32 to vector<16xi32>
    %max3A_2914 = arith.maxsi %sub3A_2911, %max3A_2913 : vector<16xi32>
    %min3A_2915 = arith.constant 1 : i32
    %min3A_2916 = vector.broadcast %min3A_2915 : i32 to vector<16xi32>
    %min3A_2917 = arith.minsi %max3A_2914, %min3A_2916 : vector<16xi32>
    %mul3A_2918 = arith.muli %gather3A_2908, %min3A_2917 : vector<16xi32>
    %add3A_2919 = arith.addi %add3A_2899, %mul3A_2918 : vector<16xi32>
    %sub3A_2920 = arith.constant 4 : i32
    %sub3A_2921 = vector.broadcast %sub3A_2920 : i32 to vector<16xi32>
    %sub3A_2922 = arith.subi %iota3A, %sub3A_2921 : vector<16xi32>
    %max3A_2923 = arith.constant 0 : i32
    %max3A_2924 = vector.broadcast %max3A_2923 : i32 to vector<16xi32>
    %max3A_2925 = arith.maxsi %sub3A_2922, %max3A_2924 : vector<16xi32>
    %broadcast_in_dim3A_2926 = vector.shape_cast %max3A_2925 : vector<16xi32> to vector<16x1xi32>
    %gather3A_2927 = vector.shape_cast %broadcast_in_dim3A_2926 : vector<16x1xi32> to vector<16xi32>
    %gather3A_2928 = tpu.dynamic_gather %add3A_2919[%gather3A_2927] in [0] : vector<16xi32>, vector<16xi32> -> vector<16xi32>
    %sub3A_2929 = arith.constant 3 : i32
    %sub3A_2930 = vector.broadcast %sub3A_2929 : i32 to vector<16xi32>
    %sub3A_2931 = arith.subi %iota3A, %sub3A_2930 : vector<16xi32>
    %max3A_2932 = arith.constant 0 : i32
    %max3A_2933 = vector.broadcast %max3A_2932 : i32 to vector<16xi32>
    %max3A_2934 = arith.maxsi %sub3A_2931, %max3A_2933 : vector<16xi32>
    %min3A_2935 = arith.constant 1 : i32
    %min3A_2936 = vector.broadcast %min3A_2935 : i32 to vector<16xi32>
    %min3A_2937 = arith.minsi %max3A_2934, %min3A_2936 : vector<16xi32>
    %mul3A_2938 = arith.muli %gather3A_2928, %min3A_2937 : vector<16xi32>
    %add3A_2939 = arith.addi %add3A_2919, %mul3A_2938 : vector<16xi32>
    %sub3A_2940 = arith.constant 8 : i32
    %sub3A_2941 = vector.broadcast %sub3A_2940 : i32 to vector<16xi32>
    %sub3A_2942 = arith.subi %iota3A, %sub3A_2941 : vector<16xi32>
    %max3A_2943 = arith.constant 0 : i32
    %max3A_2944 = vector.broadcast %max3A_2943 : i32 to vector<16xi32>
    %max3A_2945 = arith.maxsi %sub3A_2942, %max3A_2944 : vector<16xi32>
    %broadcast_in_dim3A_2946 = vector.shape_cast %max3A_2945 : vector<16xi32> to vector<16x1xi32>
    %gather3A_2947 = vector.shape_cast %broadcast_in_dim3A_2946 : vector<16x1xi32> to vector<16xi32>
    %gather3A_2948 = tpu.dynamic_gather %add3A_2939[%gather3A_2947] in [0] : vector<16xi32>, vector<16xi32> -> vector<16xi32>
    %sub3A_2949 = arith.constant 7 : i32
    %sub3A_2950 = vector.broadcast %sub3A_2949 : i32 to vector<16xi32>
    %sub3A_2951 = arith.subi %iota3A, %sub3A_2950 : vector<16xi32>
    %max3A_2952 = arith.constant 0 : i32
    %max3A_2953 = vector.broadcast %max3A_2952 : i32 to vector<16xi32>
    %max3A_2954 = arith.maxsi %sub3A_2951, %max3A_2953 : vector<16xi32>
    %min3A_2955 = arith.constant 1 : i32
    %min3A_2956 = vector.broadcast %min3A_2955 : i32 to vector<16xi32>
    %min3A_2957 = arith.minsi %max3A_2954, %min3A_2956 : vector<16xi32>
    %mul3A_2958 = arith.muli %gather3A_2948, %min3A_2957 : vector<16xi32>
    %add3A_2959 = arith.addi %add3A_2939, %mul3A_2958 : vector<16xi32>
    %add3A_2960 = arith.addi %add3A_2869, %add3A_2959 : vector<16xi32>
    %mul3A_2961 = arith.muli %min3A_2879, %add3A_2960 : vector<16xi32>
    %add3A_2962 = arith.constant 1 : i32
    %add3A_2963 = vector.broadcast %add3A_2962 : i32 to vector<16xi32>
    %add3A_2964 = arith.addi %mul3A_2961, %add3A_2963 : vector<16xi32>
    %swap3A_2965 = arith.constant 384 : index
    %swap3A_2966 = tpu.vector_load %arg6[%swap3A_2965] {strides = array<i32>} : memref<528xi32, #tpu.memory_space<vmem>>, vector<16xi32>,
    %swap3A_2967 = vector.shape_cast %swap3A_2966 : vector<16xi32> to vector<16xi32>
    %swap3A_2968 = vector.shape_cast %add3A_2964 : vector<16xi32> to vector<16xi32>
    tpu.vector_store %arg6[%swap3A_2965], %swap3A_2968 {strides = array<i32>} : memref<528xi32, #tpu.memory_space<vmem>>, vector<16xi32>,
    %broadcast_in_dim3A_2969 = vector.shape_cast %broadcast_in_dim3A_3 : vector<16xi32> to vector<16x1xi32>
    %gather3A_2970 = vector.shape_cast %broadcast_in_dim3A_2969 : vector<16x1xi32> to vector<16xi32>
    %gather3A_2971 = tpu.dynamic_gather %add3A_2959[%gather3A_2970] in [0] : vector<16xi32>, vector<16xi32> -> vector<16xi32>
    %add3A_2972 = arith.addi %add3A_2869, %gather3A_2971 : vector<16xi32>
    %get3A_2973 = arith.constant 400 : index
    %get3A_2974 = tpu.vector_load %arg5[%get3A_2973] {strides = array<i32>} : memref<512xi32, #tpu.memory_space<vmem>>, vector<16xi32>,
    %get3A_2975 = vector.shape_cast %get3A_2974 : vector<16xi32> to vector<16xi32>
    %sub3A_2976 = arith.constant 1 : i32
    %sub3A_2977 = vector.broadcast %sub3A_2976 : i32 to vector<16xi32>
    %sub3A_2978 = arith.subi %get3A_2975, %sub3A_2977 : vector<16xi32>
    %abs3A_2979 = math.absi %sub3A_2978 : vector<16xi32>
    %min3A_2980 = arith.constant 1 : i32
    %min3A_2981 = vector.broadcast %min3A_2980 : i32 to vector<16xi32>
    %min3A_2982 = arith.minsi %abs3A_2979, %min3A_2981 : vector<16xi32>
    %sub3A_2983 = arith.constant 1 : i32
    %sub3A_2984 = vector.broadcast %sub3A_2983 : i32 to vector<16xi32>
    %sub3A_2985 = arith.subi %iota3A, %sub3A_2984 : vector<16xi32>
    %max3A_2986 = arith.constant 0 : i32
    %max3A_2987 = vector.broadcast %max3A_2986 : i32 to vector<16xi32>
    %max3A_2988 = arith.maxsi %sub3A_2985, %max3A_2987 : vector<16xi32>
    %broadcast_in_dim3A_2989 = vector.shape_cast %max3A_2988 : vector<16xi32> to vector<16x1xi32>
    %gather3A_2990 = vector.shape_cast %broadcast_in_dim3A_2989 : vector<16x1xi32> to vector<16xi32>
    %gather3A_2991 = tpu.dynamic_gather %min3A_2982[%gather3A_2990] in [0] : vector<16xi32>, vector<16xi32> -> vector<16xi32>
    %sub3A_2992 = arith.constant 0 : i32
    %sub3A_2993 = vector.broadcast %sub3A_2992 : i32 to vector<16xi32>
    %sub3A_2994 = arith.subi %iota3A, %sub3A_2993 : vector<16xi32>
    %max3A_2995 = arith.constant 0 : i32
    %max3A_2996 = vector.broadcast %max3A_2995 : i32 to vector<16xi32>
    %max3A_2997 = arith.maxsi %sub3A_2994, %max3A_2996 : vector<16xi32>
    %min3A_2998 = arith.constant 1 : i32
    %min3A_2999 = vector.broadcast %min3A_2998 : i32 to vector<16xi32>
    %min3A_3000 = arith.minsi %max3A_2997, %min3A_2999 : vector<16xi32>
    %mul3A_3001 = arith.muli %gather3A_2991, %min3A_3000 : vector<16xi32>
    %add3A_3002 = arith.addi %min3A_2982, %mul3A_3001 : vector<16xi32>
    %sub3A_3003 = arith.constant 2 : i32
    %sub3A_3004 = vector.broadcast %sub3A_3003 : i32 to vector<16xi32>
    %sub3A_3005 = arith.subi %iota3A, %sub3A_3004 : vector<16xi32>
    %max3A_3006 = arith.constant 0 : i32
    %max3A_3007 = vector.broadcast %max3A_3006 : i32 to vector<16xi32>
    %max3A_3008 = arith.maxsi %sub3A_3005, %max3A_3007 : vector<16xi32>
    %broadcast_in_dim3A_3009 = vector.shape_cast %max3A_3008 : vector<16xi32> to vector<16x1xi32>
    %gather3A_3010 = vector.shape_cast %broadcast_in_dim3A_3009 : vector<16x1xi32> to vector<16xi32>
    %gather3A_3011 = tpu.dynamic_gather %add3A_3002[%gather3A_3010] in [0] : vector<16xi32>, vector<16xi32> -> vector<16xi32>
    %sub3A_3012 = arith.constant 1 : i32
    %sub3A_3013 = vector.broadcast %sub3A_3012 : i32 to vector<16xi32>
    %sub3A_3014 = arith.subi %iota3A, %sub3A_3013 : vector<16xi32>
    %max3A_3015 = arith.constant 0 : i32
    %max3A_3016 = vector.broadcast %max3A_3015 : i32 to vector<16xi32>
    %max3A_3017 = arith.maxsi %sub3A_3014, %max3A_3016 : vector<16xi32>
    %min3A_3018 = arith.constant 1 : i32
    %min3A_3019 = vector.broadcast %min3A_3018 : i32 to vector<16xi32>
    %min3A_3020 = arith.minsi %max3A_3017, %min3A_3019 : vector<16xi32>
    %mul3A_3021 = arith.muli %gather3A_3011, %min3A_3020 : vector<16xi32>
    %add3A_3022 = arith.addi %add3A_3002, %mul3A_3021 : vector<16xi32>
    %sub3A_3023 = arith.constant 4 : i32
    %sub3A_3024 = vector.broadcast %sub3A_3023 : i32 to vector<16xi32>
    %sub3A_3025 = arith.subi %iota3A, %sub3A_3024 : vector<16xi32>
    %max3A_3026 = arith.constant 0 : i32
    %max3A_3027 = vector.broadcast %max3A_3026 : i32 to vector<16xi32>
    %max3A_3028 = arith.maxsi %sub3A_3025, %max3A_3027 : vector<16xi32>
    %broadcast_in_dim3A_3029 = vector.shape_cast %max3A_3028 : vector<16xi32> to vector<16x1xi32>
    %gather3A_3030 = vector.shape_cast %broadcast_in_dim3A_3029 : vector<16x1xi32> to vector<16xi32>
    %gather3A_3031 = tpu.dynamic_gather %add3A_3022[%gather3A_3030] in [0] : vector<16xi32>, vector<16xi32> -> vector<16xi32>
    %sub3A_3032 = arith.constant 3 : i32
    %sub3A_3033 = vector.broadcast %sub3A_3032 : i32 to vector<16xi32>
    %sub3A_3034 = arith.subi %iota3A, %sub3A_3033 : vector<16xi32>
    %max3A_3035 = arith.constant 0 : i32
    %max3A_3036 = vector.broadcast %max3A_3035 : i32 to vector<16xi32>
    %max3A_3037 = arith.maxsi %sub3A_3034, %max3A_3036 : vector<16xi32>
    %min3A_3038 = arith.constant 1 : i32
    %min3A_3039 = vector.broadcast %min3A_3038 : i32 to vector<16xi32>
    %min3A_3040 = arith.minsi %max3A_3037, %min3A_3039 : vector<16xi32>
    %mul3A_3041 = arith.muli %gather3A_3031, %min3A_3040 : vector<16xi32>
    %add3A_3042 = arith.addi %add3A_3022, %mul3A_3041 : vector<16xi32>
    %sub3A_3043 = arith.constant 8 : i32
    %sub3A_3044 = vector.broadcast %sub3A_3043 : i32 to vector<16xi32>
    %sub3A_3045 = arith.subi %iota3A, %sub3A_3044 : vector<16xi32>
    %max3A_3046 = arith.constant 0 : i32
    %max3A_3047 = vector.broadcast %max3A_3046 : i32 to vector<16xi32>
    %max3A_3048 = arith.maxsi %sub3A_3045, %max3A_3047 : vector<16xi32>
    %broadcast_in_dim3A_3049 = vector.shape_cast %max3A_3048 : vector<16xi32> to vector<16x1xi32>
    %gather3A_3050 = vector.shape_cast %broadcast_in_dim3A_3049 : vector<16x1xi32> to vector<16xi32>
    %gather3A_3051 = tpu.dynamic_gather %add3A_3042[%gather3A_3050] in [0] : vector<16xi32>, vector<16xi32> -> vector<16xi32>
    %sub3A_3052 = arith.constant 7 : i32
    %sub3A_3053 = vector.broadcast %sub3A_3052 : i32 to vector<16xi32>
    %sub3A_3054 = arith.subi %iota3A, %sub3A_3053 : vector<16xi32>
    %max3A_3055 = arith.constant 0 : i32
    %max3A_3056 = vector.broadcast %max3A_3055 : i32 to vector<16xi32>
    %max3A_3057 = arith.maxsi %sub3A_3054, %max3A_3056 : vector<16xi32>
    %min3A_3058 = arith.constant 1 : i32
    %min3A_3059 = vector.broadcast %min3A_3058 : i32 to vector<16xi32>
    %min3A_3060 = arith.minsi %max3A_3057, %min3A_3059 : vector<16xi32>
    %mul3A_3061 = arith.muli %gather3A_3051, %min3A_3060 : vector<16xi32>
    %add3A_3062 = arith.addi %add3A_3042, %mul3A_3061 : vector<16xi32>
    %add3A_3063 = arith.addi %add3A_2972, %add3A_3062 : vector<16xi32>
    %mul3A_3064 = arith.muli %min3A_2982, %add3A_3063 : vector<16xi32>
    %add3A_3065 = arith.constant 1 : i32
    %add3A_3066 = vector.broadcast %add3A_3065 : i32 to vector<16xi32>
    %add3A_3067 = arith.addi %mul3A_3064, %add3A_3066 : vector<16xi32>
    %swap3A_3068 = arith.constant 400 : index
    %swap3A_3069 = tpu.vector_load %arg6[%swap3A_3068] {strides = array<i32>} : memref<528xi32, #tpu.memory_space<vmem>>, vector<16xi32>,
    %swap3A_3070 = vector.shape_cast %swap3A_3069 : vector<16xi32> to vector<16xi32>
    %swap3A_3071 = vector.shape_cast %add3A_3067 : vector<16xi32> to vector<16xi32>
    tpu.vector_store %arg6[%swap3A_3068], %swap3A_3071 {strides = array<i32>} : memref<528xi32, #tpu.memory_space<vmem>>, vector<16xi32>,
    %broadcast_in_dim3A_3072 = vector.shape_cast %broadcast_in_dim3A_3 : vector<16xi32> to vector<16x1xi32>
    %gather3A_3073 = vector.shape_cast %broadcast_in_dim3A_3072 : vector<16x1xi32> to vector<16xi32>
    %gather3A_3074 = tpu.dynamic_gather %add3A_3062[%gather3A_3073] in [0] : vector<16xi32>, vector<16xi32> -> vector<16xi32>
    %add3A_3075 = arith.addi %add3A_2972, %gather3A_3074 : vector<16xi32>
    %get3A_3076 = arith.constant 416 : index
    %get3A_3077 = tpu.vector_load %arg5[%get3A_3076] {strides = array<i32>} : memref<512xi32, #tpu.memory_space<vmem>>, vector<16xi32>,
    %get3A_3078 = vector.shape_cast %get3A_3077 : vector<16xi32> to vector<16xi32>
    %sub3A_3079 = arith.constant 1 : i32
    %sub3A_3080 = vector.broadcast %sub3A_3079 : i32 to vector<16xi32>
    %sub3A_3081 = arith.subi %get3A_3078, %sub3A_3080 : vector<16xi32>
    %abs3A_3082 = math.absi %sub3A_3081 : vector<16xi32>
    %min3A_3083 = arith.constant 1 : i32
    %min3A_3084 = vector.broadcast %min3A_3083 : i32 to vector<16xi32>
    %min3A_3085 = arith.minsi %abs3A_3082, %min3A_3084 : vector<16xi32>
    %sub3A_3086 = arith.constant 1 : i32
    %sub3A_3087 = vector.broadcast %sub3A_3086 : i32 to vector<16xi32>
    %sub3A_3088 = arith.subi %iota3A, %sub3A_3087 : vector<16xi32>
    %max3A_3089 = arith.constant 0 : i32
    %max3A_3090 = vector.broadcast %max3A_3089 : i32 to vector<16xi32>
    %max3A_3091 = arith.maxsi %sub3A_3088, %max3A_3090 : vector<16xi32>
    %broadcast_in_dim3A_3092 = vector.shape_cast %max3A_3091 : vector<16xi32> to vector<16x1xi32>
    %gather3A_3093 = vector.shape_cast %broadcast_in_dim3A_3092 : vector<16x1xi32> to vector<16xi32>
    %gather3A_3094 = tpu.dynamic_gather %min3A_3085[%gather3A_3093] in [0] : vector<16xi32>, vector<16xi32> -> vector<16xi32>
    %sub3A_3095 = arith.constant 0 : i32
    %sub3A_3096 = vector.broadcast %sub3A_3095 : i32 to vector<16xi32>
    %sub3A_3097 = arith.subi %iota3A, %sub3A_3096 : vector<16xi32>
    %max3A_3098 = arith.constant 0 : i32
    %max3A_3099 = vector.broadcast %max3A_3098 : i32 to vector<16xi32>
    %max3A_3100 = arith.maxsi %sub3A_3097, %max3A_3099 : vector<16xi32>
    %min3A_3101 = arith.constant 1 : i32
    %min3A_3102 = vector.broadcast %min3A_3101 : i32 to vector<16xi32>
    %min3A_3103 = arith.minsi %max3A_3100, %min3A_3102 : vector<16xi32>
    %mul3A_3104 = arith.muli %gather3A_3094, %min3A_3103 : vector<16xi32>
    %add3A_3105 = arith.addi %min3A_3085, %mul3A_3104 : vector<16xi32>
    %sub3A_3106 = arith.constant 2 : i32
    %sub3A_3107 = vector.broadcast %sub3A_3106 : i32 to vector<16xi32>
    %sub3A_3108 = arith.subi %iota3A, %sub3A_3107 : vector<16xi32>
    %max3A_3109 = arith.constant 0 : i32
    %max3A_3110 = vector.broadcast %max3A_3109 : i32 to vector<16xi32>
    %max3A_3111 = arith.maxsi %sub3A_3108, %max3A_3110 : vector<16xi32>
    %broadcast_in_dim3A_3112 = vector.shape_cast %max3A_3111 : vector<16xi32> to vector<16x1xi32>
    %gather3A_3113 = vector.shape_cast %broadcast_in_dim3A_3112 : vector<16x1xi32> to vector<16xi32>
    %gather3A_3114 = tpu.dynamic_gather %add3A_3105[%gather3A_3113] in [0] : vector<16xi32>, vector<16xi32> -> vector<16xi32>
    %sub3A_3115 = arith.constant 1 : i32
    %sub3A_3116 = vector.broadcast %sub3A_3115 : i32 to vector<16xi32>
    %sub3A_3117 = arith.subi %iota3A, %sub3A_3116 : vector<16xi32>
    %max3A_3118 = arith.constant 0 : i32
    %max3A_3119 = vector.broadcast %max3A_3118 : i32 to vector<16xi32>
    %max3A_3120 = arith.maxsi %sub3A_3117, %max3A_3119 : vector<16xi32>
    %min3A_3121 = arith.constant 1 : i32
    %min3A_3122 = vector.broadcast %min3A_3121 : i32 to vector<16xi32>
    %min3A_3123 = arith.minsi %max3A_3120, %min3A_3122 : vector<16xi32>
    %mul3A_3124 = arith.muli %gather3A_3114, %min3A_3123 : vector<16xi32>
    %add3A_3125 = arith.addi %add3A_3105, %mul3A_3124 : vector<16xi32>
    %sub3A_3126 = arith.constant 4 : i32
    %sub3A_3127 = vector.broadcast %sub3A_3126 : i32 to vector<16xi32>
    %sub3A_3128 = arith.subi %iota3A, %sub3A_3127 : vector<16xi32>
    %max3A_3129 = arith.constant 0 : i32
    %max3A_3130 = vector.broadcast %max3A_3129 : i32 to vector<16xi32>
    %max3A_3131 = arith.maxsi %sub3A_3128, %max3A_3130 : vector<16xi32>
    %broadcast_in_dim3A_3132 = vector.shape_cast %max3A_3131 : vector<16xi32> to vector<16x1xi32>
    %gather3A_3133 = vector.shape_cast %broadcast_in_dim3A_3132 : vector<16x1xi32> to vector<16xi32>
    %gather3A_3134 = tpu.dynamic_gather %add3A_3125[%gather3A_3133] in [0] : vector<16xi32>, vector<16xi32> -> vector<16xi32>
    %sub3A_3135 = arith.constant 3 : i32
    %sub3A_3136 = vector.broadcast %sub3A_3135 : i32 to vector<16xi32>
    %sub3A_3137 = arith.subi %iota3A, %sub3A_3136 : vector<16xi32>
    %max3A_3138 = arith.constant 0 : i32
    %max3A_3139 = vector.broadcast %max3A_3138 : i32 to vector<16xi32>
    %max3A_3140 = arith.maxsi %sub3A_3137, %max3A_3139 : vector<16xi32>
    %min3A_3141 = arith.constant 1 : i32
    %min3A_3142 = vector.broadcast %min3A_3141 : i32 to vector<16xi32>
    %min3A_3143 = arith.minsi %max3A_3140, %min3A_3142 : vector<16xi32>
    %mul3A_3144 = arith.muli %gather3A_3134, %min3A_3143 : vector<16xi32>
    %add3A_3145 = arith.addi %add3A_3125, %mul3A_3144 : vector<16xi32>
    %sub3A_3146 = arith.constant 8 : i32
    %sub3A_3147 = vector.broadcast %sub3A_3146 : i32 to vector<16xi32>
    %sub3A_3148 = arith.subi %iota3A, %sub3A_3147 : vector<16xi32>
    %max3A_3149 = arith.constant 0 : i32
    %max3A_3150 = vector.broadcast %max3A_3149 : i32 to vector<16xi32>
    %max3A_3151 = arith.maxsi %sub3A_3148, %max3A_3150 : vector<16xi32>
    %broadcast_in_dim3A_3152 = vector.shape_cast %max3A_3151 : vector<16xi32> to vector<16x1xi32>
    %gather3A_3153 = vector.shape_cast %broadcast_in_dim3A_3152 : vector<16x1xi32> to vector<16xi32>
    %gather3A_3154 = tpu.dynamic_gather %add3A_3145[%gather3A_3153] in [0] : vector<16xi32>, vector<16xi32> -> vector<16xi32>
    %sub3A_3155 = arith.constant 7 : i32
    %sub3A_3156 = vector.broadcast %sub3A_3155 : i32 to vector<16xi32>
    %sub3A_3157 = arith.subi %iota3A, %sub3A_3156 : vector<16xi32>
    %max3A_3158 = arith.constant 0 : i32
    %max3A_3159 = vector.broadcast %max3A_3158 : i32 to vector<16xi32>
    %max3A_3160 = arith.maxsi %sub3A_3157, %max3A_3159 : vector<16xi32>
    %min3A_3161 = arith.constant 1 : i32
    %min3A_3162 = vector.broadcast %min3A_3161 : i32 to vector<16xi32>
    %min3A_3163 = arith.minsi %max3A_3160, %min3A_3162 : vector<16xi32>
    %mul3A_3164 = arith.muli %gather3A_3154, %min3A_3163 : vector<16xi32>
    %add3A_3165 = arith.addi %add3A_3145, %mul3A_3164 : vector<16xi32>
    %add3A_3166 = arith.addi %add3A_3075, %add3A_3165 : vector<16xi32>
    %mul3A_3167 = arith.muli %min3A_3085, %add3A_3166 : vector<16xi32>
    %add3A_3168 = arith.constant 1 : i32
    %add3A_3169 = vector.broadcast %add3A_3168 : i32 to vector<16xi32>
    %add3A_3170 = arith.addi %mul3A_3167, %add3A_3169 : vector<16xi32>
    %swap3A_3171 = arith.constant 416 : index
    %swap3A_3172 = tpu.vector_load %arg6[%swap3A_3171] {strides = array<i32>} : memref<528xi32, #tpu.memory_space<vmem>>, vector<16xi32>,
    %swap3A_3173 = vector.shape_cast %swap3A_3172 : vector<16xi32> to vector<16xi32>
    %swap3A_3174 = vector.shape_cast %add3A_3170 : vector<16xi32> to vector<16xi32>
    tpu.vector_store %arg6[%swap3A_3171], %swap3A_3174 {strides = array<i32>} : memref<528xi32, #tpu.memory_space<vmem>>, vector<16xi32>,
    %broadcast_in_dim3A_3175 = vector.shape_cast %broadcast_in_dim3A_3 : vector<16xi32> to vector<16x1xi32>
    %gather3A_3176 = vector.shape_cast %broadcast_in_dim3A_3175 : vector<16x1xi32> to vector<16xi32>
    %gather3A_3177 = tpu.dynamic_gather %add3A_3165[%gather3A_3176] in [0] : vector<16xi32>, vector<16xi32> -> vector<16xi32>
    %add3A_3178 = arith.addi %add3A_3075, %gather3A_3177 : vector<16xi32>
    %get3A_3179 = arith.constant 432 : index
    %get3A_3180 = tpu.vector_load %arg5[%get3A_3179] {strides = array<i32>} : memref<512xi32, #tpu.memory_space<vmem>>, vector<16xi32>,
    %get3A_3181 = vector.shape_cast %get3A_3180 : vector<16xi32> to vector<16xi32>
    %sub3A_3182 = arith.constant 1 : i32
    %sub3A_3183 = vector.broadcast %sub3A_3182 : i32 to vector<16xi32>
    %sub3A_3184 = arith.subi %get3A_3181, %sub3A_3183 : vector<16xi32>
    %abs3A_3185 = math.absi %sub3A_3184 : vector<16xi32>
    %min3A_3186 = arith.constant 1 : i32
    %min3A_3187 = vector.broadcast %min3A_3186 : i32 to vector<16xi32>
    %min3A_3188 = arith.minsi %abs3A_3185, %min3A_3187 : vector<16xi32>
    %sub3A_3189 = arith.constant 1 : i32
    %sub3A_3190 = vector.broadcast %sub3A_3189 : i32 to vector<16xi32>
    %sub3A_3191 = arith.subi %iota3A, %sub3A_3190 : vector<16xi32>
    %max3A_3192 = arith.constant 0 : i32
    %max3A_3193 = vector.broadcast %max3A_3192 : i32 to vector<16xi32>
    %max3A_3194 = arith.maxsi %sub3A_3191, %max3A_3193 : vector<16xi32>
    %broadcast_in_dim3A_3195 = vector.shape_cast %max3A_3194 : vector<16xi32> to vector<16x1xi32>
    %gather3A_3196 = vector.shape_cast %broadcast_in_dim3A_3195 : vector<16x1xi32> to vector<16xi32>
    %gather3A_3197 = tpu.dynamic_gather %min3A_3188[%gather3A_3196] in [0] : vector<16xi32>, vector<16xi32> -> vector<16xi32>
    %sub3A_3198 = arith.constant 0 : i32
    %sub3A_3199 = vector.broadcast %sub3A_3198 : i32 to vector<16xi32>
    %sub3A_3200 = arith.subi %iota3A, %sub3A_3199 : vector<16xi32>
    %max3A_3201 = arith.constant 0 : i32
    %max3A_3202 = vector.broadcast %max3A_3201 : i32 to vector<16xi32>
    %max3A_3203 = arith.maxsi %sub3A_3200, %max3A_3202 : vector<16xi32>
    %min3A_3204 = arith.constant 1 : i32
    %min3A_3205 = vector.broadcast %min3A_3204 : i32 to vector<16xi32>
    %min3A_3206 = arith.minsi %max3A_3203, %min3A_3205 : vector<16xi32>
    %mul3A_3207 = arith.muli %gather3A_3197, %min3A_3206 : vector<16xi32>
    %add3A_3208 = arith.addi %min3A_3188, %mul3A_3207 : vector<16xi32>
    %sub3A_3209 = arith.constant 2 : i32
    %sub3A_3210 = vector.broadcast %sub3A_3209 : i32 to vector<16xi32>
    %sub3A_3211 = arith.subi %iota3A, %sub3A_3210 : vector<16xi32>
    %max3A_3212 = arith.constant 0 : i32
    %max3A_3213 = vector.broadcast %max3A_3212 : i32 to vector<16xi32>
    %max3A_3214 = arith.maxsi %sub3A_3211, %max3A_3213 : vector<16xi32>
    %broadcast_in_dim3A_3215 = vector.shape_cast %max3A_3214 : vector<16xi32> to vector<16x1xi32>
    %gather3A_3216 = vector.shape_cast %broadcast_in_dim3A_3215 : vector<16x1xi32> to vector<16xi32>
    %gather3A_3217 = tpu.dynamic_gather %add3A_3208[%gather3A_3216] in [0] : vector<16xi32>, vector<16xi32> -> vector<16xi32>
    %sub3A_3218 = arith.constant 1 : i32
    %sub3A_3219 = vector.broadcast %sub3A_3218 : i32 to vector<16xi32>
    %sub3A_3220 = arith.subi %iota3A, %sub3A_3219 : vector<16xi32>
    %max3A_3221 = arith.constant 0 : i32
    %max3A_3222 = vector.broadcast %max3A_3221 : i32 to vector<16xi32>
    %max3A_3223 = arith.maxsi %sub3A_3220, %max3A_3222 : vector<16xi32>
    %min3A_3224 = arith.constant 1 : i32
    %min3A_3225 = vector.broadcast %min3A_3224 : i32 to vector<16xi32>
    %min3A_3226 = arith.minsi %max3A_3223, %min3A_3225 : vector<16xi32>
    %mul3A_3227 = arith.muli %gather3A_3217, %min3A_3226 : vector<16xi32>
    %add3A_3228 = arith.addi %add3A_3208, %mul3A_3227 : vector<16xi32>
    %sub3A_3229 = arith.constant 4 : i32
    %sub3A_3230 = vector.broadcast %sub3A_3229 : i32 to vector<16xi32>
    %sub3A_3231 = arith.subi %iota3A, %sub3A_3230 : vector<16xi32>
    %max3A_3232 = arith.constant 0 : i32
    %max3A_3233 = vector.broadcast %max3A_3232 : i32 to vector<16xi32>
    %max3A_3234 = arith.maxsi %sub3A_3231, %max3A_3233 : vector<16xi32>
    %broadcast_in_dim3A_3235 = vector.shape_cast %max3A_3234 : vector<16xi32> to vector<16x1xi32>
    %gather3A_3236 = vector.shape_cast %broadcast_in_dim3A_3235 : vector<16x1xi32> to vector<16xi32>
    %gather3A_3237 = tpu.dynamic_gather %add3A_3228[%gather3A_3236] in [0] : vector<16xi32>, vector<16xi32> -> vector<16xi32>
    %sub3A_3238 = arith.constant 3 : i32
    %sub3A_3239 = vector.broadcast %sub3A_3238 : i32 to vector<16xi32>
    %sub3A_3240 = arith.subi %iota3A, %sub3A_3239 : vector<16xi32>
    %max3A_3241 = arith.constant 0 : i32
    %max3A_3242 = vector.broadcast %max3A_3241 : i32 to vector<16xi32>
    %max3A_3243 = arith.maxsi %sub3A_3240, %max3A_3242 : vector<16xi32>
    %min3A_3244 = arith.constant 1 : i32
    %min3A_3245 = vector.broadcast %min3A_3244 : i32 to vector<16xi32>
    %min3A_3246 = arith.minsi %max3A_3243, %min3A_3245 : vector<16xi32>
    %mul3A_3247 = arith.muli %gather3A_3237, %min3A_3246 : vector<16xi32>
    %add3A_3248 = arith.addi %add3A_3228, %mul3A_3247 : vector<16xi32>
    %sub3A_3249 = arith.constant 8 : i32
    %sub3A_3250 = vector.broadcast %sub3A_3249 : i32 to vector<16xi32>
    %sub3A_3251 = arith.subi %iota3A, %sub3A_3250 : vector<16xi32>
    %max3A_3252 = arith.constant 0 : i32
    %max3A_3253 = vector.broadcast %max3A_3252 : i32 to vector<16xi32>
    %max3A_3254 = arith.maxsi %sub3A_3251, %max3A_3253 : vector<16xi32>
    %broadcast_in_dim3A_3255 = vector.shape_cast %max3A_3254 : vector<16xi32> to vector<16x1xi32>
    %gather3A_3256 = vector.shape_cast %broadcast_in_dim3A_3255 : vector<16x1xi32> to vector<16xi32>
    %gather3A_3257 = tpu.dynamic_gather %add3A_3248[%gather3A_3256] in [0] : vector<16xi32>, vector<16xi32> -> vector<16xi32>
    %sub3A_3258 = arith.constant 7 : i32
    %sub3A_3259 = vector.broadcast %sub3A_3258 : i32 to vector<16xi32>
    %sub3A_3260 = arith.subi %iota3A, %sub3A_3259 : vector<16xi32>
    %max3A_3261 = arith.constant 0 : i32
    %max3A_3262 = vector.broadcast %max3A_3261 : i32 to vector<16xi32>
    %max3A_3263 = arith.maxsi %sub3A_3260, %max3A_3262 : vector<16xi32>
    %min3A_3264 = arith.constant 1 : i32
    %min3A_3265 = vector.broadcast %min3A_3264 : i32 to vector<16xi32>
    %min3A_3266 = arith.minsi %max3A_3263, %min3A_3265 : vector<16xi32>
    %mul3A_3267 = arith.muli %gather3A_3257, %min3A_3266 : vector<16xi32>
    %add3A_3268 = arith.addi %add3A_3248, %mul3A_3267 : vector<16xi32>
    %add3A_3269 = arith.addi %add3A_3178, %add3A_3268 : vector<16xi32>
    %mul3A_3270 = arith.muli %min3A_3188, %add3A_3269 : vector<16xi32>
    %add3A_3271 = arith.constant 1 : i32
    %add3A_3272 = vector.broadcast %add3A_3271 : i32 to vector<16xi32>
    %add3A_3273 = arith.addi %mul3A_3270, %add3A_3272 : vector<16xi32>
    %swap3A_3274 = arith.constant 432 : index
    %swap3A_3275 = tpu.vector_load %arg6[%swap3A_3274] {strides = array<i32>} : memref<528xi32, #tpu.memory_space<vmem>>, vector<16xi32>,
    %swap3A_3276 = vector.shape_cast %swap3A_3275 : vector<16xi32> to vector<16xi32>
    %swap3A_3277 = vector.shape_cast %add3A_3273 : vector<16xi32> to vector<16xi32>
    tpu.vector_store %arg6[%swap3A_3274], %swap3A_3277 {strides = array<i32>} : memref<528xi32, #tpu.memory_space<vmem>>, vector<16xi32>,
    %broadcast_in_dim3A_3278 = vector.shape_cast %broadcast_in_dim3A_3 : vector<16xi32> to vector<16x1xi32>
    %gather3A_3279 = vector.shape_cast %broadcast_in_dim3A_3278 : vector<16x1xi32> to vector<16xi32>
    %gather3A_3280 = tpu.dynamic_gather %add3A_3268[%gather3A_3279] in [0] : vector<16xi32>, vector<16xi32> -> vector<16xi32>
    %add3A_3281 = arith.addi %add3A_3178, %gather3A_3280 : vector<16xi32>
    %get3A_3282 = arith.constant 448 : index
    %get3A_3283 = tpu.vector_load %arg5[%get3A_3282] {strides = array<i32>} : memref<512xi32, #tpu.memory_space<vmem>>, vector<16xi32>,
    %get3A_3284 = vector.shape_cast %get3A_3283 : vector<16xi32> to vector<16xi32>
    %sub3A_3285 = arith.constant 1 : i32
    %sub3A_3286 = vector.broadcast %sub3A_3285 : i32 to vector<16xi32>
    %sub3A_3287 = arith.subi %get3A_3284, %sub3A_3286 : vector<16xi32>
    %abs3A_3288 = math.absi %sub3A_3287 : vector<16xi32>
    %min3A_3289 = arith.constant 1 : i32
    %min3A_3290 = vector.broadcast %min3A_3289 : i32 to vector<16xi32>
    %min3A_3291 = arith.minsi %abs3A_3288, %min3A_3290 : vector<16xi32>
    %sub3A_3292 = arith.constant 1 : i32
    %sub3A_3293 = vector.broadcast %sub3A_3292 : i32 to vector<16xi32>
    %sub3A_3294 = arith.subi %iota3A, %sub3A_3293 : vector<16xi32>
    %max3A_3295 = arith.constant 0 : i32
    %max3A_3296 = vector.broadcast %max3A_3295 : i32 to vector<16xi32>
    %max3A_3297 = arith.maxsi %sub3A_3294, %max3A_3296 : vector<16xi32>
    %broadcast_in_dim3A_3298 = vector.shape_cast %max3A_3297 : vector<16xi32> to vector<16x1xi32>
    %gather3A_3299 = vector.shape_cast %broadcast_in_dim3A_3298 : vector<16x1xi32> to vector<16xi32>
    %gather3A_3300 = tpu.dynamic_gather %min3A_3291[%gather3A_3299] in [0] : vector<16xi32>, vector<16xi32> -> vector<16xi32>
    %sub3A_3301 = arith.constant 0 : i32
    %sub3A_3302 = vector.broadcast %sub3A_3301 : i32 to vector<16xi32>
    %sub3A_3303 = arith.subi %iota3A, %sub3A_3302 : vector<16xi32>
    %max3A_3304 = arith.constant 0 : i32
    %max3A_3305 = vector.broadcast %max3A_3304 : i32 to vector<16xi32>
    %max3A_3306 = arith.maxsi %sub3A_3303, %max3A_3305 : vector<16xi32>
    %min3A_3307 = arith.constant 1 : i32
    %min3A_3308 = vector.broadcast %min3A_3307 : i32 to vector<16xi32>
    %min3A_3309 = arith.minsi %max3A_3306, %min3A_3308 : vector<16xi32>
    %mul3A_3310 = arith.muli %gather3A_3300, %min3A_3309 : vector<16xi32>
    %add3A_3311 = arith.addi %min3A_3291, %mul3A_3310 : vector<16xi32>
    %sub3A_3312 = arith.constant 2 : i32
    %sub3A_3313 = vector.broadcast %sub3A_3312 : i32 to vector<16xi32>
    %sub3A_3314 = arith.subi %iota3A, %sub3A_3313 : vector<16xi32>
    %max3A_3315 = arith.constant 0 : i32
    %max3A_3316 = vector.broadcast %max3A_3315 : i32 to vector<16xi32>
    %max3A_3317 = arith.maxsi %sub3A_3314, %max3A_3316 : vector<16xi32>
    %broadcast_in_dim3A_3318 = vector.shape_cast %max3A_3317 : vector<16xi32> to vector<16x1xi32>
    %gather3A_3319 = vector.shape_cast %broadcast_in_dim3A_3318 : vector<16x1xi32> to vector<16xi32>
    %gather3A_3320 = tpu.dynamic_gather %add3A_3311[%gather3A_3319] in [0] : vector<16xi32>, vector<16xi32> -> vector<16xi32>
    %sub3A_3321 = arith.constant 1 : i32
    %sub3A_3322 = vector.broadcast %sub3A_3321 : i32 to vector<16xi32>
    %sub3A_3323 = arith.subi %iota3A, %sub3A_3322 : vector<16xi32>
    %max3A_3324 = arith.constant 0 : i32
    %max3A_3325 = vector.broadcast %max3A_3324 : i32 to vector<16xi32>
    %max3A_3326 = arith.maxsi %sub3A_3323, %max3A_3325 : vector<16xi32>
    %min3A_3327 = arith.constant 1 : i32
    %min3A_3328 = vector.broadcast %min3A_3327 : i32 to vector<16xi32>
    %min3A_3329 = arith.minsi %max3A_3326, %min3A_3328 : vector<16xi32>
    %mul3A_3330 = arith.muli %gather3A_3320, %min3A_3329 : vector<16xi32>
    %add3A_3331 = arith.addi %add3A_3311, %mul3A_3330 : vector<16xi32>
    %sub3A_3332 = arith.constant 4 : i32
    %sub3A_3333 = vector.broadcast %sub3A_3332 : i32 to vector<16xi32>
    %sub3A_3334 = arith.subi %iota3A, %sub3A_3333 : vector<16xi32>
    %max3A_3335 = arith.constant 0 : i32
    %max3A_3336 = vector.broadcast %max3A_3335 : i32 to vector<16xi32>
    %max3A_3337 = arith.maxsi %sub3A_3334, %max3A_3336 : vector<16xi32>
    %broadcast_in_dim3A_3338 = vector.shape_cast %max3A_3337 : vector<16xi32> to vector<16x1xi32>
    %gather3A_3339 = vector.shape_cast %broadcast_in_dim3A_3338 : vector<16x1xi32> to vector<16xi32>
    %gather3A_3340 = tpu.dynamic_gather %add3A_3331[%gather3A_3339] in [0] : vector<16xi32>, vector<16xi32> -> vector<16xi32>
    %sub3A_3341 = arith.constant 3 : i32
    %sub3A_3342 = vector.broadcast %sub3A_3341 : i32 to vector<16xi32>
    %sub3A_3343 = arith.subi %iota3A, %sub3A_3342 : vector<16xi32>
    %max3A_3344 = arith.constant 0 : i32
    %max3A_3345 = vector.broadcast %max3A_3344 : i32 to vector<16xi32>
    %max3A_3346 = arith.maxsi %sub3A_3343, %max3A_3345 : vector<16xi32>
    %min3A_3347 = arith.constant 1 : i32
    %min3A_3348 = vector.broadcast %min3A_3347 : i32 to vector<16xi32>
    %min3A_3349 = arith.minsi %max3A_3346, %min3A_3348 : vector<16xi32>
    %mul3A_3350 = arith.muli %gather3A_3340, %min3A_3349 : vector<16xi32>
    %add3A_3351 = arith.addi %add3A_3331, %mul3A_3350 : vector<16xi32>
    %sub3A_3352 = arith.constant 8 : i32
    %sub3A_3353 = vector.broadcast %sub3A_3352 : i32 to vector<16xi32>
    %sub3A_3354 = arith.subi %iota3A, %sub3A_3353 : vector<16xi32>
    %max3A_3355 = arith.constant 0 : i32
    %max3A_3356 = vector.broadcast %max3A_3355 : i32 to vector<16xi32>
    %max3A_3357 = arith.maxsi %sub3A_3354, %max3A_3356 : vector<16xi32>
    %broadcast_in_dim3A_3358 = vector.shape_cast %max3A_3357 : vector<16xi32> to vector<16x1xi32>
    %gather3A_3359 = vector.shape_cast %broadcast_in_dim3A_3358 : vector<16x1xi32> to vector<16xi32>
    %gather3A_3360 = tpu.dynamic_gather %add3A_3351[%gather3A_3359] in [0] : vector<16xi32>, vector<16xi32> -> vector<16xi32>
    %sub3A_3361 = arith.constant 7 : i32
    %sub3A_3362 = vector.broadcast %sub3A_3361 : i32 to vector<16xi32>
    %sub3A_3363 = arith.subi %iota3A, %sub3A_3362 : vector<16xi32>
    %max3A_3364 = arith.constant 0 : i32
    %max3A_3365 = vector.broadcast %max3A_3364 : i32 to vector<16xi32>
    %max3A_3366 = arith.maxsi %sub3A_3363, %max3A_3365 : vector<16xi32>
    %min3A_3367 = arith.constant 1 : i32
    %min3A_3368 = vector.broadcast %min3A_3367 : i32 to vector<16xi32>
    %min3A_3369 = arith.minsi %max3A_3366, %min3A_3368 : vector<16xi32>
    %mul3A_3370 = arith.muli %gather3A_3360, %min3A_3369 : vector<16xi32>
    %add3A_3371 = arith.addi %add3A_3351, %mul3A_3370 : vector<16xi32>
    %add3A_3372 = arith.addi %add3A_3281, %add3A_3371 : vector<16xi32>
    %mul3A_3373 = arith.muli %min3A_3291, %add3A_3372 : vector<16xi32>
    %add3A_3374 = arith.constant 1 : i32
    %add3A_3375 = vector.broadcast %add3A_3374 : i32 to vector<16xi32>
    %add3A_3376 = arith.addi %mul3A_3373, %add3A_3375 : vector<16xi32>
    %swap3A_3377 = arith.constant 448 : index
    %swap3A_3378 = tpu.vector_load %arg6[%swap3A_3377] {strides = array<i32>} : memref<528xi32, #tpu.memory_space<vmem>>, vector<16xi32>,
    %swap3A_3379 = vector.shape_cast %swap3A_3378 : vector<16xi32> to vector<16xi32>
    %swap3A_3380 = vector.shape_cast %add3A_3376 : vector<16xi32> to vector<16xi32>
    tpu.vector_store %arg6[%swap3A_3377], %swap3A_3380 {strides = array<i32>} : memref<528xi32, #tpu.memory_space<vmem>>, vector<16xi32>,
    %broadcast_in_dim3A_3381 = vector.shape_cast %broadcast_in_dim3A_3 : vector<16xi32> to vector<16x1xi32>
    %gather3A_3382 = vector.shape_cast %broadcast_in_dim3A_3381 : vector<16x1xi32> to vector<16xi32>
    %gather3A_3383 = tpu.dynamic_gather %add3A_3371[%gather3A_3382] in [0] : vector<16xi32>, vector<16xi32> -> vector<16xi32>
    %add3A_3384 = arith.addi %add3A_3281, %gather3A_3383 : vector<16xi32>
    %get3A_3385 = arith.constant 464 : index
    %get3A_3386 = tpu.vector_load %arg5[%get3A_3385] {strides = array<i32>} : memref<512xi32, #tpu.memory_space<vmem>>, vector<16xi32>,
    %get3A_3387 = vector.shape_cast %get3A_3386 : vector<16xi32> to vector<16xi32>
    %sub3A_3388 = arith.constant 1 : i32
    %sub3A_3389 = vector.broadcast %sub3A_3388 : i32 to vector<16xi32>
    %sub3A_3390 = arith.subi %get3A_3387, %sub3A_3389 : vector<16xi32>
    %abs3A_3391 = math.absi %sub3A_3390 : vector<16xi32>
    %min3A_3392 = arith.constant 1 : i32
    %min3A_3393 = vector.broadcast %min3A_3392 : i32 to vector<16xi32>
    %min3A_3394 = arith.minsi %abs3A_3391, %min3A_3393 : vector<16xi32>
    %sub3A_3395 = arith.constant 1 : i32
    %sub3A_3396 = vector.broadcast %sub3A_3395 : i32 to vector<16xi32>
    %sub3A_3397 = arith.subi %iota3A, %sub3A_3396 : vector<16xi32>
    %max3A_3398 = arith.constant 0 : i32
    %max3A_3399 = vector.broadcast %max3A_3398 : i32 to vector<16xi32>
    %max3A_3400 = arith.maxsi %sub3A_3397, %max3A_3399 : vector<16xi32>
    %broadcast_in_dim3A_3401 = vector.shape_cast %max3A_3400 : vector<16xi32> to vector<16x1xi32>
    %gather3A_3402 = vector.shape_cast %broadcast_in_dim3A_3401 : vector<16x1xi32> to vector<16xi32>
    %gather3A_3403 = tpu.dynamic_gather %min3A_3394[%gather3A_3402] in [0] : vector<16xi32>, vector<16xi32> -> vector<16xi32>
    %sub3A_3404 = arith.constant 0 : i32
    %sub3A_3405 = vector.broadcast %sub3A_3404 : i32 to vector<16xi32>
    %sub3A_3406 = arith.subi %iota3A, %sub3A_3405 : vector<16xi32>
    %max3A_3407 = arith.constant 0 : i32
    %max3A_3408 = vector.broadcast %max3A_3407 : i32 to vector<16xi32>
    %max3A_3409 = arith.maxsi %sub3A_3406, %max3A_3408 : vector<16xi32>
    %min3A_3410 = arith.constant 1 : i32
    %min3A_3411 = vector.broadcast %min3A_3410 : i32 to vector<16xi32>
    %min3A_3412 = arith.minsi %max3A_3409, %min3A_3411 : vector<16xi32>
    %mul3A_3413 = arith.muli %gather3A_3403, %min3A_3412 : vector<16xi32>
    %add3A_3414 = arith.addi %min3A_3394, %mul3A_3413 : vector<16xi32>
    %sub3A_3415 = arith.constant 2 : i32
    %sub3A_3416 = vector.broadcast %sub3A_3415 : i32 to vector<16xi32>
    %sub3A_3417 = arith.subi %iota3A, %sub3A_3416 : vector<16xi32>
    %max3A_3418 = arith.constant 0 : i32
    %max3A_3419 = vector.broadcast %max3A_3418 : i32 to vector<16xi32>
    %max3A_3420 = arith.maxsi %sub3A_3417, %max3A_3419 : vector<16xi32>
    %broadcast_in_dim3A_3421 = vector.shape_cast %max3A_3420 : vector<16xi32> to vector<16x1xi32>
    %gather3A_3422 = vector.shape_cast %broadcast_in_dim3A_3421 : vector<16x1xi32> to vector<16xi32>
    %gather3A_3423 = tpu.dynamic_gather %add3A_3414[%gather3A_3422] in [0] : vector<16xi32>, vector<16xi32> -> vector<16xi32>
    %sub3A_3424 = arith.constant 1 : i32
    %sub3A_3425 = vector.broadcast %sub3A_3424 : i32 to vector<16xi32>
    %sub3A_3426 = arith.subi %iota3A, %sub3A_3425 : vector<16xi32>
    %max3A_3427 = arith.constant 0 : i32
    %max3A_3428 = vector.broadcast %max3A_3427 : i32 to vector<16xi32>
    %max3A_3429 = arith.maxsi %sub3A_3426, %max3A_3428 : vector<16xi32>
    %min3A_3430 = arith.constant 1 : i32
    %min3A_3431 = vector.broadcast %min3A_3430 : i32 to vector<16xi32>
    %min3A_3432 = arith.minsi %max3A_3429, %min3A_3431 : vector<16xi32>
    %mul3A_3433 = arith.muli %gather3A_3423, %min3A_3432 : vector<16xi32>
    %add3A_3434 = arith.addi %add3A_3414, %mul3A_3433 : vector<16xi32>
    %sub3A_3435 = arith.constant 4 : i32
    %sub3A_3436 = vector.broadcast %sub3A_3435 : i32 to vector<16xi32>
    %sub3A_3437 = arith.subi %iota3A, %sub3A_3436 : vector<16xi32>
    %max3A_3438 = arith.constant 0 : i32
    %max3A_3439 = vector.broadcast %max3A_3438 : i32 to vector<16xi32>
    %max3A_3440 = arith.maxsi %sub3A_3437, %max3A_3439 : vector<16xi32>
    %broadcast_in_dim3A_3441 = vector.shape_cast %max3A_3440 : vector<16xi32> to vector<16x1xi32>
    %gather3A_3442 = vector.shape_cast %broadcast_in_dim3A_3441 : vector<16x1xi32> to vector<16xi32>
    %gather3A_3443 = tpu.dynamic_gather %add3A_3434[%gather3A_3442] in [0] : vector<16xi32>, vector<16xi32> -> vector<16xi32>
    %sub3A_3444 = arith.constant 3 : i32
    %sub3A_3445 = vector.broadcast %sub3A_3444 : i32 to vector<16xi32>
    %sub3A_3446 = arith.subi %iota3A, %sub3A_3445 : vector<16xi32>
    %max3A_3447 = arith.constant 0 : i32
    %max3A_3448 = vector.broadcast %max3A_3447 : i32 to vector<16xi32>
    %max3A_3449 = arith.maxsi %sub3A_3446, %max3A_3448 : vector<16xi32>
    %min3A_3450 = arith.constant 1 : i32
    %min3A_3451 = vector.broadcast %min3A_3450 : i32 to vector<16xi32>
    %min3A_3452 = arith.minsi %max3A_3449, %min3A_3451 : vector<16xi32>
    %mul3A_3453 = arith.muli %gather3A_3443, %min3A_3452 : vector<16xi32>
    %add3A_3454 = arith.addi %add3A_3434, %mul3A_3453 : vector<16xi32>
    %sub3A_3455 = arith.constant 8 : i32
    %sub3A_3456 = vector.broadcast %sub3A_3455 : i32 to vector<16xi32>
    %sub3A_3457 = arith.subi %iota3A, %sub3A_3456 : vector<16xi32>
    %max3A_3458 = arith.constant 0 : i32
    %max3A_3459 = vector.broadcast %max3A_3458 : i32 to vector<16xi32>
    %max3A_3460 = arith.maxsi %sub3A_3457, %max3A_3459 : vector<16xi32>
    %broadcast_in_dim3A_3461 = vector.shape_cast %max3A_3460 : vector<16xi32> to vector<16x1xi32>
    %gather3A_3462 = vector.shape_cast %broadcast_in_dim3A_3461 : vector<16x1xi32> to vector<16xi32>
    %gather3A_3463 = tpu.dynamic_gather %add3A_3454[%gather3A_3462] in [0] : vector<16xi32>, vector<16xi32> -> vector<16xi32>
    %sub3A_3464 = arith.constant 7 : i32
    %sub3A_3465 = vector.broadcast %sub3A_3464 : i32 to vector<16xi32>
    %sub3A_3466 = arith.subi %iota3A, %sub3A_3465 : vector<16xi32>
    %max3A_3467 = arith.constant 0 : i32
    %max3A_3468 = vector.broadcast %max3A_3467 : i32 to vector<16xi32>
    %max3A_3469 = arith.maxsi %sub3A_3466, %max3A_3468 : vector<16xi32>
    %min3A_3470 = arith.constant 1 : i32
    %min3A_3471 = vector.broadcast %min3A_3470 : i32 to vector<16xi32>
    %min3A_3472 = arith.minsi %max3A_3469, %min3A_3471 : vector<16xi32>
    %mul3A_3473 = arith.muli %gather3A_3463, %min3A_3472 : vector<16xi32>
    %add3A_3474 = arith.addi %add3A_3454, %mul3A_3473 : vector<16xi32>
    %add3A_3475 = arith.addi %add3A_3384, %add3A_3474 : vector<16xi32>
    %mul3A_3476 = arith.muli %min3A_3394, %add3A_3475 : vector<16xi32>
    %add3A_3477 = arith.constant 1 : i32
    %add3A_3478 = vector.broadcast %add3A_3477 : i32 to vector<16xi32>
    %add3A_3479 = arith.addi %mul3A_3476, %add3A_3478 : vector<16xi32>
    %swap3A_3480 = arith.constant 464 : index
    %swap3A_3481 = tpu.vector_load %arg6[%swap3A_3480] {strides = array<i32>} : memref<528xi32, #tpu.memory_space<vmem>>, vector<16xi32>,
    %swap3A_3482 = vector.shape_cast %swap3A_3481 : vector<16xi32> to vector<16xi32>
    %swap3A_3483 = vector.shape_cast %add3A_3479 : vector<16xi32> to vector<16xi32>
    tpu.vector_store %arg6[%swap3A_3480], %swap3A_3483 {strides = array<i32>} : memref<528xi32, #tpu.memory_space<vmem>>, vector<16xi32>,
    %broadcast_in_dim3A_3484 = vector.shape_cast %broadcast_in_dim3A_3 : vector<16xi32> to vector<16x1xi32>
    %gather3A_3485 = vector.shape_cast %broadcast_in_dim3A_3484 : vector<16x1xi32> to vector<16xi32>
    %gather3A_3486 = tpu.dynamic_gather %add3A_3474[%gather3A_3485] in [0] : vector<16xi32>, vector<16xi32> -> vector<16xi32>
    %add3A_3487 = arith.addi %add3A_3384, %gather3A_3486 : vector<16xi32>
    %get3A_3488 = arith.constant 480 : index
    %get3A_3489 = tpu.vector_load %arg5[%get3A_3488] {strides = array<i32>} : memref<512xi32, #tpu.memory_space<vmem>>, vector<16xi32>,
    %get3A_3490 = vector.shape_cast %get3A_3489 : vector<16xi32> to vector<16xi32>
    %sub3A_3491 = arith.constant 1 : i32
    %sub3A_3492 = vector.broadcast %sub3A_3491 : i32 to vector<16xi32>
    %sub3A_3493 = arith.subi %get3A_3490, %sub3A_3492 : vector<16xi32>
    %abs3A_3494 = math.absi %sub3A_3493 : vector<16xi32>
    %min3A_3495 = arith.constant 1 : i32
    %min3A_3496 = vector.broadcast %min3A_3495 : i32 to vector<16xi32>
    %min3A_3497 = arith.minsi %abs3A_3494, %min3A_3496 : vector<16xi32>
    %sub3A_3498 = arith.constant 1 : i32
    %sub3A_3499 = vector.broadcast %sub3A_3498 : i32 to vector<16xi32>
    %sub3A_3500 = arith.subi %iota3A, %sub3A_3499 : vector<16xi32>
    %max3A_3501 = arith.constant 0 : i32
    %max3A_3502 = vector.broadcast %max3A_3501 : i32 to vector<16xi32>
    %max3A_3503 = arith.maxsi %sub3A_3500, %max3A_3502 : vector<16xi32>
    %broadcast_in_dim3A_3504 = vector.shape_cast %max3A_3503 : vector<16xi32> to vector<16x1xi32>
    %gather3A_3505 = vector.shape_cast %broadcast_in_dim3A_3504 : vector<16x1xi32> to vector<16xi32>
    %gather3A_3506 = tpu.dynamic_gather %min3A_3497[%gather3A_3505] in [0] : vector<16xi32>, vector<16xi32> -> vector<16xi32>
    %sub3A_3507 = arith.constant 0 : i32
    %sub3A_3508 = vector.broadcast %sub3A_3507 : i32 to vector<16xi32>
    %sub3A_3509 = arith.subi %iota3A, %sub3A_3508 : vector<16xi32>
    %max3A_3510 = arith.constant 0 : i32
    %max3A_3511 = vector.broadcast %max3A_3510 : i32 to vector<16xi32>
    %max3A_3512 = arith.maxsi %sub3A_3509, %max3A_3511 : vector<16xi32>
    %min3A_3513 = arith.constant 1 : i32
    %min3A_3514 = vector.broadcast %min3A_3513 : i32 to vector<16xi32>
    %min3A_3515 = arith.minsi %max3A_3512, %min3A_3514 : vector<16xi32>
    %mul3A_3516 = arith.muli %gather3A_3506, %min3A_3515 : vector<16xi32>
    %add3A_3517 = arith.addi %min3A_3497, %mul3A_3516 : vector<16xi32>
    %sub3A_3518 = arith.constant 2 : i32
    %sub3A_3519 = vector.broadcast %sub3A_3518 : i32 to vector<16xi32>
    %sub3A_3520 = arith.subi %iota3A, %sub3A_3519 : vector<16xi32>
    %max3A_3521 = arith.constant 0 : i32
    %max3A_3522 = vector.broadcast %max3A_3521 : i32 to vector<16xi32>
    %max3A_3523 = arith.maxsi %sub3A_3520, %max3A_3522 : vector<16xi32>
    %broadcast_in_dim3A_3524 = vector.shape_cast %max3A_3523 : vector<16xi32> to vector<16x1xi32>
    %gather3A_3525 = vector.shape_cast %broadcast_in_dim3A_3524 : vector<16x1xi32> to vector<16xi32>
    %gather3A_3526 = tpu.dynamic_gather %add3A_3517[%gather3A_3525] in [0] : vector<16xi32>, vector<16xi32> -> vector<16xi32>
    %sub3A_3527 = arith.constant 1 : i32
    %sub3A_3528 = vector.broadcast %sub3A_3527 : i32 to vector<16xi32>
    %sub3A_3529 = arith.subi %iota3A, %sub3A_3528 : vector<16xi32>
    %max3A_3530 = arith.constant 0 : i32
    %max3A_3531 = vector.broadcast %max3A_3530 : i32 to vector<16xi32>
    %max3A_3532 = arith.maxsi %sub3A_3529, %max3A_3531 : vector<16xi32>
    %min3A_3533 = arith.constant 1 : i32
    %min3A_3534 = vector.broadcast %min3A_3533 : i32 to vector<16xi32>
    %min3A_3535 = arith.minsi %max3A_3532, %min3A_3534 : vector<16xi32>
    %mul3A_3536 = arith.muli %gather3A_3526, %min3A_3535 : vector<16xi32>
    %add3A_3537 = arith.addi %add3A_3517, %mul3A_3536 : vector<16xi32>
    %sub3A_3538 = arith.constant 4 : i32
    %sub3A_3539 = vector.broadcast %sub3A_3538 : i32 to vector<16xi32>
    %sub3A_3540 = arith.subi %iota3A, %sub3A_3539 : vector<16xi32>
    %max3A_3541 = arith.constant 0 : i32
    %max3A_3542 = vector.broadcast %max3A_3541 : i32 to vector<16xi32>
    %max3A_3543 = arith.maxsi %sub3A_3540, %max3A_3542 : vector<16xi32>
    %broadcast_in_dim3A_3544 = vector.shape_cast %max3A_3543 : vector<16xi32> to vector<16x1xi32>
    %gather3A_3545 = vector.shape_cast %broadcast_in_dim3A_3544 : vector<16x1xi32> to vector<16xi32>
    %gather3A_3546 = tpu.dynamic_gather %add3A_3537[%gather3A_3545] in [0] : vector<16xi32>, vector<16xi32> -> vector<16xi32>
    %sub3A_3547 = arith.constant 3 : i32
    %sub3A_3548 = vector.broadcast %sub3A_3547 : i32 to vector<16xi32>
    %sub3A_3549 = arith.subi %iota3A, %sub3A_3548 : vector<16xi32>
    %max3A_3550 = arith.constant 0 : i32
    %max3A_3551 = vector.broadcast %max3A_3550 : i32 to vector<16xi32>
    %max3A_3552 = arith.maxsi %sub3A_3549, %max3A_3551 : vector<16xi32>
    %min3A_3553 = arith.constant 1 : i32
    %min3A_3554 = vector.broadcast %min3A_3553 : i32 to vector<16xi32>
    %min3A_3555 = arith.minsi %max3A_3552, %min3A_3554 : vector<16xi32>
    %mul3A_3556 = arith.muli %gather3A_3546, %min3A_3555 : vector<16xi32>
    %add3A_3557 = arith.addi %add3A_3537, %mul3A_3556 : vector<16xi32>
    %sub3A_3558 = arith.constant 8 : i32
    %sub3A_3559 = vector.broadcast %sub3A_3558 : i32 to vector<16xi32>
    %sub3A_3560 = arith.subi %iota3A, %sub3A_3559 : vector<16xi32>
    %max3A_3561 = arith.constant 0 : i32
    %max3A_3562 = vector.broadcast %max3A_3561 : i32 to vector<16xi32>
    %max3A_3563 = arith.maxsi %sub3A_3560, %max3A_3562 : vector<16xi32>
    %broadcast_in_dim3A_3564 = vector.shape_cast %max3A_3563 : vector<16xi32> to vector<16x1xi32>
    %gather3A_3565 = vector.shape_cast %broadcast_in_dim3A_3564 : vector<16x1xi32> to vector<16xi32>
    %gather3A_3566 = tpu.dynamic_gather %add3A_3557[%gather3A_3565] in [0] : vector<16xi32>, vector<16xi32> -> vector<16xi32>
    %sub3A_3567 = arith.constant 7 : i32
    %sub3A_3568 = vector.broadcast %sub3A_3567 : i32 to vector<16xi32>
    %sub3A_3569 = arith.subi %iota3A, %sub3A_3568 : vector<16xi32>
    %max3A_3570 = arith.constant 0 : i32
    %max3A_3571 = vector.broadcast %max3A_3570 : i32 to vector<16xi32>
    %max3A_3572 = arith.maxsi %sub3A_3569, %max3A_3571 : vector<16xi32>
    %min3A_3573 = arith.constant 1 : i32
    %min3A_3574 = vector.broadcast %min3A_3573 : i32 to vector<16xi32>
    %min3A_3575 = arith.minsi %max3A_3572, %min3A_3574 : vector<16xi32>
    %mul3A_3576 = arith.muli %gather3A_3566, %min3A_3575 : vector<16xi32>
    %add3A_3577 = arith.addi %add3A_3557, %mul3A_3576 : vector<16xi32>
    %add3A_3578 = arith.addi %add3A_3487, %add3A_3577 : vector<16xi32>
    %mul3A_3579 = arith.muli %min3A_3497, %add3A_3578 : vector<16xi32>
    %add3A_3580 = arith.constant 1 : i32
    %add3A_3581 = vector.broadcast %add3A_3580 : i32 to vector<16xi32>
    %add3A_3582 = arith.addi %mul3A_3579, %add3A_3581 : vector<16xi32>
    %swap3A_3583 = arith.constant 480 : index
    %swap3A_3584 = tpu.vector_load %arg6[%swap3A_3583] {strides = array<i32>} : memref<528xi32, #tpu.memory_space<vmem>>, vector<16xi32>,
    %swap3A_3585 = vector.shape_cast %swap3A_3584 : vector<16xi32> to vector<16xi32>
    %swap3A_3586 = vector.shape_cast %add3A_3582 : vector<16xi32> to vector<16xi32>
    tpu.vector_store %arg6[%swap3A_3583], %swap3A_3586 {strides = array<i32>} : memref<528xi32, #tpu.memory_space<vmem>>, vector<16xi32>,
    %broadcast_in_dim3A_3587 = vector.shape_cast %broadcast_in_dim3A_3 : vector<16xi32> to vector<16x1xi32>
    %gather3A_3588 = vector.shape_cast %broadcast_in_dim3A_3587 : vector<16x1xi32> to vector<16xi32>
    %gather3A_3589 = tpu.dynamic_gather %add3A_3577[%gather3A_3588] in [0] : vector<16xi32>, vector<16xi32> -> vector<16xi32>
    %add3A_3590 = arith.addi %add3A_3487, %gather3A_3589 : vector<16xi32>
    %get3A_3591 = arith.constant 496 : index
    %get3A_3592 = tpu.vector_load %arg5[%get3A_3591] {strides = array<i32>} : memref<512xi32, #tpu.memory_space<vmem>>, vector<16xi32>,
    %get3A_3593 = vector.shape_cast %get3A_3592 : vector<16xi32> to vector<16xi32>
    %sub3A_3594 = arith.constant 1 : i32
    %sub3A_3595 = vector.broadcast %sub3A_3594 : i32 to vector<16xi32>
    %sub3A_3596 = arith.subi %get3A_3593, %sub3A_3595 : vector<16xi32>
    %abs3A_3597 = math.absi %sub3A_3596 : vector<16xi32>
    %min3A_3598 = arith.constant 1 : i32
    %min3A_3599 = vector.broadcast %min3A_3598 : i32 to vector<16xi32>
    %min3A_3600 = arith.minsi %abs3A_3597, %min3A_3599 : vector<16xi32>
    %sub3A_3601 = arith.constant 1 : i32
    %sub3A_3602 = vector.broadcast %sub3A_3601 : i32 to vector<16xi32>
    %sub3A_3603 = arith.subi %iota3A, %sub3A_3602 : vector<16xi32>
    %max3A_3604 = arith.constant 0 : i32
    %max3A_3605 = vector.broadcast %max3A_3604 : i32 to vector<16xi32>
    %max3A_3606 = arith.maxsi %sub3A_3603, %max3A_3605 : vector<16xi32>
    %broadcast_in_dim3A_3607 = vector.shape_cast %max3A_3606 : vector<16xi32> to vector<16x1xi32>
    %gather3A_3608 = vector.shape_cast %broadcast_in_dim3A_3607 : vector<16x1xi32> to vector<16xi32>
    %gather3A_3609 = tpu.dynamic_gather %min3A_3600[%gather3A_3608] in [0] : vector<16xi32>, vector<16xi32> -> vector<16xi32>
    %sub3A_3610 = arith.constant 0 : i32
    %sub3A_3611 = vector.broadcast %sub3A_3610 : i32 to vector<16xi32>
    %sub3A_3612 = arith.subi %iota3A, %sub3A_3611 : vector<16xi32>
    %max3A_3613 = arith.constant 0 : i32
    %max3A_3614 = vector.broadcast %max3A_3613 : i32 to vector<16xi32>
    %max3A_3615 = arith.maxsi %sub3A_3612, %max3A_3614 : vector<16xi32>
    %min3A_3616 = arith.constant 1 : i32
    %min3A_3617 = vector.broadcast %min3A_3616 : i32 to vector<16xi32>
    %min3A_3618 = arith.minsi %max3A_3615, %min3A_3617 : vector<16xi32>
    %mul3A_3619 = arith.muli %gather3A_3609, %min3A_3618 : vector<16xi32>
    %add3A_3620 = arith.addi %min3A_3600, %mul3A_3619 : vector<16xi32>
    %sub3A_3621 = arith.constant 2 : i32
    %sub3A_3622 = vector.broadcast %sub3A_3621 : i32 to vector<16xi32>
    %sub3A_3623 = arith.subi %iota3A, %sub3A_3622 : vector<16xi32>
    %max3A_3624 = arith.constant 0 : i32
    %max3A_3625 = vector.broadcast %max3A_3624 : i32 to vector<16xi32>
    %max3A_3626 = arith.maxsi %sub3A_3623, %max3A_3625 : vector<16xi32>
    %broadcast_in_dim3A_3627 = vector.shape_cast %max3A_3626 : vector<16xi32> to vector<16x1xi32>
    %gather3A_3628 = vector.shape_cast %broadcast_in_dim3A_3627 : vector<16x1xi32> to vector<16xi32>
    %gather3A_3629 = tpu.dynamic_gather %add3A_3620[%gather3A_3628] in [0] : vector<16xi32>, vector<16xi32> -> vector<16xi32>
    %sub3A_3630 = arith.constant 1 : i32
    %sub3A_3631 = vector.broadcast %sub3A_3630 : i32 to vector<16xi32>
    %sub3A_3632 = arith.subi %iota3A, %sub3A_3631 : vector<16xi32>
    %max3A_3633 = arith.constant 0 : i32
    %max3A_3634 = vector.broadcast %max3A_3633 : i32 to vector<16xi32>
    %max3A_3635 = arith.maxsi %sub3A_3632, %max3A_3634 : vector<16xi32>
    %min3A_3636 = arith.constant 1 : i32
    %min3A_3637 = vector.broadcast %min3A_3636 : i32 to vector<16xi32>
    %min3A_3638 = arith.minsi %max3A_3635, %min3A_3637 : vector<16xi32>
    %mul3A_3639 = arith.muli %gather3A_3629, %min3A_3638 : vector<16xi32>
    %add3A_3640 = arith.addi %add3A_3620, %mul3A_3639 : vector<16xi32>
    %sub3A_3641 = arith.constant 4 : i32
    %sub3A_3642 = vector.broadcast %sub3A_3641 : i32 to vector<16xi32>
    %sub3A_3643 = arith.subi %iota3A, %sub3A_3642 : vector<16xi32>
    %max3A_3644 = arith.constant 0 : i32
    %max3A_3645 = vector.broadcast %max3A_3644 : i32 to vector<16xi32>
    %max3A_3646 = arith.maxsi %sub3A_3643, %max3A_3645 : vector<16xi32>
    %broadcast_in_dim3A_3647 = vector.shape_cast %max3A_3646 : vector<16xi32> to vector<16x1xi32>
    %gather3A_3648 = vector.shape_cast %broadcast_in_dim3A_3647 : vector<16x1xi32> to vector<16xi32>
    %gather3A_3649 = tpu.dynamic_gather %add3A_3640[%gather3A_3648] in [0] : vector<16xi32>, vector<16xi32> -> vector<16xi32>
    %sub3A_3650 = arith.constant 3 : i32
    %sub3A_3651 = vector.broadcast %sub3A_3650 : i32 to vector<16xi32>
    %sub3A_3652 = arith.subi %iota3A, %sub3A_3651 : vector<16xi32>
    %max3A_3653 = arith.constant 0 : i32
    %max3A_3654 = vector.broadcast %max3A_3653 : i32 to vector<16xi32>
    %max3A_3655 = arith.maxsi %sub3A_3652, %max3A_3654 : vector<16xi32>
    %min3A_3656 = arith.constant 1 : i32
    %min3A_3657 = vector.broadcast %min3A_3656 : i32 to vector<16xi32>
    %min3A_3658 = arith.minsi %max3A_3655, %min3A_3657 : vector<16xi32>
    %mul3A_3659 = arith.muli %gather3A_3649, %min3A_3658 : vector<16xi32>
    %add3A_3660 = arith.addi %add3A_3640, %mul3A_3659 : vector<16xi32>
    %sub3A_3661 = arith.constant 8 : i32
    %sub3A_3662 = vector.broadcast %sub3A_3661 : i32 to vector<16xi32>
    %sub3A_3663 = arith.subi %iota3A, %sub3A_3662 : vector<16xi32>
    %max3A_3664 = arith.constant 0 : i32
    %max3A_3665 = vector.broadcast %max3A_3664 : i32 to vector<16xi32>
    %max3A_3666 = arith.maxsi %sub3A_3663, %max3A_3665 : vector<16xi32>
    %broadcast_in_dim3A_3667 = vector.shape_cast %max3A_3666 : vector<16xi32> to vector<16x1xi32>
    %gather3A_3668 = vector.shape_cast %broadcast_in_dim3A_3667 : vector<16x1xi32> to vector<16xi32>
    %gather3A_3669 = tpu.dynamic_gather %add3A_3660[%gather3A_3668] in [0] : vector<16xi32>, vector<16xi32> -> vector<16xi32>
    %sub3A_3670 = arith.constant 7 : i32
    %sub3A_3671 = vector.broadcast %sub3A_3670 : i32 to vector<16xi32>
    %sub3A_3672 = arith.subi %iota3A, %sub3A_3671 : vector<16xi32>
    %max3A_3673 = arith.constant 0 : i32
    %max3A_3674 = vector.broadcast %max3A_3673 : i32 to vector<16xi32>
    %max3A_3675 = arith.maxsi %sub3A_3672, %max3A_3674 : vector<16xi32>
    %min3A_3676 = arith.constant 1 : i32
    %min3A_3677 = vector.broadcast %min3A_3676 : i32 to vector<16xi32>
    %min3A_3678 = arith.minsi %max3A_3675, %min3A_3677 : vector<16xi32>
    %mul3A_3679 = arith.muli %gather3A_3669, %min3A_3678 : vector<16xi32>
    %add3A_3680 = arith.addi %add3A_3660, %mul3A_3679 : vector<16xi32>
    %add3A_3681 = arith.addi %add3A_3590, %add3A_3680 : vector<16xi32>
    %mul3A_3682 = arith.muli %min3A_3600, %add3A_3681 : vector<16xi32>
    %add3A_3683 = arith.constant 1 : i32
    %add3A_3684 = vector.broadcast %add3A_3683 : i32 to vector<16xi32>
    %add3A_3685 = arith.addi %mul3A_3682, %add3A_3684 : vector<16xi32>
    %swap3A_3686 = arith.constant 496 : index
    %swap3A_3687 = tpu.vector_load %arg6[%swap3A_3686] {strides = array<i32>} : memref<528xi32, #tpu.memory_space<vmem>>, vector<16xi32>,
    %swap3A_3688 = vector.shape_cast %swap3A_3687 : vector<16xi32> to vector<16xi32>
    %swap3A_3689 = vector.shape_cast %add3A_3685 : vector<16xi32> to vector<16xi32>
    tpu.vector_store %arg6[%swap3A_3686], %swap3A_3689 {strides = array<i32>} : memref<528xi32, #tpu.memory_space<vmem>>, vector<16xi32>,
    %broadcast_in_dim3A_3690 = vector.shape_cast %broadcast_in_dim3A_3 : vector<16xi32> to vector<16x1xi32>
    %gather3A_3691 = vector.shape_cast %broadcast_in_dim3A_3690 : vector<16x1xi32> to vector<16xi32>
    %gather3A_3692 = tpu.dynamic_gather %add3A_3680[%gather3A_3691] in [0] : vector<16xi32>, vector<16xi32> -> vector<16xi32>
    %add3A_3693 = arith.addi %add3A_3590, %gather3A_3692 : vector<16xi32>
    %dma_start3A = arith.constant 0 : i32
    %dma_start3A_3694 = arith.constant 0 : i32
    %dma_start3A_3695 = arith.constant 0 : i32
    %dma_start3A_3696 = tpu.memref_slice %arg10[%dma_start3A, %dma_start3A_3694, %dma_start3A_3695] : memref<3x32x1024xf32, #tpu.memory_space<vmem>> -> memref<1x32x1024xf32, #tpu.memory_space<vmem>>
    %dma_start3A_3697 = tpu.memref_squeeze %dma_start3A_3696 : memref<1x32x1024xf32, #tpu.memory_space<vmem>> -> memref<32x1024xf32, #tpu.memory_space<vmem>>
    %dma_start3A_3698 = arith.constant 0 : i32
    %dma_start3A_3699 = tpu.memref_slice %arg6[%dma_start3A_3698] : memref<528xi32, #tpu.memory_space<vmem>> -> memref<32xi32, #tpu.memory_space<vmem>>
    %dma_start3A_3700 = arith.constant 0 : i32
    %dma_start3A_3701 = arith.constant 0 : i32
    %dma_start3A_3702 = tpu.memref_slice %arg3[%dma_start3A_3700, %dma_start3A_3701] : memref<8192x1024xf32, #tpu.memory_space<hbm>> -> memref<8192x1024xf32, #tpu.memory_space<hbm>>
    tpu.enqueue_indirect_dma source(%dma_start3A_3702 : memref<8192x1024xf32, #tpu.memory_space<hbm>>) target(%dma_start3A_3697 : memref<32x1024xf32, #tpu.memory_space<vmem>>) offsets(%dma_start3A_3699 : memref<32xi32, #tpu.memory_space<vmem>>) semaphore(%arg11 : memref<!tpu.dma_semaphore, #tpu.memory_space<semaphore_mem>>)
    %dma_start3A_3703 = arith.constant 1 : i32
    %dma_start3A_3704 = arith.constant 0 : i32
    %dma_start3A_3705 = arith.constant 0 : i32
    %dma_start3A_3706 = tpu.memref_slice %arg10[%dma_start3A_3703, %dma_start3A_3704, %dma_start3A_3705] : memref<3x32x1024xf32, #tpu.memory_space<vmem>> -> memref<1x32x1024xf32, #tpu.memory_space<vmem>>
    %dma_start3A_3707 = tpu.memref_squeeze %dma_start3A_3706 : memref<1x32x1024xf32, #tpu.memory_space<vmem>> -> memref<32x1024xf32, #tpu.memory_space<vmem>>
    %dma_start3A_3708 = arith.constant 32 : i32
    %dma_start3A_3709 = tpu.memref_slice %arg6[%dma_start3A_3708] : memref<528xi32, #tpu.memory_space<vmem>> -> memref<32xi32, #tpu.memory_space<vmem>>
    %dma_start3A_3710 = arith.constant 0 : i32
    %dma_start3A_3711 = arith.constant 0 : i32
    %dma_start3A_3712 = tpu.memref_slice %arg3[%dma_start3A_3710, %dma_start3A_3711] : memref<8192x1024xf32, #tpu.memory_space<hbm>> -> memref<8192x1024xf32, #tpu.memory_space<hbm>>
    tpu.enqueue_indirect_dma source(%dma_start3A_3712 : memref<8192x1024xf32, #tpu.memory_space<hbm>>) target(%dma_start3A_3707 : memref<32x1024xf32, #tpu.memory_space<vmem>>) offsets(%dma_start3A_3709 : memref<32xi32, #tpu.memory_space<vmem>>) semaphore(%arg12 : memref<!tpu.dma_semaphore, #tpu.memory_space<semaphore_mem>>)
    %dma_wait3A = arith.constant 0 : i32
    %dma_wait3A_3713 = arith.constant 0 : i32
    %dma_wait3A_3714 = arith.constant 0 : i32
    %dma_wait3A_3715 = tpu.memref_slice %arg10[%dma_wait3A, %dma_wait3A_3713, %dma_wait3A_3714] : memref<3x32x1024xf32, #tpu.memory_space<vmem>> -> memref<1x32x1024xf32, #tpu.memory_space<vmem>>
    %dma_wait3A_3716 = tpu.memref_squeeze %dma_wait3A_3715 : memref<1x32x1024xf32, #tpu.memory_space<vmem>> -> memref<32x1024xf32, #tpu.memory_space<vmem>>
    %dma_wait3A_3717 = arith.constant 0 : i32
    %dma_wait3A_3718 = tpu.memref_slice %arg6[%dma_wait3A_3717] : memref<528xi32, #tpu.memory_space<vmem>> -> memref<32xi32, #tpu.memory_space<vmem>>
    %dma_wait3A_3719 = arith.constant 0 : i32
    %dma_wait3A_3720 = arith.constant 0 : i32
    %dma_wait3A_3721 = tpu.memref_slice %arg3[%dma_wait3A_3719, %dma_wait3A_3720] : memref<8192x1024xf32, #tpu.memory_space<hbm>> -> memref<8192x1024xf32, #tpu.memory_space<hbm>>
    tpu.wait_indirect_dma semaphore(%arg11 : memref<!tpu.dma_semaphore, #tpu.memory_space<semaphore_mem>>) src(%dma_wait3A_3721 : memref<8192x1024xf32, #tpu.memory_space<hbm>>) dst(%dma_wait3A_3716 : memref<32x1024xf32, #tpu.memory_space<vmem>>)
    %add3A_3722 = arith.constant 0 : i32
    %add3A_3723 = arith.addi %multiple_of3A, %add3A_3722 : i32
    %dma_start3A_3724 = arith.constant 0 : i32
    %dma_start3A_3725 = arith.constant 0 : i32
    %dma_start3A_3726 = arith.constant 0 : i32
    %dma_start3A_3727 = tpu.memref_slice %arg10[%dma_start3A_3724, %dma_start3A_3725, %dma_start3A_3726] : memref<3x32x1024xf32, #tpu.memory_space<vmem>> -> memref<1x32x1024xf32, #tpu.memory_space<vmem>>
    %dma_start3A_3728 = tpu.memref_squeeze %dma_start3A_3727 : memref<1x32x1024xf32, #tpu.memory_space<vmem>> -> memref<32x1024xf32, #tpu.memory_space<vmem>>
    %dma_start3A_3729 = arith.constant 0 : i32
    %dma_start3A_3730 = tpu.memref_slice %arg4[%add3A_3723, %dma_start3A_3729] : memref<16384x1024xf32, #tpu.memory_space<hbm>> -> memref<32x1024xf32, #tpu.memory_space<hbm>>
    %dma_start3A_3731 = arith.constant 0 : i32
    %dma_start3A_3732 = tpu.memref_slice %arg4[%add3A_3723, %dma_start3A_3731] : memref<16384x1024xf32, #tpu.memory_space<hbm>> -> memref<32x1024xf32, #tpu.memory_space<hbm>>
    %dma_start3A_3733 = arith.constant 0 : i32
    %dma_start3A_3734 = arith.constant 0 : i32
    %dma_start3A_3735 = tpu.memref_slice %arg10[%dma_start3A_3724, %dma_start3A_3733, %dma_start3A_3734] : memref<3x32x1024xf32, #tpu.memory_space<vmem>> -> memref<1x32x1024xf32, #tpu.memory_space<vmem>>
    %dma_start3A_3736 = tpu.memref_squeeze %dma_start3A_3735 : memref<1x32x1024xf32, #tpu.memory_space<vmem>> -> memref<32x1024xf32, #tpu.memory_space<vmem>>
    tpu.enqueue_dma source(%dma_start3A_3736 : memref<32x1024xf32, #tpu.memory_space<vmem>>) target(%dma_start3A_3732 : memref<32x1024xf32, #tpu.memory_space<hbm>>) target_semaphore(%arg14 : memref<!tpu.dma_semaphore, #tpu.memory_space<semaphore_mem>>)
    %dma_start3A_3737 = arith.constant 2 : i32
    %dma_start3A_3738 = arith.constant 0 : i32
    %dma_start3A_3739 = arith.constant 0 : i32
    %dma_start3A_3740 = tpu.memref_slice %arg10[%dma_start3A_3737, %dma_start3A_3738, %dma_start3A_3739] : memref<3x32x1024xf32, #tpu.memory_space<vmem>> -> memref<1x32x1024xf32, #tpu.memory_space<vmem>>
    %dma_start3A_3741 = tpu.memref_squeeze %dma_start3A_3740 : memref<1x32x1024xf32, #tpu.memory_space<vmem>> -> memref<32x1024xf32, #tpu.memory_space<vmem>>
    %dma_start3A_3742 = arith.constant 64 : i32
    %dma_start3A_3743 = tpu.memref_slice %arg6[%dma_start3A_3742] : memref<528xi32, #tpu.memory_space<vmem>> -> memref<32xi32, #tpu.memory_space<vmem>>
    %dma_start3A_3744 = arith.constant 0 : i32
    %dma_start3A_3745 = arith.constant 0 : i32
    %dma_start3A_3746 = tpu.memref_slice %arg3[%dma_start3A_3744, %dma_start3A_3745] : memref<8192x1024xf32, #tpu.memory_space<hbm>> -> memref<8192x1024xf32, #tpu.memory_space<hbm>>
    tpu.enqueue_indirect_dma source(%dma_start3A_3746 : memref<8192x1024xf32, #tpu.memory_space<hbm>>) target(%dma_start3A_3741 : memref<32x1024xf32, #tpu.memory_space<vmem>>) offsets(%dma_start3A_3743 : memref<32xi32, #tpu.memory_space<vmem>>) semaphore(%arg13 : memref<!tpu.dma_semaphore, #tpu.memory_space<semaphore_mem>>)
    %dma_wait3A_3747 = arith.constant 1 : i32
    %dma_wait3A_3748 = arith.constant 0 : i32
    %dma_wait3A_3749 = arith.constant 0 : i32
    %dma_wait3A_3750 = tpu.memref_slice %arg10[%dma_wait3A_3747, %dma_wait3A_3748, %dma_wait3A_3749] : memref<3x32x1024xf32, #tpu.memory_space<vmem>> -> memref<1x32x1024xf32, #tpu.memory_space<vmem>>
    %dma_wait3A_3751 = tpu.memref_squeeze %dma_wait3A_3750 : memref<1x32x1024xf32, #tpu.memory_space<vmem>> -> memref<32x1024xf32, #tpu.memory_space<vmem>>
    %dma_wait3A_3752 = arith.constant 32 : i32
    %dma_wait3A_3753 = tpu.memref_slice %arg6[%dma_wait3A_3752] : memref<528xi32, #tpu.memory_space<vmem>> -> memref<32xi32, #tpu.memory_space<vmem>>
    %dma_wait3A_3754 = arith.constant 0 : i32
    %dma_wait3A_3755 = arith.constant 0 : i32
    %dma_wait3A_3756 = tpu.memref_slice %arg3[%dma_wait3A_3754, %dma_wait3A_3755] : memref<8192x1024xf32, #tpu.memory_space<hbm>> -> memref<8192x1024xf32, #tpu.memory_space<hbm>>
    tpu.wait_indirect_dma semaphore(%arg12 : memref<!tpu.dma_semaphore, #tpu.memory_space<semaphore_mem>>) src(%dma_wait3A_3756 : memref<8192x1024xf32, #tpu.memory_space<hbm>>) dst(%dma_wait3A_3751 : memref<32x1024xf32, #tpu.memory_space<vmem>>)
    %add3A_3757 = arith.constant 32 : i32
    %add3A_3758 = arith.addi %multiple_of3A, %add3A_3757 : i32
    %dma_start3A_3759 = arith.constant 1 : i32
    %dma_start3A_3760 = arith.constant 0 : i32
    %dma_start3A_3761 = arith.constant 0 : i32
    %dma_start3A_3762 = tpu.memref_slice %arg10[%dma_start3A_3759, %dma_start3A_3760, %dma_start3A_3761] : memref<3x32x1024xf32, #tpu.memory_space<vmem>> -> memref<1x32x1024xf32, #tpu.memory_space<vmem>>
    %dma_start3A_3763 = tpu.memref_squeeze %dma_start3A_3762 : memref<1x32x1024xf32, #tpu.memory_space<vmem>> -> memref<32x1024xf32, #tpu.memory_space<vmem>>
    %dma_start3A_3764 = arith.constant 0 : i32
    %dma_start3A_3765 = tpu.memref_slice %arg4[%add3A_3758, %dma_start3A_3764] : memref<16384x1024xf32, #tpu.memory_space<hbm>> -> memref<32x1024xf32, #tpu.memory_space<hbm>>
    %dma_start3A_3766 = arith.constant 0 : i32
    %dma_start3A_3767 = tpu.memref_slice %arg4[%add3A_3758, %dma_start3A_3766] : memref<16384x1024xf32, #tpu.memory_space<hbm>> -> memref<32x1024xf32, #tpu.memory_space<hbm>>
    %dma_start3A_3768 = arith.constant 0 : i32
    %dma_start3A_3769 = arith.constant 0 : i32
    %dma_start3A_3770 = tpu.memref_slice %arg10[%dma_start3A_3759, %dma_start3A_3768, %dma_start3A_3769] : memref<3x32x1024xf32, #tpu.memory_space<vmem>> -> memref<1x32x1024xf32, #tpu.memory_space<vmem>>
    %dma_start3A_3771 = tpu.memref_squeeze %dma_start3A_3770 : memref<1x32x1024xf32, #tpu.memory_space<vmem>> -> memref<32x1024xf32, #tpu.memory_space<vmem>>
    tpu.enqueue_dma source(%dma_start3A_3771 : memref<32x1024xf32, #tpu.memory_space<vmem>>) target(%dma_start3A_3767 : memref<32x1024xf32, #tpu.memory_space<hbm>>) target_semaphore(%arg15 : memref<!tpu.dma_semaphore, #tpu.memory_space<semaphore_mem>>)
    %dma_wait3A_3772 = arith.constant 0 : i32
    %dma_wait3A_3773 = arith.constant 0 : i32
    %dma_wait3A_3774 = arith.constant 0 : i32
    %dma_wait3A_3775 = tpu.memref_slice %arg10[%dma_wait3A_3772, %dma_wait3A_3773, %dma_wait3A_3774] : memref<3x32x1024xf32, #tpu.memory_space<vmem>> -> memref<1x32x1024xf32, #tpu.memory_space<vmem>>
    %dma_wait3A_3776 = tpu.memref_squeeze %dma_wait3A_3775 : memref<1x32x1024xf32, #tpu.memory_space<vmem>> -> memref<32x1024xf32, #tpu.memory_space<vmem>>
    %dma_wait3A_3777 = arith.constant 0 : i32
    %dma_wait3A_3778 = tpu.memref_slice %arg4[%add3A_3723, %dma_wait3A_3777] : memref<16384x1024xf32, #tpu.memory_space<hbm>> -> memref<32x1024xf32, #tpu.memory_space<hbm>>
    %dma_wait3A_3779 = arith.constant 0 : i32
    %dma_wait3A_3780 = tpu.memref_slice %arg4[%add3A_3723, %dma_wait3A_3779] : memref<16384x1024xf32, #tpu.memory_space<hbm>> -> memref<32x1024xf32, #tpu.memory_space<hbm>>
    %dma_wait3A_3781 = arith.constant 0 : i32
    %dma_wait3A_3782 = arith.constant 0 : i32
    %dma_wait3A_3783 = tpu.memref_slice %arg10[%dma_wait3A_3772, %dma_wait3A_3781, %dma_wait3A_3782] : memref<3x32x1024xf32, #tpu.memory_space<vmem>> -> memref<1x32x1024xf32, #tpu.memory_space<vmem>>
    %dma_wait3A_3784 = tpu.memref_squeeze %dma_wait3A_3783 : memref<1x32x1024xf32, #tpu.memory_space<vmem>> -> memref<32x1024xf32, #tpu.memory_space<vmem>>
    tpu.wait_dma2 semaphore(%arg14 : memref<!tpu.dma_semaphore, #tpu.memory_space<semaphore_mem>>) src(%dma_wait3A_3784 : memref<32x1024xf32, #tpu.memory_space<vmem>>) dst(%dma_wait3A_3780 : memref<32x1024xf32, #tpu.memory_space<hbm>>)
    %dma_start3A_3785 = arith.constant 0 : i32
    %dma_start3A_3786 = arith.constant 0 : i32
    %dma_start3A_3787 = arith.constant 0 : i32
    %dma_start3A_3788 = tpu.memref_slice %arg10[%dma_start3A_3785, %dma_start3A_3786, %dma_start3A_3787] : memref<3x32x1024xf32, #tpu.memory_space<vmem>> -> memref<1x32x1024xf32, #tpu.memory_space<vmem>>
    %dma_start3A_3789 = tpu.memref_squeeze %dma_start3A_3788 : memref<1x32x1024xf32, #tpu.memory_space<vmem>> -> memref<32x1024xf32, #tpu.memory_space<vmem>>
    %dma_start3A_3790 = arith.constant 96 : i32
    %dma_start3A_3791 = tpu.memref_slice %arg6[%dma_start3A_3790] : memref<528xi32, #tpu.memory_space<vmem>> -> memref<32xi32, #tpu.memory_space<vmem>>
    %dma_start3A_3792 = arith.constant 0 : i32
    %dma_start3A_3793 = arith.constant 0 : i32
    %dma_start3A_3794 = tpu.memref_slice %arg3[%dma_start3A_3792, %dma_start3A_3793] : memref<8192x1024xf32, #tpu.memory_space<hbm>> -> memref<8192x1024xf32, #tpu.memory_space<hbm>>
    tpu.enqueue_indirect_dma source(%dma_start3A_3794 : memref<8192x1024xf32, #tpu.memory_space<hbm>>) target(%dma_start3A_3789 : memref<32x1024xf32, #tpu.memory_space<vmem>>) offsets(%dma_start3A_3791 : memref<32xi32, #tpu.memory_space<vmem>>) semaphore(%arg11 : memref<!tpu.dma_semaphore, #tpu.memory_space<semaphore_mem>>)
    %dma_wait3A_3795 = arith.constant 2 : i32
    %dma_wait3A_3796 = arith.constant 0 : i32
    %dma_wait3A_3797 = arith.constant 0 : i32
    %dma_wait3A_3798 = tpu.memref_slice %arg10[%dma_wait3A_3795, %dma_wait3A_3796, %dma_wait3A_3797] : memref<3x32x1024xf32, #tpu.memory_space<vmem>> -> memref<1x32x1024xf32, #tpu.memory_space<vmem>>
    %dma_wait3A_3799 = tpu.memref_squeeze %dma_wait3A_3798 : memref<1x32x1024xf32, #tpu.memory_space<vmem>> -> memref<32x1024xf32, #tpu.memory_space<vmem>>
    %dma_wait3A_3800 = arith.constant 64 : i32
    %dma_wait3A_3801 = tpu.memref_slice %arg6[%dma_wait3A_3800] : memref<528xi32, #tpu.memory_space<vmem>> -> memref<32xi32, #tpu.memory_space<vmem>>
    %dma_wait3A_3802 = arith.constant 0 : i32
    %dma_wait3A_3803 = arith.constant 0 : i32
    %dma_wait3A_3804 = tpu.memref_slice %arg3[%dma_wait3A_3802, %dma_wait3A_3803] : memref<8192x1024xf32, #tpu.memory_space<hbm>> -> memref<8192x1024xf32, #tpu.memory_space<hbm>>
    tpu.wait_indirect_dma semaphore(%arg13 : memref<!tpu.dma_semaphore, #tpu.memory_space<semaphore_mem>>) src(%dma_wait3A_3804 : memref<8192x1024xf32, #tpu.memory_space<hbm>>) dst(%dma_wait3A_3799 : memref<32x1024xf32, #tpu.memory_space<vmem>>)
    %add3A_3805 = arith.constant 64 : i32
    %add3A_3806 = arith.addi %multiple_of3A, %add3A_3805 : i32
    %dma_start3A_3807 = arith.constant 2 : i32
    %dma_start3A_3808 = arith.constant 0 : i32
    %dma_start3A_3809 = arith.constant 0 : i32
    %dma_start3A_3810 = tpu.memref_slice %arg10[%dma_start3A_3807, %dma_start3A_3808, %dma_start3A_3809] : memref<3x32x1024xf32, #tpu.memory_space<vmem>> -> memref<1x32x1024xf32, #tpu.memory_space<vmem>>
    %dma_start3A_3811 = tpu.memref_squeeze %dma_start3A_3810 : memref<1x32x1024xf32, #tpu.memory_space<vmem>> -> memref<32x1024xf32, #tpu.memory_space<vmem>>
    %dma_start3A_3812 = arith.constant 0 : i32
    %dma_start3A_3813 = tpu.memref_slice %arg4[%add3A_3806, %dma_start3A_3812] : memref<16384x1024xf32, #tpu.memory_space<hbm>> -> memref<32x1024xf32, #tpu.memory_space<hbm>>
    %dma_start3A_3814 = arith.constant 0 : i32
    %dma_start3A_3815 = tpu.memref_slice %arg4[%add3A_3806, %dma_start3A_3814] : memref<16384x1024xf32, #tpu.memory_space<hbm>> -> memref<32x1024xf32, #tpu.memory_space<hbm>>
    %dma_start3A_3816 = arith.constant 0 : i32
    %dma_start3A_3817 = arith.constant 0 : i32
    %dma_start3A_3818 = tpu.memref_slice %arg10[%dma_start3A_3807, %dma_start3A_3816, %dma_start3A_3817] : memref<3x32x1024xf32, #tpu.memory_space<vmem>> -> memref<1x32x1024xf32, #tpu.memory_space<vmem>>
    %dma_start3A_3819 = tpu.memref_squeeze %dma_start3A_3818 : memref<1x32x1024xf32, #tpu.memory_space<vmem>> -> memref<32x1024xf32, #tpu.memory_space<vmem>>
    tpu.enqueue_dma source(%dma_start3A_3819 : memref<32x1024xf32, #tpu.memory_space<vmem>>) target(%dma_start3A_3815 : memref<32x1024xf32, #tpu.memory_space<hbm>>) target_semaphore(%arg16 : memref<!tpu.dma_semaphore, #tpu.memory_space<semaphore_mem>>)
    %dma_wait3A_3820 = arith.constant 1 : i32
    %dma_wait3A_3821 = arith.constant 0 : i32
    %dma_wait3A_3822 = arith.constant 0 : i32
    %dma_wait3A_3823 = tpu.memref_slice %arg10[%dma_wait3A_3820, %dma_wait3A_3821, %dma_wait3A_3822] : memref<3x32x1024xf32, #tpu.memory_space<vmem>> -> memref<1x32x1024xf32, #tpu.memory_space<vmem>>
    %dma_wait3A_3824 = tpu.memref_squeeze %dma_wait3A_3823 : memref<1x32x1024xf32, #tpu.memory_space<vmem>> -> memref<32x1024xf32, #tpu.memory_space<vmem>>
    %dma_wait3A_3825 = arith.constant 0 : i32
    %dma_wait3A_3826 = tpu.memref_slice %arg4[%add3A_3758, %dma_wait3A_3825] : memref<16384x1024xf32, #tpu.memory_space<hbm>> -> memref<32x1024xf32, #tpu.memory_space<hbm>>
    %dma_wait3A_3827 = arith.constant 0 : i32
    %dma_wait3A_3828 = tpu.memref_slice %arg4[%add3A_3758, %dma_wait3A_3827] : memref<16384x1024xf32, #tpu.memory_space<hbm>> -> memref<32x1024xf32, #tpu.memory_space<hbm>>
    %dma_wait3A_3829 = arith.constant 0 : i32
    %dma_wait3A_3830 = arith.constant 0 : i32
    %dma_wait3A_3831 = tpu.memref_slice %arg10[%dma_wait3A_3820, %dma_wait3A_3829, %dma_wait3A_3830] : memref<3x32x1024xf32, #tpu.memory_space<vmem>> -> memref<1x32x1024xf32, #tpu.memory_space<vmem>>
    %dma_wait3A_3832 = tpu.memref_squeeze %dma_wait3A_3831 : memref<1x32x1024xf32, #tpu.memory_space<vmem>> -> memref<32x1024xf32, #tpu.memory_space<vmem>>
    tpu.wait_dma2 semaphore(%arg15 : memref<!tpu.dma_semaphore, #tpu.memory_space<semaphore_mem>>) src(%dma_wait3A_3832 : memref<32x1024xf32, #tpu.memory_space<vmem>>) dst(%dma_wait3A_3828 : memref<32x1024xf32, #tpu.memory_space<hbm>>)
    %dma_start3A_3833 = arith.constant 1 : i32
    %dma_start3A_3834 = arith.constant 0 : i32
    %dma_start3A_3835 = arith.constant 0 : i32
    %dma_start3A_3836 = tpu.memref_slice %arg10[%dma_start3A_3833, %dma_start3A_3834, %dma_start3A_3835] : memref<3x32x1024xf32, #tpu.memory_space<vmem>> -> memref<1x32x1024xf32, #tpu.memory_space<vmem>>
    %dma_start3A_3837 = tpu.memref_squeeze %dma_start3A_3836 : memref<1x32x1024xf32, #tpu.memory_space<vmem>> -> memref<32x1024xf32, #tpu.memory_space<vmem>>
    %dma_start3A_3838 = arith.constant 128 : i32
    %dma_start3A_3839 = tpu.memref_slice %arg6[%dma_start3A_3838] : memref<528xi32, #tpu.memory_space<vmem>> -> memref<32xi32, #tpu.memory_space<vmem>>
    %dma_start3A_3840 = arith.constant 0 : i32
    %dma_start3A_3841 = arith.constant 0 : i32
    %dma_start3A_3842 = tpu.memref_slice %arg3[%dma_start3A_3840, %dma_start3A_3841] : memref<8192x1024xf32, #tpu.memory_space<hbm>> -> memref<8192x1024xf32, #tpu.memory_space<hbm>>
    tpu.enqueue_indirect_dma source(%dma_start3A_3842 : memref<8192x1024xf32, #tpu.memory_space<hbm>>) target(%dma_start3A_3837 : memref<32x1024xf32, #tpu.memory_space<vmem>>) offsets(%dma_start3A_3839 : memref<32xi32, #tpu.memory_space<vmem>>) semaphore(%arg12 : memref<!tpu.dma_semaphore, #tpu.memory_space<semaphore_mem>>)
    %dma_wait3A_3843 = arith.constant 0 : i32
    %dma_wait3A_3844 = arith.constant 0 : i32
    %dma_wait3A_3845 = arith.constant 0 : i32
    %dma_wait3A_3846 = tpu.memref_slice %arg10[%dma_wait3A_3843, %dma_wait3A_3844, %dma_wait3A_3845] : memref<3x32x1024xf32, #tpu.memory_space<vmem>> -> memref<1x32x1024xf32, #tpu.memory_space<vmem>>
    %dma_wait3A_3847 = tpu.memref_squeeze %dma_wait3A_3846 : memref<1x32x1024xf32, #tpu.memory_space<vmem>> -> memref<32x1024xf32, #tpu.memory_space<vmem>>
    %dma_wait3A_3848 = arith.constant 96 : i32
    %dma_wait3A_3849 = tpu.memref_slice %arg6[%dma_wait3A_3848] : memref<528xi32, #tpu.memory_space<vmem>> -> memref<32xi32, #tpu.memory_space<vmem>>
    %dma_wait3A_3850 = arith.constant 0 : i32
    %dma_wait3A_3851 = arith.constant 0 : i32
    %dma_wait3A_3852 = tpu.memref_slice %arg3[%dma_wait3A_3850, %dma_wait3A_3851] : memref<8192x1024xf32, #tpu.memory_space<hbm>> -> memref<8192x1024xf32, #tpu.memory_space<hbm>>
    tpu.wait_indirect_dma semaphore(%arg11 : memref<!tpu.dma_semaphore, #tpu.memory_space<semaphore_mem>>) src(%dma_wait3A_3852 : memref<8192x1024xf32, #tpu.memory_space<hbm>>) dst(%dma_wait3A_3847 : memref<32x1024xf32, #tpu.memory_space<vmem>>)
    %add3A_3853 = arith.constant 96 : i32
    %add3A_3854 = arith.addi %multiple_of3A, %add3A_3853 : i32
    %dma_start3A_3855 = arith.constant 0 : i32
    %dma_start3A_3856 = arith.constant 0 : i32
    %dma_start3A_3857 = arith.constant 0 : i32
    %dma_start3A_3858 = tpu.memref_slice %arg10[%dma_start3A_3855, %dma_start3A_3856, %dma_start3A_3857] : memref<3x32x1024xf32, #tpu.memory_space<vmem>> -> memref<1x32x1024xf32, #tpu.memory_space<vmem>>
    %dma_start3A_3859 = tpu.memref_squeeze %dma_start3A_3858 : memref<1x32x1024xf32, #tpu.memory_space<vmem>> -> memref<32x1024xf32, #tpu.memory_space<vmem>>
    %dma_start3A_3860 = arith.constant 0 : i32
    %dma_start3A_3861 = tpu.memref_slice %arg4[%add3A_3854, %dma_start3A_3860] : memref<16384x1024xf32, #tpu.memory_space<hbm>> -> memref<32x1024xf32, #tpu.memory_space<hbm>>
    %dma_start3A_3862 = arith.constant 0 : i32
    %dma_start3A_3863 = tpu.memref_slice %arg4[%add3A_3854, %dma_start3A_3862] : memref<16384x1024xf32, #tpu.memory_space<hbm>> -> memref<32x1024xf32, #tpu.memory_space<hbm>>
    %dma_start3A_3864 = arith.constant 0 : i32
    %dma_start3A_3865 = arith.constant 0 : i32
    %dma_start3A_3866 = tpu.memref_slice %arg10[%dma_start3A_3855, %dma_start3A_3864, %dma_start3A_3865] : memref<3x32x1024xf32, #tpu.memory_space<vmem>> -> memref<1x32x1024xf32, #tpu.memory_space<vmem>>
    %dma_start3A_3867 = tpu.memref_squeeze %dma_start3A_3866 : memref<1x32x1024xf32, #tpu.memory_space<vmem>> -> memref<32x1024xf32, #tpu.memory_space<vmem>>
    tpu.enqueue_dma source(%dma_start3A_3867 : memref<32x1024xf32, #tpu.memory_space<vmem>>) target(%dma_start3A_3863 : memref<32x1024xf32, #tpu.memory_space<hbm>>) target_semaphore(%arg14 : memref<!tpu.dma_semaphore, #tpu.memory_space<semaphore_mem>>)
    %dma_wait3A_3868 = arith.constant 2 : i32
    %dma_wait3A_3869 = arith.constant 0 : i32
    %dma_wait3A_3870 = arith.constant 0 : i32
    %dma_wait3A_3871 = tpu.memref_slice %arg10[%dma_wait3A_3868, %dma_wait3A_3869, %dma_wait3A_3870] : memref<3x32x1024xf32, #tpu.memory_space<vmem>> -> memref<1x32x1024xf32, #tpu.memory_space<vmem>>
    %dma_wait3A_3872 = tpu.memref_squeeze %dma_wait3A_3871 : memref<1x32x1024xf32, #tpu.memory_space<vmem>> -> memref<32x1024xf32, #tpu.memory_space<vmem>>
    %dma_wait3A_3873 = arith.constant 0 : i32
    %dma_wait3A_3874 = tpu.memref_slice %arg4[%add3A_3806, %dma_wait3A_3873] : memref<16384x1024xf32, #tpu.memory_space<hbm>> -> memref<32x1024xf32, #tpu.memory_space<hbm>>
    %dma_wait3A_3875 = arith.constant 0 : i32
    %dma_wait3A_3876 = tpu.memref_slice %arg4[%add3A_3806, %dma_wait3A_3875] : memref<16384x1024xf32, #tpu.memory_space<hbm>> -> memref<32x1024xf32, #tpu.memory_space<hbm>>
    %dma_wait3A_3877 = arith.constant 0 : i32
    %dma_wait3A_3878 = arith.constant 0 : i32
    %dma_wait3A_3879 = tpu.memref_slice %arg10[%dma_wait3A_3868, %dma_wait3A_3877, %dma_wait3A_3878] : memref<3x32x1024xf32, #tpu.memory_space<vmem>> -> memref<1x32x1024xf32, #tpu.memory_space<vmem>>
    %dma_wait3A_3880 = tpu.memref_squeeze %dma_wait3A_3879 : memref<1x32x1024xf32, #tpu.memory_space<vmem>> -> memref<32x1024xf32, #tpu.memory_space<vmem>>
    tpu.wait_dma2 semaphore(%arg16 : memref<!tpu.dma_semaphore, #tpu.memory_space<semaphore_mem>>) src(%dma_wait3A_3880 : memref<32x1024xf32, #tpu.memory_space<vmem>>) dst(%dma_wait3A_3876 : memref<32x1024xf32, #tpu.memory_space<hbm>>)
    %dma_start3A_3881 = arith.constant 2 : i32
    %dma_start3A_3882 = arith.constant 0 : i32
    %dma_start3A_3883 = arith.constant 0 : i32
    %dma_start3A_3884 = tpu.memref_slice %arg10[%dma_start3A_3881, %dma_start3A_3882, %dma_start3A_3883] : memref<3x32x1024xf32, #tpu.memory_space<vmem>> -> memref<1x32x1024xf32, #tpu.memory_space<vmem>>
    %dma_start3A_3885 = tpu.memref_squeeze %dma_start3A_3884 : memref<1x32x1024xf32, #tpu.memory_space<vmem>> -> memref<32x1024xf32, #tpu.memory_space<vmem>>
    %dma_start3A_3886 = arith.constant 160 : i32
    %dma_start3A_3887 = tpu.memref_slice %arg6[%dma_start3A_3886] : memref<528xi32, #tpu.memory_space<vmem>> -> memref<32xi32, #tpu.memory_space<vmem>>
    %dma_start3A_3888 = arith.constant 0 : i32
    %dma_start3A_3889 = arith.constant 0 : i32
    %dma_start3A_3890 = tpu.memref_slice %arg3[%dma_start3A_3888, %dma_start3A_3889] : memref<8192x1024xf32, #tpu.memory_space<hbm>> -> memref<8192x1024xf32, #tpu.memory_space<hbm>>
    tpu.enqueue_indirect_dma source(%dma_start3A_3890 : memref<8192x1024xf32, #tpu.memory_space<hbm>>) target(%dma_start3A_3885 : memref<32x1024xf32, #tpu.memory_space<vmem>>) offsets(%dma_start3A_3887 : memref<32xi32, #tpu.memory_space<vmem>>) semaphore(%arg13 : memref<!tpu.dma_semaphore, #tpu.memory_space<semaphore_mem>>)
    %dma_wait3A_3891 = arith.constant 1 : i32
    %dma_wait3A_3892 = arith.constant 0 : i32
    %dma_wait3A_3893 = arith.constant 0 : i32
    %dma_wait3A_3894 = tpu.memref_slice %arg10[%dma_wait3A_3891, %dma_wait3A_3892, %dma_wait3A_3893] : memref<3x32x1024xf32, #tpu.memory_space<vmem>> -> memref<1x32x1024xf32, #tpu.memory_space<vmem>>
    %dma_wait3A_3895 = tpu.memref_squeeze %dma_wait3A_3894 : memref<1x32x1024xf32, #tpu.memory_space<vmem>> -> memref<32x1024xf32, #tpu.memory_space<vmem>>
    %dma_wait3A_3896 = arith.constant 128 : i32
    %dma_wait3A_3897 = tpu.memref_slice %arg6[%dma_wait3A_3896] : memref<528xi32, #tpu.memory_space<vmem>> -> memref<32xi32, #tpu.memory_space<vmem>>
    %dma_wait3A_3898 = arith.constant 0 : i32
    %dma_wait3A_3899 = arith.constant 0 : i32
    %dma_wait3A_3900 = tpu.memref_slice %arg3[%dma_wait3A_3898, %dma_wait3A_3899] : memref<8192x1024xf32, #tpu.memory_space<hbm>> -> memref<8192x1024xf32, #tpu.memory_space<hbm>>
    tpu.wait_indirect_dma semaphore(%arg12 : memref<!tpu.dma_semaphore, #tpu.memory_space<semaphore_mem>>) src(%dma_wait3A_3900 : memref<8192x1024xf32, #tpu.memory_space<hbm>>) dst(%dma_wait3A_3895 : memref<32x1024xf32, #tpu.memory_space<vmem>>)
    %add3A_3901 = arith.constant 128 : i32
    %add3A_3902 = arith.addi %multiple_of3A, %add3A_3901 : i32
    %dma_start3A_3903 = arith.constant 1 : i32
    %dma_start3A_3904 = arith.constant 0 : i32
    %dma_start3A_3905 = arith.constant 0 : i32
    %dma_start3A_3906 = tpu.memref_slice %arg10[%dma_start3A_3903, %dma_start3A_3904, %dma_start3A_3905] : memref<3x32x1024xf32, #tpu.memory_space<vmem>> -> memref<1x32x1024xf32, #tpu.memory_space<vmem>>
    %dma_start3A_3907 = tpu.memref_squeeze %dma_start3A_3906 : memref<1x32x1024xf32, #tpu.memory_space<vmem>> -> memref<32x1024xf32, #tpu.memory_space<vmem>>
    %dma_start3A_3908 = arith.constant 0 : i32
    %dma_start3A_3909 = tpu.memref_slice %arg4[%add3A_3902, %dma_start3A_3908] : memref<16384x1024xf32, #tpu.memory_space<hbm>> -> memref<32x1024xf32, #tpu.memory_space<hbm>>
    %dma_start3A_3910 = arith.constant 0 : i32
    %dma_start3A_3911 = tpu.memref_slice %arg4[%add3A_3902, %dma_start3A_3910] : memref<16384x1024xf32, #tpu.memory_space<hbm>> -> memref<32x1024xf32, #tpu.memory_space<hbm>>
    %dma_start3A_3912 = arith.constant 0 : i32
    %dma_start3A_3913 = arith.constant 0 : i32
    %dma_start3A_3914 = tpu.memref_slice %arg10[%dma_start3A_3903, %dma_start3A_3912, %dma_start3A_3913] : memref<3x32x1024xf32, #tpu.memory_space<vmem>> -> memref<1x32x1024xf32, #tpu.memory_space<vmem>>
    %dma_start3A_3915 = tpu.memref_squeeze %dma_start3A_3914 : memref<1x32x1024xf32, #tpu.memory_space<vmem>> -> memref<32x1024xf32, #tpu.memory_space<vmem>>
    tpu.enqueue_dma source(%dma_start3A_3915 : memref<32x1024xf32, #tpu.memory_space<vmem>>) target(%dma_start3A_3911 : memref<32x1024xf32, #tpu.memory_space<hbm>>) target_semaphore(%arg15 : memref<!tpu.dma_semaphore, #tpu.memory_space<semaphore_mem>>)
    %dma_wait3A_3916 = arith.constant 0 : i32
    %dma_wait3A_3917 = arith.constant 0 : i32
    %dma_wait3A_3918 = arith.constant 0 : i32
    %dma_wait3A_3919 = tpu.memref_slice %arg10[%dma_wait3A_3916, %dma_wait3A_3917, %dma_wait3A_3918] : memref<3x32x1024xf32, #tpu.memory_space<vmem>> -> memref<1x32x1024xf32, #tpu.memory_space<vmem>>
    %dma_wait3A_3920 = tpu.memref_squeeze %dma_wait3A_3919 : memref<1x32x1024xf32, #tpu.memory_space<vmem>> -> memref<32x1024xf32, #tpu.memory_space<vmem>>
    %dma_wait3A_3921 = arith.constant 0 : i32
    %dma_wait3A_3922 = tpu.memref_slice %arg4[%add3A_3854, %dma_wait3A_3921] : memref<16384x1024xf32, #tpu.memory_space<hbm>> -> memref<32x1024xf32, #tpu.memory_space<hbm>>
    %dma_wait3A_3923 = arith.constant 0 : i32
    %dma_wait3A_3924 = tpu.memref_slice %arg4[%add3A_3854, %dma_wait3A_3923] : memref<16384x1024xf32, #tpu.memory_space<hbm>> -> memref<32x1024xf32, #tpu.memory_space<hbm>>
    %dma_wait3A_3925 = arith.constant 0 : i32
    %dma_wait3A_3926 = arith.constant 0 : i32
    %dma_wait3A_3927 = tpu.memref_slice %arg10[%dma_wait3A_3916, %dma_wait3A_3925, %dma_wait3A_3926] : memref<3x32x1024xf32, #tpu.memory_space<vmem>> -> memref<1x32x1024xf32, #tpu.memory_space<vmem>>
    %dma_wait3A_3928 = tpu.memref_squeeze %dma_wait3A_3927 : memref<1x32x1024xf32, #tpu.memory_space<vmem>> -> memref<32x1024xf32, #tpu.memory_space<vmem>>
    tpu.wait_dma2 semaphore(%arg14 : memref<!tpu.dma_semaphore, #tpu.memory_space<semaphore_mem>>) src(%dma_wait3A_3928 : memref<32x1024xf32, #tpu.memory_space<vmem>>) dst(%dma_wait3A_3924 : memref<32x1024xf32, #tpu.memory_space<hbm>>)
    %dma_start3A_3929 = arith.constant 0 : i32
    %dma_start3A_3930 = arith.constant 0 : i32
    %dma_start3A_3931 = arith.constant 0 : i32
    %dma_start3A_3932 = tpu.memref_slice %arg10[%dma_start3A_3929, %dma_start3A_3930, %dma_start3A_3931] : memref<3x32x1024xf32, #tpu.memory_space<vmem>> -> memref<1x32x1024xf32, #tpu.memory_space<vmem>>
    %dma_start3A_3933 = tpu.memref_squeeze %dma_start3A_3932 : memref<1x32x1024xf32, #tpu.memory_space<vmem>> -> memref<32x1024xf32, #tpu.memory_space<vmem>>
    %dma_start3A_3934 = arith.constant 192 : i32
    %dma_start3A_3935 = tpu.memref_slice %arg6[%dma_start3A_3934] : memref<528xi32, #tpu.memory_space<vmem>> -> memref<32xi32, #tpu.memory_space<vmem>>
    %dma_start3A_3936 = arith.constant 0 : i32
    %dma_start3A_3937 = arith.constant 0 : i32
    %dma_start3A_3938 = tpu.memref_slice %arg3[%dma_start3A_3936, %dma_start3A_3937] : memref<8192x1024xf32, #tpu.memory_space<hbm>> -> memref<8192x1024xf32, #tpu.memory_space<hbm>>
    tpu.enqueue_indirect_dma source(%dma_start3A_3938 : memref<8192x1024xf32, #tpu.memory_space<hbm>>) target(%dma_start3A_3933 : memref<32x1024xf32, #tpu.memory_space<vmem>>) offsets(%dma_start3A_3935 : memref<32xi32, #tpu.memory_space<vmem>>) semaphore(%arg11 : memref<!tpu.dma_semaphore, #tpu.memory_space<semaphore_mem>>)
    %dma_wait3A_3939 = arith.constant 2 : i32
    %dma_wait3A_3940 = arith.constant 0 : i32
    %dma_wait3A_3941 = arith.constant 0 : i32
    %dma_wait3A_3942 = tpu.memref_slice %arg10[%dma_wait3A_3939, %dma_wait3A_3940, %dma_wait3A_3941] : memref<3x32x1024xf32, #tpu.memory_space<vmem>> -> memref<1x32x1024xf32, #tpu.memory_space<vmem>>
    %dma_wait3A_3943 = tpu.memref_squeeze %dma_wait3A_3942 : memref<1x32x1024xf32, #tpu.memory_space<vmem>> -> memref<32x1024xf32, #tpu.memory_space<vmem>>
    %dma_wait3A_3944 = arith.constant 160 : i32
    %dma_wait3A_3945 = tpu.memref_slice %arg6[%dma_wait3A_3944] : memref<528xi32, #tpu.memory_space<vmem>> -> memref<32xi32, #tpu.memory_space<vmem>>
    %dma_wait3A_3946 = arith.constant 0 : i32
    %dma_wait3A_3947 = arith.constant 0 : i32
    %dma_wait3A_3948 = tpu.memref_slice %arg3[%dma_wait3A_3946, %dma_wait3A_3947] : memref<8192x1024xf32, #tpu.memory_space<hbm>> -> memref<8192x1024xf32, #tpu.memory_space<hbm>>
    tpu.wait_indirect_dma semaphore(%arg13 : memref<!tpu.dma_semaphore, #tpu.memory_space<semaphore_mem>>) src(%dma_wait3A_3948 : memref<8192x1024xf32, #tpu.memory_space<hbm>>) dst(%dma_wait3A_3943 : memref<32x1024xf32, #tpu.memory_space<vmem>>)
    %add3A_3949 = arith.constant 160 : i32
    %add3A_3950 = arith.addi %multiple_of3A, %add3A_3949 : i32
    %dma_start3A_3951 = arith.constant 2 : i32
    %dma_start3A_3952 = arith.constant 0 : i32
    %dma_start3A_3953 = arith.constant 0 : i32
    %dma_start3A_3954 = tpu.memref_slice %arg10[%dma_start3A_3951, %dma_start3A_3952, %dma_start3A_3953] : memref<3x32x1024xf32, #tpu.memory_space<vmem>> -> memref<1x32x1024xf32, #tpu.memory_space<vmem>>
    %dma_start3A_3955 = tpu.memref_squeeze %dma_start3A_3954 : memref<1x32x1024xf32, #tpu.memory_space<vmem>> -> memref<32x1024xf32, #tpu.memory_space<vmem>>
    %dma_start3A_3956 = arith.constant 0 : i32
    %dma_start3A_3957 = tpu.memref_slice %arg4[%add3A_3950, %dma_start3A_3956] : memref<16384x1024xf32, #tpu.memory_space<hbm>> -> memref<32x1024xf32, #tpu.memory_space<hbm>>
    %dma_start3A_3958 = arith.constant 0 : i32
    %dma_start3A_3959 = tpu.memref_slice %arg4[%add3A_3950, %dma_start3A_3958] : memref<16384x1024xf32, #tpu.memory_space<hbm>> -> memref<32x1024xf32, #tpu.memory_space<hbm>>
    %dma_start3A_3960 = arith.constant 0 : i32
    %dma_start3A_3961 = arith.constant 0 : i32
    %dma_start3A_3962 = tpu.memref_slice %arg10[%dma_start3A_3951, %dma_start3A_3960, %dma_start3A_3961] : memref<3x32x1024xf32, #tpu.memory_space<vmem>> -> memref<1x32x1024xf32, #tpu.memory_space<vmem>>
    %dma_start3A_3963 = tpu.memref_squeeze %dma_start3A_3962 : memref<1x32x1024xf32, #tpu.memory_space<vmem>> -> memref<32x1024xf32, #tpu.memory_space<vmem>>
    tpu.enqueue_dma source(%dma_start3A_3963 : memref<32x1024xf32, #tpu.memory_space<vmem>>) target(%dma_start3A_3959 : memref<32x1024xf32, #tpu.memory_space<hbm>>) target_semaphore(%arg16 : memref<!tpu.dma_semaphore, #tpu.memory_space<semaphore_mem>>)
    %dma_wait3A_3964 = arith.constant 1 : i32
    %dma_wait3A_3965 = arith.constant 0 : i32
    %dma_wait3A_3966 = arith.constant 0 : i32
    %dma_wait3A_3967 = tpu.memref_slice %arg10[%dma_wait3A_3964, %dma_wait3A_3965, %dma_wait3A_3966] : memref<3x32x1024xf32, #tpu.memory_space<vmem>> -> memref<1x32x1024xf32, #tpu.memory_space<vmem>>
    %dma_wait3A_3968 = tpu.memref_squeeze %dma_wait3A_3967 : memref<1x32x1024xf32, #tpu.memory_space<vmem>> -> memref<32x1024xf32, #tpu.memory_space<vmem>>
    %dma_wait3A_3969 = arith.constant 0 : i32
    %dma_wait3A_3970 = tpu.memref_slice %arg4[%add3A_3902, %dma_wait3A_3969] : memref<16384x1024xf32, #tpu.memory_space<hbm>> -> memref<32x1024xf32, #tpu.memory_space<hbm>>
    %dma_wait3A_3971 = arith.constant 0 : i32
    %dma_wait3A_3972 = tpu.memref_slice %arg4[%add3A_3902, %dma_wait3A_3971] : memref<16384x1024xf32, #tpu.memory_space<hbm>> -> memref<32x1024xf32, #tpu.memory_space<hbm>>
    %dma_wait3A_3973 = arith.constant 0 : i32
    %dma_wait3A_3974 = arith.constant 0 : i32
    %dma_wait3A_3975 = tpu.memref_slice %arg10[%dma_wait3A_3964, %dma_wait3A_3973, %dma_wait3A_3974] : memref<3x32x1024xf32, #tpu.memory_space<vmem>> -> memref<1x32x1024xf32, #tpu.memory_space<vmem>>
    %dma_wait3A_3976 = tpu.memref_squeeze %dma_wait3A_3975 : memref<1x32x1024xf32, #tpu.memory_space<vmem>> -> memref<32x1024xf32, #tpu.memory_space<vmem>>
    tpu.wait_dma2 semaphore(%arg15 : memref<!tpu.dma_semaphore, #tpu.memory_space<semaphore_mem>>) src(%dma_wait3A_3976 : memref<32x1024xf32, #tpu.memory_space<vmem>>) dst(%dma_wait3A_3972 : memref<32x1024xf32, #tpu.memory_space<hbm>>)
    %dma_start3A_3977 = arith.constant 1 : i32
    %dma_start3A_3978 = arith.constant 0 : i32
    %dma_start3A_3979 = arith.constant 0 : i32
    %dma_start3A_3980 = tpu.memref_slice %arg10[%dma_start3A_3977, %dma_start3A_3978, %dma_start3A_3979] : memref<3x32x1024xf32, #tpu.memory_space<vmem>> -> memref<1x32x1024xf32, #tpu.memory_space<vmem>>
    %dma_start3A_3981 = tpu.memref_squeeze %dma_start3A_3980 : memref<1x32x1024xf32, #tpu.memory_space<vmem>> -> memref<32x1024xf32, #tpu.memory_space<vmem>>
    %dma_start3A_3982 = arith.constant 224 : i32
    %dma_start3A_3983 = tpu.memref_slice %arg6[%dma_start3A_3982] : memref<528xi32, #tpu.memory_space<vmem>> -> memref<32xi32, #tpu.memory_space<vmem>>
    %dma_start3A_3984 = arith.constant 0 : i32
    %dma_start3A_3985 = arith.constant 0 : i32
    %dma_start3A_3986 = tpu.memref_slice %arg3[%dma_start3A_3984, %dma_start3A_3985] : memref<8192x1024xf32, #tpu.memory_space<hbm>> -> memref<8192x1024xf32, #tpu.memory_space<hbm>>
    tpu.enqueue_indirect_dma source(%dma_start3A_3986 : memref<8192x1024xf32, #tpu.memory_space<hbm>>) target(%dma_start3A_3981 : memref<32x1024xf32, #tpu.memory_space<vmem>>) offsets(%dma_start3A_3983 : memref<32xi32, #tpu.memory_space<vmem>>) semaphore(%arg12 : memref<!tpu.dma_semaphore, #tpu.memory_space<semaphore_mem>>)
    %dma_wait3A_3987 = arith.constant 0 : i32
    %dma_wait3A_3988 = arith.constant 0 : i32
    %dma_wait3A_3989 = arith.constant 0 : i32
    %dma_wait3A_3990 = tpu.memref_slice %arg10[%dma_wait3A_3987, %dma_wait3A_3988, %dma_wait3A_3989] : memref<3x32x1024xf32, #tpu.memory_space<vmem>> -> memref<1x32x1024xf32, #tpu.memory_space<vmem>>
    %dma_wait3A_3991 = tpu.memref_squeeze %dma_wait3A_3990 : memref<1x32x1024xf32, #tpu.memory_space<vmem>> -> memref<32x1024xf32, #tpu.memory_space<vmem>>
    %dma_wait3A_3992 = arith.constant 192 : i32
    %dma_wait3A_3993 = tpu.memref_slice %arg6[%dma_wait3A_3992] : memref<528xi32, #tpu.memory_space<vmem>> -> memref<32xi32, #tpu.memory_space<vmem>>
    %dma_wait3A_3994 = arith.constant 0 : i32
    %dma_wait3A_3995 = arith.constant 0 : i32
    %dma_wait3A_3996 = tpu.memref_slice %arg3[%dma_wait3A_3994, %dma_wait3A_3995] : memref<8192x1024xf32, #tpu.memory_space<hbm>> -> memref<8192x1024xf32, #tpu.memory_space<hbm>>
    tpu.wait_indirect_dma semaphore(%arg11 : memref<!tpu.dma_semaphore, #tpu.memory_space<semaphore_mem>>) src(%dma_wait3A_3996 : memref<8192x1024xf32, #tpu.memory_space<hbm>>) dst(%dma_wait3A_3991 : memref<32x1024xf32, #tpu.memory_space<vmem>>)
    %add3A_3997 = arith.constant 192 : i32
    %add3A_3998 = arith.addi %multiple_of3A, %add3A_3997 : i32
    %dma_start3A_3999 = arith.constant 0 : i32
    %dma_start3A_4000 = arith.constant 0 : i32
    %dma_start3A_4001 = arith.constant 0 : i32
    %dma_start3A_4002 = tpu.memref_slice %arg10[%dma_start3A_3999, %dma_start3A_4000, %dma_start3A_4001] : memref<3x32x1024xf32, #tpu.memory_space<vmem>> -> memref<1x32x1024xf32, #tpu.memory_space<vmem>>
    %dma_start3A_4003 = tpu.memref_squeeze %dma_start3A_4002 : memref<1x32x1024xf32, #tpu.memory_space<vmem>> -> memref<32x1024xf32, #tpu.memory_space<vmem>>
    %dma_start3A_4004 = arith.constant 0 : i32
    %dma_start3A_4005 = tpu.memref_slice %arg4[%add3A_3998, %dma_start3A_4004] : memref<16384x1024xf32, #tpu.memory_space<hbm>> -> memref<32x1024xf32, #tpu.memory_space<hbm>>
    %dma_start3A_4006 = arith.constant 0 : i32
    %dma_start3A_4007 = tpu.memref_slice %arg4[%add3A_3998, %dma_start3A_4006] : memref<16384x1024xf32, #tpu.memory_space<hbm>> -> memref<32x1024xf32, #tpu.memory_space<hbm>>
    %dma_start3A_4008 = arith.constant 0 : i32
    %dma_start3A_4009 = arith.constant 0 : i32
    %dma_start3A_4010 = tpu.memref_slice %arg10[%dma_start3A_3999, %dma_start3A_4008, %dma_start3A_4009] : memref<3x32x1024xf32, #tpu.memory_space<vmem>> -> memref<1x32x1024xf32, #tpu.memory_space<vmem>>
    %dma_start3A_4011 = tpu.memref_squeeze %dma_start3A_4010 : memref<1x32x1024xf32, #tpu.memory_space<vmem>> -> memref<32x1024xf32, #tpu.memory_space<vmem>>
    tpu.enqueue_dma source(%dma_start3A_4011 : memref<32x1024xf32, #tpu.memory_space<vmem>>) target(%dma_start3A_4007 : memref<32x1024xf32, #tpu.memory_space<hbm>>) target_semaphore(%arg14 : memref<!tpu.dma_semaphore, #tpu.memory_space<semaphore_mem>>)
    %dma_wait3A_4012 = arith.constant 2 : i32
    %dma_wait3A_4013 = arith.constant 0 : i32
    %dma_wait3A_4014 = arith.constant 0 : i32
    %dma_wait3A_4015 = tpu.memref_slice %arg10[%dma_wait3A_4012, %dma_wait3A_4013, %dma_wait3A_4014] : memref<3x32x1024xf32, #tpu.memory_space<vmem>> -> memref<1x32x1024xf32, #tpu.memory_space<vmem>>
    %dma_wait3A_4016 = tpu.memref_squeeze %dma_wait3A_4015 : memref<1x32x1024xf32, #tpu.memory_space<vmem>> -> memref<32x1024xf32, #tpu.memory_space<vmem>>
    %dma_wait3A_4017 = arith.constant 0 : i32
    %dma_wait3A_4018 = tpu.memref_slice %arg4[%add3A_3950, %dma_wait3A_4017] : memref<16384x1024xf32, #tpu.memory_space<hbm>> -> memref<32x1024xf32, #tpu.memory_space<hbm>>
    %dma_wait3A_4019 = arith.constant 0 : i32
    %dma_wait3A_4020 = tpu.memref_slice %arg4[%add3A_3950, %dma_wait3A_4019] : memref<16384x1024xf32, #tpu.memory_space<hbm>> -> memref<32x1024xf32, #tpu.memory_space<hbm>>
    %dma_wait3A_4021 = arith.constant 0 : i32
    %dma_wait3A_4022 = arith.constant 0 : i32
    %dma_wait3A_4023 = tpu.memref_slice %arg10[%dma_wait3A_4012, %dma_wait3A_4021, %dma_wait3A_4022] : memref<3x32x1024xf32, #tpu.memory_space<vmem>> -> memref<1x32x1024xf32, #tpu.memory_space<vmem>>
    %dma_wait3A_4024 = tpu.memref_squeeze %dma_wait3A_4023 : memref<1x32x1024xf32, #tpu.memory_space<vmem>> -> memref<32x1024xf32, #tpu.memory_space<vmem>>
    tpu.wait_dma2 semaphore(%arg16 : memref<!tpu.dma_semaphore, #tpu.memory_space<semaphore_mem>>) src(%dma_wait3A_4024 : memref<32x1024xf32, #tpu.memory_space<vmem>>) dst(%dma_wait3A_4020 : memref<32x1024xf32, #tpu.memory_space<hbm>>)
    %dma_start3A_4025 = arith.constant 2 : i32
    %dma_start3A_4026 = arith.constant 0 : i32
    %dma_start3A_4027 = arith.constant 0 : i32
    %dma_start3A_4028 = tpu.memref_slice %arg10[%dma_start3A_4025, %dma_start3A_4026, %dma_start3A_4027] : memref<3x32x1024xf32, #tpu.memory_space<vmem>> -> memref<1x32x1024xf32, #tpu.memory_space<vmem>>
    %dma_start3A_4029 = tpu.memref_squeeze %dma_start3A_4028 : memref<1x32x1024xf32, #tpu.memory_space<vmem>> -> memref<32x1024xf32, #tpu.memory_space<vmem>>
    %dma_start3A_4030 = arith.constant 256 : i32
    %dma_start3A_4031 = tpu.memref_slice %arg6[%dma_start3A_4030] : memref<528xi32, #tpu.memory_space<vmem>> -> memref<32xi32, #tpu.memory_space<vmem>>
    %dma_start3A_4032 = arith.constant 0 : i32
    %dma_start3A_4033 = arith.constant 0 : i32
    %dma_start3A_4034 = tpu.memref_slice %arg3[%dma_start3A_4032, %dma_start3A_4033] : memref<8192x1024xf32, #tpu.memory_space<hbm>> -> memref<8192x1024xf32, #tpu.memory_space<hbm>>
    tpu.enqueue_indirect_dma source(%dma_start3A_4034 : memref<8192x1024xf32, #tpu.memory_space<hbm>>) target(%dma_start3A_4029 : memref<32x1024xf32, #tpu.memory_space<vmem>>) offsets(%dma_start3A_4031 : memref<32xi32, #tpu.memory_space<vmem>>) semaphore(%arg13 : memref<!tpu.dma_semaphore, #tpu.memory_space<semaphore_mem>>)
    %dma_wait3A_4035 = arith.constant 1 : i32
    %dma_wait3A_4036 = arith.constant 0 : i32
    %dma_wait3A_4037 = arith.constant 0 : i32
    %dma_wait3A_4038 = tpu.memref_slice %arg10[%dma_wait3A_4035, %dma_wait3A_4036, %dma_wait3A_4037] : memref<3x32x1024xf32, #tpu.memory_space<vmem>> -> memref<1x32x1024xf32, #tpu.memory_space<vmem>>
    %dma_wait3A_4039 = tpu.memref_squeeze %dma_wait3A_4038 : memref<1x32x1024xf32, #tpu.memory_space<vmem>> -> memref<32x1024xf32, #tpu.memory_space<vmem>>
    %dma_wait3A_4040 = arith.constant 224 : i32
    %dma_wait3A_4041 = tpu.memref_slice %arg6[%dma_wait3A_4040] : memref<528xi32, #tpu.memory_space<vmem>> -> memref<32xi32, #tpu.memory_space<vmem>>
    %dma_wait3A_4042 = arith.constant 0 : i32
    %dma_wait3A_4043 = arith.constant 0 : i32
    %dma_wait3A_4044 = tpu.memref_slice %arg3[%dma_wait3A_4042, %dma_wait3A_4043] : memref<8192x1024xf32, #tpu.memory_space<hbm>> -> memref<8192x1024xf32, #tpu.memory_space<hbm>>
    tpu.wait_indirect_dma semaphore(%arg12 : memref<!tpu.dma_semaphore, #tpu.memory_space<semaphore_mem>>) src(%dma_wait3A_4044 : memref<8192x1024xf32, #tpu.memory_space<hbm>>) dst(%dma_wait3A_4039 : memref<32x1024xf32, #tpu.memory_space<vmem>>)
    %add3A_4045 = arith.constant 224 : i32
    %add3A_4046 = arith.addi %multiple_of3A, %add3A_4045 : i32
    %dma_start3A_4047 = arith.constant 1 : i32
    %dma_start3A_4048 = arith.constant 0 : i32
    %dma_start3A_4049 = arith.constant 0 : i32
    %dma_start3A_4050 = tpu.memref_slice %arg10[%dma_start3A_4047, %dma_start3A_4048, %dma_start3A_4049] : memref<3x32x1024xf32, #tpu.memory_space<vmem>> -> memref<1x32x1024xf32, #tpu.memory_space<vmem>>
    %dma_start3A_4051 = tpu.memref_squeeze %dma_start3A_4050 : memref<1x32x1024xf32, #tpu.memory_space<vmem>> -> memref<32x1024xf32, #tpu.memory_space<vmem>>
    %dma_start3A_4052 = arith.constant 0 : i32
    %dma_start3A_4053 = tpu.memref_slice %arg4[%add3A_4046, %dma_start3A_4052] : memref<16384x1024xf32, #tpu.memory_space<hbm>> -> memref<32x1024xf32, #tpu.memory_space<hbm>>
    %dma_start3A_4054 = arith.constant 0 : i32
    %dma_start3A_4055 = tpu.memref_slice %arg4[%add3A_4046, %dma_start3A_4054] : memref<16384x1024xf32, #tpu.memory_space<hbm>> -> memref<32x1024xf32, #tpu.memory_space<hbm>>
    %dma_start3A_4056 = arith.constant 0 : i32
    %dma_start3A_4057 = arith.constant 0 : i32
    %dma_start3A_4058 = tpu.memref_slice %arg10[%dma_start3A_4047, %dma_start3A_4056, %dma_start3A_4057] : memref<3x32x1024xf32, #tpu.memory_space<vmem>> -> memref<1x32x1024xf32, #tpu.memory_space<vmem>>
    %dma_start3A_4059 = tpu.memref_squeeze %dma_start3A_4058 : memref<1x32x1024xf32, #tpu.memory_space<vmem>> -> memref<32x1024xf32, #tpu.memory_space<vmem>>
    tpu.enqueue_dma source(%dma_start3A_4059 : memref<32x1024xf32, #tpu.memory_space<vmem>>) target(%dma_start3A_4055 : memref<32x1024xf32, #tpu.memory_space<hbm>>) target_semaphore(%arg15 : memref<!tpu.dma_semaphore, #tpu.memory_space<semaphore_mem>>)
    %dma_wait3A_4060 = arith.constant 0 : i32
    %dma_wait3A_4061 = arith.constant 0 : i32
    %dma_wait3A_4062 = arith.constant 0 : i32
    %dma_wait3A_4063 = tpu.memref_slice %arg10[%dma_wait3A_4060, %dma_wait3A_4061, %dma_wait3A_4062] : memref<3x32x1024xf32, #tpu.memory_space<vmem>> -> memref<1x32x1024xf32, #tpu.memory_space<vmem>>
    %dma_wait3A_4064 = tpu.memref_squeeze %dma_wait3A_4063 : memref<1x32x1024xf32, #tpu.memory_space<vmem>> -> memref<32x1024xf32, #tpu.memory_space<vmem>>
    %dma_wait3A_4065 = arith.constant 0 : i32
    %dma_wait3A_4066 = tpu.memref_slice %arg4[%add3A_3998, %dma_wait3A_4065] : memref<16384x1024xf32, #tpu.memory_space<hbm>> -> memref<32x1024xf32, #tpu.memory_space<hbm>>
    %dma_wait3A_4067 = arith.constant 0 : i32
    %dma_wait3A_4068 = tpu.memref_slice %arg4[%add3A_3998, %dma_wait3A_4067] : memref<16384x1024xf32, #tpu.memory_space<hbm>> -> memref<32x1024xf32, #tpu.memory_space<hbm>>
    %dma_wait3A_4069 = arith.constant 0 : i32
    %dma_wait3A_4070 = arith.constant 0 : i32
    %dma_wait3A_4071 = tpu.memref_slice %arg10[%dma_wait3A_4060, %dma_wait3A_4069, %dma_wait3A_4070] : memref<3x32x1024xf32, #tpu.memory_space<vmem>> -> memref<1x32x1024xf32, #tpu.memory_space<vmem>>
    %dma_wait3A_4072 = tpu.memref_squeeze %dma_wait3A_4071 : memref<1x32x1024xf32, #tpu.memory_space<vmem>> -> memref<32x1024xf32, #tpu.memory_space<vmem>>
    tpu.wait_dma2 semaphore(%arg14 : memref<!tpu.dma_semaphore, #tpu.memory_space<semaphore_mem>>) src(%dma_wait3A_4072 : memref<32x1024xf32, #tpu.memory_space<vmem>>) dst(%dma_wait3A_4068 : memref<32x1024xf32, #tpu.memory_space<hbm>>)
    %dma_start3A_4073 = arith.constant 0 : i32
    %dma_start3A_4074 = arith.constant 0 : i32
    %dma_start3A_4075 = arith.constant 0 : i32
    %dma_start3A_4076 = tpu.memref_slice %arg10[%dma_start3A_4073, %dma_start3A_4074, %dma_start3A_4075] : memref<3x32x1024xf32, #tpu.memory_space<vmem>> -> memref<1x32x1024xf32, #tpu.memory_space<vmem>>
    %dma_start3A_4077 = tpu.memref_squeeze %dma_start3A_4076 : memref<1x32x1024xf32, #tpu.memory_space<vmem>> -> memref<32x1024xf32, #tpu.memory_space<vmem>>
    %dma_start3A_4078 = arith.constant 288 : i32
    %dma_start3A_4079 = tpu.memref_slice %arg6[%dma_start3A_4078] : memref<528xi32, #tpu.memory_space<vmem>> -> memref<32xi32, #tpu.memory_space<vmem>>
    %dma_start3A_4080 = arith.constant 0 : i32
    %dma_start3A_4081 = arith.constant 0 : i32
    %dma_start3A_4082 = tpu.memref_slice %arg3[%dma_start3A_4080, %dma_start3A_4081] : memref<8192x1024xf32, #tpu.memory_space<hbm>> -> memref<8192x1024xf32, #tpu.memory_space<hbm>>
    tpu.enqueue_indirect_dma source(%dma_start3A_4082 : memref<8192x1024xf32, #tpu.memory_space<hbm>>) target(%dma_start3A_4077 : memref<32x1024xf32, #tpu.memory_space<vmem>>) offsets(%dma_start3A_4079 : memref<32xi32, #tpu.memory_space<vmem>>) semaphore(%arg11 : memref<!tpu.dma_semaphore, #tpu.memory_space<semaphore_mem>>)
    %dma_wait3A_4083 = arith.constant 2 : i32
    %dma_wait3A_4084 = arith.constant 0 : i32
    %dma_wait3A_4085 = arith.constant 0 : i32
    %dma_wait3A_4086 = tpu.memref_slice %arg10[%dma_wait3A_4083, %dma_wait3A_4084, %dma_wait3A_4085] : memref<3x32x1024xf32, #tpu.memory_space<vmem>> -> memref<1x32x1024xf32, #tpu.memory_space<vmem>>
    %dma_wait3A_4087 = tpu.memref_squeeze %dma_wait3A_4086 : memref<1x32x1024xf32, #tpu.memory_space<vmem>> -> memref<32x1024xf32, #tpu.memory_space<vmem>>
    %dma_wait3A_4088 = arith.constant 256 : i32
    %dma_wait3A_4089 = tpu.memref_slice %arg6[%dma_wait3A_4088] : memref<528xi32, #tpu.memory_space<vmem>> -> memref<32xi32, #tpu.memory_space<vmem>>
    %dma_wait3A_4090 = arith.constant 0 : i32
    %dma_wait3A_4091 = arith.constant 0 : i32
    %dma_wait3A_4092 = tpu.memref_slice %arg3[%dma_wait3A_4090, %dma_wait3A_4091] : memref<8192x1024xf32, #tpu.memory_space<hbm>> -> memref<8192x1024xf32, #tpu.memory_space<hbm>>
    tpu.wait_indirect_dma semaphore(%arg13 : memref<!tpu.dma_semaphore, #tpu.memory_space<semaphore_mem>>) src(%dma_wait3A_4092 : memref<8192x1024xf32, #tpu.memory_space<hbm>>) dst(%dma_wait3A_4087 : memref<32x1024xf32, #tpu.memory_space<vmem>>)
    %add3A_4093 = arith.constant 256 : i32
    %add3A_4094 = arith.addi %multiple_of3A, %add3A_4093 : i32
    %dma_start3A_4095 = arith.constant 2 : i32
    %dma_start3A_4096 = arith.constant 0 : i32
    %dma_start3A_4097 = arith.constant 0 : i32
    %dma_start3A_4098 = tpu.memref_slice %arg10[%dma_start3A_4095, %dma_start3A_4096, %dma_start3A_4097] : memref<3x32x1024xf32, #tpu.memory_space<vmem>> -> memref<1x32x1024xf32, #tpu.memory_space<vmem>>
    %dma_start3A_4099 = tpu.memref_squeeze %dma_start3A_4098 : memref<1x32x1024xf32, #tpu.memory_space<vmem>> -> memref<32x1024xf32, #tpu.memory_space<vmem>>
    %dma_start3A_4100 = arith.constant 0 : i32
    %dma_start3A_4101 = tpu.memref_slice %arg4[%add3A_4094, %dma_start3A_4100] : memref<16384x1024xf32, #tpu.memory_space<hbm>> -> memref<32x1024xf32, #tpu.memory_space<hbm>>
    %dma_start3A_4102 = arith.constant 0 : i32
    %dma_start3A_4103 = tpu.memref_slice %arg4[%add3A_4094, %dma_start3A_4102] : memref<16384x1024xf32, #tpu.memory_space<hbm>> -> memref<32x1024xf32, #tpu.memory_space<hbm>>
    %dma_start3A_4104 = arith.constant 0 : i32
    %dma_start3A_4105 = arith.constant 0 : i32
    %dma_start3A_4106 = tpu.memref_slice %arg10[%dma_start3A_4095, %dma_start3A_4104, %dma_start3A_4105] : memref<3x32x1024xf32, #tpu.memory_space<vmem>> -> memref<1x32x1024xf32, #tpu.memory_space<vmem>>
    %dma_start3A_4107 = tpu.memref_squeeze %dma_start3A_4106 : memref<1x32x1024xf32, #tpu.memory_space<vmem>> -> memref<32x1024xf32, #tpu.memory_space<vmem>>
    tpu.enqueue_dma source(%dma_start3A_4107 : memref<32x1024xf32, #tpu.memory_space<vmem>>) target(%dma_start3A_4103 : memref<32x1024xf32, #tpu.memory_space<hbm>>) target_semaphore(%arg16 : memref<!tpu.dma_semaphore, #tpu.memory_space<semaphore_mem>>)
    %dma_wait3A_4108 = arith.constant 1 : i32
    %dma_wait3A_4109 = arith.constant 0 : i32
    %dma_wait3A_4110 = arith.constant 0 : i32
    %dma_wait3A_4111 = tpu.memref_slice %arg10[%dma_wait3A_4108, %dma_wait3A_4109, %dma_wait3A_4110] : memref<3x32x1024xf32, #tpu.memory_space<vmem>> -> memref<1x32x1024xf32, #tpu.memory_space<vmem>>
    %dma_wait3A_4112 = tpu.memref_squeeze %dma_wait3A_4111 : memref<1x32x1024xf32, #tpu.memory_space<vmem>> -> memref<32x1024xf32, #tpu.memory_space<vmem>>
    %dma_wait3A_4113 = arith.constant 0 : i32
    %dma_wait3A_4114 = tpu.memref_slice %arg4[%add3A_4046, %dma_wait3A_4113] : memref<16384x1024xf32, #tpu.memory_space<hbm>> -> memref<32x1024xf32, #tpu.memory_space<hbm>>
    %dma_wait3A_4115 = arith.constant 0 : i32
    %dma_wait3A_4116 = tpu.memref_slice %arg4[%add3A_4046, %dma_wait3A_4115] : memref<16384x1024xf32, #tpu.memory_space<hbm>> -> memref<32x1024xf32, #tpu.memory_space<hbm>>
    %dma_wait3A_4117 = arith.constant 0 : i32
    %dma_wait3A_4118 = arith.constant 0 : i32
    %dma_wait3A_4119 = tpu.memref_slice %arg10[%dma_wait3A_4108, %dma_wait3A_4117, %dma_wait3A_4118] : memref<3x32x1024xf32, #tpu.memory_space<vmem>> -> memref<1x32x1024xf32, #tpu.memory_space<vmem>>
    %dma_wait3A_4120 = tpu.memref_squeeze %dma_wait3A_4119 : memref<1x32x1024xf32, #tpu.memory_space<vmem>> -> memref<32x1024xf32, #tpu.memory_space<vmem>>
    tpu.wait_dma2 semaphore(%arg15 : memref<!tpu.dma_semaphore, #tpu.memory_space<semaphore_mem>>) src(%dma_wait3A_4120 : memref<32x1024xf32, #tpu.memory_space<vmem>>) dst(%dma_wait3A_4116 : memref<32x1024xf32, #tpu.memory_space<hbm>>)
    %dma_start3A_4121 = arith.constant 1 : i32
    %dma_start3A_4122 = arith.constant 0 : i32
    %dma_start3A_4123 = arith.constant 0 : i32
    %dma_start3A_4124 = tpu.memref_slice %arg10[%dma_start3A_4121, %dma_start3A_4122, %dma_start3A_4123] : memref<3x32x1024xf32, #tpu.memory_space<vmem>> -> memref<1x32x1024xf32, #tpu.memory_space<vmem>>
    %dma_start3A_4125 = tpu.memref_squeeze %dma_start3A_4124 : memref<1x32x1024xf32, #tpu.memory_space<vmem>> -> memref<32x1024xf32, #tpu.memory_space<vmem>>
    %dma_start3A_4126 = arith.constant 320 : i32
    %dma_start3A_4127 = tpu.memref_slice %arg6[%dma_start3A_4126] : memref<528xi32, #tpu.memory_space<vmem>> -> memref<32xi32, #tpu.memory_space<vmem>>
    %dma_start3A_4128 = arith.constant 0 : i32
    %dma_start3A_4129 = arith.constant 0 : i32
    %dma_start3A_4130 = tpu.memref_slice %arg3[%dma_start3A_4128, %dma_start3A_4129] : memref<8192x1024xf32, #tpu.memory_space<hbm>> -> memref<8192x1024xf32, #tpu.memory_space<hbm>>
    tpu.enqueue_indirect_dma source(%dma_start3A_4130 : memref<8192x1024xf32, #tpu.memory_space<hbm>>) target(%dma_start3A_4125 : memref<32x1024xf32, #tpu.memory_space<vmem>>) offsets(%dma_start3A_4127 : memref<32xi32, #tpu.memory_space<vmem>>) semaphore(%arg12 : memref<!tpu.dma_semaphore, #tpu.memory_space<semaphore_mem>>)
    %dma_wait3A_4131 = arith.constant 0 : i32
    %dma_wait3A_4132 = arith.constant 0 : i32
    %dma_wait3A_4133 = arith.constant 0 : i32
    %dma_wait3A_4134 = tpu.memref_slice %arg10[%dma_wait3A_4131, %dma_wait3A_4132, %dma_wait3A_4133] : memref<3x32x1024xf32, #tpu.memory_space<vmem>> -> memref<1x32x1024xf32, #tpu.memory_space<vmem>>
    %dma_wait3A_4135 = tpu.memref_squeeze %dma_wait3A_4134 : memref<1x32x1024xf32, #tpu.memory_space<vmem>> -> memref<32x1024xf32, #tpu.memory_space<vmem>>
    %dma_wait3A_4136 = arith.constant 288 : i32
    %dma_wait3A_4137 = tpu.memref_slice %arg6[%dma_wait3A_4136] : memref<528xi32, #tpu.memory_space<vmem>> -> memref<32xi32, #tpu.memory_space<vmem>>
    %dma_wait3A_4138 = arith.constant 0 : i32
    %dma_wait3A_4139 = arith.constant 0 : i32
    %dma_wait3A_4140 = tpu.memref_slice %arg3[%dma_wait3A_4138, %dma_wait3A_4139] : memref<8192x1024xf32, #tpu.memory_space<hbm>> -> memref<8192x1024xf32, #tpu.memory_space<hbm>>
    tpu.wait_indirect_dma semaphore(%arg11 : memref<!tpu.dma_semaphore, #tpu.memory_space<semaphore_mem>>) src(%dma_wait3A_4140 : memref<8192x1024xf32, #tpu.memory_space<hbm>>) dst(%dma_wait3A_4135 : memref<32x1024xf32, #tpu.memory_space<vmem>>)
    %add3A_4141 = arith.constant 288 : i32
    %add3A_4142 = arith.addi %multiple_of3A, %add3A_4141 : i32
    %dma_start3A_4143 = arith.constant 0 : i32
    %dma_start3A_4144 = arith.constant 0 : i32
    %dma_start3A_4145 = arith.constant 0 : i32
    %dma_start3A_4146 = tpu.memref_slice %arg10[%dma_start3A_4143, %dma_start3A_4144, %dma_start3A_4145] : memref<3x32x1024xf32, #tpu.memory_space<vmem>> -> memref<1x32x1024xf32, #tpu.memory_space<vmem>>
    %dma_start3A_4147 = tpu.memref_squeeze %dma_start3A_4146 : memref<1x32x1024xf32, #tpu.memory_space<vmem>> -> memref<32x1024xf32, #tpu.memory_space<vmem>>
    %dma_start3A_4148 = arith.constant 0 : i32
    %dma_start3A_4149 = tpu.memref_slice %arg4[%add3A_4142, %dma_start3A_4148] : memref<16384x1024xf32, #tpu.memory_space<hbm>> -> memref<32x1024xf32, #tpu.memory_space<hbm>>
    %dma_start3A_4150 = arith.constant 0 : i32
    %dma_start3A_4151 = tpu.memref_slice %arg4[%add3A_4142, %dma_start3A_4150] : memref<16384x1024xf32, #tpu.memory_space<hbm>> -> memref<32x1024xf32, #tpu.memory_space<hbm>>
    %dma_start3A_4152 = arith.constant 0 : i32
    %dma_start3A_4153 = arith.constant 0 : i32
    %dma_start3A_4154 = tpu.memref_slice %arg10[%dma_start3A_4143, %dma_start3A_4152, %dma_start3A_4153] : memref<3x32x1024xf32, #tpu.memory_space<vmem>> -> memref<1x32x1024xf32, #tpu.memory_space<vmem>>
    %dma_start3A_4155 = tpu.memref_squeeze %dma_start3A_4154 : memref<1x32x1024xf32, #tpu.memory_space<vmem>> -> memref<32x1024xf32, #tpu.memory_space<vmem>>
    tpu.enqueue_dma source(%dma_start3A_4155 : memref<32x1024xf32, #tpu.memory_space<vmem>>) target(%dma_start3A_4151 : memref<32x1024xf32, #tpu.memory_space<hbm>>) target_semaphore(%arg14 : memref<!tpu.dma_semaphore, #tpu.memory_space<semaphore_mem>>)
    %dma_wait3A_4156 = arith.constant 2 : i32
    %dma_wait3A_4157 = arith.constant 0 : i32
    %dma_wait3A_4158 = arith.constant 0 : i32
    %dma_wait3A_4159 = tpu.memref_slice %arg10[%dma_wait3A_4156, %dma_wait3A_4157, %dma_wait3A_4158] : memref<3x32x1024xf32, #tpu.memory_space<vmem>> -> memref<1x32x1024xf32, #tpu.memory_space<vmem>>
    %dma_wait3A_4160 = tpu.memref_squeeze %dma_wait3A_4159 : memref<1x32x1024xf32, #tpu.memory_space<vmem>> -> memref<32x1024xf32, #tpu.memory_space<vmem>>
    %dma_wait3A_4161 = arith.constant 0 : i32
    %dma_wait3A_4162 = tpu.memref_slice %arg4[%add3A_4094, %dma_wait3A_4161] : memref<16384x1024xf32, #tpu.memory_space<hbm>> -> memref<32x1024xf32, #tpu.memory_space<hbm>>
    %dma_wait3A_4163 = arith.constant 0 : i32
    %dma_wait3A_4164 = tpu.memref_slice %arg4[%add3A_4094, %dma_wait3A_4163] : memref<16384x1024xf32, #tpu.memory_space<hbm>> -> memref<32x1024xf32, #tpu.memory_space<hbm>>
    %dma_wait3A_4165 = arith.constant 0 : i32
    %dma_wait3A_4166 = arith.constant 0 : i32
    %dma_wait3A_4167 = tpu.memref_slice %arg10[%dma_wait3A_4156, %dma_wait3A_4165, %dma_wait3A_4166] : memref<3x32x1024xf32, #tpu.memory_space<vmem>> -> memref<1x32x1024xf32, #tpu.memory_space<vmem>>
    %dma_wait3A_4168 = tpu.memref_squeeze %dma_wait3A_4167 : memref<1x32x1024xf32, #tpu.memory_space<vmem>> -> memref<32x1024xf32, #tpu.memory_space<vmem>>
    tpu.wait_dma2 semaphore(%arg16 : memref<!tpu.dma_semaphore, #tpu.memory_space<semaphore_mem>>) src(%dma_wait3A_4168 : memref<32x1024xf32, #tpu.memory_space<vmem>>) dst(%dma_wait3A_4164 : memref<32x1024xf32, #tpu.memory_space<hbm>>)
    %dma_start3A_4169 = arith.constant 2 : i32
    %dma_start3A_4170 = arith.constant 0 : i32
    %dma_start3A_4171 = arith.constant 0 : i32
    %dma_start3A_4172 = tpu.memref_slice %arg10[%dma_start3A_4169, %dma_start3A_4170, %dma_start3A_4171] : memref<3x32x1024xf32, #tpu.memory_space<vmem>> -> memref<1x32x1024xf32, #tpu.memory_space<vmem>>
    %dma_start3A_4173 = tpu.memref_squeeze %dma_start3A_4172 : memref<1x32x1024xf32, #tpu.memory_space<vmem>> -> memref<32x1024xf32, #tpu.memory_space<vmem>>
    %dma_start3A_4174 = arith.constant 352 : i32
    %dma_start3A_4175 = tpu.memref_slice %arg6[%dma_start3A_4174] : memref<528xi32, #tpu.memory_space<vmem>> -> memref<32xi32, #tpu.memory_space<vmem>>
    %dma_start3A_4176 = arith.constant 0 : i32
    %dma_start3A_4177 = arith.constant 0 : i32
    %dma_start3A_4178 = tpu.memref_slice %arg3[%dma_start3A_4176, %dma_start3A_4177] : memref<8192x1024xf32, #tpu.memory_space<hbm>> -> memref<8192x1024xf32, #tpu.memory_space<hbm>>
    tpu.enqueue_indirect_dma source(%dma_start3A_4178 : memref<8192x1024xf32, #tpu.memory_space<hbm>>) target(%dma_start3A_4173 : memref<32x1024xf32, #tpu.memory_space<vmem>>) offsets(%dma_start3A_4175 : memref<32xi32, #tpu.memory_space<vmem>>) semaphore(%arg13 : memref<!tpu.dma_semaphore, #tpu.memory_space<semaphore_mem>>)
    %dma_wait3A_4179 = arith.constant 1 : i32
    %dma_wait3A_4180 = arith.constant 0 : i32
    %dma_wait3A_4181 = arith.constant 0 : i32
    %dma_wait3A_4182 = tpu.memref_slice %arg10[%dma_wait3A_4179, %dma_wait3A_4180, %dma_wait3A_4181] : memref<3x32x1024xf32, #tpu.memory_space<vmem>> -> memref<1x32x1024xf32, #tpu.memory_space<vmem>>
    %dma_wait3A_4183 = tpu.memref_squeeze %dma_wait3A_4182 : memref<1x32x1024xf32, #tpu.memory_space<vmem>> -> memref<32x1024xf32, #tpu.memory_space<vmem>>
    %dma_wait3A_4184 = arith.constant 320 : i32
    %dma_wait3A_4185 = tpu.memref_slice %arg6[%dma_wait3A_4184] : memref<528xi32, #tpu.memory_space<vmem>> -> memref<32xi32, #tpu.memory_space<vmem>>
    %dma_wait3A_4186 = arith.constant 0 : i32
    %dma_wait3A_4187 = arith.constant 0 : i32
    %dma_wait3A_4188 = tpu.memref_slice %arg3[%dma_wait3A_4186, %dma_wait3A_4187] : memref<8192x1024xf32, #tpu.memory_space<hbm>> -> memref<8192x1024xf32, #tpu.memory_space<hbm>>
    tpu.wait_indirect_dma semaphore(%arg12 : memref<!tpu.dma_semaphore, #tpu.memory_space<semaphore_mem>>) src(%dma_wait3A_4188 : memref<8192x1024xf32, #tpu.memory_space<hbm>>) dst(%dma_wait3A_4183 : memref<32x1024xf32, #tpu.memory_space<vmem>>)
    %add3A_4189 = arith.constant 320 : i32
    %add3A_4190 = arith.addi %multiple_of3A, %add3A_4189 : i32
    %dma_start3A_4191 = arith.constant 1 : i32
    %dma_start3A_4192 = arith.constant 0 : i32
    %dma_start3A_4193 = arith.constant 0 : i32
    %dma_start3A_4194 = tpu.memref_slice %arg10[%dma_start3A_4191, %dma_start3A_4192, %dma_start3A_4193] : memref<3x32x1024xf32, #tpu.memory_space<vmem>> -> memref<1x32x1024xf32, #tpu.memory_space<vmem>>
    %dma_start3A_4195 = tpu.memref_squeeze %dma_start3A_4194 : memref<1x32x1024xf32, #tpu.memory_space<vmem>> -> memref<32x1024xf32, #tpu.memory_space<vmem>>
    %dma_start3A_4196 = arith.constant 0 : i32
    %dma_start3A_4197 = tpu.memref_slice %arg4[%add3A_4190, %dma_start3A_4196] : memref<16384x1024xf32, #tpu.memory_space<hbm>> -> memref<32x1024xf32, #tpu.memory_space<hbm>>
    %dma_start3A_4198 = arith.constant 0 : i32
    %dma_start3A_4199 = tpu.memref_slice %arg4[%add3A_4190, %dma_start3A_4198] : memref<16384x1024xf32, #tpu.memory_space<hbm>> -> memref<32x1024xf32, #tpu.memory_space<hbm>>
    %dma_start3A_4200 = arith.constant 0 : i32
    %dma_start3A_4201 = arith.constant 0 : i32
    %dma_start3A_4202 = tpu.memref_slice %arg10[%dma_start3A_4191, %dma_start3A_4200, %dma_start3A_4201] : memref<3x32x1024xf32, #tpu.memory_space<vmem>> -> memref<1x32x1024xf32, #tpu.memory_space<vmem>>
    %dma_start3A_4203 = tpu.memref_squeeze %dma_start3A_4202 : memref<1x32x1024xf32, #tpu.memory_space<vmem>> -> memref<32x1024xf32, #tpu.memory_space<vmem>>
    tpu.enqueue_dma source(%dma_start3A_4203 : memref<32x1024xf32, #tpu.memory_space<vmem>>) target(%dma_start3A_4199 : memref<32x1024xf32, #tpu.memory_space<hbm>>) target_semaphore(%arg15 : memref<!tpu.dma_semaphore, #tpu.memory_space<semaphore_mem>>)
    %dma_wait3A_4204 = arith.constant 0 : i32
    %dma_wait3A_4205 = arith.constant 0 : i32
    %dma_wait3A_4206 = arith.constant 0 : i32
    %dma_wait3A_4207 = tpu.memref_slice %arg10[%dma_wait3A_4204, %dma_wait3A_4205, %dma_wait3A_4206] : memref<3x32x1024xf32, #tpu.memory_space<vmem>> -> memref<1x32x1024xf32, #tpu.memory_space<vmem>>
    %dma_wait3A_4208 = tpu.memref_squeeze %dma_wait3A_4207 : memref<1x32x1024xf32, #tpu.memory_space<vmem>> -> memref<32x1024xf32, #tpu.memory_space<vmem>>
    %dma_wait3A_4209 = arith.constant 0 : i32
    %dma_wait3A_4210 = tpu.memref_slice %arg4[%add3A_4142, %dma_wait3A_4209] : memref<16384x1024xf32, #tpu.memory_space<hbm>> -> memref<32x1024xf32, #tpu.memory_space<hbm>>
    %dma_wait3A_4211 = arith.constant 0 : i32
    %dma_wait3A_4212 = tpu.memref_slice %arg4[%add3A_4142, %dma_wait3A_4211] : memref<16384x1024xf32, #tpu.memory_space<hbm>> -> memref<32x1024xf32, #tpu.memory_space<hbm>>
    %dma_wait3A_4213 = arith.constant 0 : i32
    %dma_wait3A_4214 = arith.constant 0 : i32
    %dma_wait3A_4215 = tpu.memref_slice %arg10[%dma_wait3A_4204, %dma_wait3A_4213, %dma_wait3A_4214] : memref<3x32x1024xf32, #tpu.memory_space<vmem>> -> memref<1x32x1024xf32, #tpu.memory_space<vmem>>
    %dma_wait3A_4216 = tpu.memref_squeeze %dma_wait3A_4215 : memref<1x32x1024xf32, #tpu.memory_space<vmem>> -> memref<32x1024xf32, #tpu.memory_space<vmem>>
    tpu.wait_dma2 semaphore(%arg14 : memref<!tpu.dma_semaphore, #tpu.memory_space<semaphore_mem>>) src(%dma_wait3A_4216 : memref<32x1024xf32, #tpu.memory_space<vmem>>) dst(%dma_wait3A_4212 : memref<32x1024xf32, #tpu.memory_space<hbm>>)
    %dma_start3A_4217 = arith.constant 0 : i32
    %dma_start3A_4218 = arith.constant 0 : i32
    %dma_start3A_4219 = arith.constant 0 : i32
    %dma_start3A_4220 = tpu.memref_slice %arg10[%dma_start3A_4217, %dma_start3A_4218, %dma_start3A_4219] : memref<3x32x1024xf32, #tpu.memory_space<vmem>> -> memref<1x32x1024xf32, #tpu.memory_space<vmem>>
    %dma_start3A_4221 = tpu.memref_squeeze %dma_start3A_4220 : memref<1x32x1024xf32, #tpu.memory_space<vmem>> -> memref<32x1024xf32, #tpu.memory_space<vmem>>
    %dma_start3A_4222 = arith.constant 384 : i32
    %dma_start3A_4223 = tpu.memref_slice %arg6[%dma_start3A_4222] : memref<528xi32, #tpu.memory_space<vmem>> -> memref<32xi32, #tpu.memory_space<vmem>>
    %dma_start3A_4224 = arith.constant 0 : i32
    %dma_start3A_4225 = arith.constant 0 : i32
    %dma_start3A_4226 = tpu.memref_slice %arg3[%dma_start3A_4224, %dma_start3A_4225] : memref<8192x1024xf32, #tpu.memory_space<hbm>> -> memref<8192x1024xf32, #tpu.memory_space<hbm>>
    tpu.enqueue_indirect_dma source(%dma_start3A_4226 : memref<8192x1024xf32, #tpu.memory_space<hbm>>) target(%dma_start3A_4221 : memref<32x1024xf32, #tpu.memory_space<vmem>>) offsets(%dma_start3A_4223 : memref<32xi32, #tpu.memory_space<vmem>>) semaphore(%arg11 : memref<!tpu.dma_semaphore, #tpu.memory_space<semaphore_mem>>)
    %dma_wait3A_4227 = arith.constant 2 : i32
    %dma_wait3A_4228 = arith.constant 0 : i32
    %dma_wait3A_4229 = arith.constant 0 : i32
    %dma_wait3A_4230 = tpu.memref_slice %arg10[%dma_wait3A_4227, %dma_wait3A_4228, %dma_wait3A_4229] : memref<3x32x1024xf32, #tpu.memory_space<vmem>> -> memref<1x32x1024xf32, #tpu.memory_space<vmem>>
    %dma_wait3A_4231 = tpu.memref_squeeze %dma_wait3A_4230 : memref<1x32x1024xf32, #tpu.memory_space<vmem>> -> memref<32x1024xf32, #tpu.memory_space<vmem>>
    %dma_wait3A_4232 = arith.constant 352 : i32
    %dma_wait3A_4233 = tpu.memref_slice %arg6[%dma_wait3A_4232] : memref<528xi32, #tpu.memory_space<vmem>> -> memref<32xi32, #tpu.memory_space<vmem>>
    %dma_wait3A_4234 = arith.constant 0 : i32
    %dma_wait3A_4235 = arith.constant 0 : i32
    %dma_wait3A_4236 = tpu.memref_slice %arg3[%dma_wait3A_4234, %dma_wait3A_4235] : memref<8192x1024xf32, #tpu.memory_space<hbm>> -> memref<8192x1024xf32, #tpu.memory_space<hbm>>
    tpu.wait_indirect_dma semaphore(%arg13 : memref<!tpu.dma_semaphore, #tpu.memory_space<semaphore_mem>>) src(%dma_wait3A_4236 : memref<8192x1024xf32, #tpu.memory_space<hbm>>) dst(%dma_wait3A_4231 : memref<32x1024xf32, #tpu.memory_space<vmem>>)
    %add3A_4237 = arith.constant 352 : i32
    %add3A_4238 = arith.addi %multiple_of3A, %add3A_4237 : i32
    %dma_start3A_4239 = arith.constant 2 : i32
    %dma_start3A_4240 = arith.constant 0 : i32
    %dma_start3A_4241 = arith.constant 0 : i32
    %dma_start3A_4242 = tpu.memref_slice %arg10[%dma_start3A_4239, %dma_start3A_4240, %dma_start3A_4241] : memref<3x32x1024xf32, #tpu.memory_space<vmem>> -> memref<1x32x1024xf32, #tpu.memory_space<vmem>>
    %dma_start3A_4243 = tpu.memref_squeeze %dma_start3A_4242 : memref<1x32x1024xf32, #tpu.memory_space<vmem>> -> memref<32x1024xf32, #tpu.memory_space<vmem>>
    %dma_start3A_4244 = arith.constant 0 : i32
    %dma_start3A_4245 = tpu.memref_slice %arg4[%add3A_4238, %dma_start3A_4244] : memref<16384x1024xf32, #tpu.memory_space<hbm>> -> memref<32x1024xf32, #tpu.memory_space<hbm>>
    %dma_start3A_4246 = arith.constant 0 : i32
    %dma_start3A_4247 = tpu.memref_slice %arg4[%add3A_4238, %dma_start3A_4246] : memref<16384x1024xf32, #tpu.memory_space<hbm>> -> memref<32x1024xf32, #tpu.memory_space<hbm>>
    %dma_start3A_4248 = arith.constant 0 : i32
    %dma_start3A_4249 = arith.constant 0 : i32
    %dma_start3A_4250 = tpu.memref_slice %arg10[%dma_start3A_4239, %dma_start3A_4248, %dma_start3A_4249] : memref<3x32x1024xf32, #tpu.memory_space<vmem>> -> memref<1x32x1024xf32, #tpu.memory_space<vmem>>
    %dma_start3A_4251 = tpu.memref_squeeze %dma_start3A_4250 : memref<1x32x1024xf32, #tpu.memory_space<vmem>> -> memref<32x1024xf32, #tpu.memory_space<vmem>>
    tpu.enqueue_dma source(%dma_start3A_4251 : memref<32x1024xf32, #tpu.memory_space<vmem>>) target(%dma_start3A_4247 : memref<32x1024xf32, #tpu.memory_space<hbm>>) target_semaphore(%arg16 : memref<!tpu.dma_semaphore, #tpu.memory_space<semaphore_mem>>)
    %dma_wait3A_4252 = arith.constant 1 : i32
    %dma_wait3A_4253 = arith.constant 0 : i32
    %dma_wait3A_4254 = arith.constant 0 : i32
    %dma_wait3A_4255 = tpu.memref_slice %arg10[%dma_wait3A_4252, %dma_wait3A_4253, %dma_wait3A_4254] : memref<3x32x1024xf32, #tpu.memory_space<vmem>> -> memref<1x32x1024xf32, #tpu.memory_space<vmem>>
    %dma_wait3A_4256 = tpu.memref_squeeze %dma_wait3A_4255 : memref<1x32x1024xf32, #tpu.memory_space<vmem>> -> memref<32x1024xf32, #tpu.memory_space<vmem>>
    %dma_wait3A_4257 = arith.constant 0 : i32
    %dma_wait3A_4258 = tpu.memref_slice %arg4[%add3A_4190, %dma_wait3A_4257] : memref<16384x1024xf32, #tpu.memory_space<hbm>> -> memref<32x1024xf32, #tpu.memory_space<hbm>>
    %dma_wait3A_4259 = arith.constant 0 : i32
    %dma_wait3A_4260 = tpu.memref_slice %arg4[%add3A_4190, %dma_wait3A_4259] : memref<16384x1024xf32, #tpu.memory_space<hbm>> -> memref<32x1024xf32, #tpu.memory_space<hbm>>
    %dma_wait3A_4261 = arith.constant 0 : i32
    %dma_wait3A_4262 = arith.constant 0 : i32
    %dma_wait3A_4263 = tpu.memref_slice %arg10[%dma_wait3A_4252, %dma_wait3A_4261, %dma_wait3A_4262] : memref<3x32x1024xf32, #tpu.memory_space<vmem>> -> memref<1x32x1024xf32, #tpu.memory_space<vmem>>
    %dma_wait3A_4264 = tpu.memref_squeeze %dma_wait3A_4263 : memref<1x32x1024xf32, #tpu.memory_space<vmem>> -> memref<32x1024xf32, #tpu.memory_space<vmem>>
    tpu.wait_dma2 semaphore(%arg15 : memref<!tpu.dma_semaphore, #tpu.memory_space<semaphore_mem>>) src(%dma_wait3A_4264 : memref<32x1024xf32, #tpu.memory_space<vmem>>) dst(%dma_wait3A_4260 : memref<32x1024xf32, #tpu.memory_space<hbm>>)
    %dma_start3A_4265 = arith.constant 1 : i32
    %dma_start3A_4266 = arith.constant 0 : i32
    %dma_start3A_4267 = arith.constant 0 : i32
    %dma_start3A_4268 = tpu.memref_slice %arg10[%dma_start3A_4265, %dma_start3A_4266, %dma_start3A_4267] : memref<3x32x1024xf32, #tpu.memory_space<vmem>> -> memref<1x32x1024xf32, #tpu.memory_space<vmem>>
    %dma_start3A_4269 = tpu.memref_squeeze %dma_start3A_4268 : memref<1x32x1024xf32, #tpu.memory_space<vmem>> -> memref<32x1024xf32, #tpu.memory_space<vmem>>
    %dma_start3A_4270 = arith.constant 416 : i32
    %dma_start3A_4271 = tpu.memref_slice %arg6[%dma_start3A_4270] : memref<528xi32, #tpu.memory_space<vmem>> -> memref<32xi32, #tpu.memory_space<vmem>>
    %dma_start3A_4272 = arith.constant 0 : i32
    %dma_start3A_4273 = arith.constant 0 : i32
    %dma_start3A_4274 = tpu.memref_slice %arg3[%dma_start3A_4272, %dma_start3A_4273] : memref<8192x1024xf32, #tpu.memory_space<hbm>> -> memref<8192x1024xf32, #tpu.memory_space<hbm>>
    tpu.enqueue_indirect_dma source(%dma_start3A_4274 : memref<8192x1024xf32, #tpu.memory_space<hbm>>) target(%dma_start3A_4269 : memref<32x1024xf32, #tpu.memory_space<vmem>>) offsets(%dma_start3A_4271 : memref<32xi32, #tpu.memory_space<vmem>>) semaphore(%arg12 : memref<!tpu.dma_semaphore, #tpu.memory_space<semaphore_mem>>)
    %dma_wait3A_4275 = arith.constant 0 : i32
    %dma_wait3A_4276 = arith.constant 0 : i32
    %dma_wait3A_4277 = arith.constant 0 : i32
    %dma_wait3A_4278 = tpu.memref_slice %arg10[%dma_wait3A_4275, %dma_wait3A_4276, %dma_wait3A_4277] : memref<3x32x1024xf32, #tpu.memory_space<vmem>> -> memref<1x32x1024xf32, #tpu.memory_space<vmem>>
    %dma_wait3A_4279 = tpu.memref_squeeze %dma_wait3A_4278 : memref<1x32x1024xf32, #tpu.memory_space<vmem>> -> memref<32x1024xf32, #tpu.memory_space<vmem>>
    %dma_wait3A_4280 = arith.constant 384 : i32
    %dma_wait3A_4281 = tpu.memref_slice %arg6[%dma_wait3A_4280] : memref<528xi32, #tpu.memory_space<vmem>> -> memref<32xi32, #tpu.memory_space<vmem>>
    %dma_wait3A_4282 = arith.constant 0 : i32
    %dma_wait3A_4283 = arith.constant 0 : i32
    %dma_wait3A_4284 = tpu.memref_slice %arg3[%dma_wait3A_4282, %dma_wait3A_4283] : memref<8192x1024xf32, #tpu.memory_space<hbm>> -> memref<8192x1024xf32, #tpu.memory_space<hbm>>
    tpu.wait_indirect_dma semaphore(%arg11 : memref<!tpu.dma_semaphore, #tpu.memory_space<semaphore_mem>>) src(%dma_wait3A_4284 : memref<8192x1024xf32, #tpu.memory_space<hbm>>) dst(%dma_wait3A_4279 : memref<32x1024xf32, #tpu.memory_space<vmem>>)
    %add3A_4285 = arith.constant 384 : i32
    %add3A_4286 = arith.addi %multiple_of3A, %add3A_4285 : i32
    %dma_start3A_4287 = arith.constant 0 : i32
    %dma_start3A_4288 = arith.constant 0 : i32
    %dma_start3A_4289 = arith.constant 0 : i32
    %dma_start3A_4290 = tpu.memref_slice %arg10[%dma_start3A_4287, %dma_start3A_4288, %dma_start3A_4289] : memref<3x32x1024xf32, #tpu.memory_space<vmem>> -> memref<1x32x1024xf32, #tpu.memory_space<vmem>>
    %dma_start3A_4291 = tpu.memref_squeeze %dma_start3A_4290 : memref<1x32x1024xf32, #tpu.memory_space<vmem>> -> memref<32x1024xf32, #tpu.memory_space<vmem>>
    %dma_start3A_4292 = arith.constant 0 : i32
    %dma_start3A_4293 = tpu.memref_slice %arg4[%add3A_4286, %dma_start3A_4292] : memref<16384x1024xf32, #tpu.memory_space<hbm>> -> memref<32x1024xf32, #tpu.memory_space<hbm>>
    %dma_start3A_4294 = arith.constant 0 : i32
    %dma_start3A_4295 = tpu.memref_slice %arg4[%add3A_4286, %dma_start3A_4294] : memref<16384x1024xf32, #tpu.memory_space<hbm>> -> memref<32x1024xf32, #tpu.memory_space<hbm>>
    %dma_start3A_4296 = arith.constant 0 : i32
    %dma_start3A_4297 = arith.constant 0 : i32
    %dma_start3A_4298 = tpu.memref_slice %arg10[%dma_start3A_4287, %dma_start3A_4296, %dma_start3A_4297] : memref<3x32x1024xf32, #tpu.memory_space<vmem>> -> memref<1x32x1024xf32, #tpu.memory_space<vmem>>
    %dma_start3A_4299 = tpu.memref_squeeze %dma_start3A_4298 : memref<1x32x1024xf32, #tpu.memory_space<vmem>> -> memref<32x1024xf32, #tpu.memory_space<vmem>>
    tpu.enqueue_dma source(%dma_start3A_4299 : memref<32x1024xf32, #tpu.memory_space<vmem>>) target(%dma_start3A_4295 : memref<32x1024xf32, #tpu.memory_space<hbm>>) target_semaphore(%arg14 : memref<!tpu.dma_semaphore, #tpu.memory_space<semaphore_mem>>)
    %dma_wait3A_4300 = arith.constant 2 : i32
    %dma_wait3A_4301 = arith.constant 0 : i32
    %dma_wait3A_4302 = arith.constant 0 : i32
    %dma_wait3A_4303 = tpu.memref_slice %arg10[%dma_wait3A_4300, %dma_wait3A_4301, %dma_wait3A_4302] : memref<3x32x1024xf32, #tpu.memory_space<vmem>> -> memref<1x32x1024xf32, #tpu.memory_space<vmem>>
    %dma_wait3A_4304 = tpu.memref_squeeze %dma_wait3A_4303 : memref<1x32x1024xf32, #tpu.memory_space<vmem>> -> memref<32x1024xf32, #tpu.memory_space<vmem>>
    %dma_wait3A_4305 = arith.constant 0 : i32
    %dma_wait3A_4306 = tpu.memref_slice %arg4[%add3A_4238, %dma_wait3A_4305] : memref<16384x1024xf32, #tpu.memory_space<hbm>> -> memref<32x1024xf32, #tpu.memory_space<hbm>>
    %dma_wait3A_4307 = arith.constant 0 : i32
    %dma_wait3A_4308 = tpu.memref_slice %arg4[%add3A_4238, %dma_wait3A_4307] : memref<16384x1024xf32, #tpu.memory_space<hbm>> -> memref<32x1024xf32, #tpu.memory_space<hbm>>
    %dma_wait3A_4309 = arith.constant 0 : i32
    %dma_wait3A_4310 = arith.constant 0 : i32
    %dma_wait3A_4311 = tpu.memref_slice %arg10[%dma_wait3A_4300, %dma_wait3A_4309, %dma_wait3A_4310] : memref<3x32x1024xf32, #tpu.memory_space<vmem>> -> memref<1x32x1024xf32, #tpu.memory_space<vmem>>
    %dma_wait3A_4312 = tpu.memref_squeeze %dma_wait3A_4311 : memref<1x32x1024xf32, #tpu.memory_space<vmem>> -> memref<32x1024xf32, #tpu.memory_space<vmem>>
    tpu.wait_dma2 semaphore(%arg16 : memref<!tpu.dma_semaphore, #tpu.memory_space<semaphore_mem>>) src(%dma_wait3A_4312 : memref<32x1024xf32, #tpu.memory_space<vmem>>) dst(%dma_wait3A_4308 : memref<32x1024xf32, #tpu.memory_space<hbm>>)
    %dma_start3A_4313 = arith.constant 2 : i32
    %dma_start3A_4314 = arith.constant 0 : i32
    %dma_start3A_4315 = arith.constant 0 : i32
    %dma_start3A_4316 = tpu.memref_slice %arg10[%dma_start3A_4313, %dma_start3A_4314, %dma_start3A_4315] : memref<3x32x1024xf32, #tpu.memory_space<vmem>> -> memref<1x32x1024xf32, #tpu.memory_space<vmem>>
    %dma_start3A_4317 = tpu.memref_squeeze %dma_start3A_4316 : memref<1x32x1024xf32, #tpu.memory_space<vmem>> -> memref<32x1024xf32, #tpu.memory_space<vmem>>
    %dma_start3A_4318 = arith.constant 448 : i32
    %dma_start3A_4319 = tpu.memref_slice %arg6[%dma_start3A_4318] : memref<528xi32, #tpu.memory_space<vmem>> -> memref<32xi32, #tpu.memory_space<vmem>>
    %dma_start3A_4320 = arith.constant 0 : i32
    %dma_start3A_4321 = arith.constant 0 : i32
    %dma_start3A_4322 = tpu.memref_slice %arg3[%dma_start3A_4320, %dma_start3A_4321] : memref<8192x1024xf32, #tpu.memory_space<hbm>> -> memref<8192x1024xf32, #tpu.memory_space<hbm>>
    tpu.enqueue_indirect_dma source(%dma_start3A_4322 : memref<8192x1024xf32, #tpu.memory_space<hbm>>) target(%dma_start3A_4317 : memref<32x1024xf32, #tpu.memory_space<vmem>>) offsets(%dma_start3A_4319 : memref<32xi32, #tpu.memory_space<vmem>>) semaphore(%arg13 : memref<!tpu.dma_semaphore, #tpu.memory_space<semaphore_mem>>)
    %dma_wait3A_4323 = arith.constant 1 : i32
    %dma_wait3A_4324 = arith.constant 0 : i32
    %dma_wait3A_4325 = arith.constant 0 : i32
    %dma_wait3A_4326 = tpu.memref_slice %arg10[%dma_wait3A_4323, %dma_wait3A_4324, %dma_wait3A_4325] : memref<3x32x1024xf32, #tpu.memory_space<vmem>> -> memref<1x32x1024xf32, #tpu.memory_space<vmem>>
    %dma_wait3A_4327 = tpu.memref_squeeze %dma_wait3A_4326 : memref<1x32x1024xf32, #tpu.memory_space<vmem>> -> memref<32x1024xf32, #tpu.memory_space<vmem>>
    %dma_wait3A_4328 = arith.constant 416 : i32
    %dma_wait3A_4329 = tpu.memref_slice %arg6[%dma_wait3A_4328] : memref<528xi32, #tpu.memory_space<vmem>> -> memref<32xi32, #tpu.memory_space<vmem>>
    %dma_wait3A_4330 = arith.constant 0 : i32
    %dma_wait3A_4331 = arith.constant 0 : i32
    %dma_wait3A_4332 = tpu.memref_slice %arg3[%dma_wait3A_4330, %dma_wait3A_4331] : memref<8192x1024xf32, #tpu.memory_space<hbm>> -> memref<8192x1024xf32, #tpu.memory_space<hbm>>
    tpu.wait_indirect_dma semaphore(%arg12 : memref<!tpu.dma_semaphore, #tpu.memory_space<semaphore_mem>>) src(%dma_wait3A_4332 : memref<8192x1024xf32, #tpu.memory_space<hbm>>) dst(%dma_wait3A_4327 : memref<32x1024xf32, #tpu.memory_space<vmem>>)
    %add3A_4333 = arith.constant 416 : i32
    %add3A_4334 = arith.addi %multiple_of3A, %add3A_4333 : i32
    %dma_start3A_4335 = arith.constant 1 : i32
    %dma_start3A_4336 = arith.constant 0 : i32
    %dma_start3A_4337 = arith.constant 0 : i32
    %dma_start3A_4338 = tpu.memref_slice %arg10[%dma_start3A_4335, %dma_start3A_4336, %dma_start3A_4337] : memref<3x32x1024xf32, #tpu.memory_space<vmem>> -> memref<1x32x1024xf32, #tpu.memory_space<vmem>>
    %dma_start3A_4339 = tpu.memref_squeeze %dma_start3A_4338 : memref<1x32x1024xf32, #tpu.memory_space<vmem>> -> memref<32x1024xf32, #tpu.memory_space<vmem>>
    %dma_start3A_4340 = arith.constant 0 : i32
    %dma_start3A_4341 = tpu.memref_slice %arg4[%add3A_4334, %dma_start3A_4340] : memref<16384x1024xf32, #tpu.memory_space<hbm>> -> memref<32x1024xf32, #tpu.memory_space<hbm>>
    %dma_start3A_4342 = arith.constant 0 : i32
    %dma_start3A_4343 = tpu.memref_slice %arg4[%add3A_4334, %dma_start3A_4342] : memref<16384x1024xf32, #tpu.memory_space<hbm>> -> memref<32x1024xf32, #tpu.memory_space<hbm>>
    %dma_start3A_4344 = arith.constant 0 : i32
    %dma_start3A_4345 = arith.constant 0 : i32
    %dma_start3A_4346 = tpu.memref_slice %arg10[%dma_start3A_4335, %dma_start3A_4344, %dma_start3A_4345] : memref<3x32x1024xf32, #tpu.memory_space<vmem>> -> memref<1x32x1024xf32, #tpu.memory_space<vmem>>
    %dma_start3A_4347 = tpu.memref_squeeze %dma_start3A_4346 : memref<1x32x1024xf32, #tpu.memory_space<vmem>> -> memref<32x1024xf32, #tpu.memory_space<vmem>>
    tpu.enqueue_dma source(%dma_start3A_4347 : memref<32x1024xf32, #tpu.memory_space<vmem>>) target(%dma_start3A_4343 : memref<32x1024xf32, #tpu.memory_space<hbm>>) target_semaphore(%arg15 : memref<!tpu.dma_semaphore, #tpu.memory_space<semaphore_mem>>)
    %dma_wait3A_4348 = arith.constant 0 : i32
    %dma_wait3A_4349 = arith.constant 0 : i32
    %dma_wait3A_4350 = arith.constant 0 : i32
    %dma_wait3A_4351 = tpu.memref_slice %arg10[%dma_wait3A_4348, %dma_wait3A_4349, %dma_wait3A_4350] : memref<3x32x1024xf32, #tpu.memory_space<vmem>> -> memref<1x32x1024xf32, #tpu.memory_space<vmem>>
    %dma_wait3A_4352 = tpu.memref_squeeze %dma_wait3A_4351 : memref<1x32x1024xf32, #tpu.memory_space<vmem>> -> memref<32x1024xf32, #tpu.memory_space<vmem>>
    %dma_wait3A_4353 = arith.constant 0 : i32
    %dma_wait3A_4354 = tpu.memref_slice %arg4[%add3A_4286, %dma_wait3A_4353] : memref<16384x1024xf32, #tpu.memory_space<hbm>> -> memref<32x1024xf32, #tpu.memory_space<hbm>>
    %dma_wait3A_4355 = arith.constant 0 : i32
    %dma_wait3A_4356 = tpu.memref_slice %arg4[%add3A_4286, %dma_wait3A_4355] : memref<16384x1024xf32, #tpu.memory_space<hbm>> -> memref<32x1024xf32, #tpu.memory_space<hbm>>
    %dma_wait3A_4357 = arith.constant 0 : i32
    %dma_wait3A_4358 = arith.constant 0 : i32
    %dma_wait3A_4359 = tpu.memref_slice %arg10[%dma_wait3A_4348, %dma_wait3A_4357, %dma_wait3A_4358] : memref<3x32x1024xf32, #tpu.memory_space<vmem>> -> memref<1x32x1024xf32, #tpu.memory_space<vmem>>
    %dma_wait3A_4360 = tpu.memref_squeeze %dma_wait3A_4359 : memref<1x32x1024xf32, #tpu.memory_space<vmem>> -> memref<32x1024xf32, #tpu.memory_space<vmem>>
    tpu.wait_dma2 semaphore(%arg14 : memref<!tpu.dma_semaphore, #tpu.memory_space<semaphore_mem>>) src(%dma_wait3A_4360 : memref<32x1024xf32, #tpu.memory_space<vmem>>) dst(%dma_wait3A_4356 : memref<32x1024xf32, #tpu.memory_space<hbm>>)
    %dma_start3A_4361 = arith.constant 0 : i32
    %dma_start3A_4362 = arith.constant 0 : i32
    %dma_start3A_4363 = arith.constant 0 : i32
    %dma_start3A_4364 = tpu.memref_slice %arg10[%dma_start3A_4361, %dma_start3A_4362, %dma_start3A_4363] : memref<3x32x1024xf32, #tpu.memory_space<vmem>> -> memref<1x32x1024xf32, #tpu.memory_space<vmem>>
    %dma_start3A_4365 = tpu.memref_squeeze %dma_start3A_4364 : memref<1x32x1024xf32, #tpu.memory_space<vmem>> -> memref<32x1024xf32, #tpu.memory_space<vmem>>
    %dma_start3A_4366 = arith.constant 480 : i32
    %dma_start3A_4367 = tpu.memref_slice %arg6[%dma_start3A_4366] : memref<528xi32, #tpu.memory_space<vmem>> -> memref<32xi32, #tpu.memory_space<vmem>>
    %dma_start3A_4368 = arith.constant 0 : i32
    %dma_start3A_4369 = arith.constant 0 : i32
    %dma_start3A_4370 = tpu.memref_slice %arg3[%dma_start3A_4368, %dma_start3A_4369] : memref<8192x1024xf32, #tpu.memory_space<hbm>> -> memref<8192x1024xf32, #tpu.memory_space<hbm>>
    tpu.enqueue_indirect_dma source(%dma_start3A_4370 : memref<8192x1024xf32, #tpu.memory_space<hbm>>) target(%dma_start3A_4365 : memref<32x1024xf32, #tpu.memory_space<vmem>>) offsets(%dma_start3A_4367 : memref<32xi32, #tpu.memory_space<vmem>>) semaphore(%arg11 : memref<!tpu.dma_semaphore, #tpu.memory_space<semaphore_mem>>)
    %dma_wait3A_4371 = arith.constant 2 : i32
    %dma_wait3A_4372 = arith.constant 0 : i32
    %dma_wait3A_4373 = arith.constant 0 : i32
    %dma_wait3A_4374 = tpu.memref_slice %arg10[%dma_wait3A_4371, %dma_wait3A_4372, %dma_wait3A_4373] : memref<3x32x1024xf32, #tpu.memory_space<vmem>> -> memref<1x32x1024xf32, #tpu.memory_space<vmem>>
    %dma_wait3A_4375 = tpu.memref_squeeze %dma_wait3A_4374 : memref<1x32x1024xf32, #tpu.memory_space<vmem>> -> memref<32x1024xf32, #tpu.memory_space<vmem>>
    %dma_wait3A_4376 = arith.constant 448 : i32
    %dma_wait3A_4377 = tpu.memref_slice %arg6[%dma_wait3A_4376] : memref<528xi32, #tpu.memory_space<vmem>> -> memref<32xi32, #tpu.memory_space<vmem>>
    %dma_wait3A_4378 = arith.constant 0 : i32
    %dma_wait3A_4379 = arith.constant 0 : i32
    %dma_wait3A_4380 = tpu.memref_slice %arg3[%dma_wait3A_4378, %dma_wait3A_4379] : memref<8192x1024xf32, #tpu.memory_space<hbm>> -> memref<8192x1024xf32, #tpu.memory_space<hbm>>
    tpu.wait_indirect_dma semaphore(%arg13 : memref<!tpu.dma_semaphore, #tpu.memory_space<semaphore_mem>>) src(%dma_wait3A_4380 : memref<8192x1024xf32, #tpu.memory_space<hbm>>) dst(%dma_wait3A_4375 : memref<32x1024xf32, #tpu.memory_space<vmem>>)
    %add3A_4381 = arith.constant 448 : i32
    %add3A_4382 = arith.addi %multiple_of3A, %add3A_4381 : i32
    %dma_start3A_4383 = arith.constant 2 : i32
    %dma_start3A_4384 = arith.constant 0 : i32
    %dma_start3A_4385 = arith.constant 0 : i32
    %dma_start3A_4386 = tpu.memref_slice %arg10[%dma_start3A_4383, %dma_start3A_4384, %dma_start3A_4385] : memref<3x32x1024xf32, #tpu.memory_space<vmem>> -> memref<1x32x1024xf32, #tpu.memory_space<vmem>>
    %dma_start3A_4387 = tpu.memref_squeeze %dma_start3A_4386 : memref<1x32x1024xf32, #tpu.memory_space<vmem>> -> memref<32x1024xf32, #tpu.memory_space<vmem>>
    %dma_start3A_4388 = arith.constant 0 : i32
    %dma_start3A_4389 = tpu.memref_slice %arg4[%add3A_4382, %dma_start3A_4388] : memref<16384x1024xf32, #tpu.memory_space<hbm>> -> memref<32x1024xf32, #tpu.memory_space<hbm>>
    %dma_start3A_4390 = arith.constant 0 : i32
    %dma_start3A_4391 = tpu.memref_slice %arg4[%add3A_4382, %dma_start3A_4390] : memref<16384x1024xf32, #tpu.memory_space<hbm>> -> memref<32x1024xf32, #tpu.memory_space<hbm>>
    %dma_start3A_4392 = arith.constant 0 : i32
    %dma_start3A_4393 = arith.constant 0 : i32
    %dma_start3A_4394 = tpu.memref_slice %arg10[%dma_start3A_4383, %dma_start3A_4392, %dma_start3A_4393] : memref<3x32x1024xf32, #tpu.memory_space<vmem>> -> memref<1x32x1024xf32, #tpu.memory_space<vmem>>
    %dma_start3A_4395 = tpu.memref_squeeze %dma_start3A_4394 : memref<1x32x1024xf32, #tpu.memory_space<vmem>> -> memref<32x1024xf32, #tpu.memory_space<vmem>>
    tpu.enqueue_dma source(%dma_start3A_4395 : memref<32x1024xf32, #tpu.memory_space<vmem>>) target(%dma_start3A_4391 : memref<32x1024xf32, #tpu.memory_space<hbm>>) target_semaphore(%arg16 : memref<!tpu.dma_semaphore, #tpu.memory_space<semaphore_mem>>)
    %dma_wait3A_4396 = arith.constant 0 : i32
    %dma_wait3A_4397 = arith.constant 0 : i32
    %dma_wait3A_4398 = arith.constant 0 : i32
    %dma_wait3A_4399 = tpu.memref_slice %arg10[%dma_wait3A_4396, %dma_wait3A_4397, %dma_wait3A_4398] : memref<3x32x1024xf32, #tpu.memory_space<vmem>> -> memref<1x32x1024xf32, #tpu.memory_space<vmem>>
    %dma_wait3A_4400 = tpu.memref_squeeze %dma_wait3A_4399 : memref<1x32x1024xf32, #tpu.memory_space<vmem>> -> memref<32x1024xf32, #tpu.memory_space<vmem>>
    %dma_wait3A_4401 = arith.constant 480 : i32
    %dma_wait3A_4402 = tpu.memref_slice %arg6[%dma_wait3A_4401] : memref<528xi32, #tpu.memory_space<vmem>> -> memref<32xi32, #tpu.memory_space<vmem>>
    %dma_wait3A_4403 = arith.constant 0 : i32
    %dma_wait3A_4404 = arith.constant 0 : i32
    %dma_wait3A_4405 = tpu.memref_slice %arg3[%dma_wait3A_4403, %dma_wait3A_4404] : memref<8192x1024xf32, #tpu.memory_space<hbm>> -> memref<8192x1024xf32, #tpu.memory_space<hbm>>
    tpu.wait_indirect_dma semaphore(%arg11 : memref<!tpu.dma_semaphore, #tpu.memory_space<semaphore_mem>>) src(%dma_wait3A_4405 : memref<8192x1024xf32, #tpu.memory_space<hbm>>) dst(%dma_wait3A_4400 : memref<32x1024xf32, #tpu.memory_space<vmem>>)
    %add3A_4406 = arith.constant 480 : i32
    %add3A_4407 = arith.addi %multiple_of3A, %add3A_4406 : i32
    %dma_start3A_4408 = arith.constant 0 : i32
    %dma_start3A_4409 = arith.constant 0 : i32
    %dma_start3A_4410 = arith.constant 0 : i32
    %dma_start3A_4411 = tpu.memref_slice %arg10[%dma_start3A_4408, %dma_start3A_4409, %dma_start3A_4410] : memref<3x32x1024xf32, #tpu.memory_space<vmem>> -> memref<1x32x1024xf32, #tpu.memory_space<vmem>>
    %dma_start3A_4412 = tpu.memref_squeeze %dma_start3A_4411 : memref<1x32x1024xf32, #tpu.memory_space<vmem>> -> memref<32x1024xf32, #tpu.memory_space<vmem>>
    %dma_start3A_4413 = arith.constant 0 : i32
    %dma_start3A_4414 = tpu.memref_slice %arg4[%add3A_4407, %dma_start3A_4413] : memref<16384x1024xf32, #tpu.memory_space<hbm>> -> memref<32x1024xf32, #tpu.memory_space<hbm>>
    %dma_start3A_4415 = arith.constant 0 : i32
    %dma_start3A_4416 = tpu.memref_slice %arg4[%add3A_4407, %dma_start3A_4415] : memref<16384x1024xf32, #tpu.memory_space<hbm>> -> memref<32x1024xf32, #tpu.memory_space<hbm>>
    %dma_start3A_4417 = arith.constant 0 : i32
    %dma_start3A_4418 = arith.constant 0 : i32
    %dma_start3A_4419 = tpu.memref_slice %arg10[%dma_start3A_4408, %dma_start3A_4417, %dma_start3A_4418] : memref<3x32x1024xf32, #tpu.memory_space<vmem>> -> memref<1x32x1024xf32, #tpu.memory_space<vmem>>
    %dma_start3A_4420 = tpu.memref_squeeze %dma_start3A_4419 : memref<1x32x1024xf32, #tpu.memory_space<vmem>> -> memref<32x1024xf32, #tpu.memory_space<vmem>>
    tpu.enqueue_dma source(%dma_start3A_4420 : memref<32x1024xf32, #tpu.memory_space<vmem>>) target(%dma_start3A_4416 : memref<32x1024xf32, #tpu.memory_space<hbm>>) target_semaphore(%arg14 : memref<!tpu.dma_semaphore, #tpu.memory_space<semaphore_mem>>)
    %dma_wait3A_4421 = arith.constant 2 : i32
    %dma_wait3A_4422 = arith.constant 0 : i32
    %dma_wait3A_4423 = arith.constant 0 : i32
    %dma_wait3A_4424 = tpu.memref_slice %arg10[%dma_wait3A_4421, %dma_wait3A_4422, %dma_wait3A_4423] : memref<3x32x1024xf32, #tpu.memory_space<vmem>> -> memref<1x32x1024xf32, #tpu.memory_space<vmem>>
    %dma_wait3A_4425 = tpu.memref_squeeze %dma_wait3A_4424 : memref<1x32x1024xf32, #tpu.memory_space<vmem>> -> memref<32x1024xf32, #tpu.memory_space<vmem>>
    %dma_wait3A_4426 = arith.constant 0 : i32
    %dma_wait3A_4427 = tpu.memref_slice %arg4[%add3A_4382, %dma_wait3A_4426] : memref<16384x1024xf32, #tpu.memory_space<hbm>> -> memref<32x1024xf32, #tpu.memory_space<hbm>>
    %dma_wait3A_4428 = arith.constant 0 : i32
    %dma_wait3A_4429 = tpu.memref_slice %arg4[%add3A_4382, %dma_wait3A_4428] : memref<16384x1024xf32, #tpu.memory_space<hbm>> -> memref<32x1024xf32, #tpu.memory_space<hbm>>
    %dma_wait3A_4430 = arith.constant 0 : i32
    %dma_wait3A_4431 = arith.constant 0 : i32
    %dma_wait3A_4432 = tpu.memref_slice %arg10[%dma_wait3A_4421, %dma_wait3A_4430, %dma_wait3A_4431] : memref<3x32x1024xf32, #tpu.memory_space<vmem>> -> memref<1x32x1024xf32, #tpu.memory_space<vmem>>
    %dma_wait3A_4433 = tpu.memref_squeeze %dma_wait3A_4432 : memref<1x32x1024xf32, #tpu.memory_space<vmem>> -> memref<32x1024xf32, #tpu.memory_space<vmem>>
    tpu.wait_dma2 semaphore(%arg16 : memref<!tpu.dma_semaphore, #tpu.memory_space<semaphore_mem>>) src(%dma_wait3A_4433 : memref<32x1024xf32, #tpu.memory_space<vmem>>) dst(%dma_wait3A_4429 : memref<32x1024xf32, #tpu.memory_space<hbm>>)
    %dma_wait3A_4434 = arith.constant 0 : i32
    %dma_wait3A_4435 = arith.constant 0 : i32
    %dma_wait3A_4436 = arith.constant 0 : i32
    %dma_wait3A_4437 = tpu.memref_slice %arg10[%dma_wait3A_4434, %dma_wait3A_4435, %dma_wait3A_4436] : memref<3x32x1024xf32, #tpu.memory_space<vmem>> -> memref<1x32x1024xf32, #tpu.memory_space<vmem>>
    %dma_wait3A_4438 = tpu.memref_squeeze %dma_wait3A_4437 : memref<1x32x1024xf32, #tpu.memory_space<vmem>> -> memref<32x1024xf32, #tpu.memory_space<vmem>>
    %dma_wait3A_4439 = arith.constant 0 : i32
    %dma_wait3A_4440 = tpu.memref_slice %arg4[%add3A_4407, %dma_wait3A_4439] : memref<16384x1024xf32, #tpu.memory_space<hbm>> -> memref<32x1024xf32, #tpu.memory_space<hbm>>
    %dma_wait3A_4441 = arith.constant 0 : i32
    %dma_wait3A_4442 = tpu.memref_slice %arg4[%add3A_4407, %dma_wait3A_4441] : memref<16384x1024xf32, #tpu.memory_space<hbm>> -> memref<32x1024xf32, #tpu.memory_space<hbm>>
    %dma_wait3A_4443 = arith.constant 0 : i32
    %dma_wait3A_4444 = arith.constant 0 : i32
    %dma_wait3A_4445 = tpu.memref_slice %arg10[%dma_wait3A_4434, %dma_wait3A_4443, %dma_wait3A_4444] : memref<3x32x1024xf32, #tpu.memory_space<vmem>> -> memref<1x32x1024xf32, #tpu.memory_space<vmem>>
    %dma_wait3A_4446 = tpu.memref_squeeze %dma_wait3A_4445 : memref<1x32x1024xf32, #tpu.memory_space<vmem>> -> memref<32x1024xf32, #tpu.memory_space<vmem>>
    tpu.wait_dma2 semaphore(%arg14 : memref<!tpu.dma_semaphore, #tpu.memory_space<semaphore_mem>>) src(%dma_wait3A_4446 : memref<32x1024xf32, #tpu.memory_space<vmem>>) dst(%dma_wait3A_4442 : memref<32x1024xf32, #tpu.memory_space<hbm>>)
    return
  }
}

</mosaic_0001>

<sc_bundles>
// kernel: kernel.3.cloned.1.call-start
scs
__scs_entry_jumppad:
0x0: {  	(pc) =	sbr.rel $0x88, $3  }
0x1: {  	(tag) =	ssettag $0x0;
	lr =	simm.s32 $0x1  }
0x2: {  	[smem:$0x3F9F] =	sst lr;
	_ =	strace $0xD0000000  }
0x3: {  	_ = 	snop  }
0x4: {  	_ = 	snop  }
0x5: {  	_ = 	snop  }
0x6: {  	_ = 	snop  }
0x7: {  	_ = 	snop  }
__scs_overlays_trampoline_lowered:
0x8: {  	[smem:$0x3FAE] =	sst s0  }
0x9: {  	[smem:$0x3FAF] =	sst s1  }
0xa: {  	[smem:$0x3FB0] =	sst s2  }
0xb: {  	[smem:$0x3FB1] =	sst s3  }
0xc: {  	[smem:$0x3FB2] =	sst s4  }
0xd: {  	[smem:$0x3FB3] =	sst s5  }
0xe: {  	[smem:$0x3FB4] =	sst s6  }
0xf: {  	[smem:$0x3FB5] =	sst s7  }
0x10: {  	[smem:$0x3FB6] =	sst s8  }
0x11: {  	[smem:$0x3FB7] =	sst s9;
	s0 =	simm.s32 @!p0 $0x0  }
0x12: {  	s1 =	sld [smem:$0x3F9D];
	s0 =	simm.s32 @p0 $0x1  }
0x13: {  	[smem:$0x3FB8] =	sst s0;
	s0 =	simm.s32 @!p1 $0x0  }
0x14: {  	s2 =	sld [smem:$0x3F9C];
	s0 =	simm.s32 @p1 $0x1  }
0x15: {  	[smem:$0x3FB9] =	sst s0;
	s0 =	simm.s32 @!p2 $0x0  }
0x16: {  	s3 =	sld [smem:$0x3FDB];
	s0 =	simm.s32 @p2 $0x1  }
0x17: {  	s4 =	simm.s32 $0x1BF5;
	[smem:$0x3FBB] =	sst s0  }
0x18: {  	s0 =	sld [smem:$0x3F9E];
	_ =	swait.ge [sflag:s4], $0x0  }
0x19: {  	s7 =	sld [smem:$0x3F9F]  }
0x1a: {  	s8 =	sadd.s32 $0xFFFFE003, lr  }
0x1b: {  	s9 =	sadd.s32 $0xFFFFFEF7, lr;
	s5 =	simm.s32 $0xFFFFFFFF;
	p2 =	slt.u32 s8, $0xFFFFF086  }
0x1c: {  	p1 =	slt.u32 s9, $0xF7A;
	s5 =	simm.s32 @!p2 $0x0  }
0x1d: {  	s5 =	simm.s32 @p1 $0x1;
	p0 =	seq.s32 s7, s2  }
0x1e: {  	s7 =	smul.u32 @!p0 $0xF7A, s2;
	p2 =	seq.s32 @!p0 s5, $0x0  }
0x1f: {  	s9 =	smul.u32 $0xF7A, s1;
	s8 =	simm.s32 @!p0 $0x1BF5;
	p2 =	por !p2, p0  }
0x20: {  	[sflag:s8] =	ssyncset.s32 @!p0 $0xFFFFF086;
	s6 =	sadd.s32 @!p0 s3, s7;
	s7 =	simm.s32 @!p0 $0x108  }
0x21: {  	s3 =	sadd.s32 s3, s9;
	s6 =	sadd.s32 @!p0 $0x88, s6;
	s7 =	simm.s32 @p2 $0x1082  }
0x22: {  	[simem:s7], [sflag:s8] =	dma.local @!p0 [hbm:s6], $0xF7A  }
0x23: {  	s9 =	sor.u32 $0xD0000000, s2;
	s6 =	simm.s32 $0x108;
	_ =	swait.ge @!p0 [sflag:s8], $0x0  }
0x24: {  	s3 =	sadd.s32 $0x88, s3;
	s6 =	simm.s32 @!p1 $0x1082;
	[sflag:s4] =	ssyncset.s32 $0xFFFFF086  }
0x25: {  	[simem:s6], [sflag:s4] =	dma.local [hbm:s3], $0xF7A  }
0x26: {  	[smem:$0x3F9F] =	sst s1;
	(tag) =	ssettag s2;
	_ =	strace s9  }
0x27: {  	s1 =	sld [smem:$0x3FAF]  }
0x28: {  	s2 =	sld [smem:$0x3FB0]  }
0x29: {  	s4 =	sld [smem:$0x3FB2]  }
0x2a: {  	p0 =	seq.s32 s5, $0x0;
	s5 =	sld [smem:$0x3FB3]  }
0x2b: {  	s6 =	sld [smem:$0x3FB4]  }
0x2c: {  	s7 =	sld [smem:$0x3FB5]  }
0x2d: {  	s3 =	simm.s32 $0x108;
	s8 =	sld [smem:$0x3FB6]  }
0x2e: {  	s3 =	simm.s32 @!p0 $0x1082;
	s9 =	sld [smem:$0x3FB7]  }
0x2f: {  	lr =	sadd.s32 s0, s3;
	s0 =	sld [smem:$0x3FAE]  }
0x30: {  	s3 =	sld [smem:$0x3FB1]  }
0x31: {  	[smem:$0x3FBA] =	sst s10  }
0x32: {  	s10 =	sld [smem:$0x3FB8];
	_ =	sdelay $0x3  }
0x33: {  	p0 =	seq.s32 s10, $0x1;
	s10 =	sld [smem:$0x3FBA];
	_ =	sdelay $0x3  }
0x34: {  	[smem:$0x3FBA] =	sst s10  }
0x35: {  	s10 =	sld [smem:$0x3FB9];
	_ =	sdelay $0x3  }
0x36: {  	p1 =	seq.s32 s10, $0x1;
	s10 =	sld [smem:$0x3FBA];
	_ =	sdelay $0x3  }
0x37: {  	[smem:$0x3FBA] =	sst s10  }
0x38: {  	s10 =	sld [smem:$0x3FBB]  }
0x39: {  	_ = 	snop;
	(pc) =	sbr.ind lr, $3  }
0x3a: {  	_ = 	snop  }
0x3b: {  	_ = 	snop  }
0x3c: {  	p2 =	seq.s32 s10, $0x1;
	s10 =	sld [smem:$0x3FBA]  }
0x3d: {  	_ =	shalt  }
0x3e: {  	_ =	shalt  }
0x3f: {  	_ =	shalt  }
0x40: {  	_ =	shalt  }
0x41: {  	_ =	shalt  }
0x42: {  	_ =	shalt  }
0x43: {  	_ =	shalt  }
0x44: {  	_ =	shalt  }
0x45: {  	_ =	shalt  }
0x46: {  	_ =	shalt  }
0x47: {  	_ =	shalt  }
0x48: {  	_ =	shalt  }
0x49: {  	_ =	shalt  }
0x4a: {  	_ =	shalt  }
0x4b: {  	_ =	shalt  }
0x4c: {  	_ =	shalt  }
0x4d: {  	_ =	shalt  }
0x4e: {  	_ =	shalt  }
0x4f: {  	_ =	shalt  }
0x50: {  	_ =	shalt  }
0x51: {  	_ =	shalt  }
0x52: {  	_ =	shalt  }
0x53: {  	_ =	shalt  }
0x54: {  	_ =	shalt  }
0x55: {  	_ =	shalt  }
0x56: {  	_ =	shalt  }
0x57: {  	_ =	shalt  }
0x58: {  	_ =	shalt  }
0x59: {  	_ =	shalt  }
0x5a: {  	_ =	shalt  }
0x5b: {  	_ =	shalt  }
0x5c: {  	_ =	shalt  }
0x5d: {  	_ =	shalt  }
0x5e: {  	_ =	shalt  }
0x5f: {  	_ =	shalt  }
0x60: {  	_ =	shalt  }
0x61: {  	_ =	shalt  }
0x62: {  	_ =	shalt  }
0x63: {  	_ =	shalt  }
0x64: {  	_ =	shalt  }
0x65: {  	_ =	shalt  }
0x66: {  	_ =	shalt  }
0x67: {  	_ =	shalt  }
0x68: {  	_ =	shalt  }
0x69: {  	_ =	shalt  }
0x6a: {  	_ =	shalt  }
0x6b: {  	_ =	shalt  }
0x6c: {  	_ =	shalt  }
0x6d: {  	_ =	shalt  }
0x6e: {  	_ =	shalt  }
0x6f: {  	_ =	shalt  }
0x70: {  	_ =	shalt  }
0x71: {  	_ =	shalt  }
0x72: {  	_ =	shalt  }
0x73: {  	_ =	shalt  }
0x74: {  	_ =	shalt  }
0x75: {  	_ =	shalt  }
0x76: {  	_ =	shalt  }
0x77: {  	_ =	shalt  }
0x78: {  	_ =	shalt  }
0x79: {  	_ =	shalt  }
0x7a: {  	_ =	shalt  }
0x7b: {  	_ =	shalt  }
0x7c: {  	_ =	shalt  }
0x7d: {  	_ =	shalt  }
0x7e: {  	_ =	shalt  }
0x7f: {  	_ =	shalt  }
0x80: {  	_ =	shalt  }
0x81: {  	_ =	shalt  }
0x82: {  	_ =	shalt  }
0x83: {  	_ =	shalt  }
0x84: {  	_ =	shalt  }
0x85: {  	_ =	shalt  }
0x86: {  	_ =	shalt  }
0x87: {  	_ =	shalt  }
.Lfunc_end0:
.L_simem_size_0:
called_computation_lowered:
.L_overlay_start_0:
0x88: {  	s2 =	sld [smem:$0x3FD9]  }
0x89: {  	s3 =	sld [smem:$0x3FFE];
	_ =	sdelay $0x1  }
0x8a: {  	s1 =	srdreg.scid  }
0x8b: {  	s0 =	sand.u32 $0x1, s1  }
0x8c: {  	s17 =	sshll.u32 s0, $0xA;
	s2 =	sadd.s32 s3, s2  }
0x8d: {  	s2 =	sadd.s32 s2, s17  }
0x8e: {  	[smem:$0x3FC6] =	sst s2  }
0x8f: {  	_ = 	snop  }
0x90: {  	s2 =	sld [smem:$0x3FC8]  }
0x91: {  	s18 =	sld [smem:$0x3FD0];
	(tm) =	ssettm $0x1  }
0x92: {  	s4 =	sld [smem:$0x3FFB];
	_ =	sdelay $0x3  }
0x93: {  	_ =	strace s4  }
0x94: {  	s4 =	sld [smem:$0x3FFC];
	_ =	sdelay $0x3  }
0x95: {  	_ =	strace s4  }
0x96: {  	s4 =	sld [smem:$0x3FFD];
	_ =	sdelay $0x3  }
0x97: {  	_ =	strace s4  }
0x98: {  	_ =	strace $0x8FFFFFFF  }
0x99: {  	s19 =	sld [smem:$0x3FDB];
	_ =	sdelay $0x1  }
0x9a: {  	s5 =	simm.s32 $_scs_section_size  }
0x9b: {  	s6 =	simm.s32 $_size__tile_overlayer_lowered;
	s7 =	simm.s32 $_tile_overlayer_lowered  }
0x9c: {  	s22 =	simm.s32 $0x1BFF;
	s21 =	sshll.u32 s7, $0x1;
	s4 =	sadd.s32 s5, s19  }
0x9d: {  	s8 =	simm.s32 $0x0;
	s20 =	sshll.u32 s6, $0x1;
	s6 =	sadd.s32 s21, s4  }
0x9e: {  	[timem:s8], [sflag:s22] =	dma.local [hbm:s6], s20  }
0x9f: {  	_ =	swait.ge [sflag:s22], s20  }
0xa0: {  	s5 =	ssub.s32 $0x0, s20;
	[sflag:s22] =	ssyncset.done $0x0  }
0xa1: {  	[sflag:s22] =	ssyncadd.s32 s5;
	_ =	sdelay $0x1  }
0xa2: {  	s23 =	simm.s32 $0x1B8B  }
0xa3: {  	_ =	swait.ge [sflag:s23], $0x1  }
0xa4: {  	[sflag:s23] =	ssyncset.done $0x0  }
0xa5: {  	s25 =	simm.s32 $0x1B8E;
	s24 =	sld [smem:$0x3FFE];
	[sflag:s23] =	ssyncadd.s32 $0xFFFFFFFF  }
0xa6: {  	s26 =	simm.s32 $execute0_lowered;
	[smem:$0x3FD2] =	sst s25  }
0xa7: {  	s6 =	sshll.u32 s26, $0x1;
	_ =	strace $0x80000046;
	[dreg:$0x1] =	wrdreg $0xFFFFFFFF  }
0xa8: {  	s28 =	simm.s32 $_size_execute0_lowered;
	s4 =	sadd.s32 s4, s6;
	[dreg:$0x0] =	wrdreg $0x0  }
0xa9: {  	s6 =	sshll.u32 s28, $0x1;
	[dreg:$0x2] =	wrdreg s4  }
0xaa: {  	[dreg:$0x3] =	wrdreg s6  }
0xab: {  	[dreg:$0x4] =	wrdreg $0xC0  }
0xac: {  	_ =	task [dreg:s8], $0x5FFFF  }
0xad: {  	[dreg:$0x1] =	wrdreg $0xFFFFFFFF  }
0xae: {  	[dreg:$0x0] =	wrdreg $0x60  }
0xaf: {  	[dreg:$0x2] =	wrdreg s24  }
0xb0: {  	[dreg:$0x3] =	wrdreg s2  }
0xb1: {  	[dreg:$0x4] =	wrdreg s18  }
0xb2: {  	[dreg:$0x5] =	wrdreg $0x6000  }
0xb3: {  	[dreg:$0x6] =	wrdreg $0x9  }
0xb4: {  	_ =	task.clear_ibuf [dreg:s8], $0x7FFFF;
	_ =	strace $0x90000046  }
0xb5: {  	s29 =	simm.s32 $0x9;
	_ =	strace $0x80000048  }
0xb6: {  	_ =	swait.ge [sflag:s29], $0x1  }
0xb7: {  	[sflag:s29] =	ssyncadd.s32 $0xFFFFFFFF  }
0xb8: {  	_ =	strace $0x90000048  }
0xb9: {  	_ =	sfence  }
0xba: {  	s30 =	sld [smem:$0x0];
	_ =	sdelay $0x2  }
0xbb: {  	s31 =	sshll.u32 s1, $0xD;
	s1 =	sshrl.u32 s1, $0x2  }
0xbc: {  	s3 =	sand.u32 $0x4000, s31;
	s1 =	sadd.s32 s1, s30  }
0xbd: {  	s0 =	sor.u32 s3, s0;
	s1 =	sshll.u32 s1, $0x11  }
0xbe: {  	s0 =	sor.u32 s1, s0  }
0xbf: {  	s0 =	sadd.s32 $0x8F2B, s0  }
0xc0: {  	[sflag:s0] =	ssyncadd.remote.s32 $0x1  }
0xc1: {  	_ =	sfence.sel $0xFFFF  }
0xc2: {  	[dreg:$0x0] =	wrdreg $0xFFFFFFFF;
	(pc) =	sbr.abs _section_cstart, $3  }
0xc3: {  	[dreg:$0x1] =	wrdreg $0xFFFFFFFF  }
0xc4: {  	_ =	task.clear_ibuf [dreg:s8], $0x2FFFF;
	_ =	strace $0x9FFFFFFF  }
0xc5: {  	(tm) =	ssettm $0x7FFFFFFF  }
tec
execute0_lowered:
.L_overlay_start_1:
0x0: {  	(tag) =	ssettag $0x1  }
0x1: {  	s1 =	rddreg [dreg:$0x0]  }
0x2: {  	s0 =	rddreg [dreg:$0x1]  }
0x3: {  	s3 =	rddreg [dreg:$0x2]  }
0x4: {  	s2 =	srdreg.scid;
	s8 =	rddreg [dreg:$0x3]  }
0x5: {  	s7 =	stileid.u32;
	s4 =	simm.s32 $0x0;
	s2 =	sand.u32 $0x1, s2  }
0x6: {  	v0 =	vimm.s32 $0xEFCDAB89;
	[smem:$0x7FF] =	sst s4;
	s14 =	sshll.u32 s7, $0x4;
	s16 =	sand.u32 $0x7, s7  }
0x7: {  	v1 =	vimm.s32 $0x67452301;
	v2 =	vimm.s32 $0xDCFE98BA;
	s5 =	sshll.u32 s2, $0x4;
	s2 =	ssub.s32 $0x2, s2;
	_ =	strace $0x80000047  }
0x8: {  	v3 =	vimm.s32 $0x54761032;
	v4 =	vimm.s32 $0xBA98FEDC;
	v0 =	vunpack.c.l.s4.s8 v0;
	s15 =	sadd.s32 s14, s8;
	[dreg:$0x7] =	wrdreg s16;
	s13 =	sshrl.u32 s2, $0x1  }
0x9: {  	v1 =	vunpack.c.l.s4.s8 v1;
	v2 =	vunpack.c.l.s4.s8 v2;
	v3 =	vunpack.c.l.s4.s8 v3;
	s5 =	sor.u32 s7, s5;
	[dreg:$0x6] =	wrdreg s15;
	s2 =	ssub.s32 s2, s13  }
0xa: {  	v5 =	vimm.s32 $0xFEDCBA98;
	v6 =	vimm.s32 $0xEDCBA987;
	v0 =	vunpack.c.0.s8.s32 v0;
	s6 =	sshll.u32 s5, $0x6;
	s5 =	sshll.u32 s5, $0x10;
	s2 =	smax.u32 s2, $0x1  }
0xb: {  	v1 =	vunpack.c.0.s8.s32 v1;
	v2 =	vunpack.c.0.s8.s32 v2;
	v3 =	vunpack.c.0.s8.s32 v3;
	s1 =	sadd.s32 s6, s1;
	s3 =	sadd.s32 s3, s5;
	[dreg:$0x15] =	wrdreg s2  }
0xc: {  	v7 =	vimm.s32 $0x65432100;
	v8 =	vimm.s32 $0xDCBA9876;
	v4 =	vunpack.c.l.s4.s8 v4;
	s1 =	sadd.s32 $0x400, s1;
	[dreg:$0x8] =	wrdreg s3  }
0xd: {  	v0 =	vcombine.low v1, v0;
	v1 =	vcombine.low v3, v2;
	v2 =	vimm.s32 $0x32107654;
	s5 =	sadd.s32 $0x1000, s3;
	[dreg:$0x5] =	wrdreg s1  }
0xe: {  	v3 =	vunpack.c.l.s4.s8 v5;
	v5 =	vimm.s32 $0x76543210;
	s17 =	sadd.s32 $0x2000, s3;
	v2 =	vunpack.c.l.s4.s8 v2;
	[dreg:$0x9] =	wrdreg s5  }
0xf: {  	v9 =	vimm.s32 $0xE40000;
	v6 =	vunpack.c.l.s4.s8 v6;
	s18 =	sadd.s32 $0x3000, s3;
	v5 =	vunpack.c.l.s4.s8 v5;
	[dreg:$0xa] =	wrdreg s17  }
0x10: {  	v4 =	vunpack.c.0.s8.s32 v4;
	s19 =	sadd.s32 $0x4000, s3;
	[dreg:$0xb] =	wrdreg s18;
	v3 =	vunpack.c.0.s8.s32 v3;
	v2 =	vunpack.c.0.s8.s32 v2  }
0x11: {  	v7 =	vunpack.c.l.s4.s8 v7;
	v6 =	vunpack.c.0.s8.s32 v6;
	s20 =	sadd.s32 $0x5000, s3;
	[dreg:$0xc] =	wrdreg s19;
	v5 =	vunpack.c.0.s8.s32 v5  }
0x12: {  	s21 =	sadd.s32 $0x6000, s3;
	[dreg:$0xd] =	wrdreg s20;
	v3 =	vand.u32 $0xF, v3;
	v2 =	vcombine.low v2, v4;
	v4 =	vunpack.c.l.s4.s8 v8  }
0x13: {  	s11 =	simm.s32 $0x10610;
	s22 =	sadd.s32 $0x7000, s3;
	[dreg:$0xe] =	wrdreg s21;
	v3 =	vcombine.low v3, v5;
	v5 =	vunpack.c.0.s8.s32 v7;
	v7 =	vimm.s32 $0x54321000  }
0x14: {  	s9 =	sadd.s32 $0x300, s0;
	v6 =	vand.u32 $0xF, v6;
	s23 =	sadd.s32 $0x8000, s3;
	[dreg:$0xf] =	wrdreg s22;
	v7 =	vunpack.c.l.s4.s8 v7;
	v8 =	vunpack.c.0.s8.s32 v4  }
0x15: {  	vm0 =	vcmask $0x300;
	s8 =	sadd.s32 $0x200, s0;
	s24 =	sadd.s32 $0x9000, s3;
	[dreg:$0x10] =	wrdreg s23;
	v4 =	vcombine.low v5, v6;
	v5 =	vunpack.c.l.s2.s4 v9  }
0x16: {  	p0 =	seq.s32 s16, $0x0;
	s25 =	sadd.s32 $0xA000, s3;
	[dreg:$0x11] =	wrdreg s24;
	v6 =	vunpack.c.0.s8.s32 v7;
	v7 =	vand.u32 $0xF, v8;
	v8 =	vimm.s32 $0xBA987654  }
0x17: {  	s7 =	simm.s32 $0x2;
	s26 =	sadd.s32 $0xB000, s3;
	[dreg:$0x12] =	wrdreg s25;
	v9 =	vimm.s32 $0x32100000;
	v10 =	vunpack.c.l.s4.s8 v5;
	v8 =	vunpack.c.l.s4.s8 v8  }
0x18: {  	vm1 =	vcmask $0x700;
	s6 =	simm.s32 $0x1;
	s28 =	sadd.s32 $0xC000, s3;
	[dreg:$0x13] =	wrdreg s26;
	v6 =	vcombine.low v6, v7;
	v7 =	vunpack.c.l.s4.s8 v9  }
.Ltmp0:
0x19: {  	s29 =	sadd.s32 $0xD000, s3;
	[dreg:$0x14] =	wrdreg s28;
	v9 =	vimm.s32 $0x7060504;
	v10 =	vunpack.c.0.s8.s32 v10;
	v8 =	vunpack.c.0.s8.s32 v8;
	(pc) =	sbr.rel .LBB2_1-.Ltmp0, $4  }
0x1a: {  	vm3 =	vcmask $0x3F30;
	s30 =	sadd.s32 $0xE000, s3;
	s31 =	sadd.s32 $0xF000, s3;
	[dreg:$0x17] =	wrdreg s29;
	v9 =	vunpack.c.0.s8.s32 v9;
	v7 =	vunpack.c.0.s8.s32 v7  }
0x1b: {  	vm2 =	vcmask $0xF00;
	s2 =	simm.s32 $0x0;
	s1 =	sand.u32 $0x80, s14;
	[dreg:$0x18] =	wrdreg s30;
	v10 =	vand.u32 $0x3, v10;
	v8 =	vand.u32 $0xF, v8  }
0x1c: {  	s20 =	sadd.s32 $0x100, s0;
	[dreg:$0x19] =	wrdreg s31;
	s1 =	sor.u32 $0x500, s1;
	v5 =	vimm.s32 $0xFFFFFFFF;
	v7 =	vcombine.low v7, v8;
	v8 =	vsel vm3, v9, v10  }
0x1d: {  	s24 =	simm.s32 $0x610;
	s23 =	simm.s32 $0x8610;
	[dreg:$0x16] =	wrdreg s1;
	v9 =	vlaneseq.u32;
	v10 =	vimm.s32 $0xF;
	vm3 =	vmmov $0xffff  }
.LBB2_4:
0x1e: {  	v17 =	vadd.s32 v17, v11  }
.LBB2_5:
0x1f: {  	v11 =	vld [tilespmem:$0x0]  }
0x20: {  	v32 =	vld [tilespmem:$0x10]  }
0x21: {  	v24 =	vld [tilespmem:$0x30]  }
0x22: {  	v50 =	vld [tilespmem:$0x50]  }
0x23: {  	v59 =	vld [tilespmem:$0x60];
	_ =	sdelay $0x2  }
0x24: {  	v15 =	vsel vm0, $0x0, v5;
	v14 =	vsel vm1, $0x0, v5;
	v33 =	vld [tilespmem:$0x20];
	v11 =	vadd.s32 $0xFFFFFFFF, v11  }
0x25: {  	v40 =	vld [tilespmem:$0x40];
	v24 =	vadd.s32 $0xFFFFFFFF, v24;
	v55 =	vadd.s32 $0xFFFFFFFF, v50;
	v12 =	vsub.s32 $0x0, v11  }
0x26: {  	v63 =	vadd.s32 $0xFFFFFFFF, v59;
	v11 =	vmin.u32 v11, v12;
	v12 =	vadd.s32 $0xFFFFFFFF, v32  }
0x27: {  	v26 =	vsub.s32 $0x0, v24;
	vm4 =	vlt.s32 v11, $0x1;
	v18 =	vsub.s32 $0x0, v12  }
0x28: {  	v39 =	vmin.u32 v24, v26;
	v16 =	vnsel vm4, $0x1, v11;
	v12 =	vmin.u32 v12, v18  }
0x29: {  	v18 =	vadd.s32 $0xFFFFFFFF, v33;
	v11 =	vperm.xlane v16, v4;
	vm4 =	vlt.s32 v12, $0x1  }
0x2a: {  	v24 =	vadd.s32 $0xFFFFFFFF, v40;
	v23 =	vsub.s32 $0x0, v18;
	v19 =	vnsel vm4, $0x1, v12  }
0x2b: {  	v18 =	vmin.u32 v18, v23;
	v11 =	vand.u32 v15, v11;
	v20 =	vperm.xlane v19, v4  }
0x2c: {  	v49 =	vsub.s32 $0x0, v24;
	vm4 =	vlt.s32 v18, $0x1;
	v11 =	vadd.s32 v11, v16  }
0x2d: {  	v18 =	vnsel vm4, $0x1, v18;
	v13 =	vperm.xlane v11, v6;
	v20 =	vand.u32 v15, v20  }
0x2e: {  	v24 =	vmin.u32 v24, v49;
	v36 =	vperm.xlane v18, v4;
	v20 =	vadd.s32 v20, v19  }
0x2f: {  	vm4 =	vlt.s32 v39, $0x1;
	v13 =	vand.u32 v14, v13;
	v22 =	vperm.xlane v20, v6  }
0x30: {  	v23 =	vand.u32 v15, v36;
	v11 =	vadd.s32 v13, v11;
	v13 =	vsel vm2, $0x0, v5  }
0x31: {  	v38 =	vadd.s32 v23, v18;
	v23 =	vnsel vm4, $0x1, v39;
	vm4 =	vlt.s32 v24, $0x1  }
0x32: {  	v30 =	vld [tilespmem:$0x70];
	v34 =	vperm.xlane v11, v7;
	v22 =	vand.u32 v14, v22;
	v27 =	vperm.xlane v38, v6  }
0x33: {  	v44 =	vperm.xlane v23, v4;
	v24 =	vnsel vm4, $0x1, v24;
	v20 =	vadd.s32 v22, v20  }
0x34: {  	v52 =	vperm.xlane v24, v4;
	v12 =	vand.u32 v13, v34;
	v22 =	vperm.xlane v20, v7  }
0x35: {  	v43 =	vand.u32 v14, v27;
	v47 =	vand.u32 v15, v44;
	v27 =	vsub.s32 $0x0, v55  }
0x36: {  	v21 =	vadd.s32 v12, v11;
	v11 =	vshrl.u32 v9, $0x3;
	v46 =	vadd.s32 v43, v38  }
0x37: {  	v54 =	vand.u32 v15, v52;
	v38 =	vadd.s32 $0xFFFFFFFF, v30;
	v25 =	vperm.xlane v21, v8  }
0x38: {  	v52 =	vld [tilespmem:$0x90];
	v12 =	vmul.u32 $0xFFFFFFFF, v11;
	v22 =	vand.u32 v13, v22;
	v30 =	vsub.s32 $0x0, v38  }
0x39: {  	v11 =	vmul.u32 $0x8, v11;
	v20 =	vadd.s32 v22, v20;
	v22 =	vperm.xlane v46, v7  }
0x3a: {  	v35 =	vand.u32 v12, v25;
	v41 =	vperm.xlane v20, v8;
	v25 =	vadd.s32 v47, v23  }
0x3b: {  	v21 =	vadd.s32 v35, v21;
	v22 =	vand.u32 v13, v22;
	v28 =	vperm.xlane v25, v6  }
0x3c: {  	v37 =	vadd.s32 v17, v21;
	v21 =	vperm.xlane v21, v10;
	v42 =	vand.u32 v12, v41  }
0x3d: {  	v59 =	vadd.s32 $0xFFFFFFFF, v52;
	v16 =	vmul.u32 v16, v37;
	v45 =	vadd.s32 v42, v20  }
0x3e: {  	v39 =	vld [tilespmem:$0x80];
	v20 =	vadd.s32 v22, v46;
	v28 =	vand.u32 v14, v28;
	v21 =	vadd.s32 v17, v21  }
0x3f: {  	v29 =	vperm.xlane v45, v10;
	v22 =	vperm.xlane v20, v8;
	v51 =	vadd.s32 v28, v25  }
0x40: {  	v25 =	vmin.u32 v55, v27;
	v48 =	vadd.s32 v21, v45;
	v53 =	vperm.xlane v51, v7  }
0x41: {  	vm4 =	vlt.s32 v25, $0x1;
	v17 =	vmul.u32 v19, v48;
	v21 =	vadd.s32 v21, v29  }
0x42: {  	v22 =	vand.u32 v12, v22;
	v25 =	vnsel vm4, $0x1, v25;
	v29 =	vsub.s32 $0x0, v63  }
0x43: {  	v48 =	vadd.s32 $0xFFFFFFFF, v39;
	v20 =	vadd.s32 v22, v20;
	v26 =	vand.u32 v13, v53  }
0x44: {  	v22 =	vadd.s32 v54, v24;
	v60 =	vperm.xlane v25, v4;
	v19 =	vadd.s32 v26, v51  }
0x45: {  	v56 =	vperm.xlane v22, v6;
	v57 =	vadd.s32 v21, v20;
	v20 =	vperm.xlane v20, v10  }
0x46: {  	v50 =	vsub.s32 $0x0, v48;
	v17 =	vadd.s32 $0x1, v17;
	v58 =	vperm.xlane v19, v8  }
0x47: {  	v18 =	vmul.u32 v18, v57;
	v26 =	vand.u32 v14, v56;
	v20 =	vadd.s32 v21, v20  }
0x48: {  	v28 =	vand.u32 v12, v58;
	v22 =	vadd.s32 v26, v22;
	v26 =	vand.u32 v15, v60  }
0x49: {  	v19 =	vadd.s32 v28, v19;
	v61 =	vperm.xlane v22, v7;
	v26 =	vadd.s32 v26, v25  }
0x4a: {  	v28 =	vmin.u32 v63, v29;
	v29 =	vmin.u32 v38, v30;
	v62 =	vperm.xlane v19, v10  }
0x4b: {  	v33 =	vperm.xlane v26, v6;
	v19 =	vadd.s32 v20, v19;
	v27 =	vand.u32 v13, v61  }
0x4c: {  	vm4 =	vlt.s32 v28, $0x1;
	v19 =	vmul.u32 v23, v19;
	v22 =	vadd.s32 v27, v22  }
0x4d: {  	v21 =	vadd.s32 v20, v62;
	v34 =	vand.u32 v14, v33;
	v31 =	vperm.xlane v22, v8  }
0x4e: {  	v20 =	vadd.s32 v34, v26;
	v26 =	vnsel vm4, $0x1, v28;
	vm4 =	vlt.s32 v29, $0x1  }
0x4f: {  	v19 =	vadd.s32 $0x1, v19;
	v36 =	vperm.xlane v20, v7;
	v28 =	vperm.xlane v26, v4  }
0x50: {  	v23 =	vnsel vm4, $0x1, v29;
	v29 =	vmin.u32 v48, v50;
	v35 =	vand.u32 v12, v31  }
0x51: {  	v43 =	vperm.xlane v23, v4;
	vm4 =	vlt.s32 v29, $0x1;
	v31 =	vsub.s32 $0x0, v59  }
0x52: {  	v22 =	vadd.s32 v35, v22;
	v27 =	vand.u32 v13, v36;
	v28 =	vand.u32 v15, v28  }
0x53: {  	v63 =	vld [tilespmem:$0xA0];
	v29 =	vnsel vm4, $0x1, v29;
	v27 =	vadd.s32 v27, v20;
	v28 =	vadd.s32 v28, v26  }
0x54: {  	v37 =	vadd.s32 v21, v22;
	v40 =	vperm.xlane v27, v8;
	v32 =	vperm.xlane v28, v6  }
0x55: {  	v22 =	vperm.xlane v22, v10;
	v47 =	vand.u32 v15, v43;
	v54 =	vperm.xlane v29, v4  }
0x56: {  	v20 =	vmul.u32 v24, v37;
	v41 =	vand.u32 v12, v40;
	v42 =	vand.u32 v14, v32  }
0x57: {  	v22 =	vadd.s32 v21, v22;
	v44 =	vadd.s32 v41, v27;
	v45 =	vadd.s32 v42, v28  }
0x58: {  	v28 =	vadd.s32 v47, v23;
	v42 =	vadd.s32 $0xFFFFFFFF, v63;
	v46 =	vperm.xlane v45, v7  }
0x59: {  	v63 =	vld [tilespmem:$0xD0];
	v49 =	vadd.s32 v22, v44;
	v51 =	vperm.xlane v28, v6;
	v33 =	vperm.xlane v44, v10  }
0x5a: {  	v58 =	vand.u32 v15, v54;
	v20 =	vadd.s32 $0x1, v20;
	v44 =	vld [tilespmem:$0xB0];
	v21 =	vmul.u32 v25, v49  }
0x5b: {  	v49 =	vld [tilespmem:$0xC0];
	v27 =	vand.u32 v13, v46;
	v32 =	vand.u32 v14, v51;
	v55 =	vadd.s32 v22, v33  }
0x5c: {  	v33 =	vsub.s32 $0x0, v42;
	v24 =	vadd.s32 v27, v45;
	v53 =	vadd.s32 v32, v28  }
0x5d: {  	v28 =	vmin.u32 v59, v31;
	v27 =	vperm.xlane v24, v8;
	v57 =	vperm.xlane v53, v7  }
0x5e: {  	v32 =	vmin.u32 v42, v33;
	vm4 =	vlt.s32 v28, $0x1;
	v42 =	vadd.s32 $0xFFFFFFFF, v63  }
0x5f: {  	v48 =	vadd.s32 $0xFFFFFFFF, v44;
	v56 =	vand.u32 v12, v27;
	v27 =	vand.u32 v13, v57  }
0x60: {  	v59 =	vadd.s32 $0xFFFFFFFF, v49;
	v22 =	vadd.s32 v56, v24;
	v24 =	vadd.s32 v58, v29  }
0x61: {  	v25 =	vadd.s32 v27, v53;
	v27 =	vnsel vm4, $0x1, v28;
	vm4 =	vlt.s32 v32, $0x1  }
0x62: {  	v60 =	vperm.xlane v24, v6;
	v61 =	vadd.s32 v55, v22;
	v62 =	vperm.xlane v25, v8  }
0x63: {  	v34 =	vperm.xlane v22, v10;
	v37 =	vperm.xlane v27, v4;
	v22 =	vmul.u32 v26, v61  }
0x64: {  	v61 =	vsub.s32 $0x0, v59;
	v35 =	vand.u32 v14, v60;
	v36 =	vand.u32 v12, v62  }
0x65: {  	v39 =	vadd.s32 v55, v34;
	v41 =	vand.u32 v15, v37;
	v24 =	vadd.s32 v35, v24  }
0x66: {  	v34 =	vsub.s32 $0x0, v48;
	v31 =	vadd.s32 v41, v27;
	v38 =	vperm.xlane v24, v7  }
0x67: {  	v25 =	vadd.s32 v36, v25;
	v33 =	vmin.u32 v48, v34;
	v43 =	vperm.xlane v31, v6  }
0x68: {  	v40 =	vperm.xlane v25, v10;
	v25 =	vadd.s32 v39, v25;
	v26 =	vand.u32 v13, v38  }
0x69: {  	v23 =	vmul.u32 v23, v25;
	v24 =	vadd.s32 v26, v24;
	v26 =	vand.u32 v14, v43  }
0x6a: {  	v35 =	vperm.xlane v24, v8;
	v26 =	vadd.s32 v26, v31;
	v31 =	vnsel vm4, $0x1, v32  }
0x6b: {  	v28 =	vadd.s32 v39, v40;
	v46 =	vperm.xlane v26, v7;
	v32 =	vperm.xlane v31, v4  }
0x6c: {  	vm4 =	vlt.s32 v33, $0x1;
	v45 =	vand.u32 v12, v35;
	v35 =	vsub.s32 $0x0, v42  }
0x6d: {  	v30 =	vadd.s32 v45, v24;
	v24 =	vand.u32 v13, v46;
	v32 =	vand.u32 v15, v32  }
0x6e: {  	v26 =	vadd.s32 v24, v26;
	v32 =	vadd.s32 v32, v31;
	v51 =	vperm.xlane v30, v10  }
0x6f: {  	v46 =	vld [tilespmem:$0xE0];
	v47 =	vadd.s32 v28, v30;
	v50 =	vperm.xlane v26, v8;
	v36 =	vperm.xlane v32, v6  }
0x70: {  	v24 =	vmul.u32 v29, v47;
	v29 =	vnsel vm4, $0x1, v33;
	v33 =	vmin.u32 v59, v61  }
0x71: {  	v54 =	vperm.xlane v29, v4;
	v28 =	vadd.s32 v28, v51;
	vm4 =	vlt.s32 v33, $0x1  }
0x72: {  	v52 =	vand.u32 v12, v50;
	v53 =	vand.u32 v14, v36;
	v33 =	vnsel vm4, $0x1, v33  }
0x73: {  	v55 =	vadd.s32 v52, v26;
	v56 =	vadd.s32 v53, v32;
	v58 =	vand.u32 v15, v54  }
0x74: {  	v39 =	vperm.xlane v33, v4;
	v52 =	vadd.s32 $0xFFFFFFFF, v46;
	v57 =	vperm.xlane v56, v7  }
0x75: {  	v54 =	vld [tilespmem:$0xF0];
	v60 =	vadd.s32 v28, v55;
	v32 =	vadd.s32 v58, v29;
	v37 =	vperm.xlane v55, v10  }
0x76: {  	v62 =	vperm.xlane v32, v6;
	v25 =	vmul.u32 v27, v60;
	v30 =	vand.u32 v13, v57  }
0x77: {  	v41 =	vand.u32 v15, v39;
	v28 =	vadd.s32 v28, v37;
	v26 =	vadd.s32 v30, v56  }
0x78: {  	v37 =	vsub.s32 $0x0, v52;
	v36 =	vand.u32 v14, v62;
	v30 =	vperm.xlane v26, v8  }
0x79: {  	v38 =	vadd.s32 v36, v32;
	v32 =	vmin.u32 v42, v35;
	v36 =	vmin.u32 v52, v37  }
0x7a: {  	v59 =	vadd.s32 $0xFFFFFFFF, v54;
	v40 =	vperm.xlane v38, v7;
	vm4 =	vlt.s32 v32, $0x1  }
0x7b: {  	v30 =	vand.u32 v12, v30;
	v32 =	vnsel vm4, $0x1, v32;
	vm4 =	vlt.s32 v36, $0x1  }
0x7c: {  	v26 =	vadd.s32 v30, v26;
	v34 =	vand.u32 v13, v40;
	v30 =	vadd.s32 v41, v33  }
0x7d: {  	v49 =	vperm.xlane v32, v4;
	v27 =	vadd.s32 v34, v38;
	v43 =	vperm.xlane v30, v6  }
0x7e: {  	v44 =	vadd.s32 v28, v26;
	v38 =	vperm.xlane v26, v10;
	v45 =	vperm.xlane v27, v8  }
0x7f: {  	v26 =	vmul.u32 v31, v44;
	v51 =	vand.u32 v15, v49;
	v47 =	vand.u32 v14, v43  }
0x80: {  	v28 =	vadd.s32 v28, v38;
	v48 =	vand.u32 v12, v45;
	v30 =	vadd.s32 v47, v30  }
0x81: {  	v60 =	vld [tilespmem:$0x100];
	v35 =	vadd.s32 v51, v32;
	v27 =	vadd.s32 v48, v27;
	v50 =	vperm.xlane v30, v7  }
0x82: {  	v38 =	vsub.s32 $0x0, v59;
	v53 =	vperm.xlane v35, v6;
	v34 =	vperm.xlane v27, v10  }
0x83: {  	v37 =	vmin.u32 v59, v38;
	v27 =	vadd.s32 v28, v27;
	v31 =	vand.u32 v13, v50  }
0x84: {  	v52 =	vld [tilespmem:$0x110];
	v55 =	vand.u32 v14, v53;
	v30 =	vadd.s32 v31, v30;
	v34 =	vadd.s32 v28, v34  }
0x85: {  	v28 =	vadd.s32 v55, v35;
	v35 =	vnsel vm4, $0x1, v36;
	v39 =	vperm.xlane v30, v8  }
0x86: {  	v48 =	vadd.s32 $0xFFFFFFFF, v60;
	v57 =	vperm.xlane v28, v7;
	v36 =	vperm.xlane v35, v4  }
0x87: {  	v27 =	vmul.u32 v29, v27;
	v50 =	vsub.s32 $0x0, v48;
	vm4 =	vlt.s32 v37, $0x1  }
0x88: {  	v56 =	vand.u32 v12, v39;
	v31 =	vand.u32 v13, v57;
	v36 =	vand.u32 v15, v36  }
0x89: {  	v57 =	vadd.s32 $0xFFFFFFFF, v52;
	v30 =	vadd.s32 v56, v30;
	v31 =	vadd.s32 v31, v28  }
0x8a: {  	v36 =	vadd.s32 v36, v35;
	v39 =	vsub.s32 $0x0, v57;
	v61 =	vperm.xlane v31, v8  }
0x8b: {  	v58 =	vadd.s32 v34, v30;
	v40 =	vperm.xlane v36, v6;
	v62 =	vperm.xlane v30, v10  }
0x8c: {  	v28 =	vmul.u32 v33, v58;
	v33 =	vnsel vm4, $0x1, v37;
	v37 =	vmin.u32 v48, v50  }
0x8d: {  	v63 =	vand.u32 v12, v61;
	v42 =	vand.u32 v14, v40;
	v43 =	vperm.xlane v33, v4  }
0x8e: {  	v34 =	vadd.s32 v34, v62;
	vm4 =	vlt.s32 v37, $0x1;
	v61 =	vld [tilespmem:$0x120];
	v45 =	vadd.s32 v42, v36  }
0x8f: {  	v44 =	vadd.s32 v63, v31;
	v37 =	vnsel vm4, $0x1, v37;
	v46 =	vperm.xlane v45, v7  }
0x90: {  	v47 =	vand.u32 v15, v43;
	v49 =	vadd.s32 v34, v44;
	v41 =	vperm.xlane v44, v10  }
0x91: {  	v54 =	vperm.xlane v37, v4;
	v36 =	vadd.s32 v47, v33;
	v31 =	vand.u32 v13, v46  }
0x92: {  	v29 =	vmul.u32 v32, v49;
	v51 =	vperm.xlane v36, v6;
	v30 =	vadd.s32 v31, v45  }
0x93: {  	v49 =	vld [tilespmem:$0x130];
	v34 =	vadd.s32 v34, v41;
	v47 =	vadd.s32 $0xFFFFFFFF, v61;
	v31 =	vperm.xlane v30, v8  }
0x94: {  	v56 =	vand.u32 v15, v54;
	v40 =	vand.u32 v14, v51;
	v41 =	vsub.s32 $0x0, v47  }
0x95: {  	v53 =	vadd.s32 v40, v36;
	v36 =	vmin.u32 v57, v39;
	v31 =	vand.u32 v12, v31  }
0x96: {  	v40 =	vmin.u32 v47, v41;
	v30 =	vadd.s32 v31, v30;
	v31 =	vadd.s32 v56, v37  }
0x97: {  	v55 =	vperm.xlane v53, v7;
	vm4 =	vlt.s32 v36, $0x1;
	v58 =	vperm.xlane v31, v6  }
0x98: {  	v54 =	vadd.s32 $0xFFFFFFFF, v49;
	v36 =	vnsel vm4, $0x1, v36;
	vm4 =	vlt.s32 v40, $0x1  }
0x99: {  	v38 =	vand.u32 v13, v55;
	v44 =	vperm.xlane v36, v4;
	v62 =	vand.u32 v14, v58  }
0x9a: {  	v59 =	vadd.s32 v34, v30;
	v42 =	vperm.xlane v30, v10;
	v31 =	vadd.s32 v62, v31  }
0x9b: {  	v32 =	vadd.s32 v38, v53;
	v46 =	vand.u32 v15, v44;
	v45 =	vperm.xlane v31, v7  }
0x9c: {  	v30 =	vmul.u32 v35, v59;
	v60 =	vperm.xlane v32, v8;
	v39 =	vadd.s32 v46, v36  }
0x9d: {  	v34 =	vadd.s32 v34, v42;
	v48 =	vperm.xlane v39, v6;
	v35 =	vand.u32 v13, v45  }
0x9e: {  	v42 =	vsub.s32 $0x0, v54;
	v63 =	vand.u32 v12, v60;
	v31 =	vadd.s32 v35, v31  }
0x9f: {  	v32 =	vadd.s32 v63, v32;
	v35 =	vand.u32 v14, v48;
	v43 =	vperm.xlane v31, v8  }
0xa0: {  	v38 =	vperm.xlane v32, v10;
	v35 =	vadd.s32 v35, v39;
	v39 =	vnsel vm4, $0x1, v40  }
0xa1: {  	v56 =	vld [tilespmem:$0x140];
	v51 =	vperm.xlane v35, v7;
	v52 =	vperm.xlane v39, v4;
	v50 =	vand.u32 v12, v43  }
0xa2: {  	v32 =	vadd.s32 v34, v32;
	v34 =	vadd.s32 v34, v38;
	v38 =	vadd.s32 v50, v31  }
0xa3: {  	v31 =	vmul.u32 v33, v32;
	v40 =	vand.u32 v13, v51;
	v41 =	vand.u32 v15, v52  }
0xa4: {  	v33 =	vmin.u32 v54, v42;
	v53 =	vadd.s32 v34, v38;
	v35 =	vadd.s32 v40, v35  }
0xa5: {  	v55 =	vadd.s32 v41, v39;
	vm4 =	vlt.s32 v33, $0x1;
	v59 =	vperm.xlane v38, v10  }
0xa6: {  	v41 =	vadd.s32 $0xFFFFFFFF, v56;
	v57 =	vperm.xlane v35, v8;
	v58 =	vperm.xlane v55, v6  }
0xa7: {  	v52 =	vld [tilespmem:$0x150];
	v32 =	vmul.u32 v37, v53;
	v38 =	vnsel vm4, $0x1, v33;
	v51 =	vsub.s32 $0x0, v41  }
0xa8: {  	v62 =	vperm.xlane v38, v4;
	v34 =	vadd.s32 v34, v59;
	v41 =	vmin.u32 v41, v51  }
0xa9: {  	v60 =	vand.u32 v12, v57;
	v61 =	vand.u32 v14, v58;
	vm4 =	vlt.s32 v41, $0x1  }
0xaa: {  	v33 =	vadd.s32 v60, v35;
	v63 =	vadd.s32 v61, v55;
	v49 =	vand.u32 v15, v62  }
0xab: {  	v41 =	vnsel vm4, $0x1, v41;
	v48 =	vperm.xlane v63, v7;
	v40 =	vadd.s32 v49, v38  }
0xac: {  	v59 =	vadd.s32 $0xFFFFFFFF, v52;
	v50 =	vadd.s32 v34, v33;
	v44 =	vperm.xlane v40, v6  }
0xad: {  	v45 =	vperm.xlane v33, v10;
	v54 =	vperm.xlane v41, v4;
	v37 =	vand.u32 v13, v48  }
0xae: {  	v43 =	vsub.s32 $0x0, v59;
	v35 =	vadd.s32 v37, v63;
	v44 =	vand.u32 v14, v44  }
0xaf: {  	v33 =	vmul.u32 v36, v50;
	v37 =	vperm.xlane v35, v8;
	v53 =	vadd.s32 v44, v40  }
0xb0: {  	v55 =	vadd.s32 v34, v45;
	v40 =	vmin.u32 v59, v43;
	v57 =	vperm.xlane v53, v7  }
0xb1: {  	v58 =	vand.u32 v15, v54;
	v63 =	vld [tilespmem:$0x160];
	vm4 =	vlt.s32 v40, $0x1;
	v56 =	vand.u32 v12, v37  }
0xb2: {  	v34 =	vadd.s32 v56, v35;
	v37 =	vand.u32 v13, v57;
	v35 =	vadd.s32 v58, v41  }
0xb3: {  	v36 =	vadd.s32 v37, v53;
	v60 =	vperm.xlane v35, v6;
	v61 =	vadd.s32 v55, v34  }
0xb4: {  	v58 =	vld [tilespmem:$0x170];
	v46 =	vperm.xlane v34, v10;
	v37 =	vnsel vm4, $0x1, v40;
	v62 =	vperm.xlane v36, v8  }
0xb5: {  	v50 =	vperm.xlane v37, v4;
	v34 =	vmul.u32 v39, v61;
	v48 =	vand.u32 v14, v60  }
0xb6: {  	v52 =	vadd.s32 v55, v46;
	v55 =	vadd.s32 $0xFFFFFFFF, v63;
	v49 =	vand.u32 v12, v62  }
0xb7: {  	v35 =	vadd.s32 v48, v35;
	v54 =	vand.u32 v15, v50;
	v45 =	vsub.s32 $0x0, v55  }
0xb8: {  	v36 =	vadd.s32 v49, v36;
	v51 =	vperm.xlane v35, v7;
	v43 =	vadd.s32 v54, v37  }
0xb9: {  	v44 =	vmin.u32 v55, v45;
	v45 =	vadd.s32 $0xFFFFFFFF, v58;
	v53 =	vperm.xlane v36, v10  }
0xba: {  	v55 =	vld [tilespmem:$0x180];
	v56 =	vperm.xlane v43, v6;
	v36 =	vadd.s32 v52, v36;
	v39 =	vand.u32 v13, v51  }
0xbb: {  	vm4 =	vlt.s32 v44, $0x1;
	v54 =	vsub.s32 $0x0, v45;
	v35 =	vadd.s32 v39, v35  }
0xbc: {  	v40 =	vadd.s32 v52, v53;
	v39 =	vand.u32 v14, v56;
	v57 =	vperm.xlane v35, v8  }
0xbd: {  	v39 =	vadd.s32 v39, v43;
	v43 =	vnsel vm4, $0x1, v44;
	v44 =	vmin.u32 v45, v54  }
0xbe: {  	v60 =	vperm.xlane v39, v7;
	v61 =	vperm.xlane v43, v4;
	vm4 =	vlt.s32 v44, $0x1  }
0xbf: {  	v46 =	vadd.s32 $0xFFFFFFFF, v55;
	v59 =	vand.u32 v12, v57;
	v44 =	vnsel vm4, $0x1, v44  }
0xc0: {  	v42 =	vadd.s32 v59, v35;
	v35 =	vmul.u32 v38, v36;
	v51 =	vand.u32 v13, v60  }
0xc1: {  	v52 =	vand.u32 v15, v61;
	v59 =	vperm.xlane v44, v4;
	v62 =	vadd.s32 v40, v42  }
0xc2: {  	v63 =	vperm.xlane v42, v10;
	v39 =	vadd.s32 v51, v39;
	v53 =	vadd.s32 v52, v43  }
0xc3: {  	v47 =	vperm.xlane v39, v8;
	v48 =	vperm.xlane v53, v6;
	v36 =	vmul.u32 v41, v62  }
0xc4: {  	v41 =	vand.u32 v15, v59;
	v62 =	vsub.s32 $0x0, v46;
	v38 =	vadd.s32 v40, v63  }
0xc5: {  	v41 =	vadd.s32 v41, v44;
	v46 =	vmin.u32 v46, v62;
	v56 =	vand.u32 v12, v47  }
0xc6: {  	v63 =	vld [tilespmem:$0x190];
	v57 =	vand.u32 v14, v48;
	v49 =	vperm.xlane v41, v6;
	vm4 =	vlt.s32 v46, $0x1  }
0xc7: {  	v39 =	vadd.s32 v56, v39;
	v58 =	vadd.s32 v57, v53;
	v46 =	vnsel vm4, $0x1, v46  }
0xc8: {  	v60 =	vadd.s32 v38, v39;
	v61 =	vperm.xlane v58, v7;
	v39 =	vperm.xlane v39, v10  }
0xc9: {  	v34 =	vadd.s32 $0x1, v34;
	v51 =	vand.u32 v14, v49;
	v52 =	vperm.xlane v46, v4  }
0xca: {  	v37 =	vmul.u32 v37, v60;
	v45 =	vand.u32 v13, v61;
	v39 =	vadd.s32 v38, v39  }
0xcb: {  	v38 =	vadd.s32 v51, v41;
	v53 =	vadd.s32 $0xFFFFFFFF, v63;
	v40 =	vadd.s32 v45, v58  }
0xcc: {  	v51 =	vld [tilespmem:$0x1A0];
	v54 =	vperm.xlane v38, v7;
	v45 =	vand.u32 v15, v52;
	v48 =	vsub.s32 $0x0, v53  }
0xcd: {  	v50 =	vperm.xlane v40, v8;
	v55 =	vadd.s32 v45, v46;
	v41 =	vmin.u32 v53, v48  }
0xce: {  	v56 =	vand.u32 v13, v54;
	v57 =	vperm.xlane v55, v6;
	vm4 =	vlt.s32 v41, $0x1  }
0xcf: {  	v42 =	vand.u32 v12, v50;
	v45 =	vadd.s32 v56, v38;
	v41 =	vnsel vm4, $0x1, v41  }
0xd0: {  	v40 =	vadd.s32 v42, v40;
	v49 =	vperm.xlane v45, v8;
	v47 =	vand.u32 v14, v57  }
0xd1: {  	v50 =	vperm.xlane v41, v4;
	v62 =	vadd.s32 $0xFFFFFFFF, v51;
	v58 =	vadd.s32 v39, v40  }
0xd2: {  	v63 =	vld [tilespmem:$0x1B0];
	v40 =	vperm.xlane v40, v10;
	v42 =	vadd.s32 v47, v55;
	v53 =	vsub.s32 $0x0, v62  }
0xd3: {  	v56 =	vld [tilespmem:$0x1C0];
	v38 =	vmul.u32 v43, v58;
	v59 =	vand.u32 v12, v49;
	v47 =	vperm.xlane v42, v7  }
0xd4: {  	v60 =	vand.u32 v15, v50;
	v40 =	vadd.s32 v39, v40;
	v43 =	vadd.s32 v59, v45  }
0xd5: {  	v61 =	vadd.s32 v60, v41;
	v39 =	vadd.s32 v40, v43;
	v47 =	vand.u32 v13, v47  }
0xd6: {  	v48 =	vperm.xlane v61, v6;
	v43 =	vperm.xlane v43, v10;
	v39 =	vmul.u32 v44, v39  }
0xd7: {  	v42 =	vadd.s32 v47, v42;
	v44 =	vmin.u32 v62, v53;
	v47 =	vadd.s32 $0xFFFFFFFF, v63  }
0xd8: {  	v62 =	vadd.s32 $0xFFFFFFFF, v56;
	v52 =	vperm.xlane v42, v8;
	v48 =	vand.u32 v14, v48  }
0xd9: {  	vm4 =	vlt.s32 v44, $0x1;
	v40 =	vadd.s32 v40, v43;
	v45 =	vadd.s32 v48, v61  }
0xda: {  	v43 =	vnsel vm4, $0x1, v44;
	v54 =	vand.u32 v12, v52;
	v55 =	vperm.xlane v45, v7  }
0xdb: {  	v59 =	vsub.s32 $0x0, v47;
	v58 =	vperm.xlane v43, v4;
	v42 =	vadd.s32 v54, v42  }
0xdc: {  	v52 =	vsub.s32 $0x0, v62;
	v57 =	vand.u32 v13, v55;
	v49 =	vadd.s32 v40, v42  }
0xdd: {  	v48 =	vand.u32 v15, v58;
	v42 =	vperm.xlane v42, v10;
	v44 =	vadd.s32 v57, v45  }
0xde: {  	v45 =	vmin.u32 v47, v59;
	v61 =	vadd.s32 v48, v43;
	v48 =	vmin.u32 v62, v52  }
0xdf: {  	v60 =	vperm.xlane v44, v8;
	vm4 =	vlt.s32 v45, $0x1;
	v63 =	vperm.xlane v61, v6  }
0xe0: {  	v42 =	vadd.s32 v40, v42;
	v45 =	vnsel vm4, $0x1, v45;
	vm4 =	vlt.s32 v48, $0x1  }
0xe1: {  	v53 =	vperm.xlane v45, v4;
	v50 =	vand.u32 v14, v63;
	v48 =	vnsel vm4, $0x1, v48  }
0xe2: {  	v54 =	vld [tilespmem:$0x1D0];
	v51 =	vand.u32 v12, v60;
	v47 =	vadd.s32 v50, v61;
	v58 =	vperm.xlane v48, v4  }
0xe3: {  	v44 =	vadd.s32 v51, v44;
	v56 =	vand.u32 v15, v53;
	v57 =	vperm.xlane v47, v7  }
0xe4: {  	v51 =	vperm.xlane v44, v10;
	v44 =	vadd.s32 v42, v44;
	v50 =	vadd.s32 v56, v45  }
0xe5: {  	v53 =	vand.u32 v15, v58;
	v41 =	vmul.u32 v41, v44;
	v59 =	vperm.xlane v50, v6  }
0xe6: {  	v52 =	vand.u32 v13, v57;
	v60 =	vadd.s32 v53, v48;
	v42 =	vadd.s32 v42, v51  }
0xe7: {  	v57 =	vadd.s32 $0xFFFFFFFF, v54;
	v54 =	vadd.s32 $0x1, v18;
	v47 =	vadd.s32 v52, v47  }
0xe8: {  	v55 =	vperm.xlane v60, v6;
	v40 =	vand.u32 v14, v59;
	v61 =	vperm.xlane v47, v8  }
0xe9: {  	v59 =	vsub.s32 $0x0, v57;
	v50 =	vadd.s32 v40, v50;
	v40 =	vmul.u32 v46, v49  }
0xea: {  	v56 =	vand.u32 v14, v55;
	v52 =	vmin.u32 v57, v59;
	v62 =	vperm.xlane v50, v7  }
0xeb: {  	v59 =	vld [tilespmem:$0x1F0];
	v63 =	vand.u32 v12, v61;
	v51 =	vadd.s32 v56, v60;
	vm4 =	vlt.s32 v52, $0x1  }
0xec: {  	v58 =	vperm.xlane v51, v7;
	v47 =	vadd.s32 v63, v47;
	v46 =	vand.u32 v13, v62  }
0xed: {  	v61 =	vperm.xlane v47, v10;
	v63 =	vadd.s32 v42, v47;
	v46 =	vadd.s32 v46, v50  }
0xee: {  	v50 =	vand.u32 v13, v58;
	v43 =	vmul.u32 v43, v63;
	v60 =	vperm.xlane v46, v8  }
0xef: {  	v58 =	vld [tilespmem:$0x1E0];
	v50 =	vadd.s32 v50, v51;
	v51 =	vnsel vm4, $0x1, v52;
	v42 =	vadd.s32 v42, v61  }
0xf0: {  	v53 =	vadd.s32 $0xFFFFFFFF, v59;
	v59 =	vadd.s32 $0x1, v22;
	v62 =	vperm.xlane v50, v8  }
0xf1: {  	v52 =	vperm.xlane v51, v4;
	v56 =	vsub.s32 $0x0, v53;
	v49 =	vand.u32 v12, v60  }
0xf2: {  	[tilespmem:$0x260] =	vst v59;
	v59 =	vadd.s32 $0x1, v29;
	v46 =	vadd.s32 v49, v46;
	v49 =	vand.u32 v12, v62  }
0xf3: {  	v52 =	vand.u32 v15, v52;
	v57 =	vperm.xlane v46, v10;
	v49 =	vadd.s32 v49, v50  }
0xf4: {  	v60 =	vadd.s32 v52, v51;
	v63 =	vadd.s32 $0xFFFFFFFF, v58;
	v58 =	vadd.s32 $0x1, v21  }
0xf5: {  	v50 =	vadd.s32 $0x1, v27;
	v52 =	vperm.xlane v60, v6;
	v47 =	vadd.s32 v42, v57  }
0xf6: {  	[tilespmem:$0x210] =	vst v17;
	v42 =	vadd.s32 v42, v46;
	v57 =	vmin.u32 v53, v56;
	v46 =	vadd.s32 $0x1, v26  }
0xf7: {  	[tilespmem:$0x230] =	vst v19;
	v61 =	vadd.s32 v47, v49;
	v42 =	vmul.u32 v45, v42;
	v62 =	vand.u32 v14, v52  }
0xf8: {  	[tilespmem:$0x240] =	vst v20;
	v52 =	vsub.s32 $0x0, v63;
	v44 =	vmul.u32 v48, v61;
	v45 =	vadd.s32 v62, v60  }
0xf9: {  	[tilespmem:$0x320] =	vst v34;
	v55 =	vmin.u32 v63, v52;
	v60 =	vadd.s32 $0x1, v23;
	v61 =	vadd.s32 $0x1, v24  }
0xfa: {  	[tilespmem:$0x220] =	vst v54;
	v62 =	vadd.s32 $0x1, v25;
	v52 =	vperm.xlane v49, v10;
	vm4 =	vlt.s32 v55, $0x1  }
0xfb: {  	[tilespmem:$0x2D0] =	vst v59;
	v49 =	vadd.s32 $0x1, v37;
	v63 =	vperm.xlane v45, v7;
	v18 =	vnsel vm4, $0x1, v55  }
0xfc: {  	[tilespmem:$0x290] =	vst v62;
	v62 =	vadd.s32 $0x1, v30;
	vm4 =	vlt.s32 v57, $0x1;
	v48 =	vperm.xlane v18, v4  }
0xfd: {  	[tilespmem:$0x250] =	vst v58;
	v30 =	vadd.s32 $0x1, v33;
	v55 =	vadd.s32 v47, v52;
	v17 =	vnsel vm4, $0x1, v57  }
0xfe: {  	[tilespmem:$0x2B0] =	vst v50;
	v47 =	vadd.s32 $0x1, v36;
	v54 =	vperm.xlane v17, v4;
	v53 =	vand.u32 v15, v48  }
0xff: {  	[tilespmem:$0x2A0] =	vst v46;
	v19 =	vand.u32 v13, v63;
	v57 =	vadd.s32 $0x1, v28;
	v20 =	vadd.s32 v53, v18  }
0x100: {  	[tilespmem:$0x270] =	vst v60;
	v63 =	vadd.s32 $0x1, v31;
	v15 =	vand.u32 v15, v54;
	v58 =	vperm.xlane v20, v6  }
0x101: {  	[tilespmem:$0x280] =	vst v61;
	v28 =	vadd.s32 $0x1, v32;
	v19 =	vadd.s32 v19, v45;
	v15 =	vadd.s32 v15, v17  }
0x102: {  	[tilespmem:$0x350] =	vst v49;
	v45 =	vadd.s32 $0x1, v35;
	v61 =	vperm.xlane v15, v6;
	v60 =	vand.u32 v14, v58  }
0x103: {  	[tilespmem:$0x2E0] =	vst v62;
	v56 =	vperm.xlane v19, v8;
	v48 =	vadd.s32 $0x1, v16;
	v20 =	vadd.s32 v60, v20  }
0x104: {  	[tilespmem:$0x310] =	vst v30;
	v53 =	vadd.s32 $0x1, v39;
	v14 =	vand.u32 v14, v61;
	v29 =	vperm.xlane v20, v7  }
0x105: {  	[tilespmem:$0x2C0] =	vst v57;
	v54 =	vadd.s32 $0x1, v40;
	v57 =	vshll.u32 v48, $0x3;
	v14 =	vadd.s32 v14, v15  }
0x106: {  	[tilespmem:$0x340] =	vst v47;
	v25 =	vand.u32 v12, v56;
	v33 =	vperm.xlane v14, v7;
	v32 =	vand.u32 v13, v29  }
0x107: {  	[tilespmem:$0x2F0] =	vst v63;
	v56 =	vadd.s32 $0x1, v43;
	v19 =	vadd.s32 v25, v19;
	v20 =	vadd.s32 v32, v20  }
0x108: {  	[tilespmem:$0x300] =	vst v28;
	v31 =	vadd.s32 v55, v19;
	v13 =	vand.u32 v13, v33;
	v46 =	vperm.xlane v20, v8  }
0x109: {  	[tilespmem:$0x330] =	vst v45;
	v19 =	vperm.xlane v19, v10;
	v60 =	vadd.s32 $0x1, v42;
	v13 =	vadd.s32 v13, v14  }
0x10a: {  	[tilespmem:$0x200] =	vst v48;
	v61 =	vadd.s32 $0x1, v44;
	v52 =	vperm.xlane v13, v8;
	v50 =	vand.u32 v12, v46  }
0x10b: {  	[tilespmem:$0x370] =	vst v53;
	v15 =	vmul.u32 v51, v31;
	v14 =	vand.u32 $0x7, v48;
	v20 =	vadd.s32 v50, v20  }
0x10c: {  	[tilespmem:$0x380] =	vst v54;
	v21 =	vand.u32 v12, v52;
	v12 =	vand.u32 $0xFFFFFFC0, v57;
	v58 =	vperm.xlane v20, v10  }
0x10d: {  	[tilespmem:$0x3A0] =	vst v56;
	v19 =	vadd.s32 v55, v19;
	v14 =	vor.u32 v14, v12;
	v12 =	vand.u32 $0x7, v9  }
0x10e: {  	v51 =	vadd.s32 $0x1, v38;
	[tilespmem:$0x3B0] =	vst v60;
	v59 =	vperm.xlane v14, v12;
	v16 =	vadd.s32 v19, v58  }
0x10f: {  	v55 =	vadd.s32 $0x1, v41;
	[tilespmem:$0x3C0] =	vst v61;
	v20 =	vadd.s32 v19, v20;
	v16 =	vadd.s32 v21, v16  }
0x110: {  	[tilespmem:$0x360] =	vst v51;
	v18 =	vmul.u32 v18, v20;
	v62 =	vadd.s32 v11, v59;
	v13 =	vadd.s32 v13, v16  }
0x111: {  	[tilespmem:$0x390] =	vst v55;
	v15 =	vadd.s32 $0x1, v15;
	v13 =	vmul.u32 v17, v13  }
0x112: {  	[tilespmem:$0x3D0] =	vst v15;
	v63 =	vadd.s32 $0x1, v18  }
0x113: {  	[tilespmem:$0x3E0] =	vst v63;
	v13 =	vadd.s32 $0x1, v13  }
0x114: {  	[tilespmem:$0x3F0] =	vst v13  }
0x115: {  	v18 =	vor.u32 $0x8, v9;
	[tilespmem:s24], [sflag:$0x1] =	stream.indirect_vreg.gather [hbm4b:s0+s4], $0x80, v62, vm3, $0xb8;
	[tilespmem:$0x18610] =	vst v63  }
0x116: {  	s1 =	simm.s32 $0xE10;
	v14 =	vperm.xlane v14, v18  }
0x117: {  	[tilespmem:s1], [sflag:$0x1] =	stream.indirect_vreg.gather [hbm4b:s20+s4], $0x80, v62, vm3, $0xb8;
	[tilespmem:$0x18610] =	vst v63  }
0x118: {  	s31 =	simm.s32 $0x1610;
	v14 =	vadd.s32 v11, v14  }
0x119: {  	[tilespmem:s31], [sflag:$0x1] =	stream.indirect_vreg.gather [hbm4b:s8+s4], $0x80, v62, vm3, $0xb8;
	[tilespmem:$0x18610] =	vst v63  }
0x11a: {  	s3 =	simm.s32 $0x1E10  }
0x11b: {  	[tilespmem:s3], [sflag:$0x1] =	stream.indirect_vreg.gather [hbm4b:s9+s4], $0x80, v62, vm3, $0xb8;
	[tilespmem:$0x18610] =	vst v63  }
0x11c: {  	s5 =	simm.s32 $0x2610  }
0x11d: {  	[tilespmem:s5], [sflag:$0x1] =	stream.indirect_vreg.gather [hbm4b:s0+s4], $0x80, v14, vm3, $0xb8;
	[tilespmem:$0x18610] =	vst v63  }
0x11e: {  	s10 =	simm.s32 $0x2E10  }
0x11f: {  	[tilespmem:s10], [sflag:$0x1] =	stream.indirect_vreg.gather [hbm4b:s20+s4], $0x80, v14, vm3, $0xb8;
	[tilespmem:$0x18610] =	vst v63  }
0x120: {  	s12 =	simm.s32 $0x3610  }
0x121: {  	[tilespmem:s12], [sflag:$0x1] =	stream.indirect_vreg.gather [hbm4b:s8+s4], $0x80, v14, vm3, $0xb8;
	[tilespmem:$0x18610] =	vst v63  }
0x122: {  	s13 =	simm.s32 $0x3E10  }
0x123: {  	[tilespmem:s13], [sflag:$0x1] =	stream.indirect_vreg.gather [hbm4b:s9+s4], $0x80, v14, vm3, $0xb8;
	[tilespmem:$0x18610] =	vst v63  }
0x124: {  	v14 =	vld [tilespmem:$0x210];
	_ =	sdelay $0x4  }
0x125: {  	v19 =	vshll.u32 v14, $0x3  }
0x126: {  	v14 =	vand.u32 $0x7, v14;
	v15 =	vand.u32 $0xFFFFFFC0, v19  }
0x127: {  	v14 =	vor.u32 v14, v15  }
0x128: {  	v15 =	vperm.xlane v14, v12;
	_ =	sdelay $0x1  }
0x129: {  	v15 =	vadd.s32 v11, v15;
	_ =	sdelay $0x3  }
0x12a: {  	s14 =	simm.s32 $0x4610  }
0x12b: {  	[tilespmem:s14], [sflag:$0x1] =	stream.indirect_vreg.gather [hbm4b:s0+s4], $0x80, v15, vm3, $0xb8;
	[tilespmem:$0x18610] =	vst v63  }
0x12c: {  	s15 =	simm.s32 $0x4E10;
	v14 =	vperm.xlane v14, v18  }
0x12d: {  	[tilespmem:s15], [sflag:$0x1] =	stream.indirect_vreg.gather [hbm4b:s20+s4], $0x80, v15, vm3, $0xb8;
	[tilespmem:$0x18610] =	vst v63  }
0x12e: {  	s16 =	simm.s32 $0x5610;
	v14 =	vadd.s32 v11, v14  }
0x12f: {  	[tilespmem:s16], [sflag:$0x1] =	stream.indirect_vreg.gather [hbm4b:s8+s4], $0x80, v15, vm3, $0xb8;
	[tilespmem:$0x18610] =	vst v63  }
0x130: {  	s17 =	simm.s32 $0x5E10  }
0x131: {  	[tilespmem:s17], [sflag:$0x1] =	stream.indirect_vreg.gather [hbm4b:s9+s4], $0x80, v15, vm3, $0xb8;
	[tilespmem:$0x18610] =	vst v63  }
0x132: {  	s18 =	simm.s32 $0x6610  }
0x133: {  	[tilespmem:s18], [sflag:$0x1] =	stream.indirect_vreg.gather [hbm4b:s0+s4], $0x80, v14, vm3, $0xb8;
	[tilespmem:$0x18610] =	vst v63  }
0x134: {  	s28 =	simm.s32 $0x6E10  }
0x135: {  	[tilespmem:s28], [sflag:$0x1] =	stream.indirect_vreg.gather [hbm4b:s20+s4], $0x80, v14, vm3, $0xb8;
	[tilespmem:$0x18610] =	vst v63  }
0x136: {  	s29 =	simm.s32 $0x7610  }
0x137: {  	[tilespmem:s29], [sflag:$0x1] =	stream.indirect_vreg.gather [hbm4b:s8+s4], $0x80, v14, vm3, $0xb8;
	[tilespmem:$0x18610] =	vst v63  }
0x138: {  	s30 =	simm.s32 $0x7E10  }
0x139: {  	[tilespmem:s30], [sflag:$0x1] =	stream.indirect_vreg.gather [hbm4b:s9+s4], $0x80, v14, vm3, $0xb8;
	[tilespmem:$0x18610] =	vst v63  }
0x13a: {  	v14 =	vld [tilespmem:$0x220];
	_ =	sdelay $0x4  }
0x13b: {  	v20 =	vshll.u32 v14, $0x3  }
0x13c: {  	v14 =	vand.u32 $0x7, v14;
	v15 =	vand.u32 $0xFFFFFFC0, v20  }
0x13d: {  	v14 =	vor.u32 v14, v15  }
0x13e: {  	v15 =	vperm.xlane v14, v12;
	_ =	sdelay $0x1  }
0x13f: {  	v15 =	vadd.s32 v11, v15;
	_ =	sdelay $0x4  }
0x140: {  	[tilespmem:s23], [sflag:$0x2] =	stream.indirect_vreg.gather [hbm4b:s0+s4], $0x80, v15, vm3, $0xb8;
	[tilespmem:$0x18610] =	vst v63  }
0x141: {  	s31 =	simm.s32 $0x8E10;
	v14 =	vperm.xlane v14, v18  }
0x142: {  	[tilespmem:s31], [sflag:$0x2] =	stream.indirect_vreg.gather [hbm4b:s20+s4], $0x80, v15, vm3, $0xb8;
	[tilespmem:$0x18610] =	vst v63  }
0x143: {  	s3 =	simm.s32 $0x9610;
	v14 =	vadd.s32 v11, v14  }
0x144: {  	[tilespmem:s3], [sflag:$0x2] =	stream.indirect_vreg.gather [hbm4b:s8+s4], $0x80, v15, vm3, $0xb8;
	[tilespmem:$0x18610] =	vst v63  }
0x145: {  	s29 =	simm.s32 $0x9E10  }
0x146: {  	[tilespmem:s29], [sflag:$0x2] =	stream.indirect_vreg.gather [hbm4b:s9+s4], $0x80, v15, vm3, $0xb8;
	[tilespmem:$0x18610] =	vst v63  }
0x147: {  	s30 =	simm.s32 $0xA610  }
0x148: {  	[tilespmem:s30], [sflag:$0x2] =	stream.indirect_vreg.gather [hbm4b:s0+s4], $0x80, v14, vm3, $0xb8;
	[tilespmem:$0x18610] =	vst v63  }
0x149: {  	s31 =	simm.s32 $0xAE10  }
0x14a: {  	[tilespmem:s31], [sflag:$0x2] =	stream.indirect_vreg.gather [hbm4b:s20+s4], $0x80, v14, vm3, $0xb8;
	[tilespmem:$0x18610] =	vst v63  }
0x14b: {  	s3 =	simm.s32 $0xB610  }
0x14c: {  	[tilespmem:s3], [sflag:$0x2] =	stream.indirect_vreg.gather [hbm4b:s8+s4], $0x80, v14, vm3, $0xb8;
	[tilespmem:$0x18610] =	vst v63  }
0x14d: {  	s29 =	simm.s32 $0xBE10  }
0x14e: {  	[tilespmem:s29], [sflag:$0x2] =	stream.indirect_vreg.gather [hbm4b:s9+s4], $0x80, v14, vm3, $0xb8;
	[tilespmem:$0x18610] =	vst v63  }
0x14f: {  	v14 =	vld [tilespmem:$0x230];
	_ =	sdelay $0x4  }
0x150: {  	v21 =	vshll.u32 v14, $0x3  }
0x151: {  	v14 =	vand.u32 $0x7, v14;
	v15 =	vand.u32 $0xFFFFFFC0, v21  }
0x152: {  	v14 =	vor.u32 v14, v15  }
0x153: {  	v15 =	vperm.xlane v14, v12;
	_ =	sdelay $0x1  }
0x154: {  	v15 =	vadd.s32 v11, v15;
	_ =	sdelay $0x3  }
0x155: {  	s30 =	simm.s32 $0xC610  }
0x156: {  	[tilespmem:s30], [sflag:$0x2] =	stream.indirect_vreg.gather [hbm4b:s0+s4], $0x80, v15, vm3, $0xb8;
	[tilespmem:$0x18610] =	vst v63  }
0x157: {  	s31 =	simm.s32 $0xCE10;
	v14 =	vperm.xlane v14, v18  }
0x158: {  	[tilespmem:s31], [sflag:$0x2] =	stream.indirect_vreg.gather [hbm4b:s20+s4], $0x80, v15, vm3, $0xb8;
	[tilespmem:$0x18610] =	vst v63  }
0x159: {  	s3 =	simm.s32 $0xD610;
	v14 =	vadd.s32 v11, v14  }
0x15a: {  	[tilespmem:s3], [sflag:$0x2] =	stream.indirect_vreg.gather [hbm4b:s8+s4], $0x80, v15, vm3, $0xb8;
	[tilespmem:$0x18610] =	vst v63  }
0x15b: {  	s3 =	simm.s32 $0xDE10  }
0x15c: {  	[tilespmem:s3], [sflag:$0x2] =	stream.indirect_vreg.gather [hbm4b:s9+s4], $0x80, v15, vm3, $0xb8;
	[tilespmem:$0x18610] =	vst v63  }
0x15d: {  	s3 =	simm.s32 $0xE610  }
0x15e: {  	[tilespmem:s3], [sflag:$0x2] =	stream.indirect_vreg.gather [hbm4b:s0+s4], $0x80, v14, vm3, $0xb8;
	[tilespmem:$0x18610] =	vst v63  }
0x15f: {  	s3 =	simm.s32 $0xEE10  }
0x160: {  	[tilespmem:s3], [sflag:$0x2] =	stream.indirect_vreg.gather [hbm4b:s20+s4], $0x80, v14, vm3, $0xb8;
	[tilespmem:$0x18610] =	vst v63  }
0x161: {  	s3 =	simm.s32 $0xF610  }
0x162: {  	[tilespmem:s3], [sflag:$0x2] =	stream.indirect_vreg.gather [hbm4b:s8+s4], $0x80, v14, vm3, $0xb8;
	[tilespmem:$0x18610] =	vst v63  }
0x163: {  	s3 =	simm.s32 $0xFE10  }
0x164: {  	[tilespmem:s3], [sflag:$0x2] =	stream.indirect_vreg.gather [hbm4b:s9+s4], $0x80, v14, vm3, $0xb8;
	[tilespmem:$0x18610] =	vst v63  }
0x165: {  	_ =	swait.ge [sflag:s6], $0x8000  }
0x166: {  	[sflag:s6] =	ssyncset.done $0x0  }
0x167: {  	s3 =	rddreg [dreg:$0x8];
	[sflag:s6] =	ssyncadd.s32 $0xFFFF8000  }
0x168: {  	[hbm4b:s3+s4] =	stream.linear.scatter [tilespmem:s24], [sflag:$0x4], $0x8000, $0x38;
	[tilespmem:$0x18610] =	vst v63  }
0x169: {  	v22 =	vld [tilespmem:$0x240];
	_ =	sdelay $0x4  }
0x16a: {  	v23 =	vshll.u32 v22, $0x3  }
0x16b: {  	v14 =	vand.u32 $0x7, v22;
	v15 =	vand.u32 $0xFFFFFFC0, v23  }
0x16c: {  	v14 =	vor.u32 v14, v15  }
0x16d: {  	v15 =	vperm.xlane v14, v12;
	_ =	sdelay $0x1  }
0x16e: {  	v15 =	vadd.s32 v11, v15;
	_ =	sdelay $0x4  }
0x16f: {  	[tilespmem:s11], [sflag:$0x3] =	stream.indirect_vreg.gather [hbm4b:s0+s4], $0x80, v15, vm3, $0xb8;
	[tilespmem:$0x18610] =	vst v63  }
0x170: {  	s3 =	simm.s32 $0x10E10;
	v14 =	vperm.xlane v14, v18  }
0x171: {  	[tilespmem:s3], [sflag:$0x3] =	stream.indirect_vreg.gather [hbm4b:s20+s4], $0x80, v15, vm3, $0xb8;
	[tilespmem:$0x18610] =	vst v63  }
0x172: {  	v14 =	vadd.s32 v11, v14;
	s3 =	simm.s32 $0x11610  }
0x173: {  	[tilespmem:s3], [sflag:$0x3] =	stream.indirect_vreg.gather [hbm4b:s8+s4], $0x80, v15, vm3, $0xb8;
	[tilespmem:$0x18610] =	vst v63  }
0x174: {  	s3 =	simm.s32 $0x11E10  }
0x175: {  	[tilespmem:s3], [sflag:$0x3] =	stream.indirect_vreg.gather [hbm4b:s9+s4], $0x80, v15, vm3, $0xb8;
	[tilespmem:$0x18610] =	vst v63  }
0x176: {  	s3 =	simm.s32 $0x12610  }
0x177: {  	[tilespmem:s3], [sflag:$0x3] =	stream.indirect_vreg.gather [hbm4b:s0+s4], $0x80, v14, vm3, $0xb8;
	[tilespmem:$0x18610] =	vst v63  }
0x178: {  	s3 =	simm.s32 $0x12E10  }
0x179: {  	[tilespmem:s3], [sflag:$0x3] =	stream.indirect_vreg.gather [hbm4b:s20+s4], $0x80, v14, vm3, $0xb8;
	[tilespmem:$0x18610] =	vst v63  }
0x17a: {  	s3 =	simm.s32 $0x13610  }
0x17b: {  	[tilespmem:s3], [sflag:$0x3] =	stream.indirect_vreg.gather [hbm4b:s8+s4], $0x80, v14, vm3, $0xb8;
	[tilespmem:$0x18610] =	vst v63  }
0x17c: {  	s3 =	simm.s32 $0x13E10  }
0x17d: {  	[tilespmem:s3], [sflag:$0x3] =	stream.indirect_vreg.gather [hbm4b:s9+s4], $0x80, v14, vm3, $0xb8;
	[tilespmem:$0x18610] =	vst v63  }
0x17e: {  	v14 =	vld [tilespmem:$0x250];
	_ =	sdelay $0x4  }
0x17f: {  	v24 =	vshll.u32 v14, $0x3  }
0x180: {  	v14 =	vand.u32 $0x7, v14;
	v15 =	vand.u32 $0xFFFFFFC0, v24  }
0x181: {  	v14 =	vor.u32 v14, v15  }
0x182: {  	v15 =	vperm.xlane v14, v12;
	_ =	sdelay $0x1  }
0x183: {  	v15 =	vadd.s32 v11, v15;
	_ =	sdelay $0x3  }
0x184: {  	s3 =	simm.s32 $0x14610  }
0x185: {  	[tilespmem:s3], [sflag:$0x3] =	stream.indirect_vreg.gather [hbm4b:s0+s4], $0x80, v15, vm3, $0xb8;
	[tilespmem:$0x18610] =	vst v63  }
0x186: {  	v14 =	vperm.xlane v14, v18;
	s3 =	simm.s32 $0x14E10  }
0x187: {  	[tilespmem:s3], [sflag:$0x3] =	stream.indirect_vreg.gather [hbm4b:s20+s4], $0x80, v15, vm3, $0xb8;
	[tilespmem:$0x18610] =	vst v63  }
0x188: {  	v14 =	vadd.s32 v11, v14;
	s3 =	simm.s32 $0x15610  }
0x189: {  	[tilespmem:s3], [sflag:$0x3] =	stream.indirect_vreg.gather [hbm4b:s8+s4], $0x80, v15, vm3, $0xb8;
	[tilespmem:$0x18610] =	vst v63  }
0x18a: {  	s3 =	simm.s32 $0x15E10  }
0x18b: {  	[tilespmem:s3], [sflag:$0x3] =	stream.indirect_vreg.gather [hbm4b:s9+s4], $0x80, v15, vm3, $0xb8;
	[tilespmem:$0x18610] =	vst v63  }
0x18c: {  	s3 =	simm.s32 $0x16610  }
0x18d: {  	[tilespmem:s3], [sflag:$0x3] =	stream.indirect_vreg.gather [hbm4b:s0+s4], $0x80, v14, vm3, $0xb8;
	[tilespmem:$0x18610] =	vst v63  }
0x18e: {  	s3 =	simm.s32 $0x16E10  }
0x18f: {  	[tilespmem:s3], [sflag:$0x3] =	stream.indirect_vreg.gather [hbm4b:s20+s4], $0x80, v14, vm3, $0xb8;
	[tilespmem:$0x18610] =	vst v63  }
0x190: {  	s3 =	simm.s32 $0x17610  }
0x191: {  	[tilespmem:s3], [sflag:$0x3] =	stream.indirect_vreg.gather [hbm4b:s8+s4], $0x80, v14, vm3, $0xb8;
	[tilespmem:$0x18610] =	vst v63  }
0x192: {  	s3 =	simm.s32 $0x17E10  }
0x193: {  	[tilespmem:s3], [sflag:$0x3] =	stream.indirect_vreg.gather [hbm4b:s9+s4], $0x80, v14, vm3, $0xb8;
	[tilespmem:$0x18610] =	vst v63  }
0x194: {  	_ =	swait.ge [sflag:s7], $0x8000  }
0x195: {  	[sflag:s7] =	ssyncset.done $0x0  }
0x196: {  	s1 =	rddreg [dreg:$0x9];
	[sflag:s7] =	ssyncadd.s32 $0xFFFF8000  }
0x197: {  	[hbm4b:s1+s4] =	stream.linear.scatter [tilespmem:s23], [sflag:$0x5], $0x8000, $0x38;
	[tilespmem:$0x18610] =	vst v63  }
0x198: {  	s1 =	simm.s32 $0x4  }
0x199: {  	_ =	swait.ge [sflag:s1], $0x8000  }
0x19a: {  	[sflag:s1] =	ssyncset.done $0x0  }
0x19b: {  	[sflag:s1] =	ssyncadd.s32 $0xFFFF8000  }
0x19c: {  	v25 =	vld [tilespmem:$0x260];
	_ =	sdelay $0x4  }
0x19d: {  	v26 =	vshll.u32 v25, $0x3  }
0x19e: {  	v14 =	vand.u32 $0x7, v25;
	v15 =	vand.u32 $0xFFFFFFC0, v26  }
0x19f: {  	v14 =	vor.u32 v14, v15  }
0x1a0: {  	v15 =	vperm.xlane v14, v12;
	_ =	sdelay $0x1  }
0x1a1: {  	v15 =	vadd.s32 v11, v15;
	_ =	sdelay $0x4  }
0x1a2: {  	[tilespmem:s24], [sflag:$0x1] =	stream.indirect_vreg.gather [hbm4b:s0+s4], $0x80, v15, vm3, $0xb8;
	[tilespmem:$0x18610] =	vst v63  }
0x1a3: {  	s2 =	simm.s32 $0xE10;
	v14 =	vperm.xlane v14, v18  }
0x1a4: {  	[tilespmem:s2], [sflag:$0x1] =	stream.indirect_vreg.gather [hbm4b:s20+s4], $0x80, v15, vm3, $0xb8;
	[tilespmem:$0x18610] =	vst v63  }
0x1a5: {  	s19 =	simm.s32 $0x1610;
	v14 =	vadd.s32 v11, v14  }
0x1a6: {  	[tilespmem:s19], [sflag:$0x1] =	stream.indirect_vreg.gather [hbm4b:s8+s4], $0x80, v15, vm3, $0xb8;
	[tilespmem:$0x18610] =	vst v63  }
0x1a7: {  	s21 =	simm.s32 $0x1E10  }
0x1a8: {  	[tilespmem:s21], [sflag:$0x1] =	stream.indirect_vreg.gather [hbm4b:s9+s4], $0x80, v15, vm3, $0xb8;
	[tilespmem:$0x18610] =	vst v63  }
0x1a9: {  	s22 =	simm.s32 $0x2610  }
0x1aa: {  	[tilespmem:s22], [sflag:$0x1] =	stream.indirect_vreg.gather [hbm4b:s0+s4], $0x80, v14, vm3, $0xb8;
	[tilespmem:$0x18610] =	vst v63  }
0x1ab: {  	s25 =	simm.s32 $0x2E10  }
0x1ac: {  	[tilespmem:s25], [sflag:$0x1] =	stream.indirect_vreg.gather [hbm4b:s20+s4], $0x80, v14, vm3, $0xb8;
	[tilespmem:$0x18610] =	vst v63  }
0x1ad: {  	s26 =	simm.s32 $0x3610  }
0x1ae: {  	[tilespmem:s26], [sflag:$0x1] =	stream.indirect_vreg.gather [hbm4b:s8+s4], $0x80, v14, vm3, $0xb8;
	[tilespmem:$0x18610] =	vst v63  }
0x1af: {  	s5 =	simm.s32 $0x3E10  }
0x1b0: {  	[tilespmem:s5], [sflag:$0x1] =	stream.indirect_vreg.gather [hbm4b:s9+s4], $0x80, v14, vm3, $0xb8;
	[tilespmem:$0x18610] =	vst v63  }
0x1b1: {  	v14 =	vld [tilespmem:$0x270];
	_ =	sdelay $0x4  }
0x1b2: {  	v27 =	vshll.u32 v14, $0x3  }
0x1b3: {  	v14 =	vand.u32 $0x7, v14;
	v15 =	vand.u32 $0xFFFFFFC0, v27  }
0x1b4: {  	v14 =	vor.u32 v14, v15  }
0x1b5: {  	v15 =	vperm.xlane v14, v12;
	_ =	sdelay $0x1  }
0x1b6: {  	v15 =	vadd.s32 v11, v15;
	_ =	sdelay $0x3  }
0x1b7: {  	s10 =	simm.s32 $0x4610  }
0x1b8: {  	[tilespmem:s10], [sflag:$0x1] =	stream.indirect_vreg.gather [hbm4b:s0+s4], $0x80, v15, vm3, $0xb8;
	[tilespmem:$0x18610] =	vst v63  }
0x1b9: {  	s12 =	simm.s32 $0x4E10;
	v14 =	vperm.xlane v14, v18  }
0x1ba: {  	[tilespmem:s12], [sflag:$0x1] =	stream.indirect_vreg.gather [hbm4b:s20+s4], $0x80, v15, vm3, $0xb8;
	[tilespmem:$0x18610] =	vst v63  }
0x1bb: {  	s14 =	simm.s32 $0x5610;
	v14 =	vadd.s32 v11, v14  }
0x1bc: {  	[tilespmem:s14], [sflag:$0x1] =	stream.indirect_vreg.gather [hbm4b:s8+s4], $0x80, v15, vm3, $0xb8;
	[tilespmem:$0x18610] =	vst v63  }
0x1bd: {  	s15 =	simm.s32 $0x5E10  }
0x1be: {  	[tilespmem:s15], [sflag:$0x1] =	stream.indirect_vreg.gather [hbm4b:s9+s4], $0x80, v15, vm3, $0xb8;
	[tilespmem:$0x18610] =	vst v63  }
0x1bf: {  	s16 =	simm.s32 $0x6610  }
0x1c0: {  	[tilespmem:s16], [sflag:$0x1] =	stream.indirect_vreg.gather [hbm4b:s0+s4], $0x80, v14, vm3, $0xb8;
	[tilespmem:$0x18610] =	vst v63  }
0x1c1: {  	s17 =	simm.s32 $0x6E10  }
0x1c2: {  	[tilespmem:s17], [sflag:$0x1] =	stream.indirect_vreg.gather [hbm4b:s20+s4], $0x80, v14, vm3, $0xb8;
	[tilespmem:$0x18610] =	vst v63  }
0x1c3: {  	s18 =	simm.s32 $0x7610  }
0x1c4: {  	[tilespmem:s18], [sflag:$0x1] =	stream.indirect_vreg.gather [hbm4b:s8+s4], $0x80, v14, vm3, $0xb8;
	[tilespmem:$0x18610] =	vst v63  }
0x1c5: {  	s13 =	simm.s32 $0x7E10;
	s10 =	simm.s32 $0x3  }
0x1c6: {  	[tilespmem:s13], [sflag:$0x1] =	stream.indirect_vreg.gather [hbm4b:s9+s4], $0x80, v14, vm3, $0xb8;
	[tilespmem:$0x18610] =	vst v63  }
0x1c7: {  	_ =	swait.ge [sflag:s10], $0x8000  }
0x1c8: {  	[sflag:s10] =	ssyncset.done $0x0  }
0x1c9: {  	s5 =	simm.s32 $0x5;
	s18 =	rddreg [dreg:$0xa];
	[sflag:s10] =	ssyncadd.s32 $0xFFFF8000  }
0x1ca: {  	[hbm4b:s18+s4] =	stream.linear.scatter [tilespmem:s11], [sflag:$0x6], $0x8000, $0x38;
	[tilespmem:$0x18610] =	vst v63  }
0x1cb: {  	_ =	swait.ge [sflag:s5], $0x8000  }
0x1cc: {  	[sflag:s5] =	ssyncset.done $0x0  }
0x1cd: {  	[sflag:s5] =	ssyncadd.s32 $0xFFFF8000  }
0x1ce: {  	v28 =	vld [tilespmem:$0x280];
	_ =	sdelay $0x4  }
0x1cf: {  	v29 =	vshll.u32 v28, $0x3  }
0x1d0: {  	v14 =	vand.u32 $0x7, v28;
	v15 =	vand.u32 $0xFFFFFFC0, v29  }
0x1d1: {  	v14 =	vor.u32 v14, v15  }
0x1d2: {  	v15 =	vperm.xlane v14, v12;
	_ =	sdelay $0x1  }
0x1d3: {  	v15 =	vadd.s32 v11, v15;
	_ =	sdelay $0x4  }
0x1d4: {  	[tilespmem:s23], [sflag:$0x2] =	stream.indirect_vreg.gather [hbm4b:s0+s4], $0x80, v15, vm3, $0xb8;
	[tilespmem:$0x18610] =	vst v63  }
0x1d5: {  	s28 =	simm.s32 $0x8E10;
	v14 =	vperm.xlane v14, v18  }
0x1d6: {  	[tilespmem:s28], [sflag:$0x2] =	stream.indirect_vreg.gather [hbm4b:s20+s4], $0x80, v15, vm3, $0xb8;
	[tilespmem:$0x18610] =	vst v63  }
0x1d7: {  	v14 =	vadd.s32 v11, v14;
	s28 =	simm.s32 $0x9610  }
0x1d8: {  	[tilespmem:s28], [sflag:$0x2] =	stream.indirect_vreg.gather [hbm4b:s8+s4], $0x80, v15, vm3, $0xb8;
	[tilespmem:$0x18610] =	vst v63  }
0x1d9: {  	s3 =	simm.s32 $0x9E10  }
0x1da: {  	[tilespmem:s3], [sflag:$0x2] =	stream.indirect_vreg.gather [hbm4b:s9+s4], $0x80, v15, vm3, $0xb8;
	[tilespmem:$0x18610] =	vst v63  }
0x1db: {  	s13 =	simm.s32 $0xA610  }
0x1dc: {  	[tilespmem:s13], [sflag:$0x2] =	stream.indirect_vreg.gather [hbm4b:s0+s4], $0x80, v14, vm3, $0xb8;
	[tilespmem:$0x18610] =	vst v63  }
0x1dd: {  	s18 =	simm.s32 $0xAE10  }
0x1de: {  	[tilespmem:s18], [sflag:$0x2] =	stream.indirect_vreg.gather [hbm4b:s20+s4], $0x80, v14, vm3, $0xb8;
	[tilespmem:$0x18610] =	vst v63  }
0x1df: {  	s28 =	simm.s32 $0xB610  }
0x1e0: {  	[tilespmem:s28], [sflag:$0x2] =	stream.indirect_vreg.gather [hbm4b:s8+s4], $0x80, v14, vm3, $0xb8;
	[tilespmem:$0x18610] =	vst v63  }
0x1e1: {  	s29 =	simm.s32 $0xBE10  }
0x1e2: {  	[tilespmem:s29], [sflag:$0x2] =	stream.indirect_vreg.gather [hbm4b:s9+s4], $0x80, v14, vm3, $0xb8;
	[tilespmem:$0x18610] =	vst v63  }
0x1e3: {  	v14 =	vld [tilespmem:$0x290];
	_ =	sdelay $0x4  }
0x1e4: {  	v30 =	vshll.u32 v14, $0x3  }
0x1e5: {  	v14 =	vand.u32 $0x7, v14;
	v15 =	vand.u32 $0xFFFFFFC0, v30  }
0x1e6: {  	v14 =	vor.u32 v14, v15  }
0x1e7: {  	v15 =	vperm.xlane v14, v12;
	_ =	sdelay $0x1  }
0x1e8: {  	v15 =	vadd.s32 v11, v15;
	_ =	sdelay $0x3  }
0x1e9: {  	s30 =	simm.s32 $0xC610  }
0x1ea: {  	[tilespmem:s30], [sflag:$0x2] =	stream.indirect_vreg.gather [hbm4b:s0+s4], $0x80, v15, vm3, $0xb8;
	[tilespmem:$0x18610] =	vst v63  }
0x1eb: {  	s31 =	simm.s32 $0xCE10;
	v14 =	vperm.xlane v14, v18  }
0x1ec: {  	[tilespmem:s31], [sflag:$0x2] =	stream.indirect_vreg.gather [hbm4b:s20+s4], $0x80, v15, vm3, $0xb8;
	[tilespmem:$0x18610] =	vst v63  }
0x1ed: {  	v14 =	vadd.s32 v11, v14;
	s31 =	simm.s32 $0xD610  }
0x1ee: {  	[tilespmem:s31], [sflag:$0x2] =	stream.indirect_vreg.gather [hbm4b:s8+s4], $0x80, v15, vm3, $0xb8;
	[tilespmem:$0x18610] =	vst v63  }
0x1ef: {  	s3 =	simm.s32 $0xDE10  }
0x1f0: {  	[tilespmem:s3], [sflag:$0x2] =	stream.indirect_vreg.gather [hbm4b:s9+s4], $0x80, v15, vm3, $0xb8;
	[tilespmem:$0x18610] =	vst v63  }
0x1f1: {  	s13 =	simm.s32 $0xE610  }
0x1f2: {  	[tilespmem:s13], [sflag:$0x2] =	stream.indirect_vreg.gather [hbm4b:s0+s4], $0x80, v14, vm3, $0xb8;
	[tilespmem:$0x18610] =	vst v63  }
0x1f3: {  	s18 =	simm.s32 $0xEE10  }
0x1f4: {  	[tilespmem:s18], [sflag:$0x2] =	stream.indirect_vreg.gather [hbm4b:s20+s4], $0x80, v14, vm3, $0xb8;
	[tilespmem:$0x18610] =	vst v63  }
0x1f5: {  	s28 =	simm.s32 $0xF610  }
0x1f6: {  	[tilespmem:s28], [sflag:$0x2] =	stream.indirect_vreg.gather [hbm4b:s8+s4], $0x80, v14, vm3, $0xb8;
	[tilespmem:$0x18610] =	vst v63  }
0x1f7: {  	s29 =	simm.s32 $0xFE10  }
0x1f8: {  	[tilespmem:s29], [sflag:$0x2] =	stream.indirect_vreg.gather [hbm4b:s9+s4], $0x80, v14, vm3, $0xb8;
	[tilespmem:$0x18610] =	vst v63  }
0x1f9: {  	_ =	swait.ge [sflag:s6], $0x8000  }
0x1fa: {  	[sflag:s6] =	ssyncset.done $0x0  }
0x1fb: {  	s2 =	simm.s32 $0x6;
	s30 =	rddreg [dreg:$0xb];
	[sflag:s6] =	ssyncadd.s32 $0xFFFF8000  }
0x1fc: {  	[hbm4b:s30+s4] =	stream.linear.scatter [tilespmem:s24], [sflag:$0x4], $0x8000, $0x38;
	[tilespmem:$0x18610] =	vst v63  }
0x1fd: {  	_ =	swait.ge [sflag:s2], $0x8000  }
0x1fe: {  	[sflag:s2] =	ssyncset.done $0x0  }
0x1ff: {  	[sflag:s2] =	ssyncadd.s32 $0xFFFF8000  }
0x200: {  	v31 =	vld [tilespmem:$0x2A0];
	_ =	sdelay $0x4  }
0x201: {  	v32 =	vshll.u32 v31, $0x3  }
0x202: {  	v14 =	vand.u32 $0x7, v31;
	v15 =	vand.u32 $0xFFFFFFC0, v32  }
0x203: {  	v14 =	vor.u32 v14, v15  }
0x204: {  	v15 =	vperm.xlane v14, v12;
	_ =	sdelay $0x1  }
0x205: {  	v15 =	vadd.s32 v11, v15;
	_ =	sdelay $0x4  }
0x206: {  	[tilespmem:s11], [sflag:$0x3] =	stream.indirect_vreg.gather [hbm4b:s0+s4], $0x80, v15, vm3, $0xb8;
	[tilespmem:$0x18610] =	vst v63  }
0x207: {  	s31 =	simm.s32 $0x10E10;
	v14 =	vperm.xlane v14, v18  }
0x208: {  	[tilespmem:s31], [sflag:$0x3] =	stream.indirect_vreg.gather [hbm4b:s20+s4], $0x80, v15, vm3, $0xb8;
	[tilespmem:$0x18610] =	vst v63  }
0x209: {  	s13 =	simm.s32 $0x11610;
	v14 =	vadd.s32 v11, v14  }
0x20a: {  	[tilespmem:s13], [sflag:$0x3] =	stream.indirect_vreg.gather [hbm4b:s8+s4], $0x80, v15, vm3, $0xb8;
	[tilespmem:$0x18610] =	vst v63  }
0x20b: {  	s18 =	simm.s32 $0x11E10  }
0x20c: {  	[tilespmem:s18], [sflag:$0x3] =	stream.indirect_vreg.gather [hbm4b:s9+s4], $0x80, v15, vm3, $0xb8;
	[tilespmem:$0x18610] =	vst v63  }
0x20d: {  	s28 =	simm.s32 $0x12610  }
0x20e: {  	[tilespmem:s28], [sflag:$0x3] =	stream.indirect_vreg.gather [hbm4b:s0+s4], $0x80, v14, vm3, $0xb8;
	[tilespmem:$0x18610] =	vst v63  }
0x20f: {  	s29 =	simm.s32 $0x12E10  }
0x210: {  	[tilespmem:s29], [sflag:$0x3] =	stream.indirect_vreg.gather [hbm4b:s20+s4], $0x80, v14, vm3, $0xb8;
	[tilespmem:$0x18610] =	vst v63  }
0x211: {  	s30 =	simm.s32 $0x13610  }
0x212: {  	[tilespmem:s30], [sflag:$0x3] =	stream.indirect_vreg.gather [hbm4b:s8+s4], $0x80, v14, vm3, $0xb8;
	[tilespmem:$0x18610] =	vst v63  }
0x213: {  	s31 =	simm.s32 $0x13E10  }
0x214: {  	[tilespmem:s31], [sflag:$0x3] =	stream.indirect_vreg.gather [hbm4b:s9+s4], $0x80, v14, vm3, $0xb8;
	[tilespmem:$0x18610] =	vst v63  }
0x215: {  	v14 =	vld [tilespmem:$0x2B0];
	_ =	sdelay $0x4  }
0x216: {  	v33 =	vshll.u32 v14, $0x3  }
0x217: {  	v14 =	vand.u32 $0x7, v14;
	v15 =	vand.u32 $0xFFFFFFC0, v33  }
0x218: {  	v14 =	vor.u32 v14, v15  }
0x219: {  	v15 =	vperm.xlane v14, v12;
	_ =	sdelay $0x1  }
0x21a: {  	v15 =	vadd.s32 v11, v15;
	_ =	sdelay $0x3  }
0x21b: {  	s30 =	simm.s32 $0x14610  }
0x21c: {  	[tilespmem:s30], [sflag:$0x3] =	stream.indirect_vreg.gather [hbm4b:s0+s4], $0x80, v15, vm3, $0xb8;
	[tilespmem:$0x18610] =	vst v63  }
0x21d: {  	s31 =	simm.s32 $0x14E10;
	v14 =	vperm.xlane v14, v18  }
0x21e: {  	[tilespmem:s31], [sflag:$0x3] =	stream.indirect_vreg.gather [hbm4b:s20+s4], $0x80, v15, vm3, $0xb8;
	[tilespmem:$0x18610] =	vst v63  }
0x21f: {  	v14 =	vadd.s32 v11, v14;
	s30 =	simm.s32 $0x15610  }
0x220: {  	[tilespmem:s30], [sflag:$0x3] =	stream.indirect_vreg.gather [hbm4b:s8+s4], $0x80, v15, vm3, $0xb8;
	[tilespmem:$0x18610] =	vst v63  }
0x221: {  	s31 =	simm.s32 $0x15E10  }
0x222: {  	[tilespmem:s31], [sflag:$0x3] =	stream.indirect_vreg.gather [hbm4b:s9+s4], $0x80, v15, vm3, $0xb8;
	[tilespmem:$0x18610] =	vst v63  }
0x223: {  	s3 =	simm.s32 $0x16610  }
0x224: {  	[tilespmem:s3], [sflag:$0x3] =	stream.indirect_vreg.gather [hbm4b:s0+s4], $0x80, v14, vm3, $0xb8;
	[tilespmem:$0x18610] =	vst v63  }
0x225: {  	s3 =	simm.s32 $0x16E10  }
0x226: {  	[tilespmem:s3], [sflag:$0x3] =	stream.indirect_vreg.gather [hbm4b:s20+s4], $0x80, v14, vm3, $0xb8;
	[tilespmem:$0x18610] =	vst v63  }
0x227: {  	s3 =	simm.s32 $0x17610  }
0x228: {  	[tilespmem:s3], [sflag:$0x3] =	stream.indirect_vreg.gather [hbm4b:s8+s4], $0x80, v14, vm3, $0xb8;
	[tilespmem:$0x18610] =	vst v63  }
0x229: {  	s3 =	simm.s32 $0x17E10  }
0x22a: {  	[tilespmem:s3], [sflag:$0x3] =	stream.indirect_vreg.gather [hbm4b:s9+s4], $0x80, v14, vm3, $0xb8;
	[tilespmem:$0x18610] =	vst v63  }
0x22b: {  	_ =	swait.ge [sflag:s7], $0x8000  }
0x22c: {  	[sflag:s7] =	ssyncset.done $0x0  }
0x22d: {  	s3 =	rddreg [dreg:$0xc];
	[sflag:s7] =	ssyncadd.s32 $0xFFFF8000  }
0x22e: {  	[hbm4b:s3+s4] =	stream.linear.scatter [tilespmem:s23], [sflag:$0x5], $0x8000, $0x38;
	[tilespmem:$0x18610] =	vst v63  }
0x22f: {  	_ =	swait.ge [sflag:s1], $0x8000  }
0x230: {  	[sflag:s1] =	ssyncset.done $0x0  }
0x231: {  	[sflag:s1] =	ssyncadd.s32 $0xFFFF8000  }
0x232: {  	v34 =	vld [tilespmem:$0x2C0];
	_ =	sdelay $0x4  }
0x233: {  	v35 =	vshll.u32 v34, $0x3  }
0x234: {  	v14 =	vand.u32 $0x7, v34;
	v15 =	vand.u32 $0xFFFFFFC0, v35  }
0x235: {  	v14 =	vor.u32 v14, v15  }
0x236: {  	v15 =	vperm.xlane v14, v12;
	_ =	sdelay $0x1  }
0x237: {  	v15 =	vadd.s32 v11, v15;
	_ =	sdelay $0x4  }
0x238: {  	[tilespmem:s24], [sflag:$0x1] =	stream.indirect_vreg.gather [hbm4b:s0+s4], $0x80, v15, vm3, $0xb8;
	[tilespmem:$0x18610] =	vst v63  }
0x239: {  	s3 =	simm.s32 $0xE10;
	v14 =	vperm.xlane v14, v18  }
0x23a: {  	[tilespmem:s3], [sflag:$0x1] =	stream.indirect_vreg.gather [hbm4b:s20+s4], $0x80, v15, vm3, $0xb8;
	[tilespmem:$0x18610] =	vst v63  }
0x23b: {  	s19 =	simm.s32 $0x1610;
	v14 =	vadd.s32 v11, v14  }
0x23c: {  	[tilespmem:s19], [sflag:$0x1] =	stream.indirect_vreg.gather [hbm4b:s8+s4], $0x80, v15, vm3, $0xb8;
	[tilespmem:$0x18610] =	vst v63  }
0x23d: {  	s21 =	simm.s32 $0x1E10  }
0x23e: {  	[tilespmem:s21], [sflag:$0x1] =	stream.indirect_vreg.gather [hbm4b:s9+s4], $0x80, v15, vm3, $0xb8;
	[tilespmem:$0x18610] =	vst v63  }
0x23f: {  	s22 =	simm.s32 $0x2610  }
0x240: {  	[tilespmem:s22], [sflag:$0x1] =	stream.indirect_vreg.gather [hbm4b:s0+s4], $0x80, v14, vm3, $0xb8;
	[tilespmem:$0x18610] =	vst v63  }
0x241: {  	s25 =	simm.s32 $0x2E10  }
0x242: {  	[tilespmem:s25], [sflag:$0x1] =	stream.indirect_vreg.gather [hbm4b:s20+s4], $0x80, v14, vm3, $0xb8;
	[tilespmem:$0x18610] =	vst v63  }
0x243: {  	s26 =	simm.s32 $0x3610  }
0x244: {  	[tilespmem:s26], [sflag:$0x1] =	stream.indirect_vreg.gather [hbm4b:s8+s4], $0x80, v14, vm3, $0xb8;
	[tilespmem:$0x18610] =	vst v63  }
0x245: {  	s3 =	simm.s32 $0x3E10  }
0x246: {  	[tilespmem:s3], [sflag:$0x1] =	stream.indirect_vreg.gather [hbm4b:s9+s4], $0x80, v14, vm3, $0xb8;
	[tilespmem:$0x18610] =	vst v63  }
0x247: {  	v14 =	vld [tilespmem:$0x2D0];
	_ =	sdelay $0x4  }
0x248: {  	v36 =	vshll.u32 v14, $0x3  }
0x249: {  	v14 =	vand.u32 $0x7, v14;
	v15 =	vand.u32 $0xFFFFFFC0, v36  }
0x24a: {  	v14 =	vor.u32 v14, v15  }
0x24b: {  	v15 =	vperm.xlane v14, v12;
	_ =	sdelay $0x1  }
0x24c: {  	v15 =	vadd.s32 v11, v15;
	_ =	sdelay $0x3  }
0x24d: {  	s3 =	simm.s32 $0x4610  }
0x24e: {  	[tilespmem:s3], [sflag:$0x1] =	stream.indirect_vreg.gather [hbm4b:s0+s4], $0x80, v15, vm3, $0xb8;
	[tilespmem:$0x18610] =	vst v63  }
0x24f: {  	v14 =	vperm.xlane v14, v18;
	s3 =	simm.s32 $0x4E10  }
0x250: {  	[tilespmem:s3], [sflag:$0x1] =	stream.indirect_vreg.gather [hbm4b:s20+s4], $0x80, v15, vm3, $0xb8;
	[tilespmem:$0x18610] =	vst v63  }
0x251: {  	s12 =	simm.s32 $0x5610;
	v14 =	vadd.s32 v11, v14  }
0x252: {  	[tilespmem:s12], [sflag:$0x1] =	stream.indirect_vreg.gather [hbm4b:s8+s4], $0x80, v15, vm3, $0xb8;
	[tilespmem:$0x18610] =	vst v63  }
0x253: {  	s14 =	simm.s32 $0x5E10  }
0x254: {  	[tilespmem:s14], [sflag:$0x1] =	stream.indirect_vreg.gather [hbm4b:s9+s4], $0x80, v15, vm3, $0xb8;
	[tilespmem:$0x18610] =	vst v63  }
0x255: {  	s15 =	simm.s32 $0x6610  }
0x256: {  	[tilespmem:s15], [sflag:$0x1] =	stream.indirect_vreg.gather [hbm4b:s0+s4], $0x80, v14, vm3, $0xb8;
	[tilespmem:$0x18610] =	vst v63  }
0x257: {  	s16 =	simm.s32 $0x6E10  }
0x258: {  	[tilespmem:s16], [sflag:$0x1] =	stream.indirect_vreg.gather [hbm4b:s20+s4], $0x80, v14, vm3, $0xb8;
	[tilespmem:$0x18610] =	vst v63  }
0x259: {  	s17 =	simm.s32 $0x7610  }
0x25a: {  	[tilespmem:s17], [sflag:$0x1] =	stream.indirect_vreg.gather [hbm4b:s8+s4], $0x80, v14, vm3, $0xb8;
	[tilespmem:$0x18610] =	vst v63  }
0x25b: {  	s15 =	simm.s32 $0x7E10  }
0x25c: {  	[tilespmem:s15], [sflag:$0x1] =	stream.indirect_vreg.gather [hbm4b:s9+s4], $0x80, v14, vm3, $0xb8;
	[tilespmem:$0x18610] =	vst v63  }
0x25d: {  	_ =	swait.ge [sflag:s10], $0x8000  }
0x25e: {  	[sflag:s10] =	ssyncset.done $0x0  }
0x25f: {  	s3 =	rddreg [dreg:$0xd];
	[sflag:s10] =	ssyncadd.s32 $0xFFFF8000  }
0x260: {  	[hbm4b:s3+s4] =	stream.linear.scatter [tilespmem:s11], [sflag:$0x6], $0x8000, $0x38;
	[tilespmem:$0x18610] =	vst v63  }
0x261: {  	_ =	swait.ge [sflag:s5], $0x8000  }
0x262: {  	[sflag:s5] =	ssyncset.done $0x0  }
0x263: {  	[sflag:s5] =	ssyncadd.s32 $0xFFFF8000  }
0x264: {  	v37 =	vld [tilespmem:$0x2E0];
	_ =	sdelay $0x4  }
0x265: {  	v38 =	vshll.u32 v37, $0x3  }
0x266: {  	v14 =	vand.u32 $0x7, v37;
	v15 =	vand.u32 $0xFFFFFFC0, v38  }
0x267: {  	v14 =	vor.u32 v14, v15  }
0x268: {  	v15 =	vperm.xlane v14, v12;
	_ =	sdelay $0x1  }
0x269: {  	v15 =	vadd.s32 v11, v15;
	_ =	sdelay $0x4  }
0x26a: {  	[tilespmem:s23], [sflag:$0x2] =	stream.indirect_vreg.gather [hbm4b:s0+s4], $0x80, v15, vm3, $0xb8;
	[tilespmem:$0x18610] =	vst v63  }
0x26b: {  	s3 =	simm.s32 $0x8E10;
	v14 =	vperm.xlane v14, v18  }
0x26c: {  	[tilespmem:s3], [sflag:$0x2] =	stream.indirect_vreg.gather [hbm4b:s20+s4], $0x80, v15, vm3, $0xb8;
	[tilespmem:$0x18610] =	vst v63  }
0x26d: {  	v14 =	vadd.s32 v11, v14;
	s3 =	simm.s32 $0x9610  }
0x26e: {  	[tilespmem:s3], [sflag:$0x2] =	stream.indirect_vreg.gather [hbm4b:s8+s4], $0x80, v15, vm3, $0xb8;
	[tilespmem:$0x18610] =	vst v63  }
0x26f: {  	s3 =	simm.s32 $0x9E10  }
0x270: {  	[tilespmem:s3], [sflag:$0x2] =	stream.indirect_vreg.gather [hbm4b:s9+s4], $0x80, v15, vm3, $0xb8;
	[tilespmem:$0x18610] =	vst v63  }
0x271: {  	s3 =	simm.s32 $0xA610  }
0x272: {  	[tilespmem:s3], [sflag:$0x2] =	stream.indirect_vreg.gather [hbm4b:s0+s4], $0x80, v14, vm3, $0xb8;
	[tilespmem:$0x18610] =	vst v63  }
0x273: {  	s3 =	simm.s32 $0xAE10  }
0x274: {  	[tilespmem:s3], [sflag:$0x2] =	stream.indirect_vreg.gather [hbm4b:s20+s4], $0x80, v14, vm3, $0xb8;
	[tilespmem:$0x18610] =	vst v63  }
0x275: {  	s3 =	simm.s32 $0xB610  }
0x276: {  	[tilespmem:s3], [sflag:$0x2] =	stream.indirect_vreg.gather [hbm4b:s8+s4], $0x80, v14, vm3, $0xb8;
	[tilespmem:$0x18610] =	vst v63  }
0x277: {  	s3 =	simm.s32 $0xBE10  }
0x278: {  	[tilespmem:s3], [sflag:$0x2] =	stream.indirect_vreg.gather [hbm4b:s9+s4], $0x80, v14, vm3, $0xb8;
	[tilespmem:$0x18610] =	vst v63  }
0x279: {  	v14 =	vld [tilespmem:$0x2F0];
	_ =	sdelay $0x4  }
0x27a: {  	v39 =	vshll.u32 v14, $0x3  }
0x27b: {  	v14 =	vand.u32 $0x7, v14;
	v15 =	vand.u32 $0xFFFFFFC0, v39  }
0x27c: {  	v14 =	vor.u32 v14, v15  }
0x27d: {  	v15 =	vperm.xlane v14, v12;
	_ =	sdelay $0x1  }
0x27e: {  	v15 =	vadd.s32 v11, v15;
	_ =	sdelay $0x3  }
0x27f: {  	s3 =	simm.s32 $0xC610  }
0x280: {  	[tilespmem:s3], [sflag:$0x2] =	stream.indirect_vreg.gather [hbm4b:s0+s4], $0x80, v15, vm3, $0xb8;
	[tilespmem:$0x18610] =	vst v63  }
0x281: {  	v14 =	vperm.xlane v14, v18;
	s3 =	simm.s32 $0xCE10  }
0x282: {  	[tilespmem:s3], [sflag:$0x2] =	stream.indirect_vreg.gather [hbm4b:s20+s4], $0x80, v15, vm3, $0xb8;
	[tilespmem:$0x18610] =	vst v63  }
0x283: {  	v14 =	vadd.s32 v11, v14;
	s3 =	simm.s32 $0xD610  }
0x284: {  	[tilespmem:s3], [sflag:$0x2] =	stream.indirect_vreg.gather [hbm4b:s8+s4], $0x80, v15, vm3, $0xb8;
	[tilespmem:$0x18610] =	vst v63  }
0x285: {  	s3 =	simm.s32 $0xDE10  }
0x286: {  	[tilespmem:s3], [sflag:$0x2] =	stream.indirect_vreg.gather [hbm4b:s9+s4], $0x80, v15, vm3, $0xb8;
	[tilespmem:$0x18610] =	vst v63  }
0x287: {  	s3 =	simm.s32 $0xE610  }
0x288: {  	[tilespmem:s3], [sflag:$0x2] =	stream.indirect_vreg.gather [hbm4b:s0+s4], $0x80, v14, vm3, $0xb8;
	[tilespmem:$0x18610] =	vst v63  }
0x289: {  	s3 =	simm.s32 $0xEE10  }
0x28a: {  	[tilespmem:s3], [sflag:$0x2] =	stream.indirect_vreg.gather [hbm4b:s20+s4], $0x80, v14, vm3, $0xb8;
	[tilespmem:$0x18610] =	vst v63  }
0x28b: {  	s3 =	simm.s32 $0xF610  }
0x28c: {  	[tilespmem:s3], [sflag:$0x2] =	stream.indirect_vreg.gather [hbm4b:s8+s4], $0x80, v14, vm3, $0xb8;
	[tilespmem:$0x18610] =	vst v63  }
0x28d: {  	s3 =	simm.s32 $0xFE10  }
0x28e: {  	[tilespmem:s3], [sflag:$0x2] =	stream.indirect_vreg.gather [hbm4b:s9+s4], $0x80, v14, vm3, $0xb8;
	[tilespmem:$0x18610] =	vst v63  }
0x28f: {  	_ =	swait.ge [sflag:s6], $0x8000  }
0x290: {  	[sflag:s6] =	ssyncset.done $0x0  }
0x291: {  	s3 =	rddreg [dreg:$0xe];
	[sflag:s6] =	ssyncadd.s32 $0xFFFF8000  }
0x292: {  	[hbm4b:s3+s4] =	stream.linear.scatter [tilespmem:s24], [sflag:$0x4], $0x8000, $0x38;
	[tilespmem:$0x18610] =	vst v63  }
0x293: {  	_ =	swait.ge [sflag:s2], $0x8000  }
0x294: {  	[sflag:s2] =	ssyncset.done $0x0  }
0x295: {  	[sflag:s2] =	ssyncadd.s32 $0xFFFF8000  }
0x296: {  	v40 =	vld [tilespmem:$0x300];
	_ =	sdelay $0x4  }
0x297: {  	v41 =	vshll.u32 v40, $0x3  }
0x298: {  	v14 =	vand.u32 $0x7, v40;
	v15 =	vand.u32 $0xFFFFFFC0, v41  }
0x299: {  	v14 =	vor.u32 v14, v15  }
0x29a: {  	v15 =	vperm.xlane v14, v12;
	_ =	sdelay $0x1  }
0x29b: {  	v15 =	vadd.s32 v11, v15;
	_ =	sdelay $0x4  }
0x29c: {  	[tilespmem:s11], [sflag:$0x3] =	stream.indirect_vreg.gather [hbm4b:s0+s4], $0x80, v15, vm3, $0xb8;
	[tilespmem:$0x18610] =	vst v63  }
0x29d: {  	s3 =	simm.s32 $0x10E10;
	v14 =	vperm.xlane v14, v18  }
0x29e: {  	[tilespmem:s3], [sflag:$0x3] =	stream.indirect_vreg.gather [hbm4b:s20+s4], $0x80, v15, vm3, $0xb8;
	[tilespmem:$0x18610] =	vst v63  }
0x29f: {  	v14 =	vadd.s32 v11, v14;
	s3 =	simm.s32 $0x11610  }
0x2a0: {  	[tilespmem:s3], [sflag:$0x3] =	stream.indirect_vreg.gather [hbm4b:s8+s4], $0x80, v15, vm3, $0xb8;
	[tilespmem:$0x18610] =	vst v63  }
0x2a1: {  	s18 =	simm.s32 $0x11E10  }
0x2a2: {  	[tilespmem:s18], [sflag:$0x3] =	stream.indirect_vreg.gather [hbm4b:s9+s4], $0x80, v15, vm3, $0xb8;
	[tilespmem:$0x18610] =	vst v63  }
0x2a3: {  	s13 =	simm.s32 $0x12610  }
0x2a4: {  	[tilespmem:s13], [sflag:$0x3] =	stream.indirect_vreg.gather [hbm4b:s0+s4], $0x80, v14, vm3, $0xb8;
	[tilespmem:$0x18610] =	vst v63  }
0x2a5: {  	s28 =	simm.s32 $0x12E10  }
0x2a6: {  	[tilespmem:s28], [sflag:$0x3] =	stream.indirect_vreg.gather [hbm4b:s20+s4], $0x80, v14, vm3, $0xb8;
	[tilespmem:$0x18610] =	vst v63  }
0x2a7: {  	s29 =	simm.s32 $0x13610  }
0x2a8: {  	[tilespmem:s29], [sflag:$0x3] =	stream.indirect_vreg.gather [hbm4b:s8+s4], $0x80, v14, vm3, $0xb8;
	[tilespmem:$0x18610] =	vst v63  }
0x2a9: {  	s28 =	simm.s32 $0x13E10  }
0x2aa: {  	[tilespmem:s28], [sflag:$0x3] =	stream.indirect_vreg.gather [hbm4b:s9+s4], $0x80, v14, vm3, $0xb8;
	[tilespmem:$0x18610] =	vst v63  }
0x2ab: {  	v14 =	vld [tilespmem:$0x310];
	_ =	sdelay $0x4  }
0x2ac: {  	v42 =	vshll.u32 v14, $0x3  }
0x2ad: {  	v14 =	vand.u32 $0x7, v14;
	v15 =	vand.u32 $0xFFFFFFC0, v42  }
0x2ae: {  	v14 =	vor.u32 v14, v15  }
0x2af: {  	v15 =	vperm.xlane v14, v12;
	_ =	sdelay $0x1  }
0x2b0: {  	v15 =	vadd.s32 v11, v15;
	_ =	sdelay $0x3  }
0x2b1: {  	s28 =	simm.s32 $0x14610  }
0x2b2: {  	[tilespmem:s28], [sflag:$0x3] =	stream.indirect_vreg.gather [hbm4b:s0+s4], $0x80, v15, vm3, $0xb8;
	[tilespmem:$0x18610] =	vst v63  }
0x2b3: {  	v14 =	vperm.xlane v14, v18;
	s28 =	simm.s32 $0x14E10  }
0x2b4: {  	[tilespmem:s28], [sflag:$0x3] =	stream.indirect_vreg.gather [hbm4b:s20+s4], $0x80, v15, vm3, $0xb8;
	[tilespmem:$0x18610] =	vst v63  }
0x2b5: {  	s30 =	simm.s32 $0x15610;
	v14 =	vadd.s32 v11, v14  }
0x2b6: {  	[tilespmem:s30], [sflag:$0x3] =	stream.indirect_vreg.gather [hbm4b:s8+s4], $0x80, v15, vm3, $0xb8;
	[tilespmem:$0x18610] =	vst v63  }
0x2b7: {  	s31 =	simm.s32 $0x15E10  }
0x2b8: {  	[tilespmem:s31], [sflag:$0x3] =	stream.indirect_vreg.gather [hbm4b:s9+s4], $0x80, v15, vm3, $0xb8;
	[tilespmem:$0x18610] =	vst v63  }
0x2b9: {  	s28 =	simm.s32 $0x16610  }
0x2ba: {  	[tilespmem:s28], [sflag:$0x3] =	stream.indirect_vreg.gather [hbm4b:s0+s4], $0x80, v14, vm3, $0xb8;
	[tilespmem:$0x18610] =	vst v63  }
0x2bb: {  	s28 =	simm.s32 $0x16E10  }
0x2bc: {  	[tilespmem:s28], [sflag:$0x3] =	stream.indirect_vreg.gather [hbm4b:s20+s4], $0x80, v14, vm3, $0xb8;
	[tilespmem:$0x18610] =	vst v63  }
0x2bd: {  	s3 =	simm.s32 $0x17610  }
0x2be: {  	[tilespmem:s3], [sflag:$0x3] =	stream.indirect_vreg.gather [hbm4b:s8+s4], $0x80, v14, vm3, $0xb8;
	[tilespmem:$0x18610] =	vst v63  }
0x2bf: {  	s3 =	simm.s32 $0x17E10  }
0x2c0: {  	[tilespmem:s3], [sflag:$0x3] =	stream.indirect_vreg.gather [hbm4b:s9+s4], $0x80, v14, vm3, $0xb8;
	[tilespmem:$0x18610] =	vst v63  }
0x2c1: {  	_ =	swait.ge [sflag:s7], $0x8000  }
0x2c2: {  	[sflag:s7] =	ssyncset.done $0x0  }
0x2c3: {  	s3 =	rddreg [dreg:$0xf];
	[sflag:s7] =	ssyncadd.s32 $0xFFFF8000  }
0x2c4: {  	[hbm4b:s3+s4] =	stream.linear.scatter [tilespmem:s23], [sflag:$0x5], $0x8000, $0x38;
	[tilespmem:$0x18610] =	vst v63  }
0x2c5: {  	_ =	swait.ge [sflag:s1], $0x8000  }
0x2c6: {  	[sflag:s1] =	ssyncset.done $0x0  }
0x2c7: {  	[sflag:s1] =	ssyncadd.s32 $0xFFFF8000  }
0x2c8: {  	v43 =	vld [tilespmem:$0x320];
	_ =	sdelay $0x4  }
0x2c9: {  	v44 =	vshll.u32 v43, $0x3  }
0x2ca: {  	v14 =	vand.u32 $0x7, v43;
	v15 =	vand.u32 $0xFFFFFFC0, v44  }
0x2cb: {  	v14 =	vor.u32 v14, v15  }
0x2cc: {  	v15 =	vperm.xlane v14, v12;
	_ =	sdelay $0x1  }
0x2cd: {  	v15 =	vadd.s32 v11, v15;
	_ =	sdelay $0x4  }
0x2ce: {  	[tilespmem:s24], [sflag:$0x1] =	stream.indirect_vreg.gather [hbm4b:s0+s4], $0x80, v15, vm3, $0xb8;
	[tilespmem:$0x18610] =	vst v63  }
0x2cf: {  	s3 =	simm.s32 $0xE10;
	v14 =	vperm.xlane v14, v18  }
0x2d0: {  	[tilespmem:s3], [sflag:$0x1] =	stream.indirect_vreg.gather [hbm4b:s20+s4], $0x80, v15, vm3, $0xb8;
	[tilespmem:$0x18610] =	vst v63  }
0x2d1: {  	s19 =	simm.s32 $0x1610;
	v14 =	vadd.s32 v11, v14  }
0x2d2: {  	[tilespmem:s19], [sflag:$0x1] =	stream.indirect_vreg.gather [hbm4b:s8+s4], $0x80, v15, vm3, $0xb8;
	[tilespmem:$0x18610] =	vst v63  }
0x2d3: {  	s21 =	simm.s32 $0x1E10  }
0x2d4: {  	[tilespmem:s21], [sflag:$0x1] =	stream.indirect_vreg.gather [hbm4b:s9+s4], $0x80, v15, vm3, $0xb8;
	[tilespmem:$0x18610] =	vst v63  }
0x2d5: {  	s22 =	simm.s32 $0x2610  }
0x2d6: {  	[tilespmem:s22], [sflag:$0x1] =	stream.indirect_vreg.gather [hbm4b:s0+s4], $0x80, v14, vm3, $0xb8;
	[tilespmem:$0x18610] =	vst v63  }
0x2d7: {  	s25 =	simm.s32 $0x2E10  }
0x2d8: {  	[tilespmem:s25], [sflag:$0x1] =	stream.indirect_vreg.gather [hbm4b:s20+s4], $0x80, v14, vm3, $0xb8;
	[tilespmem:$0x18610] =	vst v63  }
0x2d9: {  	s26 =	simm.s32 $0x3610  }
0x2da: {  	[tilespmem:s26], [sflag:$0x1] =	stream.indirect_vreg.gather [hbm4b:s8+s4], $0x80, v14, vm3, $0xb8;
	[tilespmem:$0x18610] =	vst v63  }
0x2db: {  	s26 =	simm.s32 $0x3E10  }
0x2dc: {  	[tilespmem:s26], [sflag:$0x1] =	stream.indirect_vreg.gather [hbm4b:s9+s4], $0x80, v14, vm3, $0xb8;
	[tilespmem:$0x18610] =	vst v63  }
0x2dd: {  	v14 =	vld [tilespmem:$0x330];
	_ =	sdelay $0x4  }
0x2de: {  	v45 =	vshll.u32 v14, $0x3  }
0x2df: {  	v14 =	vand.u32 $0x7, v14;
	v15 =	vand.u32 $0xFFFFFFC0, v45  }
0x2e0: {  	v14 =	vor.u32 v14, v15  }
0x2e1: {  	v15 =	vperm.xlane v14, v12;
	_ =	sdelay $0x1  }
0x2e2: {  	v15 =	vadd.s32 v11, v15;
	_ =	sdelay $0x3  }
0x2e3: {  	s19 =	simm.s32 $0x4610  }
0x2e4: {  	[tilespmem:s19], [sflag:$0x1] =	stream.indirect_vreg.gather [hbm4b:s0+s4], $0x80, v15, vm3, $0xb8;
	[tilespmem:$0x18610] =	vst v63  }
0x2e5: {  	s21 =	simm.s32 $0x4E10;
	v14 =	vperm.xlane v14, v18  }
0x2e6: {  	[tilespmem:s21], [sflag:$0x1] =	stream.indirect_vreg.gather [hbm4b:s20+s4], $0x80, v15, vm3, $0xb8;
	[tilespmem:$0x18610] =	vst v63  }
0x2e7: {  	s12 =	simm.s32 $0x5610;
	v14 =	vadd.s32 v11, v14  }
0x2e8: {  	[tilespmem:s12], [sflag:$0x1] =	stream.indirect_vreg.gather [hbm4b:s8+s4], $0x80, v15, vm3, $0xb8;
	[tilespmem:$0x18610] =	vst v63  }
0x2e9: {  	s14 =	simm.s32 $0x5E10  }
0x2ea: {  	[tilespmem:s14], [sflag:$0x1] =	stream.indirect_vreg.gather [hbm4b:s9+s4], $0x80, v15, vm3, $0xb8;
	[tilespmem:$0x18610] =	vst v63  }
0x2eb: {  	s22 =	simm.s32 $0x6610  }
0x2ec: {  	[tilespmem:s22], [sflag:$0x1] =	stream.indirect_vreg.gather [hbm4b:s0+s4], $0x80, v14, vm3, $0xb8;
	[tilespmem:$0x18610] =	vst v63  }
0x2ed: {  	s16 =	simm.s32 $0x6E10  }
0x2ee: {  	[tilespmem:s16], [sflag:$0x1] =	stream.indirect_vreg.gather [hbm4b:s20+s4], $0x80, v14, vm3, $0xb8;
	[tilespmem:$0x18610] =	vst v63  }
0x2ef: {  	s17 =	simm.s32 $0x7610  }
0x2f0: {  	[tilespmem:s17], [sflag:$0x1] =	stream.indirect_vreg.gather [hbm4b:s8+s4], $0x80, v14, vm3, $0xb8;
	[tilespmem:$0x18610] =	vst v63  }
0x2f1: {  	s15 =	simm.s32 $0x7E10  }
0x2f2: {  	[tilespmem:s15], [sflag:$0x1] =	stream.indirect_vreg.gather [hbm4b:s9+s4], $0x80, v14, vm3, $0xb8;
	[tilespmem:$0x18610] =	vst v63  }
0x2f3: {  	_ =	swait.ge [sflag:s10], $0x8000  }
0x2f4: {  	[sflag:s10] =	ssyncset.done $0x0  }
0x2f5: {  	s25 =	rddreg [dreg:$0x10];
	[sflag:s10] =	ssyncadd.s32 $0xFFFF8000  }
0x2f6: {  	[hbm4b:s25+s4] =	stream.linear.scatter [tilespmem:s11], [sflag:$0x6], $0x8000, $0x38;
	[tilespmem:$0x18610] =	vst v63  }
0x2f7: {  	_ =	swait.ge [sflag:s5], $0x8000  }
0x2f8: {  	[sflag:s5] =	ssyncset.done $0x0  }
0x2f9: {  	[sflag:s5] =	ssyncadd.s32 $0xFFFF8000  }
0x2fa: {  	v46 =	vld [tilespmem:$0x340];
	_ =	sdelay $0x4  }
0x2fb: {  	v47 =	vshll.u32 v46, $0x3  }
0x2fc: {  	v14 =	vand.u32 $0x7, v46;
	v15 =	vand.u32 $0xFFFFFFC0, v47  }
0x2fd: {  	v14 =	vor.u32 v14, v15  }
0x2fe: {  	v15 =	vperm.xlane v14, v12;
	_ =	sdelay $0x1  }
0x2ff: {  	v15 =	vadd.s32 v11, v15;
	_ =	sdelay $0x4  }
0x300: {  	[tilespmem:s23], [sflag:$0x2] =	stream.indirect_vreg.gather [hbm4b:s0+s4], $0x80, v15, vm3, $0xb8;
	[tilespmem:$0x18610] =	vst v63  }
0x301: {  	s26 =	simm.s32 $0x8E10;
	v14 =	vperm.xlane v14, v18  }
0x302: {  	[tilespmem:s26], [sflag:$0x2] =	stream.indirect_vreg.gather [hbm4b:s20+s4], $0x80, v15, vm3, $0xb8;
	[tilespmem:$0x18610] =	vst v63  }
0x303: {  	s12 =	simm.s32 $0x9610;
	v14 =	vadd.s32 v11, v14  }
0x304: {  	[tilespmem:s12], [sflag:$0x2] =	stream.indirect_vreg.gather [hbm4b:s8+s4], $0x80, v15, vm3, $0xb8;
	[tilespmem:$0x18610] =	vst v63  }
0x305: {  	s14 =	simm.s32 $0x9E10  }
0x306: {  	[tilespmem:s14], [sflag:$0x2] =	stream.indirect_vreg.gather [hbm4b:s9+s4], $0x80, v15, vm3, $0xb8;
	[tilespmem:$0x18610] =	vst v63  }
0x307: {  	s15 =	simm.s32 $0xA610  }
0x308: {  	[tilespmem:s15], [sflag:$0x2] =	stream.indirect_vreg.gather [hbm4b:s0+s4], $0x80, v14, vm3, $0xb8;
	[tilespmem:$0x18610] =	vst v63  }
0x309: {  	s17 =	simm.s32 $0xAE10  }
0x30a: {  	[tilespmem:s17], [sflag:$0x2] =	stream.indirect_vreg.gather [hbm4b:s20+s4], $0x80, v14, vm3, $0xb8;
	[tilespmem:$0x18610] =	vst v63  }
0x30b: {  	s19 =	simm.s32 $0xB610  }
0x30c: {  	[tilespmem:s19], [sflag:$0x2] =	stream.indirect_vreg.gather [hbm4b:s8+s4], $0x80, v14, vm3, $0xb8;
	[tilespmem:$0x18610] =	vst v63  }
0x30d: {  	s21 =	simm.s32 $0xBE10  }
0x30e: {  	[tilespmem:s21], [sflag:$0x2] =	stream.indirect_vreg.gather [hbm4b:s9+s4], $0x80, v14, vm3, $0xb8;
	[tilespmem:$0x18610] =	vst v63  }
0x30f: {  	v14 =	vld [tilespmem:$0x350];
	_ =	sdelay $0x4  }
0x310: {  	v48 =	vshll.u32 v14, $0x3  }
0x311: {  	v14 =	vand.u32 $0x7, v14;
	v15 =	vand.u32 $0xFFFFFFC0, v48  }
0x312: {  	v14 =	vor.u32 v14, v15  }
0x313: {  	v15 =	vperm.xlane v14, v12;
	_ =	sdelay $0x1  }
0x314: {  	v15 =	vadd.s32 v11, v15;
	_ =	sdelay $0x3  }
0x315: {  	s22 =	simm.s32 $0xC610  }
0x316: {  	[tilespmem:s22], [sflag:$0x2] =	stream.indirect_vreg.gather [hbm4b:s0+s4], $0x80, v15, vm3, $0xb8;
	[tilespmem:$0x18610] =	vst v63  }
0x317: {  	s25 =	simm.s32 $0xCE10;
	v14 =	vperm.xlane v14, v18  }
0x318: {  	[tilespmem:s25], [sflag:$0x2] =	stream.indirect_vreg.gather [hbm4b:s20+s4], $0x80, v15, vm3, $0xb8;
	[tilespmem:$0x18610] =	vst v63  }
0x319: {  	s26 =	simm.s32 $0xD610;
	v14 =	vadd.s32 v11, v14  }
0x31a: {  	[tilespmem:s26], [sflag:$0x2] =	stream.indirect_vreg.gather [hbm4b:s8+s4], $0x80, v15, vm3, $0xb8;
	[tilespmem:$0x18610] =	vst v63  }
0x31b: {  	s12 =	simm.s32 $0xDE10  }
0x31c: {  	[tilespmem:s12], [sflag:$0x2] =	stream.indirect_vreg.gather [hbm4b:s9+s4], $0x80, v15, vm3, $0xb8;
	[tilespmem:$0x18610] =	vst v63  }
0x31d: {  	s14 =	simm.s32 $0xE610  }
0x31e: {  	[tilespmem:s14], [sflag:$0x2] =	stream.indirect_vreg.gather [hbm4b:s0+s4], $0x80, v14, vm3, $0xb8;
	[tilespmem:$0x18610] =	vst v63  }
0x31f: {  	s15 =	simm.s32 $0xEE10  }
0x320: {  	[tilespmem:s15], [sflag:$0x2] =	stream.indirect_vreg.gather [hbm4b:s20+s4], $0x80, v14, vm3, $0xb8;
	[tilespmem:$0x18610] =	vst v63  }
0x321: {  	s17 =	simm.s32 $0xF610  }
0x322: {  	[tilespmem:s17], [sflag:$0x2] =	stream.indirect_vreg.gather [hbm4b:s8+s4], $0x80, v14, vm3, $0xb8;
	[tilespmem:$0x18610] =	vst v63  }
0x323: {  	s19 =	simm.s32 $0xFE10  }
0x324: {  	[tilespmem:s19], [sflag:$0x2] =	stream.indirect_vreg.gather [hbm4b:s9+s4], $0x80, v14, vm3, $0xb8;
	[tilespmem:$0x18610] =	vst v63  }
0x325: {  	_ =	swait.ge [sflag:s6], $0x8000  }
0x326: {  	[sflag:s6] =	ssyncset.done $0x0  }
0x327: {  	s21 =	rddreg [dreg:$0x11];
	[sflag:s6] =	ssyncadd.s32 $0xFFFF8000  }
0x328: {  	[hbm4b:s21+s4] =	stream.linear.scatter [tilespmem:s24], [sflag:$0x4], $0x8000, $0x38;
	[tilespmem:$0x18610] =	vst v63  }
0x329: {  	_ =	swait.ge [sflag:s2], $0x8000  }
0x32a: {  	[sflag:s2] =	ssyncset.done $0x0  }
0x32b: {  	[sflag:s2] =	ssyncadd.s32 $0xFFFF8000  }
0x32c: {  	v49 =	vld [tilespmem:$0x360];
	_ =	sdelay $0x4  }
0x32d: {  	v50 =	vshll.u32 v49, $0x3  }
0x32e: {  	v14 =	vand.u32 $0x7, v49;
	v15 =	vand.u32 $0xFFFFFFC0, v50  }
0x32f: {  	v14 =	vor.u32 v14, v15  }
0x330: {  	v15 =	vperm.xlane v14, v12;
	_ =	sdelay $0x1  }
0x331: {  	v15 =	vadd.s32 v11, v15;
	_ =	sdelay $0x4  }
0x332: {  	[tilespmem:s11], [sflag:$0x3] =	stream.indirect_vreg.gather [hbm4b:s0+s4], $0x80, v15, vm3, $0xb8;
	[tilespmem:$0x18610] =	vst v63  }
0x333: {  	s22 =	simm.s32 $0x10E10;
	v14 =	vperm.xlane v14, v18  }
0x334: {  	[tilespmem:s22], [sflag:$0x3] =	stream.indirect_vreg.gather [hbm4b:s20+s4], $0x80, v15, vm3, $0xb8;
	[tilespmem:$0x18610] =	vst v63  }
0x335: {  	s25 =	simm.s32 $0x11610;
	v14 =	vadd.s32 v11, v14  }
0x336: {  	[tilespmem:s25], [sflag:$0x3] =	stream.indirect_vreg.gather [hbm4b:s8+s4], $0x80, v15, vm3, $0xb8;
	[tilespmem:$0x18610] =	vst v63  }
0x337: {  	s18 =	simm.s32 $0x11E10  }
0x338: {  	[tilespmem:s18], [sflag:$0x3] =	stream.indirect_vreg.gather [hbm4b:s9+s4], $0x80, v15, vm3, $0xb8;
	[tilespmem:$0x18610] =	vst v63  }
0x339: {  	s26 =	simm.s32 $0x12610  }
0x33a: {  	[tilespmem:s26], [sflag:$0x3] =	stream.indirect_vreg.gather [hbm4b:s0+s4], $0x80, v14, vm3, $0xb8;
	[tilespmem:$0x18610] =	vst v63  }
0x33b: {  	s13 =	simm.s32 $0x12E10  }
0x33c: {  	[tilespmem:s13], [sflag:$0x3] =	stream.indirect_vreg.gather [hbm4b:s20+s4], $0x80, v14, vm3, $0xb8;
	[tilespmem:$0x18610] =	vst v63  }
0x33d: {  	s29 =	simm.s32 $0x13610  }
0x33e: {  	[tilespmem:s29], [sflag:$0x3] =	stream.indirect_vreg.gather [hbm4b:s8+s4], $0x80, v14, vm3, $0xb8;
	[tilespmem:$0x18610] =	vst v63  }
0x33f: {  	s29 =	simm.s32 $0x13E10  }
0x340: {  	[tilespmem:s29], [sflag:$0x3] =	stream.indirect_vreg.gather [hbm4b:s9+s4], $0x80, v14, vm3, $0xb8;
	[tilespmem:$0x18610] =	vst v63  }
0x341: {  	v14 =	vld [tilespmem:$0x370];
	_ =	sdelay $0x4  }
0x342: {  	v51 =	vshll.u32 v14, $0x3  }
0x343: {  	v14 =	vand.u32 $0x7, v14;
	v15 =	vand.u32 $0xFFFFFFC0, v51  }
0x344: {  	v14 =	vor.u32 v14, v15  }
0x345: {  	v15 =	vperm.xlane v14, v12;
	_ =	sdelay $0x1  }
0x346: {  	v15 =	vadd.s32 v11, v15;
	_ =	sdelay $0x3  }
0x347: {  	s13 =	simm.s32 $0x14610  }
0x348: {  	[tilespmem:s13], [sflag:$0x3] =	stream.indirect_vreg.gather [hbm4b:s0+s4], $0x80, v15, vm3, $0xb8;
	[tilespmem:$0x18610] =	vst v63  }
0x349: {  	s19 =	simm.s32 $0x14E10;
	v14 =	vperm.xlane v14, v18  }
0x34a: {  	[tilespmem:s19], [sflag:$0x3] =	stream.indirect_vreg.gather [hbm4b:s20+s4], $0x80, v15, vm3, $0xb8;
	[tilespmem:$0x18610] =	vst v63  }
0x34b: {  	s30 =	simm.s32 $0x15610;
	v14 =	vadd.s32 v11, v14  }
0x34c: {  	[tilespmem:s30], [sflag:$0x3] =	stream.indirect_vreg.gather [hbm4b:s8+s4], $0x80, v15, vm3, $0xb8;
	[tilespmem:$0x18610] =	vst v63  }
0x34d: {  	s31 =	simm.s32 $0x15E10  }
0x34e: {  	[tilespmem:s31], [sflag:$0x3] =	stream.indirect_vreg.gather [hbm4b:s9+s4], $0x80, v15, vm3, $0xb8;
	[tilespmem:$0x18610] =	vst v63  }
0x34f: {  	s21 =	simm.s32 $0x16610  }
0x350: {  	[tilespmem:s21], [sflag:$0x3] =	stream.indirect_vreg.gather [hbm4b:s0+s4], $0x80, v14, vm3, $0xb8;
	[tilespmem:$0x18610] =	vst v63  }
0x351: {  	s28 =	simm.s32 $0x16E10  }
0x352: {  	[tilespmem:s28], [sflag:$0x3] =	stream.indirect_vreg.gather [hbm4b:s20+s4], $0x80, v14, vm3, $0xb8;
	[tilespmem:$0x18610] =	vst v63  }
0x353: {  	s22 =	simm.s32 $0x17610  }
0x354: {  	[tilespmem:s22], [sflag:$0x3] =	stream.indirect_vreg.gather [hbm4b:s8+s4], $0x80, v14, vm3, $0xb8;
	[tilespmem:$0x18610] =	vst v63  }
0x355: {  	s25 =	simm.s32 $0x17E10  }
0x356: {  	[tilespmem:s25], [sflag:$0x3] =	stream.indirect_vreg.gather [hbm4b:s9+s4], $0x80, v14, vm3, $0xb8;
	[tilespmem:$0x18610] =	vst v63  }
0x357: {  	_ =	swait.ge [sflag:s7], $0x8000  }
0x358: {  	[sflag:s7] =	ssyncset.done $0x0  }
0x359: {  	s26 =	rddreg [dreg:$0x12];
	[sflag:s7] =	ssyncadd.s32 $0xFFFF8000  }
0x35a: {  	[hbm4b:s26+s4] =	stream.linear.scatter [tilespmem:s23], [sflag:$0x5], $0x8000, $0x38;
	[tilespmem:$0x18610] =	vst v63  }
0x35b: {  	_ =	swait.ge [sflag:s1], $0x8000  }
0x35c: {  	[sflag:s1] =	ssyncset.done $0x0  }
0x35d: {  	[sflag:s1] =	ssyncadd.s32 $0xFFFF8000  }
0x35e: {  	v52 =	vld [tilespmem:$0x380];
	_ =	sdelay $0x4  }
0x35f: {  	v53 =	vshll.u32 v52, $0x3  }
0x360: {  	v14 =	vand.u32 $0x7, v52;
	v15 =	vand.u32 $0xFFFFFFC0, v53  }
0x361: {  	v14 =	vor.u32 v14, v15  }
0x362: {  	v15 =	vperm.xlane v14, v12;
	_ =	sdelay $0x1  }
0x363: {  	v15 =	vadd.s32 v11, v15;
	_ =	sdelay $0x4  }
0x364: {  	[tilespmem:s24], [sflag:$0x1] =	stream.indirect_vreg.gather [hbm4b:s0+s4], $0x80, v15, vm3, $0xb8;
	[tilespmem:$0x18610] =	vst v63  }
0x365: {  	s28 =	simm.s32 $0xE10;
	v14 =	vperm.xlane v14, v18  }
0x366: {  	[tilespmem:s28], [sflag:$0x1] =	stream.indirect_vreg.gather [hbm4b:s20+s4], $0x80, v15, vm3, $0xb8;
	[tilespmem:$0x18610] =	vst v63  }
0x367: {  	s22 =	simm.s32 $0x1610;
	v14 =	vadd.s32 v11, v14  }
0x368: {  	[tilespmem:s22], [sflag:$0x1] =	stream.indirect_vreg.gather [hbm4b:s8+s4], $0x80, v15, vm3, $0xb8;
	[tilespmem:$0x18610] =	vst v63  }
0x369: {  	s25 =	simm.s32 $0x1E10  }
0x36a: {  	[tilespmem:s25], [sflag:$0x1] =	stream.indirect_vreg.gather [hbm4b:s9+s4], $0x80, v15, vm3, $0xb8;
	[tilespmem:$0x18610] =	vst v63  }
0x36b: {  	s26 =	simm.s32 $0x2610  }
0x36c: {  	[tilespmem:s26], [sflag:$0x1] =	stream.indirect_vreg.gather [hbm4b:s0+s4], $0x80, v14, vm3, $0xb8;
	[tilespmem:$0x18610] =	vst v63  }
0x36d: {  	s28 =	simm.s32 $0x2E10  }
0x36e: {  	[tilespmem:s28], [sflag:$0x1] =	stream.indirect_vreg.gather [hbm4b:s20+s4], $0x80, v14, vm3, $0xb8;
	[tilespmem:$0x18610] =	vst v63  }
0x36f: {  	s28 =	simm.s32 $0x3610  }
0x370: {  	[tilespmem:s28], [sflag:$0x1] =	stream.indirect_vreg.gather [hbm4b:s8+s4], $0x80, v14, vm3, $0xb8;
	[tilespmem:$0x18610] =	vst v63  }
0x371: {  	s28 =	simm.s32 $0x3E10  }
0x372: {  	[tilespmem:s28], [sflag:$0x1] =	stream.indirect_vreg.gather [hbm4b:s9+s4], $0x80, v14, vm3, $0xb8;
	[tilespmem:$0x18610] =	vst v63  }
0x373: {  	v14 =	vld [tilespmem:$0x390];
	_ =	sdelay $0x4  }
0x374: {  	v54 =	vshll.u32 v14, $0x3  }
0x375: {  	v14 =	vand.u32 $0x7, v14;
	v15 =	vand.u32 $0xFFFFFFC0, v54  }
0x376: {  	v14 =	vor.u32 v14, v15  }
0x377: {  	v15 =	vperm.xlane v14, v12;
	_ =	sdelay $0x1  }
0x378: {  	v15 =	vadd.s32 v11, v15;
	_ =	sdelay $0x3  }
0x379: {  	s28 =	simm.s32 $0x4610  }
0x37a: {  	[tilespmem:s28], [sflag:$0x1] =	stream.indirect_vreg.gather [hbm4b:s0+s4], $0x80, v15, vm3, $0xb8;
	[tilespmem:$0x18610] =	vst v63  }
0x37b: {  	v14 =	vperm.xlane v14, v18;
	s28 =	simm.s32 $0x4E10  }
0x37c: {  	[tilespmem:s28], [sflag:$0x1] =	stream.indirect_vreg.gather [hbm4b:s20+s4], $0x80, v15, vm3, $0xb8;
	[tilespmem:$0x18610] =	vst v63  }
0x37d: {  	v14 =	vadd.s32 v11, v14;
	s28 =	simm.s32 $0x5610  }
0x37e: {  	[tilespmem:s28], [sflag:$0x1] =	stream.indirect_vreg.gather [hbm4b:s8+s4], $0x80, v15, vm3, $0xb8;
	[tilespmem:$0x18610] =	vst v63  }
0x37f: {  	s28 =	simm.s32 $0x5E10  }
0x380: {  	[tilespmem:s28], [sflag:$0x1] =	stream.indirect_vreg.gather [hbm4b:s9+s4], $0x80, v15, vm3, $0xb8;
	[tilespmem:$0x18610] =	vst v63  }
0x381: {  	s28 =	simm.s32 $0x6610  }
0x382: {  	[tilespmem:s28], [sflag:$0x1] =	stream.indirect_vreg.gather [hbm4b:s0+s4], $0x80, v14, vm3, $0xb8;
	[tilespmem:$0x18610] =	vst v63  }
0x383: {  	s28 =	simm.s32 $0x6E10  }
0x384: {  	[tilespmem:s28], [sflag:$0x1] =	stream.indirect_vreg.gather [hbm4b:s20+s4], $0x80, v14, vm3, $0xb8;
	[tilespmem:$0x18610] =	vst v63  }
0x385: {  	s28 =	simm.s32 $0x7610  }
0x386: {  	[tilespmem:s28], [sflag:$0x1] =	stream.indirect_vreg.gather [hbm4b:s8+s4], $0x80, v14, vm3, $0xb8;
	[tilespmem:$0x18610] =	vst v63  }
0x387: {  	s16 =	simm.s32 $0x7E10  }
0x388: {  	[tilespmem:s16], [sflag:$0x1] =	stream.indirect_vreg.gather [hbm4b:s9+s4], $0x80, v14, vm3, $0xb8;
	[tilespmem:$0x18610] =	vst v63  }
0x389: {  	_ =	swait.ge [sflag:s10], $0x8000  }
0x38a: {  	[sflag:s10] =	ssyncset.done $0x0  }
0x38b: {  	s16 =	rddreg [dreg:$0x13];
	[sflag:s10] =	ssyncadd.s32 $0xFFFF8000  }
0x38c: {  	[hbm4b:s16+s4] =	stream.linear.scatter [tilespmem:s11], [sflag:$0x6], $0x8000, $0x38;
	[tilespmem:$0x18610] =	vst v63  }
0x38d: {  	_ =	swait.ge [sflag:s5], $0x8000  }
0x38e: {  	[sflag:s5] =	ssyncset.done $0x0  }
0x38f: {  	[sflag:s5] =	ssyncadd.s32 $0xFFFF8000  }
0x390: {  	v55 =	vld [tilespmem:$0x3A0];
	_ =	sdelay $0x4  }
0x391: {  	v56 =	vshll.u32 v55, $0x3  }
0x392: {  	v14 =	vand.u32 $0x7, v55;
	v15 =	vand.u32 $0xFFFFFFC0, v56  }
0x393: {  	v14 =	vor.u32 v14, v15  }
0x394: {  	v15 =	vperm.xlane v14, v12;
	_ =	sdelay $0x1  }
0x395: {  	v15 =	vadd.s32 v11, v15;
	_ =	sdelay $0x4  }
0x396: {  	[tilespmem:s23], [sflag:$0x2] =	stream.indirect_vreg.gather [hbm4b:s0+s4], $0x80, v15, vm3, $0xb8;
	[tilespmem:$0x18610] =	vst v63  }
0x397: {  	s16 =	simm.s32 $0x8E10;
	v14 =	vperm.xlane v14, v18  }
0x398: {  	[tilespmem:s16], [sflag:$0x2] =	stream.indirect_vreg.gather [hbm4b:s20+s4], $0x80, v15, vm3, $0xb8;
	[tilespmem:$0x18610] =	vst v63  }
0x399: {  	s5 =	simm.s32 $0x9610;
	v14 =	vadd.s32 v11, v14  }
0x39a: {  	[tilespmem:s5], [sflag:$0x2] =	stream.indirect_vreg.gather [hbm4b:s8+s4], $0x80, v15, vm3, $0xb8;
	[tilespmem:$0x18610] =	vst v63  }
0x39b: {  	s16 =	simm.s32 $0x9E10  }
0x39c: {  	[tilespmem:s16], [sflag:$0x2] =	stream.indirect_vreg.gather [hbm4b:s9+s4], $0x80, v15, vm3, $0xb8;
	[tilespmem:$0x18610] =	vst v63  }
0x39d: {  	s5 =	simm.s32 $0xA610  }
0x39e: {  	[tilespmem:s5], [sflag:$0x2] =	stream.indirect_vreg.gather [hbm4b:s0+s4], $0x80, v14, vm3, $0xb8;
	[tilespmem:$0x18610] =	vst v63  }
0x39f: {  	s16 =	simm.s32 $0xAE10  }
0x3a0: {  	[tilespmem:s16], [sflag:$0x2] =	stream.indirect_vreg.gather [hbm4b:s20+s4], $0x80, v14, vm3, $0xb8;
	[tilespmem:$0x18610] =	vst v63  }
0x3a1: {  	s5 =	simm.s32 $0xB610  }
0x3a2: {  	[tilespmem:s5], [sflag:$0x2] =	stream.indirect_vreg.gather [hbm4b:s8+s4], $0x80, v14, vm3, $0xb8;
	[tilespmem:$0x18610] =	vst v63  }
0x3a3: {  	s16 =	simm.s32 $0xBE10  }
0x3a4: {  	[tilespmem:s16], [sflag:$0x2] =	stream.indirect_vreg.gather [hbm4b:s9+s4], $0x80, v14, vm3, $0xb8;
	[tilespmem:$0x18610] =	vst v63  }
0x3a5: {  	v14 =	vld [tilespmem:$0x3B0];
	_ =	sdelay $0x4  }
0x3a6: {  	v57 =	vshll.u32 v14, $0x3  }
0x3a7: {  	v14 =	vand.u32 $0x7, v14;
	v15 =	vand.u32 $0xFFFFFFC0, v57  }
0x3a8: {  	v14 =	vor.u32 v14, v15  }
0x3a9: {  	v15 =	vperm.xlane v14, v12;
	_ =	sdelay $0x1  }
0x3aa: {  	v15 =	vadd.s32 v11, v15;
	_ =	sdelay $0x3  }
0x3ab: {  	s5 =	simm.s32 $0xC610  }
0x3ac: {  	[tilespmem:s5], [sflag:$0x2] =	stream.indirect_vreg.gather [hbm4b:s0+s4], $0x80, v15, vm3, $0xb8;
	[tilespmem:$0x18610] =	vst v63  }
0x3ad: {  	s16 =	simm.s32 $0xCE10;
	v14 =	vperm.xlane v14, v18  }
0x3ae: {  	[tilespmem:s16], [sflag:$0x2] =	stream.indirect_vreg.gather [hbm4b:s20+s4], $0x80, v15, vm3, $0xb8;
	[tilespmem:$0x18610] =	vst v63  }
0x3af: {  	v14 =	vadd.s32 v11, v14;
	s5 =	simm.s32 $0xD610  }
0x3b0: {  	[tilespmem:s5], [sflag:$0x2] =	stream.indirect_vreg.gather [hbm4b:s8+s4], $0x80, v15, vm3, $0xb8;
	[tilespmem:$0x18610] =	vst v63  }
0x3b1: {  	s16 =	simm.s32 $0xDE10  }
0x3b2: {  	[tilespmem:s16], [sflag:$0x2] =	stream.indirect_vreg.gather [hbm4b:s9+s4], $0x80, v15, vm3, $0xb8;
	[tilespmem:$0x18610] =	vst v63  }
0x3b3: {  	s5 =	simm.s32 $0xE610  }
0x3b4: {  	[tilespmem:s5], [sflag:$0x2] =	stream.indirect_vreg.gather [hbm4b:s0+s4], $0x80, v14, vm3, $0xb8;
	[tilespmem:$0x18610] =	vst v63  }
0x3b5: {  	s16 =	simm.s32 $0xEE10  }
0x3b6: {  	[tilespmem:s16], [sflag:$0x2] =	stream.indirect_vreg.gather [hbm4b:s20+s4], $0x80, v14, vm3, $0xb8;
	[tilespmem:$0x18610] =	vst v63  }
0x3b7: {  	s5 =	simm.s32 $0xF610  }
0x3b8: {  	[tilespmem:s5], [sflag:$0x2] =	stream.indirect_vreg.gather [hbm4b:s8+s4], $0x80, v14, vm3, $0xb8;
	[tilespmem:$0x18610] =	vst v63  }
0x3b9: {  	s16 =	simm.s32 $0xFE10  }
0x3ba: {  	[tilespmem:s16], [sflag:$0x2] =	stream.indirect_vreg.gather [hbm4b:s9+s4], $0x80, v14, vm3, $0xb8;
	[tilespmem:$0x18610] =	vst v63  }
0x3bb: {  	_ =	swait.ge [sflag:s6], $0x8000  }
0x3bc: {  	[sflag:s6] =	ssyncset.done $0x0  }
0x3bd: {  	s5 =	rddreg [dreg:$0x14];
	[sflag:s6] =	ssyncadd.s32 $0xFFFF8000  }
0x3be: {  	[hbm4b:s5+s4] =	stream.linear.scatter [tilespmem:s24], [sflag:$0x4], $0x8000, $0x38;
	[tilespmem:$0x18610] =	vst v63  }
0x3bf: {  	_ =	swait.ge [sflag:s2], $0x8000  }
0x3c0: {  	[sflag:s2] =	ssyncset.done $0x0  }
0x3c1: {  	[sflag:s2] =	ssyncadd.s32 $0xFFFF8000  }
0x3c2: {  	v58 =	vld [tilespmem:$0x3C0];
	_ =	sdelay $0x4  }
0x3c3: {  	v59 =	vshll.u32 v58, $0x3  }
0x3c4: {  	v14 =	vand.u32 $0x7, v58;
	v15 =	vand.u32 $0xFFFFFFC0, v59  }
0x3c5: {  	v14 =	vor.u32 v14, v15  }
0x3c6: {  	v15 =	vperm.xlane v14, v12;
	_ =	sdelay $0x1  }
0x3c7: {  	v15 =	vadd.s32 v11, v15;
	_ =	sdelay $0x4  }
0x3c8: {  	[tilespmem:s11], [sflag:$0x3] =	stream.indirect_vreg.gather [hbm4b:s0+s4], $0x80, v15, vm3, $0xb8;
	[tilespmem:$0x18610] =	vst v63  }
0x3c9: {  	s16 =	simm.s32 $0x10E10;
	v14 =	vperm.xlane v14, v18  }
0x3ca: {  	[tilespmem:s16], [sflag:$0x3] =	stream.indirect_vreg.gather [hbm4b:s20+s4], $0x80, v15, vm3, $0xb8;
	[tilespmem:$0x18610] =	vst v63  }
0x3cb: {  	s14 =	simm.s32 $0x11610;
	v14 =	vadd.s32 v11, v14  }
0x3cc: {  	[tilespmem:s14], [sflag:$0x3] =	stream.indirect_vreg.gather [hbm4b:s8+s4], $0x80, v15, vm3, $0xb8;
	[tilespmem:$0x18610] =	vst v63  }
0x3cd: {  	s17 =	simm.s32 $0x11E10  }
0x3ce: {  	[tilespmem:s17], [sflag:$0x3] =	stream.indirect_vreg.gather [hbm4b:s9+s4], $0x80, v15, vm3, $0xb8;
	[tilespmem:$0x18610] =	vst v63  }
0x3cf: {  	s12 =	simm.s32 $0x12610  }
0x3d0: {  	[tilespmem:s12], [sflag:$0x3] =	stream.indirect_vreg.gather [hbm4b:s0+s4], $0x80, v14, vm3, $0xb8;
	[tilespmem:$0x18610] =	vst v63  }
0x3d1: {  	s18 =	simm.s32 $0x12E10  }
0x3d2: {  	[tilespmem:s18], [sflag:$0x3] =	stream.indirect_vreg.gather [hbm4b:s20+s4], $0x80, v14, vm3, $0xb8;
	[tilespmem:$0x18610] =	vst v63  }
0x3d3: {  	s15 =	simm.s32 $0x13610  }
0x3d4: {  	[tilespmem:s15], [sflag:$0x3] =	stream.indirect_vreg.gather [hbm4b:s8+s4], $0x80, v14, vm3, $0xb8;
	[tilespmem:$0x18610] =	vst v63  }
0x3d5: {  	s17 =	simm.s32 $0x13E10  }
0x3d6: {  	[tilespmem:s17], [sflag:$0x3] =	stream.indirect_vreg.gather [hbm4b:s9+s4], $0x80, v14, vm3, $0xb8;
	[tilespmem:$0x18610] =	vst v63  }
0x3d7: {  	v14 =	vld [tilespmem:$0x3D0];
	_ =	sdelay $0x4  }
0x3d8: {  	v60 =	vshll.u32 v14, $0x3  }
0x3d9: {  	v14 =	vand.u32 $0x7, v14;
	v15 =	vand.u32 $0xFFFFFFC0, v60  }
0x3da: {  	v14 =	vor.u32 v14, v15  }
0x3db: {  	v15 =	vperm.xlane v14, v12;
	_ =	sdelay $0x1  }
0x3dc: {  	v15 =	vadd.s32 v11, v15;
	_ =	sdelay $0x3  }
0x3dd: {  	s18 =	simm.s32 $0x14610  }
0x3de: {  	[tilespmem:s18], [sflag:$0x3] =	stream.indirect_vreg.gather [hbm4b:s0+s4], $0x80, v15, vm3, $0xb8;
	[tilespmem:$0x18610] =	vst v63  }
0x3df: {  	s5 =	simm.s32 $0x14E10;
	v14 =	vperm.xlane v14, v18  }
0x3e0: {  	[tilespmem:s5], [sflag:$0x3] =	stream.indirect_vreg.gather [hbm4b:s20+s4], $0x80, v15, vm3, $0xb8;
	[tilespmem:$0x18610] =	vst v63  }
0x3e1: {  	s29 =	simm.s32 $0x15610;
	v14 =	vadd.s32 v11, v14  }
0x3e2: {  	[tilespmem:s29], [sflag:$0x3] =	stream.indirect_vreg.gather [hbm4b:s8+s4], $0x80, v15, vm3, $0xb8;
	[tilespmem:$0x18610] =	vst v63  }
0x3e3: {  	s30 =	simm.s32 $0x15E10  }
0x3e4: {  	[tilespmem:s30], [sflag:$0x3] =	stream.indirect_vreg.gather [hbm4b:s9+s4], $0x80, v15, vm3, $0xb8;
	[tilespmem:$0x18610] =	vst v63  }
0x3e5: {  	s31 =	simm.s32 $0x16610  }
0x3e6: {  	[tilespmem:s31], [sflag:$0x3] =	stream.indirect_vreg.gather [hbm4b:s0+s4], $0x80, v14, vm3, $0xb8;
	[tilespmem:$0x18610] =	vst v63  }
0x3e7: {  	s13 =	simm.s32 $0x16E10  }
0x3e8: {  	[tilespmem:s13], [sflag:$0x3] =	stream.indirect_vreg.gather [hbm4b:s20+s4], $0x80, v14, vm3, $0xb8;
	[tilespmem:$0x18610] =	vst v63  }
0x3e9: {  	s19 =	simm.s32 $0x17610  }
0x3ea: {  	[tilespmem:s19], [sflag:$0x3] =	stream.indirect_vreg.gather [hbm4b:s8+s4], $0x80, v14, vm3, $0xb8;
	[tilespmem:$0x18610] =	vst v63  }
0x3eb: {  	s21 =	simm.s32 $0x17E10  }
0x3ec: {  	[tilespmem:s21], [sflag:$0x3] =	stream.indirect_vreg.gather [hbm4b:s9+s4], $0x80, v14, vm3, $0xb8;
	[tilespmem:$0x18610] =	vst v63  }
0x3ed: {  	_ =	swait.ge [sflag:s7], $0x8000  }
0x3ee: {  	[sflag:s7] =	ssyncset.done $0x0  }
0x3ef: {  	s12 =	rddreg [dreg:$0x17];
	[sflag:s7] =	ssyncadd.s32 $0xFFFF8000  }
0x3f0: {  	[hbm4b:s12+s4] =	stream.linear.scatter [tilespmem:s23], [sflag:$0x5], $0x8000, $0x38;
	[tilespmem:$0x18610] =	vst v63  }
0x3f1: {  	_ =	swait.ge [sflag:s1], $0x8000  }
0x3f2: {  	[sflag:s1] =	ssyncset.done $0x0  }
0x3f3: {  	[sflag:s1] =	ssyncadd.s32 $0xFFFF8000  }
0x3f4: {  	v61 =	vld [tilespmem:$0x3E0];
	_ =	sdelay $0x4  }
0x3f5: {  	v62 =	vshll.u32 v61, $0x3  }
0x3f6: {  	v14 =	vand.u32 $0x7, v61;
	v15 =	vand.u32 $0xFFFFFFC0, v62  }
0x3f7: {  	v14 =	vor.u32 v14, v15  }
0x3f8: {  	v15 =	vperm.xlane v14, v12;
	_ =	sdelay $0x1  }
0x3f9: {  	v15 =	vadd.s32 v11, v15;
	_ =	sdelay $0x4  }
0x3fa: {  	[tilespmem:s24], [sflag:$0x1] =	stream.indirect_vreg.gather [hbm4b:s0+s4], $0x80, v15, vm3, $0xb8;
	[tilespmem:$0x18610] =	vst v63  }
0x3fb: {  	s13 =	simm.s32 $0xE10;
	v14 =	vperm.xlane v14, v18  }
0x3fc: {  	[tilespmem:s13], [sflag:$0x1] =	stream.indirect_vreg.gather [hbm4b:s20+s4], $0x80, v15, vm3, $0xb8;
	[tilespmem:$0x18610] =	vst v63  }
0x3fd: {  	s22 =	simm.s32 $0x1610;
	v14 =	vadd.s32 v11, v14  }
0x3fe: {  	[tilespmem:s22], [sflag:$0x1] =	stream.indirect_vreg.gather [hbm4b:s8+s4], $0x80, v15, vm3, $0xb8;
	[tilespmem:$0x18610] =	vst v63  }
0x3ff: {  	s25 =	simm.s32 $0x1E10  }
0x400: {  	[tilespmem:s25], [sflag:$0x1] =	stream.indirect_vreg.gather [hbm4b:s9+s4], $0x80, v15, vm3, $0xb8;
	[tilespmem:$0x18610] =	vst v63  }
0x401: {  	s26 =	simm.s32 $0x2610  }
0x402: {  	[tilespmem:s26], [sflag:$0x1] =	stream.indirect_vreg.gather [hbm4b:s0+s4], $0x80, v14, vm3, $0xb8;
	[tilespmem:$0x18610] =	vst v63  }
0x403: {  	s14 =	simm.s32 $0x2E10  }
0x404: {  	[tilespmem:s14], [sflag:$0x1] =	stream.indirect_vreg.gather [hbm4b:s20+s4], $0x80, v14, vm3, $0xb8;
	[tilespmem:$0x18610] =	vst v63  }
0x405: {  	s15 =	simm.s32 $0x3610  }
0x406: {  	[tilespmem:s15], [sflag:$0x1] =	stream.indirect_vreg.gather [hbm4b:s8+s4], $0x80, v14, vm3, $0xb8;
	[tilespmem:$0x18610] =	vst v63  }
0x407: {  	s16 =	simm.s32 $0x3E10  }
0x408: {  	[tilespmem:s16], [sflag:$0x1] =	stream.indirect_vreg.gather [hbm4b:s9+s4], $0x80, v14, vm3, $0xb8;
	[tilespmem:$0x18610] =	vst v63  }
0x409: {  	v14 =	vld [tilespmem:$0x3F0];
	_ =	sdelay $0x4  }
0x40a: {  	v63 =	vshll.u32 v14, $0x3  }
0x40b: {  	v14 =	vand.u32 $0x7, v14;
	v15 =	vand.u32 $0xFFFFFFC0, v63  }
0x40c: {  	v14 =	vor.u32 v14, v15  }
0x40d: {  	v12 =	vperm.xlane v14, v12;
	_ =	sdelay $0x1  }
0x40e: {  	v12 =	vadd.s32 v11, v12;
	_ =	sdelay $0x3  }
0x40f: {  	s17 =	simm.s32 $0x4610  }
0x410: {  	[tilespmem:s17], [sflag:$0x1] =	stream.indirect_vreg.gather [hbm4b:s0+s4], $0x80, v12, vm3, $0xb8;
	[tilespmem:$0x18610] =	vst v63  }
0x411: {  	s18 =	simm.s32 $0x4E10;
	v13 =	vperm.xlane v14, v18  }
0x412: {  	[tilespmem:s18], [sflag:$0x1] =	stream.indirect_vreg.gather [hbm4b:s20+s4], $0x80, v12, vm3, $0xb8;
	[tilespmem:$0x18610] =	vst v63  }
0x413: {  	s19 =	simm.s32 $0x5610;
	v11 =	vadd.s32 v11, v13  }
0x414: {  	[tilespmem:s19], [sflag:$0x1] =	stream.indirect_vreg.gather [hbm4b:s8+s4], $0x80, v12, vm3, $0xb8;
	[tilespmem:$0x18610] =	vst v63  }
0x415: {  	s21 =	simm.s32 $0x5E10  }
0x416: {  	[tilespmem:s21], [sflag:$0x1] =	stream.indirect_vreg.gather [hbm4b:s9+s4], $0x80, v12, vm3, $0xb8;
	[tilespmem:$0x18610] =	vst v63  }
0x417: {  	s22 =	simm.s32 $0x6610  }
0x418: {  	[tilespmem:s22], [sflag:$0x1] =	stream.indirect_vreg.gather [hbm4b:s0+s4], $0x80, v11, vm3, $0xb8;
	[tilespmem:$0x18610] =	vst v63  }
0x419: {  	s25 =	simm.s32 $0x6E10  }
0x41a: {  	[tilespmem:s25], [sflag:$0x1] =	stream.indirect_vreg.gather [hbm4b:s20+s4], $0x80, v11, vm3, $0xb8;
	[tilespmem:$0x18610] =	vst v63  }
0x41b: {  	s26 =	simm.s32 $0x7610  }
0x41c: {  	[tilespmem:s26], [sflag:$0x1] =	stream.indirect_vreg.gather [hbm4b:s8+s4], $0x80, v11, vm3, $0xb8;
	[tilespmem:$0x18610] =	vst v63  }
0x41d: {  	s28 =	simm.s32 $0x7E10  }
0x41e: {  	[tilespmem:s28], [sflag:$0x1] =	stream.indirect_vreg.gather [hbm4b:s9+s4], $0x80, v11, vm3, $0xb8;
	[tilespmem:$0x18610] =	vst v63  }
0x41f: {  	_ =	swait.ge [sflag:s10], $0x8000  }
0x420: {  	[sflag:s10] =	ssyncset.done $0x0  }
0x421: {  	s28 =	rddreg [dreg:$0x18];
	[sflag:s10] =	ssyncadd.s32 $0xFFFF8000  }
0x422: {  	[hbm4b:s28+s4] =	stream.linear.scatter [tilespmem:s11], [sflag:$0x6], $0x8000, $0x38;
	[tilespmem:$0x18610] =	vst v63  }
0x423: {  	_ =	swait.ge [sflag:s6], $0x8000  }
0x424: {  	[sflag:s6] =	ssyncset.done $0x0  }
0x425: {  	s29 =	rddreg [dreg:$0x19];
	[sflag:s6] =	ssyncadd.s32 $0xFFFF8000  }
0x426: {  	[hbm4b:s29+s4] =	stream.linear.scatter [tilespmem:s24], [sflag:$0x4], $0x8000, $0x38;
	[tilespmem:$0x18610] =	vst v63  }
0x427: {  	_ =	swait.ge [sflag:s2], $0x8000  }
0x428: {  	[sflag:s2] =	ssyncset.done $0x0  }
0x429: {  	[sflag:s2] =	ssyncadd.s32 $0xFFFF8000  }
0x42a: {  	_ =	swait.ge [sflag:s1], $0x8000  }
0x42b: {  	s30 =	rddreg [dreg:$0x1a]  }
0x42c: {  	s31 =	rddreg [dreg:$0x15];
	s2 =	sadd.s32 $0x1, s30  }
0x42d: {  	p1 =	sne.s32 s2, s31  }
.Ltmp1:
0x42e: {  	_ = 	snop;
	(pc) =	sbr.rel @!p1 .LBB2_6-.Ltmp1, $3  }
0x42f: {  	_ =	sdelay $0x1  }
0x430: {  	[sflag:s1] =	ssyncset.done $0x0  }
0x431: {  	[sflag:s1] =	ssyncadd.s32 $0xFFFF8000  }
.LBB2_1:
0x432: {  	s3 =	rddreg [dreg:$0x5];
	s1 =	simm.s32 $0x7  }
0x433: {  	[tilespmem:s4], [sflag:$0x7] =	stream.linear.gather [hbm4b:s3+s4], $0x200, $0x38;
	[tilespmem:$0x18610] =	vst v63  }
0x434: {  	_ =	swait.ge [sflag:s1], $0x200  }
0x435: {  	[sflag:s1] =	ssyncset.done $0x0  }
0x436: {  	[sflag:s1] =	ssyncadd.s32 $0xFFFFFE00  }
0x437: {  	v11 =	vld [tilespmem:$0x0]  }
0x438: {  	v12 =	vld [tilespmem:$0x10]  }
0x439: {  	v13 =	vld [tilespmem:$0x20]  }
0x43a: {  	v14 =	vld [tilespmem:$0x30];
	_ =	sdelay $0x2  }
0x43b: {  	v17 =	vld [tilespmem:$0x40]  }
0x43c: {  	v11 =	vadd.s32 $0xFFFFFFFF, v11;
	v12 =	vadd.s32 $0xFFFFFFFF, v12;
	v13 =	vadd.s32 $0xFFFFFFFF, v13  }
0x43d: {  	v18 =	vld [tilespmem:$0x70];
	v14 =	vadd.s32 $0xFFFFFFFF, v14;
	v15 =	vsub.s32 $0x0, v11;
	v16 =	vsub.s32 $0x0, v12  }
0x43e: {  	v40 =	vsub.s32 $0x0, v13;
	v11 =	vmin.u32 v11, v15;
	v12 =	vmin.u32 v12, v16  }
0x43f: {  	v41 =	vsub.s32 $0x0, v14;
	v15 =	vld [tilespmem:$0x50];
	vm4 =	vlt.s32 v11, $0x1;
	vm5 =	vlt.s32 v12, $0x1  }
0x440: {  	v16 =	vadd.s32 $0xFFFFFFFF, v17;
	v17 =	vld [tilespmem:$0x60];
	v11 =	vnsel vm4, $0x1, v11;
	v12 =	vnsel vm5, $0x1, v12  }
0x441: {  	v42 =	vsub.s32 $0x0, v16;
	v11 =	vadd.s32 v11, v12;
	v12 =	vmin.u32 v13, v40  }
0x442: {  	v13 =	vmin.u32 v14, v41;
	v14 =	vmin.u32 v16, v42;
	v16 =	vadd.s32 $0xFFFFFFFF, v18  }
0x443: {  	vm4 =	vlt.s32 v12, $0x1;
	v49 =	vsub.s32 $0x0, v16  }
0x444: {  	v18 =	vld [tilespmem:$0xA0];
	v12 =	vnsel vm4, $0x1, v12;
	vm4 =	vlt.s32 v13, $0x1;
	v45 =	vadd.s32 $0xFFFFFFFF, v15  }
0x445: {  	v47 =	vadd.s32 $0xFFFFFFFF, v17;
	v11 =	vadd.s32 v12, v11;
	v43 =	vnsel vm4, $0x1, v13  }
0x446: {  	v15 =	vld [tilespmem:$0x80];
	vm4 =	vlt.s32 v14, $0x1;
	v46 =	vsub.s32 $0x0, v45;
	v48 =	vsub.s32 $0x0, v47  }
0x447: {  	v17 =	vld [tilespmem:$0x90];
	v11 =	vadd.s32 v43, v11;
	v44 =	vnsel vm4, $0x1, v14;
	v12 =	vmin.u32 v45, v46  }
0x448: {  	v13 =	vmin.u32 v47, v48;
	v14 =	vmin.u32 v16, v49;
	vm4 =	vlt.s32 v12, $0x1  }
0x449: {  	v11 =	vadd.s32 v44, v11;
	v16 =	vadd.s32 $0xFFFFFFFF, v18;
	v12 =	vnsel vm4, $0x1, v12  }
0x44a: {  	v18 =	vld [tilespmem:$0xD0];
	vm4 =	vlt.s32 v13, $0x1;
	v56 =	vsub.s32 $0x0, v16;
	v11 =	vadd.s32 v12, v11  }
0x44b: {  	v50 =	vnsel vm4, $0x1, v13;
	vm4 =	vlt.s32 v14, $0x1;
	v52 =	vadd.s32 $0xFFFFFFFF, v15  }
0x44c: {  	v54 =	vadd.s32 $0xFFFFFFFF, v17;
	v15 =	vld [tilespmem:$0xB0];
	v11 =	vadd.s32 v50, v11;
	v53 =	vsub.s32 $0x0, v52  }
0x44d: {  	v17 =	vld [tilespmem:$0xC0];
	v51 =	vnsel vm4, $0x1, v14;
	v55 =	vsub.s32 $0x0, v54;
	v12 =	vmin.u32 v52, v53  }
0x44e: {  	v14 =	vmin.u32 v16, v56;
	v11 =	vadd.s32 v51, v11;
	vm4 =	vlt.s32 v12, $0x1  }
0x44f: {  	v13 =	vmin.u32 v54, v55;
	v16 =	vadd.s32 $0xFFFFFFFF, v18;
	v12 =	vnsel vm4, $0x1, v12  }
0x450: {  	v18 =	vld [tilespmem:$0x100];
	vm4 =	vlt.s32 v13, $0x1;
	v63 =	vsub.s32 $0x0, v16;
	v11 =	vadd.s32 v12, v11  }
0x451: {  	v57 =	vnsel vm4, $0x1, v13;
	vm4 =	vlt.s32 v14, $0x1;
	v59 =	vadd.s32 $0xFFFFFFFF, v15  }
0x452: {  	v61 =	vadd.s32 $0xFFFFFFFF, v17;
	v15 =	vld [tilespmem:$0xE0];
	v11 =	vadd.s32 v57, v11;
	v60 =	vsub.s32 $0x0, v59  }
0x453: {  	v17 =	vld [tilespmem:$0xF0];
	v58 =	vnsel vm4, $0x1, v14;
	v62 =	vsub.s32 $0x0, v61;
	v12 =	vmin.u32 v59, v60  }
0x454: {  	v14 =	vmin.u32 v16, v63;
	v11 =	vadd.s32 v58, v11;
	vm4 =	vlt.s32 v12, $0x1  }
0x455: {  	v13 =	vmin.u32 v61, v62;
	v16 =	vadd.s32 $0xFFFFFFFF, v18;
	v12 =	vnsel vm4, $0x1, v12  }
0x456: {  	v18 =	vld [tilespmem:$0x130];
	vm4 =	vlt.s32 v13, $0x1;
	v26 =	vsub.s32 $0x0, v16;
	v11 =	vadd.s32 v12, v11  }
0x457: {  	v20 =	vnsel vm4, $0x1, v13;
	vm4 =	vlt.s32 v14, $0x1;
	v22 =	vadd.s32 $0xFFFFFFFF, v15  }
0x458: {  	v24 =	vadd.s32 $0xFFFFFFFF, v17;
	v15 =	vld [tilespmem:$0x110];
	v11 =	vadd.s32 v20, v11;
	v23 =	vsub.s32 $0x0, v22  }
0x459: {  	v17 =	vld [tilespmem:$0x120];
	v21 =	vnsel vm4, $0x1, v14;
	v25 =	vsub.s32 $0x0, v24;
	v12 =	vmin.u32 v22, v23  }
0x45a: {  	v14 =	vmin.u32 v16, v26;
	v11 =	vadd.s32 v21, v11;
	vm4 =	vlt.s32 v12, $0x1  }
0x45b: {  	v13 =	vmin.u32 v24, v25;
	v16 =	vadd.s32 $0xFFFFFFFF, v18;
	v12 =	vnsel vm4, $0x1, v12  }
0x45c: {  	v18 =	vld [tilespmem:$0x160];
	vm4 =	vlt.s32 v13, $0x1;
	v33 =	vsub.s32 $0x0, v16;
	v11 =	vadd.s32 v12, v11  }
0x45d: {  	v27 =	vnsel vm4, $0x1, v13;
	vm4 =	vlt.s32 v14, $0x1;
	v29 =	vadd.s32 $0xFFFFFFFF, v15  }
0x45e: {  	v31 =	vadd.s32 $0xFFFFFFFF, v17;
	v15 =	vld [tilespmem:$0x140];
	v11 =	vadd.s32 v27, v11;
	v30 =	vsub.s32 $0x0, v29  }
0x45f: {  	v17 =	vld [tilespmem:$0x150];
	v28 =	vnsel vm4, $0x1, v14;
	v32 =	vsub.s32 $0x0, v31;
	v12 =	vmin.u32 v29, v30  }
0x460: {  	v14 =	vmin.u32 v16, v33;
	v11 =	vadd.s32 v28, v11;
	vm4 =	vlt.s32 v12, $0x1  }
0x461: {  	v13 =	vmin.u32 v31, v32;
	v16 =	vadd.s32 $0xFFFFFFFF, v18;
	v12 =	vnsel vm4, $0x1, v12  }
0x462: {  	v18 =	vld [tilespmem:$0x190];
	vm4 =	vlt.s32 v13, $0x1;
	v40 =	vsub.s32 $0x0, v16;
	v11 =	vadd.s32 v12, v11  }
0x463: {  	v34 =	vnsel vm4, $0x1, v13;
	vm4 =	vlt.s32 v14, $0x1;
	v36 =	vadd.s32 $0xFFFFFFFF, v15  }
0x464: {  	v38 =	vadd.s32 $0xFFFFFFFF, v17;
	v15 =	vld [tilespmem:$0x170];
	v11 =	vadd.s32 v34, v11;
	v37 =	vsub.s32 $0x0, v36  }
0x465: {  	v17 =	vld [tilespmem:$0x180];
	v35 =	vnsel vm4, $0x1, v14;
	v39 =	vsub.s32 $0x0, v38;
	v12 =	vmin.u32 v36, v37  }
0x466: {  	v14 =	vmin.u32 v16, v40;
	v11 =	vadd.s32 v35, v11;
	vm4 =	vlt.s32 v12, $0x1  }
0x467: {  	v13 =	vmin.u32 v38, v39;
	v16 =	vadd.s32 $0xFFFFFFFF, v18;
	v12 =	vnsel vm4, $0x1, v12  }
0x468: {  	v18 =	vld [tilespmem:$0x1C0];
	vm4 =	vlt.s32 v13, $0x1;
	v47 =	vsub.s32 $0x0, v16;
	v11 =	vadd.s32 v12, v11  }
0x469: {  	v41 =	vnsel vm4, $0x1, v13;
	vm4 =	vlt.s32 v14, $0x1;
	v43 =	vadd.s32 $0xFFFFFFFF, v15  }
0x46a: {  	v45 =	vadd.s32 $0xFFFFFFFF, v17;
	v15 =	vld [tilespmem:$0x1A0];
	v11 =	vadd.s32 v41, v11;
	v44 =	vsub.s32 $0x0, v43  }
0x46b: {  	v17 =	vld [tilespmem:$0x1B0];
	v42 =	vnsel vm4, $0x1, v14;
	v46 =	vsub.s32 $0x0, v45;
	v12 =	vmin.u32 v43, v44  }
0x46c: {  	v14 =	vmin.u32 v16, v47;
	v11 =	vadd.s32 v42, v11;
	vm4 =	vlt.s32 v12, $0x1  }
0x46d: {  	v13 =	vmin.u32 v45, v46;
	v16 =	vadd.s32 $0xFFFFFFFF, v18;
	v12 =	vnsel vm4, $0x1, v12  }
0x46e: {  	v18 =	vld [tilespmem:$0x1F0];
	vm4 =	vlt.s32 v13, $0x1;
	v54 =	vsub.s32 $0x0, v16;
	v11 =	vadd.s32 v12, v11  }
0x46f: {  	v48 =	vnsel vm4, $0x1, v13;
	vm4 =	vlt.s32 v14, $0x1;
	v50 =	vadd.s32 $0xFFFFFFFF, v15;
	v15 =	vld [tilespmem:$0x1D0]  }
0x470: {  	v52 =	vadd.s32 $0xFFFFFFFF, v17;
	v17 =	vld [tilespmem:$0x1E0];
	v11 =	vadd.s32 v48, v11;
	v51 =	vsub.s32 $0x0, v50  }
0x471: {  	v49 =	vnsel vm4, $0x1, v14;
	v53 =	vsub.s32 $0x0, v52;
	v12 =	vmin.u32 v50, v51  }
0x472: {  	v14 =	vmin.u32 v16, v54;
	v13 =	vmin.u32 v52, v53;
	vm4 =	vlt.s32 v12, $0x1  }
0x473: {  	v11 =	vadd.s32 v49, v11;
	v12 =	vnsel vm4, $0x1, v12;
	vm4 =	vlt.s32 v13, $0x1  }
0x474: {  	v11 =	vadd.s32 v12, v11;
	v55 =	vnsel vm4, $0x1, v13;
	vm4 =	vlt.s32 v14, $0x1  }
0x475: {  	v57 =	vadd.s32 $0xFFFFFFFF, v15;
	v59 =	vadd.s32 $0xFFFFFFFF, v17;
	v15 =	vadd.s32 $0xFFFFFFFF, v18  }
0x476: {  	v11 =	vadd.s32 v55, v11;
	v56 =	vnsel vm4, $0x1, v14;
	v58 =	vsub.s32 $0x0, v57  }
0x477: {  	v60 =	vsub.s32 $0x0, v59;
	v61 =	vsub.s32 $0x0, v15;
	v12 =	vmin.u32 v57, v58  }
0x478: {  	v11 =	vadd.s32 v56, v11;
	v13 =	vmin.u32 v59, v60;
	vm4 =	vlt.s32 v12, $0x1  }
0x479: {  	v14 =	vmin.u32 v15, v61;
	v12 =	vnsel vm4, $0x1, v12;
	vm4 =	vlt.s32 v13, $0x1  }
0x47a: {  	v11 =	vadd.s32 v12, v11;
	v62 =	vnsel vm4, $0x1, v13;
	vm4 =	vlt.s32 v14, $0x1  }
0x47b: {  	v11 =	vadd.s32 v62, v11;
	v63 =	vnsel vm4, $0x1, v14  }
0x47c: {  	v11 =	vadd.s32 v63, v11  }
0x47d: {  	v12 =	vperm.xlane v11, v0;
	_ =	sdelay $0x1  }
0x47e: {  	v11 =	vadd.s32 v12, v11  }
0x47f: {  	v12 =	vperm.xlane v11, v1;
	_ =	sdelay $0x1  }
0x480: {  	v11 =	vadd.s32 v12, v11  }
0x481: {  	v12 =	vperm.xlane v11, v2;
	_ =	sdelay $0x1  }
0x482: {  	v11 =	vadd.s32 v12, v11  }
0x483: {  	v12 =	vperm.xlane v11, v3;
	_ =	sdelay $0x1  }
0x484: {  	v11 =	vadd.s32 v12, v11  }
0x485: {  	s31 =	simm.s32 $0x480;
	s28 =	rddreg [dreg:$0x6];
	[tilespmem:$0x480] =	vst v11  }
0x486: {  	[spmem:s28] =	stream.linear.scatter [tilespmem:s31], [sflag:$0x7], $0x10, $0x38;
	[tilespmem:$0x18610] =	vst v63  }
0x487: {  	_ =	swait.ge [sflag:s1], $0x10  }
0x488: {  	[sflag:s1] =	ssyncset.done $0x0  }
0x489: {  	[sflag:s1] =	ssyncadd.s32 $0xFFFFFFF0  }
0x48a: {  	[bflag:$0x0] =	sbarrier.arrive $0xFFFF  }
.Ltmp2:
0x48b: {  	s30 =	simm.s32 $0x500;
	s29 =	rddreg [dreg:$0x3];
	(pc) =	sbr.rel @p0 .LBB2_5-.Ltmp2, $4  }
0x48c: {  	[tilespmem:s30], [sflag:$0x7] =	stream.linear.gather [spmem:s29], $0x100, $0x38;
	[tilespmem:$0x18610] =	vst v63  }
0x48d: {  	_ =	swait.ge [sflag:s1], $0x100  }
0x48e: {  	[sflag:s1] =	ssyncset.done $0x0  }
0x48f: {  	v17 =	vimm.s32 $0x0;
	[dreg:$0x1a] =	wrdreg s2;
	[sflag:s1] =	ssyncadd.s32 $0xFFFFFF00  }
0x490: {  	s3 =	rddreg [dreg:$0x7]  }
0x491: {  	s31 =	rddreg [dreg:$0x16];
	p1 =	sne.s32 s3, $0x1  }
.Ltmp3:
0x492: {  	v11 =	vld [tilespmem:s31+$0x0];
	(pc) =	sbr.rel @!p1 .LBB2_4-.Ltmp3, $2  }
0x493: {  	_ =	sdelay $0x2  }
0x494: {  	s3 =	sadd.s32 $0xFFFFFFFF, s3  }
.LBB2_3:
0x495: {  	p1 =	sne.s32 s3, $0x1  }
.Ltmp4:
0x496: {  	_ = 	snop;
	(pc) =	sbr.rel @p1 .LBB2_3-.Ltmp4, $3  }
0x497: {  	_ =	sdelay $0x1  }
0x498: {  	s3 =	sadd.s32 $0xFFFFFFFF, s3;
	v17 =	vadd.s32 v17, v11;
	s31 =	sadd.s32 $0x10, s31  }
0x499: {  	v11 =	vld [tilespmem:s31+$0x0]  }
.Ltmp5:
0x49a: {  	_ = 	snop;
	(pc) =	sbr.rel .LBB2_4-.Ltmp5, $1  }
0x49b: {  	_ =	sdelay $0x3  }
.LBB2_6:
0x49c: {  	_ =	sfence.sel $0x180000  }
0x49d: {  	[bflag:$0x0] =	sbarrier.arrive $0xFFFF  }
0x49e: {  	_ =	strace $0x90000047  }
0x49f: {  	s0 =	stileid.u32;
	[bflag:$0x2] =	sbarrier.arrive $0xFFFF  }
0x4a0: {  	p0 =	sne.s32 s0, $0x0;
	s0 =	rddreg [dreg:$0x4]  }
0x4a1: {  	s0 =	sadd.s32 @!p0 $0x100000, s0  }
0x4a2: {  	[sflag:s0] =	ssyncadd.tile.s32 @!p0 $0x1;
	_ =	shalt  }
.Lfunc_end2:
_tile_overlayer_lowered:
.L_overlay_start_2:
0x4a3: {  	(tag) =	ssettag $0x2  }
0x4a4: {  	s0 =	rddreg [dreg:$0x0];
	s2 =	stileid.u32  }
0x4a5: {  	s1 =	rddreg [dreg:$0x1];
	p0 =	sne.s32 s2, $0x0  }
0x4a6: {  	s3 =	rddreg [dreg:$0x2];
	[bflag:$0x3] =	sbarrier.arrive $0xFFFF;
	s2 =	simm.s32 @!p0 $0x1C07  }
0x4a7: {  	[timem:s3], [sflag:s2] =	dma.local @!p0 [hbm:s0], s1  }
0x4a8: {  	s0 =	simm.s32 @!p0 $0x7  }
0x4a9: {  	_ =	swait.ge @!p0 [sflag:s0], s1  }
0x4aa: {  	s1 =	ssub.s32 @!p0 $0x0, s1;
	[sflag:s0] =	ssyncset.done @!p0 $0x0  }
0x4ab: {  	[sflag:s0] =	ssyncadd.s32 @!p0 s1  }
0x4ac: {  	[bflag:$0x3] =	sbarrier.arrive $0xFFFF  }
0x4ad: {  	_ =	shalt  }

</sc_bundles>
